<compile_context>
chip_gen: v7x
topology: tpu7x:2x2x1
jax: 0.10.2.dev20260603
libtpu: 0.0.44.dev20260713+nightly
codegen_flags: <defaults>
</compile_context>

<pallas_src>
import functools

import jax
import jax.numpy as jnp
from jax import lax
from jax.experimental import pallas as pl
from jax.experimental.pallas import tpu as pltpu
from jax.experimental.pallas import tpu_sc as plsc

_N = 10000
_E = 320000
_F = 128
_NG = 64
_NCLS = 10
_LV = 3

_CH = 88
_NW = 32
_TPW0 = 156
_TPW1 = 72
_NCHUNK = 16 * (_TPW0 + _TPW1)
_EPAD = _NCHUNK * _CH
_RPT = _N // 16

_BLK = 1000
_NBLK = _N // _BLK


def _sc_aggregate(cur, src2d, dst2d, zeros):
    mesh = plsc.VectorSubcoreMesh(core_axis_name="c", subcore_axis_name="s")

    @functools.partial(
        pl.kernel,
        out_type=jax.ShapeDtypeStruct((2, _N, _F), jnp.float32),
        mesh=mesh,
        compiler_params=pltpu.CompilerParams(use_tc_tiling_on_sc=False),
        scratch_types=[
            pltpu.VMEM((_TPW0 // 2, _CH), jnp.int32),
            pltpu.VMEM((_TPW0 // 2, _CH), jnp.int32),
            pltpu.VMEM((_CH, _F), jnp.float32),
            pltpu.VMEM((_CH, _F), jnp.float32),
            pltpu.VMEM((_CH, _F), jnp.float32),
            pltpu.SemaphoreType.DMA,
            pltpu.SemaphoreType.DMA,
            pltpu.SemaphoreType.DMA,
            pltpu.VMEM_SHARED((_N + 8, _F), jnp.float32),
        ],
    )
    def agg(cur_hbm, src_hbm, dst_hbm, zeros_hbm, out_hbm, sidx, didx, rows0,
            rows1, rows2, sem0, sem1, sem2, pool):
        c = lax.axis_index("c")
        s = lax.axis_index("s")
        pltpu.sync_copy(zeros_hbm, pool.at[pl.ds(s * _RPT, _RPT)])
        plsc.subcore_barrier()

        bufs = ((rows0, sem0), (rows1, sem1), (rows2, sem2))
        nb = len(bufs)
        zdummy = zeros_hbm.at[pl.ds(0, _CH)]
        h0 = _TPW0 // 2
        h1 = _TPW1 // 2
        nch = jnp.where(c == 0, h0, h1)

        for h in range(2):
            @pl.when(c == 0)
            def _():
                base = s * _TPW0 + h * h0
                pltpu.sync_copy(src_hbm.at[pl.ds(base, h0)], sidx)
                pltpu.sync_copy(dst_hbm.at[pl.ds(base, h0)], didx)

            @pl.when(c == 1)
            def _():
                base = 16 * _TPW0 + s * _TPW1 + h * h1
                pltpu.sync_copy(src_hbm.at[pl.ds(base, h1)],
                                sidx.at[pl.ds(0, h1)])
                pltpu.sync_copy(dst_hbm.at[pl.ds(base, h1)],
                                didx.at[pl.ds(0, h1)])

            for b, (rb, sb) in enumerate(bufs):
                pltpu.async_copy(cur_hbm.at[sidx.at[b]], rb, sb)

            def body(i, carry):
                for b, (rb, sb) in enumerate(bufs):
                    t = nb * i + b
                    pltpu.make_async_copy(zdummy, rb, sb).wait()
                    pltpu.sync_copy(rb, pool.at[didx.at[t]], add=True)

                    @pl.when(t + nb < nch)
                    def _():
                        pltpu.async_copy(cur_hbm.at[sidx.at[t + nb]], rb, sb)
                return carry

            lax.fori_loop(0, nch // nb, body, 0)
        plsc.subcore_barrier()
        pltpu.sync_copy(pool.at[pl.ds(s * _RPT, _RPT)],
                        out_hbm.at[c, pl.ds(s * _RPT, _RPT)])

    return agg(cur, src2d, dst2d, zeros)


def _tc_input(node_feat, W, b):
    def body(x_ref, w_ref, b_ref, o_ref):
        o_ref[...] = jnp.maximum(
            jnp.dot(x_ref[...], w_ref[...], preferred_element_type=jnp.float32)
            + b_ref[...], 0.0)

    return pl.pallas_call(
        body,
        grid=(_NBLK,),
        in_specs=[
            pl.BlockSpec((_BLK, _F), lambda i: (i, 0)),
            pl.BlockSpec((_F, _F), lambda i: (0, 0)),
            pl.BlockSpec((1, _F), lambda i: (0, 0)),
        ],
        out_specs=pl.BlockSpec((_BLK, _F), lambda i: (i, 0)),
        out_shape=jax.ShapeDtypeStruct((_N, _F), jnp.float32),
    )(node_feat, W, b.reshape(1, _F))


def _tc_layer(partials, W, b, pot):
    def body(p0_ref, p1_ref, w_ref, b_ref, pot_ref, o_ref):
        pooled = p0_ref[0] + p1_ref[0]
        o_ref[...] = jnp.maximum(
            jnp.dot(pooled, w_ref[...], preferred_element_type=jnp.float32)
            + b_ref[...] + pot_ref[...], 0.0)

    return pl.pallas_call(
        body,
        grid=(_NBLK,),
        in_specs=[
            pl.BlockSpec((1, _BLK, _F), lambda i: (0, i, 0)),
            pl.BlockSpec((1, _BLK, _F), lambda i: (1, i, 0)),
            pl.BlockSpec((_F, _F), lambda i: (0, 0)),
            pl.BlockSpec((1, _F), lambda i: (0, 0)),
            pl.BlockSpec((_BLK, _F), lambda i: (i, 0)),
        ],
        out_specs=pl.BlockSpec((_BLK, _F), lambda i: (i, 0)),
        out_shape=jax.ShapeDtypeStruct((_N, _F), jnp.float32),
    )(partials, partials, W, b.reshape(1, _F), pot)


def _tc_head(cur, gids, labels, W_out, b_out, W_h1, b_h1, W_last, b_last):
    def body(cur_ref, gid_ref, lab_ref, wo_ref, bo_ref, wh_ref, bh_ref,
             wl_ref, bl_ref, logits_ref, loss_ref, acc_ref, gp_acc):
        i = pl.program_id(0)
        oh = (gid_ref[...] ==
              lax.broadcasted_iota(jnp.int32, (_BLK, _NG), 1)).astype(jnp.float32)
        part = lax.dot_general(oh, cur_ref[...],
                               dimension_numbers=(((0,), (0,)), ((), ())),
                               preferred_element_type=jnp.float32)

        @pl.when(i == 0)
        def _():
            gp_acc[...] = part

        @pl.when(i > 0)
        def _():
            gp_acc[...] = gp_acc[...] + part

        @pl.when(i == _NBLK - 1)
        def _():
            gp = gp_acc[...]
            embed = jnp.maximum(
                jnp.dot(gp, wo_ref[...], preferred_element_type=jnp.float32)
                + bo_ref[...], 0.0)
            h = jnp.maximum(
                jnp.dot(embed, wh_ref[...], preferred_element_type=jnp.float32)
                + bh_ref[...], 0.0)
            z = (jnp.dot(h, wl_ref[...], preferred_element_type=jnp.float32)
                 + bl_ref[...])
            m = jnp.max(z, axis=1, keepdims=True)
            ls = z - (m + jnp.log(jnp.sum(jnp.exp(z - m), axis=1, keepdims=True)))
            logits_ref[...] = ls
            lab = lab_ref[...]
            cls_iota = lax.broadcasted_iota(jnp.int32, (_NG, _NCLS), 1)
            picked = jnp.sum(jnp.where(cls_iota == lab, ls, 0.0), axis=1,
                             keepdims=True)
            loss_ref[...] = -jnp.sum(picked, axis=0, keepdims=True) / _NG
            is_max = ls >= jnp.max(ls, axis=1, keepdims=True)
            pred = jnp.min(jnp.where(is_max, cls_iota, _NCLS), axis=1,
                           keepdims=True)
            acc_ref[...] = (pred == lab).astype(jnp.float32)

    return pl.pallas_call(
        body,
        grid=(_NBLK,),
        in_specs=[
            pl.BlockSpec((_BLK, _F), lambda i: (i, 0)),
            pl.BlockSpec((_BLK, 1), lambda i: (i, 0)),
            pl.BlockSpec((_NG, 1), lambda i: (0, 0)),
            pl.BlockSpec((_F, _F), lambda i: (0, 0)),
            pl.BlockSpec((1, _F), lambda i: (0, 0)),
            pl.BlockSpec((_F, _F), lambda i: (0, 0)),
            pl.BlockSpec((1, _F), lambda i: (0, 0)),
            pl.BlockSpec((_F, _NCLS), lambda i: (0, 0)),
            pl.BlockSpec((1, _NCLS), lambda i: (0, 0)),
        ],
        out_specs=[
            pl.BlockSpec((_NG, _NCLS), lambda i: (0, 0)),
            pl.BlockSpec((1, 1), lambda i: (0, 0)),
            pl.BlockSpec((_NG, 1), lambda i: (0, 0)),
        ],
        out_shape=[
            jax.ShapeDtypeStruct((_NG, _NCLS), jnp.float32),
            jax.ShapeDtypeStruct((1, 1), jnp.float32),
            jax.ShapeDtypeStruct((_NG, 1), jnp.float32),
        ],
        scratch_shapes=[pltpu.VMEM((_NG, _F), jnp.float32)],
    )(cur, gids.reshape(_N, 1), labels.reshape(_NG, 1),
      W_out, b_out.reshape(1, _F), W_h1, b_h1.reshape(1, _F),
      W_last, b_last.reshape(1, _NCLS))


def kernel(node_feat, edge_index, graph_ids, labels, W_n2l, b_n2l,
           W_conv, b_conv, W_out, b_out, W_h1, b_h1, W_last, b_last):
    pad = _EPAD - _E
    src2d = jnp.concatenate(
        [edge_index[0], jnp.zeros((pad,), jnp.int32)]).reshape(_NCHUNK, _CH)
    dst2d = jnp.concatenate(
        [edge_index[1], jnp.full((pad,), _N, jnp.int32)]).reshape(_NCHUNK, _CH)
    zeros = jnp.zeros((_RPT, _F), jnp.float32)

    input_pot = _tc_input(node_feat, W_n2l, b_n2l)
    cur = input_pot
    for _ in range(_LV):
        partials = _sc_aggregate(cur, src2d, dst2d, zeros)
        cur = _tc_layer(partials, W_conv, b_conv, input_pot)
    logits, loss, acc = _tc_head(cur, graph_ids, labels,
                                 W_out, b_out, W_h1, b_h1, W_last, b_last)
    return logits, loss.reshape(()), acc.reshape(_NG)

# --- scband reference (transcript-rebuilt; emitter-appended) ---
"""Pipeline reference for scband-graph-classifier-10977936408642 (READ-ONLY COPY).

The authoritative reference and input builder live on the scoring server;
editing this copy changes nothing except your own understanding.
"""

import jax, jax.numpy as jnp
import numpy as np

N_NODES = 10000
N_EDGES = 320000
FEAT = 128
LATENT = 128
OUT_DIM = 128
HIDDEN = 128
NUM_CLASS = 10
N_GRAPHS = 64
MAX_LV = 3


def _linear_params(key, fan_in, fan_out):
    kw, kb = jax.random.split(key)
    scale = 1.0 / np.sqrt(fan_in)
    W = jax.random.normal(kw, (fan_in, fan_out), dtype=jnp.float32) * scale
    b = jax.random.normal(kb, (fan_out,), dtype=jnp.float32) * scale
    return W, b


def setup_inputs(seed: int = 0) -> dict:
    key = jax.random.key(seed)
    ks = jax.random.split(key, 10)
    node_feat = jax.random.normal(ks[0], (N_NODES, FEAT), dtype=jnp.float32)
    edge_index = jax.random.randint(ks[1], (2, N_EDGES), 0, N_NODES, dtype=jnp.int32)
    graph_ids = jnp.sort(jax.random.randint(ks[2], (N_NODES,), 0, N_GRAPHS, dtype=jnp.int32))
    labels = jax.random.randint(ks[3], (N_GRAPHS,), 0, NUM_CLASS, dtype=jnp.int32)
    W_n2l, b_n2l = _linear_params(ks[4], FEAT, LATENT)
    W_conv, b_conv = _linear_params(ks[5], LATENT, LATENT)
    W_out, b_out = _linear_params(ks[6], LATENT, OUT_DIM)
    W_h1, b_h1 = _linear_params(ks[7], OUT_DIM, HIDDEN)
    W_last, b_last = _linear_params(ks[8], HIDDEN, NUM_CLASS)
    return {
        "node_feat": node_feat,
        "edge_index": edge_index,
        "graph_ids": graph_ids,
        "labels": labels,
        "W_n2l": W_n2l, "b_n2l": b_n2l,
        "W_conv": W_conv, "b_conv": b_conv,
        "W_out": W_out, "b_out": b_out,
        "W_h1": W_h1, "b_h1": b_h1,
        "W_last": W_last, "b_last": b_last,
    }


def reference(node_feat, edge_index, graph_ids, labels,
              W_n2l, b_n2l, W_conv, b_conv, W_out, b_out,
              W_h1, b_h1, W_last, b_last):
    src = edge_index[0]
    dst = edge_index[1]
    # EmbedMeanField (structure2vec mean-field) node potentials
    input_pot = jax.nn.relu(node_feat @ W_n2l + b_n2l)
    cur = input_pot
    for _ in range(MAX_LV):
        # neighbor-sum message passing: scatter-add messages from src to dst
        msgs = jnp.take(cur, src, axis=0)
        pooled = jax.ops.segment_sum(msgs, dst, num_segments=N_NODES)
        cur = jax.nn.relu(pooled @ W_conv + b_conv + input_pot)
    # pool_global=True: sum node embeddings per graph
    graph_pool = jax.ops.segment_sum(cur, graph_ids, num_segments=N_GRAPHS)
    embed = jax.nn.relu(graph_pool @ W_out + b_out)
    # MLPClassifier with hidden layer
    h = jax.nn.relu(embed @ W_h1 + b_h1)
    logits = jax.nn.log_softmax(h @ W_last + b_last, axis=1)
    # nll_loss + accuracy mask (torch returns (logits, loss, acc) when y is given)
    loss = -jnp.mean(logits[jnp.arange(N_GRAPHS), labels])
    pred = jnp.argmax(logits, axis=1)
    acc = (pred == labels).astype(jnp.float32)
    return logits, loss, acc

if __name__ == "__main__":
    import jax
    _d = setup_inputs()
    print(jax.jit(kernel)(*tuple(_d.values())))

</pallas_src>

<mosaic_0001>
#map = affine_map<(d0, d1) -> (0, 0)>
#map1 = affine_map<(d0, d1) -> (0, 0, 0)>
module attributes {stable_mosaic.version = 14 : i64} {
  func.func @agg(%arg0: i32, %arg1: i32, %arg2: memref<10000x128xf32, #tpu.memory_space<hbm>>, %arg3: memref<3648x88xi32, #tpu.memory_space<hbm>>, %arg4: memref<3648x88xi32, #tpu.memory_space<hbm>>, %arg5: memref<625x128xf32, #tpu.memory_space<hbm>>, %arg6: memref<2x10000x128xf32, #tpu.memory_space<hbm>>, %arg7: memref<78x88xi32, #tpu.memory_space<vmem>>, %arg8: memref<78x88xi32, #tpu.memory_space<vmem>>, %arg9: memref<88x128xf32, #tpu.memory_space<vmem>>, %arg10: memref<88x128xf32, #tpu.memory_space<vmem>>, %arg11: memref<88x128xf32, #tpu.memory_space<vmem>>, %arg12: memref<!tpu.dma_semaphore, #tpu.memory_space<semaphore_mem>>, %arg13: memref<!tpu.dma_semaphore, #tpu.memory_space<semaphore_mem>>, %arg14: memref<!tpu.dma_semaphore, #tpu.memory_space<semaphore_mem>>, %arg15: memref<10008x128xf32, #tpu.memory_space<vmem_shared>>) attributes {dimension_semantics = [#tpu.dimension_semantics<core_parallel>, #tpu.dimension_semantics<subcore_parallel>], iteration_bounds = array<i64: 2, 16>, scalar_prefetch = 0 : i64, scratch_operands = 9 : i64, tpu.core_type = #tpu.core_type<sc_vector_subcore>, window_params = [{transform_indices = #map}, {transform_indices = #map}, {transform_indices = #map}, {transform_indices = #map}, {transform_indices = #map1}]} {
    %mul3A = arith.constant 625 : i32
    %mul3A_0 = arith.muli %arg1, %mul3A : i32
    "tpu.region"() ({
      %run_scoped3A = tpu.sem_alloc : memref<!tpu.dma_semaphore, #tpu.memory_space<semaphore_mem>>
      %dma_start3A_128 = arith.constant 0 : i32
      %dma_start3A_129 = tpu.memref_slice %arg15[%mul3A_0, %dma_start3A_128] : memref<10008x128xf32, #tpu.memory_space<vmem_shared>> -> memref<625x128xf32, #tpu.memory_space<vmem_shared>>
      tpu.enqueue_dma source(%arg5 : memref<625x128xf32, #tpu.memory_space<hbm>>) target(%dma_start3A_129 : memref<625x128xf32, #tpu.memory_space<vmem_shared>>) target_semaphore(%run_scoped3A : memref<!tpu.dma_semaphore, #tpu.memory_space<semaphore_mem>>)
      %dma_wait3A = arith.constant 0 : i32
      %dma_wait3A_130 = tpu.memref_slice %arg15[%mul3A_0, %dma_wait3A] : memref<10008x128xf32, #tpu.memory_space<vmem_shared>> -> memref<625x128xf32, #tpu.memory_space<vmem_shared>>
      tpu.wait_dma2 semaphore(%run_scoped3A : memref<!tpu.dma_semaphore, #tpu.memory_space<semaphore_mem>>) src(%arg5 : memref<625x128xf32, #tpu.memory_space<hbm>>) dst(%dma_wait3A_130 : memref<625x128xf32, #tpu.memory_space<vmem_shared>>)
      tpu.yield
    }) : () -> ()
    %barrier3A = arith.constant 0 : index
    tpu.barrier barrier_id(%barrier3A)
    %eq3A = arith.constant 0 : i32
    %eq3A_1 = arith.cmpi eq, %arg0, %eq3A : i32
    %jit3A = arith.constant 78 : i32
    %jit3A_2 = arith.constant 36 : i32
    %select_n3A = arith.select %eq3A_1, %jit3A, %jit3A_2 : i32
    %eq3A_3 = arith.constant 0 : i32
    %eq3A_4 = arith.cmpi eq, %arg0, %eq3A_3 : i32
    %convert_element_type3A = arith.extui %eq3A_4 : i1 to i32
    %cond3A = arith.constant 0 : i32
    %cond3A_5 = arith.cmpi ne, %convert_element_type3A, %cond3A : i32
    scf.if %cond3A_5 {
      %mul3A_128 = arith.constant 156 : i32
      %mul3A_129 = arith.muli %arg1, %mul3A_128 : i32
      %add3A = arith.constant 0 : i32
      %add3A_130 = arith.addi %mul3A_129, %add3A : i32
      "tpu.region"() ({
        %run_scoped3A = tpu.sem_alloc : memref<!tpu.dma_semaphore, #tpu.memory_space<semaphore_mem>>
        %dma_start3A_131 = arith.constant 0 : i32
        %dma_start3A_132 = tpu.memref_slice %arg3[%add3A_130, %dma_start3A_131] : memref<3648x88xi32, #tpu.memory_space<hbm>> -> memref<78x88xi32, #tpu.memory_space<hbm>>
        %dma_start3A_133 = arith.constant 0 : i32
        %dma_start3A_134 = tpu.memref_slice %arg3[%add3A_130, %dma_start3A_133] : memref<3648x88xi32, #tpu.memory_space<hbm>> -> memref<78x88xi32, #tpu.memory_space<hbm>>
        tpu.enqueue_dma source(%dma_start3A_134 : memref<78x88xi32, #tpu.memory_space<hbm>>) target(%arg7 : memref<78x88xi32, #tpu.memory_space<vmem>>) target_semaphore(%run_scoped3A : memref<!tpu.dma_semaphore, #tpu.memory_space<semaphore_mem>>)
        %dma_wait3A = arith.constant 0 : i32
        %dma_wait3A_135 = tpu.memref_slice %arg3[%add3A_130, %dma_wait3A] : memref<3648x88xi32, #tpu.memory_space<hbm>> -> memref<78x88xi32, #tpu.memory_space<hbm>>
        %dma_wait3A_136 = arith.constant 0 : i32
        %dma_wait3A_137 = tpu.memref_slice %arg3[%add3A_130, %dma_wait3A_136] : memref<3648x88xi32, #tpu.memory_space<hbm>> -> memref<78x88xi32, #tpu.memory_space<hbm>>
        tpu.wait_dma2 semaphore(%run_scoped3A : memref<!tpu.dma_semaphore, #tpu.memory_space<semaphore_mem>>) src(%dma_wait3A_137 : memref<78x88xi32, #tpu.memory_space<hbm>>) dst(%arg7 : memref<78x88xi32, #tpu.memory_space<vmem>>)
        tpu.yield
      }) : () -> ()
      "tpu.region"() ({
        %run_scoped3A = tpu.sem_alloc : memref<!tpu.dma_semaphore, #tpu.memory_space<semaphore_mem>>
        %dma_start3A_131 = arith.constant 0 : i32
        %dma_start3A_132 = tpu.memref_slice %arg4[%add3A_130, %dma_start3A_131] : memref<3648x88xi32, #tpu.memory_space<hbm>> -> memref<78x88xi32, #tpu.memory_space<hbm>>
        %dma_start3A_133 = arith.constant 0 : i32
        %dma_start3A_134 = tpu.memref_slice %arg4[%add3A_130, %dma_start3A_133] : memref<3648x88xi32, #tpu.memory_space<hbm>> -> memref<78x88xi32, #tpu.memory_space<hbm>>
        tpu.enqueue_dma source(%dma_start3A_134 : memref<78x88xi32, #tpu.memory_space<hbm>>) target(%arg8 : memref<78x88xi32, #tpu.memory_space<vmem>>) target_semaphore(%run_scoped3A : memref<!tpu.dma_semaphore, #tpu.memory_space<semaphore_mem>>)
        %dma_wait3A = arith.constant 0 : i32
        %dma_wait3A_135 = tpu.memref_slice %arg4[%add3A_130, %dma_wait3A] : memref<3648x88xi32, #tpu.memory_space<hbm>> -> memref<78x88xi32, #tpu.memory_space<hbm>>
        %dma_wait3A_136 = arith.constant 0 : i32
        %dma_wait3A_137 = tpu.memref_slice %arg4[%add3A_130, %dma_wait3A_136] : memref<3648x88xi32, #tpu.memory_space<hbm>> -> memref<78x88xi32, #tpu.memory_space<hbm>>
        tpu.wait_dma2 semaphore(%run_scoped3A : memref<!tpu.dma_semaphore, #tpu.memory_space<semaphore_mem>>) src(%dma_wait3A_137 : memref<78x88xi32, #tpu.memory_space<hbm>>) dst(%arg8 : memref<78x88xi32, #tpu.memory_space<vmem>>)
        tpu.yield
      }) : () -> ()
    } else {
    }
    %eq3A_6 = arith.constant 1 : i32
    %eq3A_7 = arith.cmpi eq, %arg0, %eq3A_6 : i32
    %convert_element_type3A_8 = arith.extui %eq3A_7 : i1 to i32
    %cond3A_9 = arith.constant 0 : i32
    %cond3A_10 = arith.cmpi ne, %convert_element_type3A_8, %cond3A_9 : i32
    scf.if %cond3A_10 {
      %mul3A_128 = arith.constant 72 : i32
      %mul3A_129 = arith.muli %arg1, %mul3A_128 : i32
      %add3A = arith.constant 2496 : i32
      %add3A_130 = arith.addi %add3A, %mul3A_129 : i32
      %add3A_131 = arith.constant 0 : i32
      %add3A_132 = arith.addi %add3A_130, %add3A_131 : i32
      "tpu.region"() ({
        %run_scoped3A = tpu.sem_alloc : memref<!tpu.dma_semaphore, #tpu.memory_space<semaphore_mem>>
        %dma_start3A_133 = arith.constant 0 : i32
        %dma_start3A_134 = arith.constant 0 : i32
        %dma_start3A_135 = tpu.memref_slice %arg7[%dma_start3A_133, %dma_start3A_134] : memref<78x88xi32, #tpu.memory_space<vmem>> -> memref<36x88xi32, #tpu.memory_space<vmem>>
        %dma_start3A_136 = arith.constant 0 : i32
        %dma_start3A_137 = tpu.memref_slice %arg3[%add3A_132, %dma_start3A_136] : memref<3648x88xi32, #tpu.memory_space<hbm>> -> memref<36x88xi32, #tpu.memory_space<hbm>>
        %dma_start3A_138 = arith.constant 0 : i32
        %dma_start3A_139 = arith.constant 0 : i32
        %dma_start3A_140 = tpu.memref_slice %arg7[%dma_start3A_138, %dma_start3A_139] : memref<78x88xi32, #tpu.memory_space<vmem>> -> memref<36x88xi32, #tpu.memory_space<vmem>>
        %dma_start3A_141 = arith.constant 0 : i32
        %dma_start3A_142 = tpu.memref_slice %arg3[%add3A_132, %dma_start3A_141] : memref<3648x88xi32, #tpu.memory_space<hbm>> -> memref<36x88xi32, #tpu.memory_space<hbm>>
        tpu.enqueue_dma source(%dma_start3A_142 : memref<36x88xi32, #tpu.memory_space<hbm>>) target(%dma_start3A_140 : memref<36x88xi32, #tpu.memory_space<vmem>>) target_semaphore(%run_scoped3A : memref<!tpu.dma_semaphore, #tpu.memory_space<semaphore_mem>>)
        %dma_wait3A = arith.constant 0 : i32
        %dma_wait3A_143 = arith.constant 0 : i32
        %dma_wait3A_144 = tpu.memref_slice %arg7[%dma_wait3A, %dma_wait3A_143] : memref<78x88xi32, #tpu.memory_space<vmem>> -> memref<36x88xi32, #tpu.memory_space<vmem>>
        %dma_wait3A_145 = arith.constant 0 : i32
        %dma_wait3A_146 = tpu.memref_slice %arg3[%add3A_132, %dma_wait3A_145] : memref<3648x88xi32, #tpu.memory_space<hbm>> -> memref<36x88xi32, #tpu.memory_space<hbm>>
        %dma_wait3A_147 = arith.constant 0 : i32
        %dma_wait3A_148 = arith.constant 0 : i32
        %dma_wait3A_149 = tpu.memref_slice %arg7[%dma_wait3A_147, %dma_wait3A_148] : memref<78x88xi32, #tpu.memory_space<vmem>> -> memref<36x88xi32, #tpu.memory_space<vmem>>
        %dma_wait3A_150 = arith.constant 0 : i32
        %dma_wait3A_151 = tpu.memref_slice %arg3[%add3A_132, %dma_wait3A_150] : memref<3648x88xi32, #tpu.memory_space<hbm>> -> memref<36x88xi32, #tpu.memory_space<hbm>>
        tpu.wait_dma2 semaphore(%run_scoped3A : memref<!tpu.dma_semaphore, #tpu.memory_space<semaphore_mem>>) src(%dma_wait3A_151 : memref<36x88xi32, #tpu.memory_space<hbm>>) dst(%dma_wait3A_149 : memref<36x88xi32, #tpu.memory_space<vmem>>)
        tpu.yield
      }) : () -> ()
      "tpu.region"() ({
        %run_scoped3A = tpu.sem_alloc : memref<!tpu.dma_semaphore, #tpu.memory_space<semaphore_mem>>
        %dma_start3A_133 = arith.constant 0 : i32
        %dma_start3A_134 = arith.constant 0 : i32
        %dma_start3A_135 = tpu.memref_slice %arg8[%dma_start3A_133, %dma_start3A_134] : memref<78x88xi32, #tpu.memory_space<vmem>> -> memref<36x88xi32, #tpu.memory_space<vmem>>
        %dma_start3A_136 = arith.constant 0 : i32
        %dma_start3A_137 = tpu.memref_slice %arg4[%add3A_132, %dma_start3A_136] : memref<3648x88xi32, #tpu.memory_space<hbm>> -> memref<36x88xi32, #tpu.memory_space<hbm>>
        %dma_start3A_138 = arith.constant 0 : i32
        %dma_start3A_139 = arith.constant 0 : i32
        %dma_start3A_140 = tpu.memref_slice %arg8[%dma_start3A_138, %dma_start3A_139] : memref<78x88xi32, #tpu.memory_space<vmem>> -> memref<36x88xi32, #tpu.memory_space<vmem>>
        %dma_start3A_141 = arith.constant 0 : i32
        %dma_start3A_142 = tpu.memref_slice %arg4[%add3A_132, %dma_start3A_141] : memref<3648x88xi32, #tpu.memory_space<hbm>> -> memref<36x88xi32, #tpu.memory_space<hbm>>
        tpu.enqueue_dma source(%dma_start3A_142 : memref<36x88xi32, #tpu.memory_space<hbm>>) target(%dma_start3A_140 : memref<36x88xi32, #tpu.memory_space<vmem>>) target_semaphore(%run_scoped3A : memref<!tpu.dma_semaphore, #tpu.memory_space<semaphore_mem>>)
        %dma_wait3A = arith.constant 0 : i32
        %dma_wait3A_143 = arith.constant 0 : i32
        %dma_wait3A_144 = tpu.memref_slice %arg8[%dma_wait3A, %dma_wait3A_143] : memref<78x88xi32, #tpu.memory_space<vmem>> -> memref<36x88xi32, #tpu.memory_space<vmem>>
        %dma_wait3A_145 = arith.constant 0 : i32
        %dma_wait3A_146 = tpu.memref_slice %arg4[%add3A_132, %dma_wait3A_145] : memref<3648x88xi32, #tpu.memory_space<hbm>> -> memref<36x88xi32, #tpu.memory_space<hbm>>
        %dma_wait3A_147 = arith.constant 0 : i32
        %dma_wait3A_148 = arith.constant 0 : i32
        %dma_wait3A_149 = tpu.memref_slice %arg8[%dma_wait3A_147, %dma_wait3A_148] : memref<78x88xi32, #tpu.memory_space<vmem>> -> memref<36x88xi32, #tpu.memory_space<vmem>>
        %dma_wait3A_150 = arith.constant 0 : i32
        %dma_wait3A_151 = tpu.memref_slice %arg4[%add3A_132, %dma_wait3A_150] : memref<3648x88xi32, #tpu.memory_space<hbm>> -> memref<36x88xi32, #tpu.memory_space<hbm>>
        tpu.wait_dma2 semaphore(%run_scoped3A : memref<!tpu.dma_semaphore, #tpu.memory_space<semaphore_mem>>) src(%dma_wait3A_151 : memref<36x88xi32, #tpu.memory_space<hbm>>) dst(%dma_wait3A_149 : memref<36x88xi32, #tpu.memory_space<vmem>>)
        tpu.yield
      }) : () -> ()
    } else {
    }
    %dma_start3A = arith.constant 0 : i32
    %dma_start3A_11 = arith.constant 0 : i32
    %dma_start3A_12 = tpu.memref_slice %arg7[%dma_start3A, %dma_start3A_11] : memref<78x88xi32, #tpu.memory_space<vmem>> -> memref<1x88xi32, #tpu.memory_space<vmem>>
    %dma_start3A_13 = tpu.memref_squeeze %dma_start3A_12 : memref<1x88xi32, #tpu.memory_space<vmem>> -> memref<88xi32, #tpu.memory_space<vmem>>
    %dma_start3A_14 = arith.constant 0 : i32
    %dma_start3A_15 = arith.constant 0 : i32
    %dma_start3A_16 = tpu.memref_slice %arg2[%dma_start3A_14, %dma_start3A_15] : memref<10000x128xf32, #tpu.memory_space<hbm>> -> memref<10000x128xf32, #tpu.memory_space<hbm>>
    tpu.enqueue_indirect_dma source(%dma_start3A_16 : memref<10000x128xf32, #tpu.memory_space<hbm>>) target(%arg9 : memref<88x128xf32, #tpu.memory_space<vmem>>) offsets(%dma_start3A_13 : memref<88xi32, #tpu.memory_space<vmem>>) semaphore(%arg12 : memref<!tpu.dma_semaphore, #tpu.memory_space<semaphore_mem>>)
    %dma_start3A_17 = arith.constant 1 : i32
    %dma_start3A_18 = arith.constant 0 : i32
    %dma_start3A_19 = tpu.memref_slice %arg7[%dma_start3A_17, %dma_start3A_18] : memref<78x88xi32, #tpu.memory_space<vmem>> -> memref<1x88xi32, #tpu.memory_space<vmem>>
    %dma_start3A_20 = tpu.memref_squeeze %dma_start3A_19 : memref<1x88xi32, #tpu.memory_space<vmem>> -> memref<88xi32, #tpu.memory_space<vmem>>
    %dma_start3A_21 = arith.constant 0 : i32
    %dma_start3A_22 = arith.constant 0 : i32
    %dma_start3A_23 = tpu.memref_slice %arg2[%dma_start3A_21, %dma_start3A_22] : memref<10000x128xf32, #tpu.memory_space<hbm>> -> memref<10000x128xf32, #tpu.memory_space<hbm>>
    tpu.enqueue_indirect_dma source(%dma_start3A_23 : memref<10000x128xf32, #tpu.memory_space<hbm>>) target(%arg10 : memref<88x128xf32, #tpu.memory_space<vmem>>) offsets(%dma_start3A_20 : memref<88xi32, #tpu.memory_space<vmem>>) semaphore(%arg13 : memref<!tpu.dma_semaphore, #tpu.memory_space<semaphore_mem>>)
    %dma_start3A_24 = arith.constant 2 : i32
    %dma_start3A_25 = arith.constant 0 : i32
    %dma_start3A_26 = tpu.memref_slice %arg7[%dma_start3A_24, %dma_start3A_25] : memref<78x88xi32, #tpu.memory_space<vmem>> -> memref<1x88xi32, #tpu.memory_space<vmem>>
    %dma_start3A_27 = tpu.memref_squeeze %dma_start3A_26 : memref<1x88xi32, #tpu.memory_space<vmem>> -> memref<88xi32, #tpu.memory_space<vmem>>
    %dma_start3A_28 = arith.constant 0 : i32
    %dma_start3A_29 = arith.constant 0 : i32
    %dma_start3A_30 = tpu.memref_slice %arg2[%dma_start3A_28, %dma_start3A_29] : memref<10000x128xf32, #tpu.memory_space<hbm>> -> memref<10000x128xf32, #tpu.memory_space<hbm>>
    tpu.enqueue_indirect_dma source(%dma_start3A_30 : memref<10000x128xf32, #tpu.memory_space<hbm>>) target(%arg11 : memref<88x128xf32, #tpu.memory_space<vmem>>) offsets(%dma_start3A_27 : memref<88xi32, #tpu.memory_space<vmem>>) semaphore(%arg14 : memref<!tpu.dma_semaphore, #tpu.memory_space<semaphore_mem>>)
    %jit3A_31 = arith.constant 3 : i32
    %div3A = arith.divsi %select_n3A, %jit3A_31 : i32
    %sign3A = arith.constant 0 : i32
    %sign3A_32 = arith.cmpi sgt, %select_n3A, %sign3A : i32
    %sign3A_33 = arith.extui %sign3A_32 : i1 to i32
    %sign3A_34 = arith.constant 0 : i32
    %sign3A_35 = arith.cmpi slt, %select_n3A, %sign3A_34 : i32
    %sign3A_36 = arith.extui %sign3A_35 : i1 to i32
    %sign3A_37 = arith.subi %sign3A_33, %sign3A_36 : i32
    %sign3A_38 = arith.constant 0 : i32
    %sign3A_39 = arith.cmpi sgt, %jit3A_31, %sign3A_38 : i32
    %sign3A_40 = arith.extui %sign3A_39 : i1 to i32
    %sign3A_41 = arith.constant 0 : i32
    %sign3A_42 = arith.cmpi slt, %jit3A_31, %sign3A_41 : i32
    %sign3A_43 = arith.extui %sign3A_42 : i1 to i32
    %sign3A_44 = arith.subi %sign3A_40, %sign3A_43 : i32
    %ne3A = arith.cmpi ne, %sign3A_37, %sign3A_44 : i32
    %rem3A = arith.remsi %select_n3A, %jit3A_31 : i32
    %ne3A_45 = arith.constant 0 : i32
    %ne3A_46 = arith.cmpi ne, %rem3A, %ne3A_45 : i32
    %and3A = arith.andi %ne3A, %ne3A_46 : i1
    %sub3A = arith.constant 1 : i32
    %sub3A_47 = arith.subi %div3A, %sub3A : i32
    %select_n3A_48 = arith.select %and3A, %sub3A_47, %div3A : i32
    %while3A = arith.constant 0 : i32
    %while3A_49 = arith.constant 0 : i32
    %while3A_50 = arith.subi %select_n3A_48, %while3A_49 : i32
    %while3A_51 = arith.addi %while3A_49, %while3A_50 : i32
    %while3A_52 = arith.constant 1 : i32
    %while3A_53 = arith.divsi %while3A_50, %while3A_52 : i32
    %while3A_54 = arith.muli %while3A_53, %while3A_52 : i32
    %while3A_55 = arith.addi %while3A_49, %while3A_54 : i32
    %while3A_56 = arith.constant 1 : i32
    scf.for %while3A_128 = %while3A_49 to %while3A_55 step %while3A_56  : i32 {
      %mul3A_129 = arith.constant 3 : i32
      %mul3A_130 = arith.muli %mul3A_129, %while3A_128 : i32
      %add3A = arith.constant 0 : i32
      %add3A_131 = arith.addi %mul3A_130, %add3A : i32
      %dma_wait3A = arith.constant 0 : i32
      %dma_wait3A_132 = arith.constant 0 : i32
      %dma_wait3A_133 = tpu.memref_slice %arg5[%dma_wait3A, %dma_wait3A_132] : memref<625x128xf32, #tpu.memory_space<hbm>> -> memref<88x128xf32, #tpu.memory_space<hbm>>
      %dma_wait3A_134 = arith.constant 0 : i32
      %dma_wait3A_135 = arith.constant 0 : i32
      %dma_wait3A_136 = tpu.memref_slice %arg5[%dma_wait3A_134, %dma_wait3A_135] : memref<625x128xf32, #tpu.memory_space<hbm>> -> memref<88x128xf32, #tpu.memory_space<hbm>>
      tpu.wait_dma2 semaphore(%arg12 : memref<!tpu.dma_semaphore, #tpu.memory_space<semaphore_mem>>) src(%dma_wait3A_136 : memref<88x128xf32, #tpu.memory_space<hbm>>) dst(%arg9 : memref<88x128xf32, #tpu.memory_space<vmem>>)
      "tpu.region"() ({
        %run_scoped3A = tpu.sem_alloc : memref<!tpu.dma_semaphore, #tpu.memory_space<semaphore_mem>>
        %dma_start3A_174 = arith.constant 0 : i32
        %dma_start3A_175 = tpu.memref_slice %arg8[%add3A_131, %dma_start3A_174] : memref<78x88xi32, #tpu.memory_space<vmem>> -> memref<1x88xi32, #tpu.memory_space<vmem>>
        %dma_start3A_176 = tpu.memref_squeeze %dma_start3A_175 : memref<1x88xi32, #tpu.memory_space<vmem>> -> memref<88xi32, #tpu.memory_space<vmem>>
        %dma_start3A_177 = arith.constant 0 : i32
        %dma_start3A_178 = arith.constant 0 : i32
        %dma_start3A_179 = tpu.memref_slice %arg15[%dma_start3A_177, %dma_start3A_178] : memref<10008x128xf32, #tpu.memory_space<vmem_shared>> -> memref<10008x128xf32, #tpu.memory_space<vmem_shared>>
        tpu.enqueue_indirect_dma source(%arg9 : memref<88x128xf32, #tpu.memory_space<vmem>>) target(%dma_start3A_179 : memref<10008x128xf32, #tpu.memory_space<vmem_shared>>) offsets(%dma_start3A_176 : memref<88xi32, #tpu.memory_space<vmem>>) semaphore(%run_scoped3A : memref<!tpu.dma_semaphore, #tpu.memory_space<semaphore_mem>>) {add = true}
        %dma_wait3A_180 = arith.constant 0 : i32
        %dma_wait3A_181 = tpu.memref_slice %arg8[%add3A_131, %dma_wait3A_180] : memref<78x88xi32, #tpu.memory_space<vmem>> -> memref<1x88xi32, #tpu.memory_space<vmem>>
        %dma_wait3A_182 = tpu.memref_squeeze %dma_wait3A_181 : memref<1x88xi32, #tpu.memory_space<vmem>> -> memref<88xi32, #tpu.memory_space<vmem>>
        %dma_wait3A_183 = arith.constant 0 : i32
        %dma_wait3A_184 = arith.constant 0 : i32
        %dma_wait3A_185 = tpu.memref_slice %arg15[%dma_wait3A_183, %dma_wait3A_184] : memref<10008x128xf32, #tpu.memory_space<vmem_shared>> -> memref<10008x128xf32, #tpu.memory_space<vmem_shared>>
        tpu.wait_indirect_dma semaphore(%run_scoped3A : memref<!tpu.dma_semaphore, #tpu.memory_space<semaphore_mem>>) src(%arg9 : memref<88x128xf32, #tpu.memory_space<vmem>>) dst(%dma_wait3A_185 : memref<10008x128xf32, #tpu.memory_space<vmem_shared>>)
        tpu.yield
      }) : () -> ()
      %add3A_137 = arith.constant 3 : i32
      %add3A_138 = arith.addi %add3A_131, %add3A_137 : i32
      %lt3A = arith.cmpi slt, %add3A_138, %select_n3A : i32
      %convert_element_type3A_139 = arith.extui %lt3A : i1 to i32
      %cond3A_140 = arith.constant 0 : i32
      %cond3A_141 = arith.cmpi ne, %convert_element_type3A_139, %cond3A_140 : i32
      scf.if %cond3A_141 {
        %add3A_174 = arith.constant 3 : i32
        %add3A_175 = arith.addi %add3A_131, %add3A_174 : i32
        %dma_start3A_176 = arith.constant 0 : i32
        %dma_start3A_177 = tpu.memref_slice %arg7[%add3A_175, %dma_start3A_176] : memref<78x88xi32, #tpu.memory_space<vmem>> -> memref<1x88xi32, #tpu.memory_space<vmem>>
        %dma_start3A_178 = tpu.memref_squeeze %dma_start3A_177 : memref<1x88xi32, #tpu.memory_space<vmem>> -> memref<88xi32, #tpu.memory_space<vmem>>
        %dma_start3A_179 = arith.constant 0 : i32
        %dma_start3A_180 = arith.constant 0 : i32
        %dma_start3A_181 = tpu.memref_slice %arg2[%dma_start3A_179, %dma_start3A_180] : memref<10000x128xf32, #tpu.memory_space<hbm>> -> memref<10000x128xf32, #tpu.memory_space<hbm>>
        tpu.enqueue_indirect_dma source(%dma_start3A_181 : memref<10000x128xf32, #tpu.memory_space<hbm>>) target(%arg9 : memref<88x128xf32, #tpu.memory_space<vmem>>) offsets(%dma_start3A_178 : memref<88xi32, #tpu.memory_space<vmem>>) semaphore(%arg12 : memref<!tpu.dma_semaphore, #tpu.memory_space<semaphore_mem>>)
      } else {
      }
      %mul3A_142 = arith.constant 3 : i32
      %mul3A_143 = arith.muli %mul3A_142, %while3A_128 : i32
      %add3A_144 = arith.constant 1 : i32
      %add3A_145 = arith.addi %mul3A_143, %add3A_144 : i32
      %dma_wait3A_146 = arith.constant 0 : i32
      %dma_wait3A_147 = arith.constant 0 : i32
      %dma_wait3A_148 = tpu.memref_slice %arg5[%dma_wait3A_146, %dma_wait3A_147] : memref<625x128xf32, #tpu.memory_space<hbm>> -> memref<88x128xf32, #tpu.memory_space<hbm>>
      %dma_wait3A_149 = arith.constant 0 : i32
      %dma_wait3A_150 = arith.constant 0 : i32
      %dma_wait3A_151 = tpu.memref_slice %arg5[%dma_wait3A_149, %dma_wait3A_150] : memref<625x128xf32, #tpu.memory_space<hbm>> -> memref<88x128xf32, #tpu.memory_space<hbm>>
      tpu.wait_dma2 semaphore(%arg13 : memref<!tpu.dma_semaphore, #tpu.memory_space<semaphore_mem>>) src(%dma_wait3A_151 : memref<88x128xf32, #tpu.memory_space<hbm>>) dst(%arg10 : memref<88x128xf32, #tpu.memory_space<vmem>>)
      "tpu.region"() ({
        %run_scoped3A = tpu.sem_alloc : memref<!tpu.dma_semaphore, #tpu.memory_space<semaphore_mem>>
        %dma_start3A_174 = arith.constant 0 : i32
        %dma_start3A_175 = tpu.memref_slice %arg8[%add3A_145, %dma_start3A_174] : memref<78x88xi32, #tpu.memory_space<vmem>> -> memref<1x88xi32, #tpu.memory_space<vmem>>
        %dma_start3A_176 = tpu.memref_squeeze %dma_start3A_175 : memref<1x88xi32, #tpu.memory_space<vmem>> -> memref<88xi32, #tpu.memory_space<vmem>>
        %dma_start3A_177 = arith.constant 0 : i32
        %dma_start3A_178 = arith.constant 0 : i32
        %dma_start3A_179 = tpu.memref_slice %arg15[%dma_start3A_177, %dma_start3A_178] : memref<10008x128xf32, #tpu.memory_space<vmem_shared>> -> memref<10008x128xf32, #tpu.memory_space<vmem_shared>>
        tpu.enqueue_indirect_dma source(%arg10 : memref<88x128xf32, #tpu.memory_space<vmem>>) target(%dma_start3A_179 : memref<10008x128xf32, #tpu.memory_space<vmem_shared>>) offsets(%dma_start3A_176 : memref<88xi32, #tpu.memory_space<vmem>>) semaphore(%run_scoped3A : memref<!tpu.dma_semaphore, #tpu.memory_space<semaphore_mem>>) {add = true}
        %dma_wait3A_180 = arith.constant 0 : i32
        %dma_wait3A_181 = tpu.memref_slice %arg8[%add3A_145, %dma_wait3A_180] : memref<78x88xi32, #tpu.memory_space<vmem>> -> memref<1x88xi32, #tpu.memory_space<vmem>>
        %dma_wait3A_182 = tpu.memref_squeeze %dma_wait3A_181 : memref<1x88xi32, #tpu.memory_space<vmem>> -> memref<88xi32, #tpu.memory_space<vmem>>
        %dma_wait3A_183 = arith.constant 0 : i32
        %dma_wait3A_184 = arith.constant 0 : i32
        %dma_wait3A_185 = tpu.memref_slice %arg15[%dma_wait3A_183, %dma_wait3A_184] : memref<10008x128xf32, #tpu.memory_space<vmem_shared>> -> memref<10008x128xf32, #tpu.memory_space<vmem_shared>>
        tpu.wait_indirect_dma semaphore(%run_scoped3A : memref<!tpu.dma_semaphore, #tpu.memory_space<semaphore_mem>>) src(%arg10 : memref<88x128xf32, #tpu.memory_space<vmem>>) dst(%dma_wait3A_185 : memref<10008x128xf32, #tpu.memory_space<vmem_shared>>)
        tpu.yield
      }) : () -> ()
      %add3A_152 = arith.constant 3 : i32
      %add3A_153 = arith.addi %add3A_145, %add3A_152 : i32
      %lt3A_154 = arith.cmpi slt, %add3A_153, %select_n3A : i32
      %convert_element_type3A_155 = arith.extui %lt3A_154 : i1 to i32
      %cond3A_156 = arith.constant 0 : i32
      %cond3A_157 = arith.cmpi ne, %convert_element_type3A_155, %cond3A_156 : i32
      scf.if %cond3A_157 {
        %add3A_174 = arith.constant 3 : i32
        %add3A_175 = arith.addi %add3A_145, %add3A_174 : i32
        %dma_start3A_176 = arith.constant 0 : i32
        %dma_start3A_177 = tpu.memref_slice %arg7[%add3A_175, %dma_start3A_176] : memref<78x88xi32, #tpu.memory_space<vmem>> -> memref<1x88xi32, #tpu.memory_space<vmem>>
        %dma_start3A_178 = tpu.memref_squeeze %dma_start3A_177 : memref<1x88xi32, #tpu.memory_space<vmem>> -> memref<88xi32, #tpu.memory_space<vmem>>
        %dma_start3A_179 = arith.constant 0 : i32
        %dma_start3A_180 = arith.constant 0 : i32
        %dma_start3A_181 = tpu.memref_slice %arg2[%dma_start3A_179, %dma_start3A_180] : memref<10000x128xf32, #tpu.memory_space<hbm>> -> memref<10000x128xf32, #tpu.memory_space<hbm>>
        tpu.enqueue_indirect_dma source(%dma_start3A_181 : memref<10000x128xf32, #tpu.memory_space<hbm>>) target(%arg10 : memref<88x128xf32, #tpu.memory_space<vmem>>) offsets(%dma_start3A_178 : memref<88xi32, #tpu.memory_space<vmem>>) semaphore(%arg13 : memref<!tpu.dma_semaphore, #tpu.memory_space<semaphore_mem>>)
      } else {
      }
      %mul3A_158 = arith.constant 3 : i32
      %mul3A_159 = arith.muli %mul3A_158, %while3A_128 : i32
      %add3A_160 = arith.constant 2 : i32
      %add3A_161 = arith.addi %mul3A_159, %add3A_160 : i32
      %dma_wait3A_162 = arith.constant 0 : i32
      %dma_wait3A_163 = arith.constant 0 : i32
      %dma_wait3A_164 = tpu.memref_slice %arg5[%dma_wait3A_162, %dma_wait3A_163] : memref<625x128xf32, #tpu.memory_space<hbm>> -> memref<88x128xf32, #tpu.memory_space<hbm>>
      %dma_wait3A_165 = arith.constant 0 : i32
      %dma_wait3A_166 = arith.constant 0 : i32
      %dma_wait3A_167 = tpu.memref_slice %arg5[%dma_wait3A_165, %dma_wait3A_166] : memref<625x128xf32, #tpu.memory_space<hbm>> -> memref<88x128xf32, #tpu.memory_space<hbm>>
      tpu.wait_dma2 semaphore(%arg14 : memref<!tpu.dma_semaphore, #tpu.memory_space<semaphore_mem>>) src(%dma_wait3A_167 : memref<88x128xf32, #tpu.memory_space<hbm>>) dst(%arg11 : memref<88x128xf32, #tpu.memory_space<vmem>>)
      "tpu.region"() ({
        %run_scoped3A = tpu.sem_alloc : memref<!tpu.dma_semaphore, #tpu.memory_space<semaphore_mem>>
        %dma_start3A_174 = arith.constant 0 : i32
        %dma_start3A_175 = tpu.memref_slice %arg8[%add3A_161, %dma_start3A_174] : memref<78x88xi32, #tpu.memory_space<vmem>> -> memref<1x88xi32, #tpu.memory_space<vmem>>
        %dma_start3A_176 = tpu.memref_squeeze %dma_start3A_175 : memref<1x88xi32, #tpu.memory_space<vmem>> -> memref<88xi32, #tpu.memory_space<vmem>>
        %dma_start3A_177 = arith.constant 0 : i32
        %dma_start3A_178 = arith.constant 0 : i32
        %dma_start3A_179 = tpu.memref_slice %arg15[%dma_start3A_177, %dma_start3A_178] : memref<10008x128xf32, #tpu.memory_space<vmem_shared>> -> memref<10008x128xf32, #tpu.memory_space<vmem_shared>>
        tpu.enqueue_indirect_dma source(%arg11 : memref<88x128xf32, #tpu.memory_space<vmem>>) target(%dma_start3A_179 : memref<10008x128xf32, #tpu.memory_space<vmem_shared>>) offsets(%dma_start3A_176 : memref<88xi32, #tpu.memory_space<vmem>>) semaphore(%run_scoped3A : memref<!tpu.dma_semaphore, #tpu.memory_space<semaphore_mem>>) {add = true}
        %dma_wait3A_180 = arith.constant 0 : i32
        %dma_wait3A_181 = tpu.memref_slice %arg8[%add3A_161, %dma_wait3A_180] : memref<78x88xi32, #tpu.memory_space<vmem>> -> memref<1x88xi32, #tpu.memory_space<vmem>>
        %dma_wait3A_182 = tpu.memref_squeeze %dma_wait3A_181 : memref<1x88xi32, #tpu.memory_space<vmem>> -> memref<88xi32, #tpu.memory_space<vmem>>
        %dma_wait3A_183 = arith.constant 0 : i32
        %dma_wait3A_184 = arith.constant 0 : i32
        %dma_wait3A_185 = tpu.memref_slice %arg15[%dma_wait3A_183, %dma_wait3A_184] : memref<10008x128xf32, #tpu.memory_space<vmem_shared>> -> memref<10008x128xf32, #tpu.memory_space<vmem_shared>>
        tpu.wait_indirect_dma semaphore(%run_scoped3A : memref<!tpu.dma_semaphore, #tpu.memory_space<semaphore_mem>>) src(%arg11 : memref<88x128xf32, #tpu.memory_space<vmem>>) dst(%dma_wait3A_185 : memref<10008x128xf32, #tpu.memory_space<vmem_shared>>)
        tpu.yield
      }) : () -> ()
      %add3A_168 = arith.constant 3 : i32
      %add3A_169 = arith.addi %add3A_161, %add3A_168 : i32
      %lt3A_170 = arith.cmpi slt, %add3A_169, %select_n3A : i32
      %convert_element_type3A_171 = arith.extui %lt3A_170 : i1 to i32
      %cond3A_172 = arith.constant 0 : i32
      %cond3A_173 = arith.cmpi ne, %convert_element_type3A_171, %cond3A_172 : i32
      scf.if %cond3A_173 {
        %add3A_174 = arith.constant 3 : i32
        %add3A_175 = arith.addi %add3A_161, %add3A_174 : i32
        %dma_start3A_176 = arith.constant 0 : i32
        %dma_start3A_177 = tpu.memref_slice %arg7[%add3A_175, %dma_start3A_176] : memref<78x88xi32, #tpu.memory_space<vmem>> -> memref<1x88xi32, #tpu.memory_space<vmem>>
        %dma_start3A_178 = tpu.memref_squeeze %dma_start3A_177 : memref<1x88xi32, #tpu.memory_space<vmem>> -> memref<88xi32, #tpu.memory_space<vmem>>
        %dma_start3A_179 = arith.constant 0 : i32
        %dma_start3A_180 = arith.constant 0 : i32
        %dma_start3A_181 = tpu.memref_slice %arg2[%dma_start3A_179, %dma_start3A_180] : memref<10000x128xf32, #tpu.memory_space<hbm>> -> memref<10000x128xf32, #tpu.memory_space<hbm>>
        tpu.enqueue_indirect_dma source(%dma_start3A_181 : memref<10000x128xf32, #tpu.memory_space<hbm>>) target(%arg11 : memref<88x128xf32, #tpu.memory_space<vmem>>) offsets(%dma_start3A_178 : memref<88xi32, #tpu.memory_space<vmem>>) semaphore(%arg14 : memref<!tpu.dma_semaphore, #tpu.memory_space<semaphore_mem>>)
      } else {
      }
    }
    %while3A_57 = arith.constant 1 : i32
    scf.for %while3A_128 = %while3A_55 to %while3A_51 step %while3A_57  : i32 {
      %mul3A_129 = arith.constant 3 : i32
      %mul3A_130 = arith.muli %mul3A_129, %while3A_128 : i32
      %add3A = arith.constant 0 : i32
      %add3A_131 = arith.addi %mul3A_130, %add3A : i32
      %dma_wait3A = arith.constant 0 : i32
      %dma_wait3A_132 = arith.constant 0 : i32
      %dma_wait3A_133 = tpu.memref_slice %arg5[%dma_wait3A, %dma_wait3A_132] : memref<625x128xf32, #tpu.memory_space<hbm>> -> memref<88x128xf32, #tpu.memory_space<hbm>>
      %dma_wait3A_134 = arith.constant 0 : i32
      %dma_wait3A_135 = arith.constant 0 : i32
      %dma_wait3A_136 = tpu.memref_slice %arg5[%dma_wait3A_134, %dma_wait3A_135] : memref<625x128xf32, #tpu.memory_space<hbm>> -> memref<88x128xf32, #tpu.memory_space<hbm>>
      tpu.wait_dma2 semaphore(%arg12 : memref<!tpu.dma_semaphore, #tpu.memory_space<semaphore_mem>>) src(%dma_wait3A_136 : memref<88x128xf32, #tpu.memory_space<hbm>>) dst(%arg9 : memref<88x128xf32, #tpu.memory_space<vmem>>)
      "tpu.region"() ({
        %run_scoped3A = tpu.sem_alloc : memref<!tpu.dma_semaphore, #tpu.memory_space<semaphore_mem>>
        %dma_start3A_174 = arith.constant 0 : i32
        %dma_start3A_175 = tpu.memref_slice %arg8[%add3A_131, %dma_start3A_174] : memref<78x88xi32, #tpu.memory_space<vmem>> -> memref<1x88xi32, #tpu.memory_space<vmem>>
        %dma_start3A_176 = tpu.memref_squeeze %dma_start3A_175 : memref<1x88xi32, #tpu.memory_space<vmem>> -> memref<88xi32, #tpu.memory_space<vmem>>
        %dma_start3A_177 = arith.constant 0 : i32
        %dma_start3A_178 = arith.constant 0 : i32
        %dma_start3A_179 = tpu.memref_slice %arg15[%dma_start3A_177, %dma_start3A_178] : memref<10008x128xf32, #tpu.memory_space<vmem_shared>> -> memref<10008x128xf32, #tpu.memory_space<vmem_shared>>
        tpu.enqueue_indirect_dma source(%arg9 : memref<88x128xf32, #tpu.memory_space<vmem>>) target(%dma_start3A_179 : memref<10008x128xf32, #tpu.memory_space<vmem_shared>>) offsets(%dma_start3A_176 : memref<88xi32, #tpu.memory_space<vmem>>) semaphore(%run_scoped3A : memref<!tpu.dma_semaphore, #tpu.memory_space<semaphore_mem>>) {add = true}
        %dma_wait3A_180 = arith.constant 0 : i32
        %dma_wait3A_181 = tpu.memref_slice %arg8[%add3A_131, %dma_wait3A_180] : memref<78x88xi32, #tpu.memory_space<vmem>> -> memref<1x88xi32, #tpu.memory_space<vmem>>
        %dma_wait3A_182 = tpu.memref_squeeze %dma_wait3A_181 : memref<1x88xi32, #tpu.memory_space<vmem>> -> memref<88xi32, #tpu.memory_space<vmem>>
        %dma_wait3A_183 = arith.constant 0 : i32
        %dma_wait3A_184 = arith.constant 0 : i32
        %dma_wait3A_185 = tpu.memref_slice %arg15[%dma_wait3A_183, %dma_wait3A_184] : memref<10008x128xf32, #tpu.memory_space<vmem_shared>> -> memref<10008x128xf32, #tpu.memory_space<vmem_shared>>
        tpu.wait_indirect_dma semaphore(%run_scoped3A : memref<!tpu.dma_semaphore, #tpu.memory_space<semaphore_mem>>) src(%arg9 : memref<88x128xf32, #tpu.memory_space<vmem>>) dst(%dma_wait3A_185 : memref<10008x128xf32, #tpu.memory_space<vmem_shared>>)
        tpu.yield
      }) : () -> ()
      %add3A_137 = arith.constant 3 : i32
      %add3A_138 = arith.addi %add3A_131, %add3A_137 : i32
      %lt3A = arith.cmpi slt, %add3A_138, %select_n3A : i32
      %convert_element_type3A_139 = arith.extui %lt3A : i1 to i32
      %cond3A_140 = arith.constant 0 : i32
      %cond3A_141 = arith.cmpi ne, %convert_element_type3A_139, %cond3A_140 : i32
      scf.if %cond3A_141 {
        %add3A_174 = arith.constant 3 : i32
        %add3A_175 = arith.addi %add3A_131, %add3A_174 : i32
        %dma_start3A_176 = arith.constant 0 : i32
        %dma_start3A_177 = tpu.memref_slice %arg7[%add3A_175, %dma_start3A_176] : memref<78x88xi32, #tpu.memory_space<vmem>> -> memref<1x88xi32, #tpu.memory_space<vmem>>
        %dma_start3A_178 = tpu.memref_squeeze %dma_start3A_177 : memref<1x88xi32, #tpu.memory_space<vmem>> -> memref<88xi32, #tpu.memory_space<vmem>>
        %dma_start3A_179 = arith.constant 0 : i32
        %dma_start3A_180 = arith.constant 0 : i32
        %dma_start3A_181 = tpu.memref_slice %arg2[%dma_start3A_179, %dma_start3A_180] : memref<10000x128xf32, #tpu.memory_space<hbm>> -> memref<10000x128xf32, #tpu.memory_space<hbm>>
        tpu.enqueue_indirect_dma source(%dma_start3A_181 : memref<10000x128xf32, #tpu.memory_space<hbm>>) target(%arg9 : memref<88x128xf32, #tpu.memory_space<vmem>>) offsets(%dma_start3A_178 : memref<88xi32, #tpu.memory_space<vmem>>) semaphore(%arg12 : memref<!tpu.dma_semaphore, #tpu.memory_space<semaphore_mem>>)
      } else {
      }
      %mul3A_142 = arith.constant 3 : i32
      %mul3A_143 = arith.muli %mul3A_142, %while3A_128 : i32
      %add3A_144 = arith.constant 1 : i32
      %add3A_145 = arith.addi %mul3A_143, %add3A_144 : i32
      %dma_wait3A_146 = arith.constant 0 : i32
      %dma_wait3A_147 = arith.constant 0 : i32
      %dma_wait3A_148 = tpu.memref_slice %arg5[%dma_wait3A_146, %dma_wait3A_147] : memref<625x128xf32, #tpu.memory_space<hbm>> -> memref<88x128xf32, #tpu.memory_space<hbm>>
      %dma_wait3A_149 = arith.constant 0 : i32
      %dma_wait3A_150 = arith.constant 0 : i32
      %dma_wait3A_151 = tpu.memref_slice %arg5[%dma_wait3A_149, %dma_wait3A_150] : memref<625x128xf32, #tpu.memory_space<hbm>> -> memref<88x128xf32, #tpu.memory_space<hbm>>
      tpu.wait_dma2 semaphore(%arg13 : memref<!tpu.dma_semaphore, #tpu.memory_space<semaphore_mem>>) src(%dma_wait3A_151 : memref<88x128xf32, #tpu.memory_space<hbm>>) dst(%arg10 : memref<88x128xf32, #tpu.memory_space<vmem>>)
      "tpu.region"() ({
        %run_scoped3A = tpu.sem_alloc : memref<!tpu.dma_semaphore, #tpu.memory_space<semaphore_mem>>
        %dma_start3A_174 = arith.constant 0 : i32
        %dma_start3A_175 = tpu.memref_slice %arg8[%add3A_145, %dma_start3A_174] : memref<78x88xi32, #tpu.memory_space<vmem>> -> memref<1x88xi32, #tpu.memory_space<vmem>>
        %dma_start3A_176 = tpu.memref_squeeze %dma_start3A_175 : memref<1x88xi32, #tpu.memory_space<vmem>> -> memref<88xi32, #tpu.memory_space<vmem>>
        %dma_start3A_177 = arith.constant 0 : i32
        %dma_start3A_178 = arith.constant 0 : i32
        %dma_start3A_179 = tpu.memref_slice %arg15[%dma_start3A_177, %dma_start3A_178] : memref<10008x128xf32, #tpu.memory_space<vmem_shared>> -> memref<10008x128xf32, #tpu.memory_space<vmem_shared>>
        tpu.enqueue_indirect_dma source(%arg10 : memref<88x128xf32, #tpu.memory_space<vmem>>) target(%dma_start3A_179 : memref<10008x128xf32, #tpu.memory_space<vmem_shared>>) offsets(%dma_start3A_176 : memref<88xi32, #tpu.memory_space<vmem>>) semaphore(%run_scoped3A : memref<!tpu.dma_semaphore, #tpu.memory_space<semaphore_mem>>) {add = true}
        %dma_wait3A_180 = arith.constant 0 : i32
        %dma_wait3A_181 = tpu.memref_slice %arg8[%add3A_145, %dma_wait3A_180] : memref<78x88xi32, #tpu.memory_space<vmem>> -> memref<1x88xi32, #tpu.memory_space<vmem>>
        %dma_wait3A_182 = tpu.memref_squeeze %dma_wait3A_181 : memref<1x88xi32, #tpu.memory_space<vmem>> -> memref<88xi32, #tpu.memory_space<vmem>>
        %dma_wait3A_183 = arith.constant 0 : i32
        %dma_wait3A_184 = arith.constant 0 : i32
        %dma_wait3A_185 = tpu.memref_slice %arg15[%dma_wait3A_183, %dma_wait3A_184] : memref<10008x128xf32, #tpu.memory_space<vmem_shared>> -> memref<10008x128xf32, #tpu.memory_space<vmem_shared>>
        tpu.wait_indirect_dma semaphore(%run_scoped3A : memref<!tpu.dma_semaphore, #tpu.memory_space<semaphore_mem>>) src(%arg10 : memref<88x128xf32, #tpu.memory_space<vmem>>) dst(%dma_wait3A_185 : memref<10008x128xf32, #tpu.memory_space<vmem_shared>>)
        tpu.yield
      }) : () -> ()
      %add3A_152 = arith.constant 3 : i32
      %add3A_153 = arith.addi %add3A_145, %add3A_152 : i32
      %lt3A_154 = arith.cmpi slt, %add3A_153, %select_n3A : i32
      %convert_element_type3A_155 = arith.extui %lt3A_154 : i1 to i32
      %cond3A_156 = arith.constant 0 : i32
      %cond3A_157 = arith.cmpi ne, %convert_element_type3A_155, %cond3A_156 : i32
      scf.if %cond3A_157 {
        %add3A_174 = arith.constant 3 : i32
        %add3A_175 = arith.addi %add3A_145, %add3A_174 : i32
        %dma_start3A_176 = arith.constant 0 : i32
        %dma_start3A_177 = tpu.memref_slice %arg7[%add3A_175, %dma_start3A_176] : memref<78x88xi32, #tpu.memory_space<vmem>> -> memref<1x88xi32, #tpu.memory_space<vmem>>
        %dma_start3A_178 = tpu.memref_squeeze %dma_start3A_177 : memref<1x88xi32, #tpu.memory_space<vmem>> -> memref<88xi32, #tpu.memory_space<vmem>>
        %dma_start3A_179 = arith.constant 0 : i32
        %dma_start3A_180 = arith.constant 0 : i32
        %dma_start3A_181 = tpu.memref_slice %arg2[%dma_start3A_179, %dma_start3A_180] : memref<10000x128xf32, #tpu.memory_space<hbm>> -> memref<10000x128xf32, #tpu.memory_space<hbm>>
        tpu.enqueue_indirect_dma source(%dma_start3A_181 : memref<10000x128xf32, #tpu.memory_space<hbm>>) target(%arg10 : memref<88x128xf32, #tpu.memory_space<vmem>>) offsets(%dma_start3A_178 : memref<88xi32, #tpu.memory_space<vmem>>) semaphore(%arg13 : memref<!tpu.dma_semaphore, #tpu.memory_space<semaphore_mem>>)
      } else {
      }
      %mul3A_158 = arith.constant 3 : i32
      %mul3A_159 = arith.muli %mul3A_158, %while3A_128 : i32
      %add3A_160 = arith.constant 2 : i32
      %add3A_161 = arith.addi %mul3A_159, %add3A_160 : i32
      %dma_wait3A_162 = arith.constant 0 : i32
      %dma_wait3A_163 = arith.constant 0 : i32
      %dma_wait3A_164 = tpu.memref_slice %arg5[%dma_wait3A_162, %dma_wait3A_163] : memref<625x128xf32, #tpu.memory_space<hbm>> -> memref<88x128xf32, #tpu.memory_space<hbm>>
      %dma_wait3A_165 = arith.constant 0 : i32
      %dma_wait3A_166 = arith.constant 0 : i32
      %dma_wait3A_167 = tpu.memref_slice %arg5[%dma_wait3A_165, %dma_wait3A_166] : memref<625x128xf32, #tpu.memory_space<hbm>> -> memref<88x128xf32, #tpu.memory_space<hbm>>
      tpu.wait_dma2 semaphore(%arg14 : memref<!tpu.dma_semaphore, #tpu.memory_space<semaphore_mem>>) src(%dma_wait3A_167 : memref<88x128xf32, #tpu.memory_space<hbm>>) dst(%arg11 : memref<88x128xf32, #tpu.memory_space<vmem>>)
      "tpu.region"() ({
        %run_scoped3A = tpu.sem_alloc : memref<!tpu.dma_semaphore, #tpu.memory_space<semaphore_mem>>
        %dma_start3A_174 = arith.constant 0 : i32
        %dma_start3A_175 = tpu.memref_slice %arg8[%add3A_161, %dma_start3A_174] : memref<78x88xi32, #tpu.memory_space<vmem>> -> memref<1x88xi32, #tpu.memory_space<vmem>>
        %dma_start3A_176 = tpu.memref_squeeze %dma_start3A_175 : memref<1x88xi32, #tpu.memory_space<vmem>> -> memref<88xi32, #tpu.memory_space<vmem>>
        %dma_start3A_177 = arith.constant 0 : i32
        %dma_start3A_178 = arith.constant 0 : i32
        %dma_start3A_179 = tpu.memref_slice %arg15[%dma_start3A_177, %dma_start3A_178] : memref<10008x128xf32, #tpu.memory_space<vmem_shared>> -> memref<10008x128xf32, #tpu.memory_space<vmem_shared>>
        tpu.enqueue_indirect_dma source(%arg11 : memref<88x128xf32, #tpu.memory_space<vmem>>) target(%dma_start3A_179 : memref<10008x128xf32, #tpu.memory_space<vmem_shared>>) offsets(%dma_start3A_176 : memref<88xi32, #tpu.memory_space<vmem>>) semaphore(%run_scoped3A : memref<!tpu.dma_semaphore, #tpu.memory_space<semaphore_mem>>) {add = true}
        %dma_wait3A_180 = arith.constant 0 : i32
        %dma_wait3A_181 = tpu.memref_slice %arg8[%add3A_161, %dma_wait3A_180] : memref<78x88xi32, #tpu.memory_space<vmem>> -> memref<1x88xi32, #tpu.memory_space<vmem>>
        %dma_wait3A_182 = tpu.memref_squeeze %dma_wait3A_181 : memref<1x88xi32, #tpu.memory_space<vmem>> -> memref<88xi32, #tpu.memory_space<vmem>>
        %dma_wait3A_183 = arith.constant 0 : i32
        %dma_wait3A_184 = arith.constant 0 : i32
        %dma_wait3A_185 = tpu.memref_slice %arg15[%dma_wait3A_183, %dma_wait3A_184] : memref<10008x128xf32, #tpu.memory_space<vmem_shared>> -> memref<10008x128xf32, #tpu.memory_space<vmem_shared>>
        tpu.wait_indirect_dma semaphore(%run_scoped3A : memref<!tpu.dma_semaphore, #tpu.memory_space<semaphore_mem>>) src(%arg11 : memref<88x128xf32, #tpu.memory_space<vmem>>) dst(%dma_wait3A_185 : memref<10008x128xf32, #tpu.memory_space<vmem_shared>>)
        tpu.yield
      }) : () -> ()
      %add3A_168 = arith.constant 3 : i32
      %add3A_169 = arith.addi %add3A_161, %add3A_168 : i32
      %lt3A_170 = arith.cmpi slt, %add3A_169, %select_n3A : i32
      %convert_element_type3A_171 = arith.extui %lt3A_170 : i1 to i32
      %cond3A_172 = arith.constant 0 : i32
      %cond3A_173 = arith.cmpi ne, %convert_element_type3A_171, %cond3A_172 : i32
      scf.if %cond3A_173 {
        %add3A_174 = arith.constant 3 : i32
        %add3A_175 = arith.addi %add3A_161, %add3A_174 : i32
        %dma_start3A_176 = arith.constant 0 : i32
        %dma_start3A_177 = tpu.memref_slice %arg7[%add3A_175, %dma_start3A_176] : memref<78x88xi32, #tpu.memory_space<vmem>> -> memref<1x88xi32, #tpu.memory_space<vmem>>
        %dma_start3A_178 = tpu.memref_squeeze %dma_start3A_177 : memref<1x88xi32, #tpu.memory_space<vmem>> -> memref<88xi32, #tpu.memory_space<vmem>>
        %dma_start3A_179 = arith.constant 0 : i32
        %dma_start3A_180 = arith.constant 0 : i32
        %dma_start3A_181 = tpu.memref_slice %arg2[%dma_start3A_179, %dma_start3A_180] : memref<10000x128xf32, #tpu.memory_space<hbm>> -> memref<10000x128xf32, #tpu.memory_space<hbm>>
        tpu.enqueue_indirect_dma source(%dma_start3A_181 : memref<10000x128xf32, #tpu.memory_space<hbm>>) target(%arg11 : memref<88x128xf32, #tpu.memory_space<vmem>>) offsets(%dma_start3A_178 : memref<88xi32, #tpu.memory_space<vmem>>) semaphore(%arg14 : memref<!tpu.dma_semaphore, #tpu.memory_space<semaphore_mem>>)
      } else {
      }
    }
    %eq3A_58 = arith.constant 0 : i32
    %eq3A_59 = arith.cmpi eq, %arg0, %eq3A_58 : i32
    %convert_element_type3A_60 = arith.extui %eq3A_59 : i1 to i32
    %cond3A_61 = arith.constant 0 : i32
    %cond3A_62 = arith.cmpi ne, %convert_element_type3A_60, %cond3A_61 : i32
    scf.if %cond3A_62 {
      %mul3A_128 = arith.constant 156 : i32
      %mul3A_129 = arith.muli %arg1, %mul3A_128 : i32
      %add3A = arith.constant 78 : i32
      %add3A_130 = arith.addi %mul3A_129, %add3A : i32
      "tpu.region"() ({
        %run_scoped3A = tpu.sem_alloc : memref<!tpu.dma_semaphore, #tpu.memory_space<semaphore_mem>>
        %dma_start3A_131 = arith.constant 0 : i32
        %dma_start3A_132 = tpu.memref_slice %arg3[%add3A_130, %dma_start3A_131] : memref<3648x88xi32, #tpu.memory_space<hbm>> -> memref<78x88xi32, #tpu.memory_space<hbm>>
        %dma_start3A_133 = arith.constant 0 : i32
        %dma_start3A_134 = tpu.memref_slice %arg3[%add3A_130, %dma_start3A_133] : memref<3648x88xi32, #tpu.memory_space<hbm>> -> memref<78x88xi32, #tpu.memory_space<hbm>>
        tpu.enqueue_dma source(%dma_start3A_134 : memref<78x88xi32, #tpu.memory_space<hbm>>) target(%arg7 : memref<78x88xi32, #tpu.memory_space<vmem>>) target_semaphore(%run_scoped3A : memref<!tpu.dma_semaphore, #tpu.memory_space<semaphore_mem>>)
        %dma_wait3A = arith.constant 0 : i32
        %dma_wait3A_135 = tpu.memref_slice %arg3[%add3A_130, %dma_wait3A] : memref<3648x88xi32, #tpu.memory_space<hbm>> -> memref<78x88xi32, #tpu.memory_space<hbm>>
        %dma_wait3A_136 = arith.constant 0 : i32
        %dma_wait3A_137 = tpu.memref_slice %arg3[%add3A_130, %dma_wait3A_136] : memref<3648x88xi32, #tpu.memory_space<hbm>> -> memref<78x88xi32, #tpu.memory_space<hbm>>
        tpu.wait_dma2 semaphore(%run_scoped3A : memref<!tpu.dma_semaphore, #tpu.memory_space<semaphore_mem>>) src(%dma_wait3A_137 : memref<78x88xi32, #tpu.memory_space<hbm>>) dst(%arg7 : memref<78x88xi32, #tpu.memory_space<vmem>>)
        tpu.yield
      }) : () -> ()
      "tpu.region"() ({
        %run_scoped3A = tpu.sem_alloc : memref<!tpu.dma_semaphore, #tpu.memory_space<semaphore_mem>>
        %dma_start3A_131 = arith.constant 0 : i32
        %dma_start3A_132 = tpu.memref_slice %arg4[%add3A_130, %dma_start3A_131] : memref<3648x88xi32, #tpu.memory_space<hbm>> -> memref<78x88xi32, #tpu.memory_space<hbm>>
        %dma_start3A_133 = arith.constant 0 : i32
        %dma_start3A_134 = tpu.memref_slice %arg4[%add3A_130, %dma_start3A_133] : memref<3648x88xi32, #tpu.memory_space<hbm>> -> memref<78x88xi32, #tpu.memory_space<hbm>>
        tpu.enqueue_dma source(%dma_start3A_134 : memref<78x88xi32, #tpu.memory_space<hbm>>) target(%arg8 : memref<78x88xi32, #tpu.memory_space<vmem>>) target_semaphore(%run_scoped3A : memref<!tpu.dma_semaphore, #tpu.memory_space<semaphore_mem>>)
        %dma_wait3A = arith.constant 0 : i32
        %dma_wait3A_135 = tpu.memref_slice %arg4[%add3A_130, %dma_wait3A] : memref<3648x88xi32, #tpu.memory_space<hbm>> -> memref<78x88xi32, #tpu.memory_space<hbm>>
        %dma_wait3A_136 = arith.constant 0 : i32
        %dma_wait3A_137 = tpu.memref_slice %arg4[%add3A_130, %dma_wait3A_136] : memref<3648x88xi32, #tpu.memory_space<hbm>> -> memref<78x88xi32, #tpu.memory_space<hbm>>
        tpu.wait_dma2 semaphore(%run_scoped3A : memref<!tpu.dma_semaphore, #tpu.memory_space<semaphore_mem>>) src(%dma_wait3A_137 : memref<78x88xi32, #tpu.memory_space<hbm>>) dst(%arg8 : memref<78x88xi32, #tpu.memory_space<vmem>>)
        tpu.yield
      }) : () -> ()
    } else {
    }
    %eq3A_63 = arith.constant 1 : i32
    %eq3A_64 = arith.cmpi eq, %arg0, %eq3A_63 : i32
    %convert_element_type3A_65 = arith.extui %eq3A_64 : i1 to i32
    %cond3A_66 = arith.constant 0 : i32
    %cond3A_67 = arith.cmpi ne, %convert_element_type3A_65, %cond3A_66 : i32
    scf.if %cond3A_67 {
      %mul3A_128 = arith.constant 72 : i32
      %mul3A_129 = arith.muli %arg1, %mul3A_128 : i32
      %add3A = arith.constant 2496 : i32
      %add3A_130 = arith.addi %add3A, %mul3A_129 : i32
      %add3A_131 = arith.constant 36 : i32
      %add3A_132 = arith.addi %add3A_130, %add3A_131 : i32
      "tpu.region"() ({
        %run_scoped3A = tpu.sem_alloc : memref<!tpu.dma_semaphore, #tpu.memory_space<semaphore_mem>>
        %dma_start3A_133 = arith.constant 0 : i32
        %dma_start3A_134 = arith.constant 0 : i32
        %dma_start3A_135 = tpu.memref_slice %arg7[%dma_start3A_133, %dma_start3A_134] : memref<78x88xi32, #tpu.memory_space<vmem>> -> memref<36x88xi32, #tpu.memory_space<vmem>>
        %dma_start3A_136 = arith.constant 0 : i32
        %dma_start3A_137 = tpu.memref_slice %arg3[%add3A_132, %dma_start3A_136] : memref<3648x88xi32, #tpu.memory_space<hbm>> -> memref<36x88xi32, #tpu.memory_space<hbm>>
        %dma_start3A_138 = arith.constant 0 : i32
        %dma_start3A_139 = arith.constant 0 : i32
        %dma_start3A_140 = tpu.memref_slice %arg7[%dma_start3A_138, %dma_start3A_139] : memref<78x88xi32, #tpu.memory_space<vmem>> -> memref<36x88xi32, #tpu.memory_space<vmem>>
        %dma_start3A_141 = arith.constant 0 : i32
        %dma_start3A_142 = tpu.memref_slice %arg3[%add3A_132, %dma_start3A_141] : memref<3648x88xi32, #tpu.memory_space<hbm>> -> memref<36x88xi32, #tpu.memory_space<hbm>>
        tpu.enqueue_dma source(%dma_start3A_142 : memref<36x88xi32, #tpu.memory_space<hbm>>) target(%dma_start3A_140 : memref<36x88xi32, #tpu.memory_space<vmem>>) target_semaphore(%run_scoped3A : memref<!tpu.dma_semaphore, #tpu.memory_space<semaphore_mem>>)
        %dma_wait3A = arith.constant 0 : i32
        %dma_wait3A_143 = arith.constant 0 : i32
        %dma_wait3A_144 = tpu.memref_slice %arg7[%dma_wait3A, %dma_wait3A_143] : memref<78x88xi32, #tpu.memory_space<vmem>> -> memref<36x88xi32, #tpu.memory_space<vmem>>
        %dma_wait3A_145 = arith.constant 0 : i32
        %dma_wait3A_146 = tpu.memref_slice %arg3[%add3A_132, %dma_wait3A_145] : memref<3648x88xi32, #tpu.memory_space<hbm>> -> memref<36x88xi32, #tpu.memory_space<hbm>>
        %dma_wait3A_147 = arith.constant 0 : i32
        %dma_wait3A_148 = arith.constant 0 : i32
        %dma_wait3A_149 = tpu.memref_slice %arg7[%dma_wait3A_147, %dma_wait3A_148] : memref<78x88xi32, #tpu.memory_space<vmem>> -> memref<36x88xi32, #tpu.memory_space<vmem>>
        %dma_wait3A_150 = arith.constant 0 : i32
        %dma_wait3A_151 = tpu.memref_slice %arg3[%add3A_132, %dma_wait3A_150] : memref<3648x88xi32, #tpu.memory_space<hbm>> -> memref<36x88xi32, #tpu.memory_space<hbm>>
        tpu.wait_dma2 semaphore(%run_scoped3A : memref<!tpu.dma_semaphore, #tpu.memory_space<semaphore_mem>>) src(%dma_wait3A_151 : memref<36x88xi32, #tpu.memory_space<hbm>>) dst(%dma_wait3A_149 : memref<36x88xi32, #tpu.memory_space<vmem>>)
        tpu.yield
      }) : () -> ()
      "tpu.region"() ({
        %run_scoped3A = tpu.sem_alloc : memref<!tpu.dma_semaphore, #tpu.memory_space<semaphore_mem>>
        %dma_start3A_133 = arith.constant 0 : i32
        %dma_start3A_134 = arith.constant 0 : i32
        %dma_start3A_135 = tpu.memref_slice %arg8[%dma_start3A_133, %dma_start3A_134] : memref<78x88xi32, #tpu.memory_space<vmem>> -> memref<36x88xi32, #tpu.memory_space<vmem>>
        %dma_start3A_136 = arith.constant 0 : i32
        %dma_start3A_137 = tpu.memref_slice %arg4[%add3A_132, %dma_start3A_136] : memref<3648x88xi32, #tpu.memory_space<hbm>> -> memref<36x88xi32, #tpu.memory_space<hbm>>
        %dma_start3A_138 = arith.constant 0 : i32
        %dma_start3A_139 = arith.constant 0 : i32
        %dma_start3A_140 = tpu.memref_slice %arg8[%dma_start3A_138, %dma_start3A_139] : memref<78x88xi32, #tpu.memory_space<vmem>> -> memref<36x88xi32, #tpu.memory_space<vmem>>
        %dma_start3A_141 = arith.constant 0 : i32
        %dma_start3A_142 = tpu.memref_slice %arg4[%add3A_132, %dma_start3A_141] : memref<3648x88xi32, #tpu.memory_space<hbm>> -> memref<36x88xi32, #tpu.memory_space<hbm>>
        tpu.enqueue_dma source(%dma_start3A_142 : memref<36x88xi32, #tpu.memory_space<hbm>>) target(%dma_start3A_140 : memref<36x88xi32, #tpu.memory_space<vmem>>) target_semaphore(%run_scoped3A : memref<!tpu.dma_semaphore, #tpu.memory_space<semaphore_mem>>)
        %dma_wait3A = arith.constant 0 : i32
        %dma_wait3A_143 = arith.constant 0 : i32
        %dma_wait3A_144 = tpu.memref_slice %arg8[%dma_wait3A, %dma_wait3A_143] : memref<78x88xi32, #tpu.memory_space<vmem>> -> memref<36x88xi32, #tpu.memory_space<vmem>>
        %dma_wait3A_145 = arith.constant 0 : i32
        %dma_wait3A_146 = tpu.memref_slice %arg4[%add3A_132, %dma_wait3A_145] : memref<3648x88xi32, #tpu.memory_space<hbm>> -> memref<36x88xi32, #tpu.memory_space<hbm>>
        %dma_wait3A_147 = arith.constant 0 : i32
        %dma_wait3A_148 = arith.constant 0 : i32
        %dma_wait3A_149 = tpu.memref_slice %arg8[%dma_wait3A_147, %dma_wait3A_148] : memref<78x88xi32, #tpu.memory_space<vmem>> -> memref<36x88xi32, #tpu.memory_space<vmem>>
        %dma_wait3A_150 = arith.constant 0 : i32
        %dma_wait3A_151 = tpu.memref_slice %arg4[%add3A_132, %dma_wait3A_150] : memref<3648x88xi32, #tpu.memory_space<hbm>> -> memref<36x88xi32, #tpu.memory_space<hbm>>
        tpu.wait_dma2 semaphore(%run_scoped3A : memref<!tpu.dma_semaphore, #tpu.memory_space<semaphore_mem>>) src(%dma_wait3A_151 : memref<36x88xi32, #tpu.memory_space<hbm>>) dst(%dma_wait3A_149 : memref<36x88xi32, #tpu.memory_space<vmem>>)
        tpu.yield
      }) : () -> ()
    } else {
    }
    %dma_start3A_68 = arith.constant 0 : i32
    %dma_start3A_69 = arith.constant 0 : i32
    %dma_start3A_70 = tpu.memref_slice %arg7[%dma_start3A_68, %dma_start3A_69] : memref<78x88xi32, #tpu.memory_space<vmem>> -> memref<1x88xi32, #tpu.memory_space<vmem>>
    %dma_start3A_71 = tpu.memref_squeeze %dma_start3A_70 : memref<1x88xi32, #tpu.memory_space<vmem>> -> memref<88xi32, #tpu.memory_space<vmem>>
    %dma_start3A_72 = arith.constant 0 : i32
    %dma_start3A_73 = arith.constant 0 : i32
    %dma_start3A_74 = tpu.memref_slice %arg2[%dma_start3A_72, %dma_start3A_73] : memref<10000x128xf32, #tpu.memory_space<hbm>> -> memref<10000x128xf32, #tpu.memory_space<hbm>>
    tpu.enqueue_indirect_dma source(%dma_start3A_74 : memref<10000x128xf32, #tpu.memory_space<hbm>>) target(%arg9 : memref<88x128xf32, #tpu.memory_space<vmem>>) offsets(%dma_start3A_71 : memref<88xi32, #tpu.memory_space<vmem>>) semaphore(%arg12 : memref<!tpu.dma_semaphore, #tpu.memory_space<semaphore_mem>>)
    %dma_start3A_75 = arith.constant 1 : i32
    %dma_start3A_76 = arith.constant 0 : i32
    %dma_start3A_77 = tpu.memref_slice %arg7[%dma_start3A_75, %dma_start3A_76] : memref<78x88xi32, #tpu.memory_space<vmem>> -> memref<1x88xi32, #tpu.memory_space<vmem>>
    %dma_start3A_78 = tpu.memref_squeeze %dma_start3A_77 : memref<1x88xi32, #tpu.memory_space<vmem>> -> memref<88xi32, #tpu.memory_space<vmem>>
    %dma_start3A_79 = arith.constant 0 : i32
    %dma_start3A_80 = arith.constant 0 : i32
    %dma_start3A_81 = tpu.memref_slice %arg2[%dma_start3A_79, %dma_start3A_80] : memref<10000x128xf32, #tpu.memory_space<hbm>> -> memref<10000x128xf32, #tpu.memory_space<hbm>>
    tpu.enqueue_indirect_dma source(%dma_start3A_81 : memref<10000x128xf32, #tpu.memory_space<hbm>>) target(%arg10 : memref<88x128xf32, #tpu.memory_space<vmem>>) offsets(%dma_start3A_78 : memref<88xi32, #tpu.memory_space<vmem>>) semaphore(%arg13 : memref<!tpu.dma_semaphore, #tpu.memory_space<semaphore_mem>>)
    %dma_start3A_82 = arith.constant 2 : i32
    %dma_start3A_83 = arith.constant 0 : i32
    %dma_start3A_84 = tpu.memref_slice %arg7[%dma_start3A_82, %dma_start3A_83] : memref<78x88xi32, #tpu.memory_space<vmem>> -> memref<1x88xi32, #tpu.memory_space<vmem>>
    %dma_start3A_85 = tpu.memref_squeeze %dma_start3A_84 : memref<1x88xi32, #tpu.memory_space<vmem>> -> memref<88xi32, #tpu.memory_space<vmem>>
    %dma_start3A_86 = arith.constant 0 : i32
    %dma_start3A_87 = arith.constant 0 : i32
    %dma_start3A_88 = tpu.memref_slice %arg2[%dma_start3A_86, %dma_start3A_87] : memref<10000x128xf32, #tpu.memory_space<hbm>> -> memref<10000x128xf32, #tpu.memory_space<hbm>>
    tpu.enqueue_indirect_dma source(%dma_start3A_88 : memref<10000x128xf32, #tpu.memory_space<hbm>>) target(%arg11 : memref<88x128xf32, #tpu.memory_space<vmem>>) offsets(%dma_start3A_85 : memref<88xi32, #tpu.memory_space<vmem>>) semaphore(%arg14 : memref<!tpu.dma_semaphore, #tpu.memory_space<semaphore_mem>>)
    %jit3A_89 = arith.constant 3 : i32
    %div3A_90 = arith.divsi %select_n3A, %jit3A_89 : i32
    %sign3A_91 = arith.constant 0 : i32
    %sign3A_92 = arith.cmpi sgt, %select_n3A, %sign3A_91 : i32
    %sign3A_93 = arith.extui %sign3A_92 : i1 to i32
    %sign3A_94 = arith.constant 0 : i32
    %sign3A_95 = arith.cmpi slt, %select_n3A, %sign3A_94 : i32
    %sign3A_96 = arith.extui %sign3A_95 : i1 to i32
    %sign3A_97 = arith.subi %sign3A_93, %sign3A_96 : i32
    %sign3A_98 = arith.constant 0 : i32
    %sign3A_99 = arith.cmpi sgt, %jit3A_89, %sign3A_98 : i32
    %sign3A_100 = arith.extui %sign3A_99 : i1 to i32
    %sign3A_101 = arith.constant 0 : i32
    %sign3A_102 = arith.cmpi slt, %jit3A_89, %sign3A_101 : i32
    %sign3A_103 = arith.extui %sign3A_102 : i1 to i32
    %sign3A_104 = arith.subi %sign3A_100, %sign3A_103 : i32
    %ne3A_105 = arith.cmpi ne, %sign3A_97, %sign3A_104 : i32
    %rem3A_106 = arith.remsi %select_n3A, %jit3A_89 : i32
    %ne3A_107 = arith.constant 0 : i32
    %ne3A_108 = arith.cmpi ne, %rem3A_106, %ne3A_107 : i32
    %and3A_109 = arith.andi %ne3A_105, %ne3A_108 : i1
    %sub3A_110 = arith.constant 1 : i32
    %sub3A_111 = arith.subi %div3A_90, %sub3A_110 : i32
    %select_n3A_112 = arith.select %and3A_109, %sub3A_111, %div3A_90 : i32
    %while3A_113 = arith.constant 0 : i32
    %while3A_114 = arith.constant 0 : i32
    %while3A_115 = arith.subi %select_n3A_112, %while3A_114 : i32
    %while3A_116 = arith.addi %while3A_114, %while3A_115 : i32
    %while3A_117 = arith.constant 1 : i32
    %while3A_118 = arith.divsi %while3A_115, %while3A_117 : i32
    %while3A_119 = arith.muli %while3A_118, %while3A_117 : i32
    %while3A_120 = arith.addi %while3A_114, %while3A_119 : i32
    %while3A_121 = arith.constant 1 : i32
    scf.for %while3A_128 = %while3A_114 to %while3A_120 step %while3A_121  : i32 {
      %mul3A_129 = arith.constant 3 : i32
      %mul3A_130 = arith.muli %mul3A_129, %while3A_128 : i32
      %add3A = arith.constant 0 : i32
      %add3A_131 = arith.addi %mul3A_130, %add3A : i32
      %dma_wait3A = arith.constant 0 : i32
      %dma_wait3A_132 = arith.constant 0 : i32
      %dma_wait3A_133 = tpu.memref_slice %arg5[%dma_wait3A, %dma_wait3A_132] : memref<625x128xf32, #tpu.memory_space<hbm>> -> memref<88x128xf32, #tpu.memory_space<hbm>>
      %dma_wait3A_134 = arith.constant 0 : i32
      %dma_wait3A_135 = arith.constant 0 : i32
      %dma_wait3A_136 = tpu.memref_slice %arg5[%dma_wait3A_134, %dma_wait3A_135] : memref<625x128xf32, #tpu.memory_space<hbm>> -> memref<88x128xf32, #tpu.memory_space<hbm>>
      tpu.wait_dma2 semaphore(%arg12 : memref<!tpu.dma_semaphore, #tpu.memory_space<semaphore_mem>>) src(%dma_wait3A_136 : memref<88x128xf32, #tpu.memory_space<hbm>>) dst(%arg9 : memref<88x128xf32, #tpu.memory_space<vmem>>)
      "tpu.region"() ({
        %run_scoped3A = tpu.sem_alloc : memref<!tpu.dma_semaphore, #tpu.memory_space<semaphore_mem>>
        %dma_start3A_174 = arith.constant 0 : i32
        %dma_start3A_175 = tpu.memref_slice %arg8[%add3A_131, %dma_start3A_174] : memref<78x88xi32, #tpu.memory_space<vmem>> -> memref<1x88xi32, #tpu.memory_space<vmem>>
        %dma_start3A_176 = tpu.memref_squeeze %dma_start3A_175 : memref<1x88xi32, #tpu.memory_space<vmem>> -> memref<88xi32, #tpu.memory_space<vmem>>
        %dma_start3A_177 = arith.constant 0 : i32
        %dma_start3A_178 = arith.constant 0 : i32
        %dma_start3A_179 = tpu.memref_slice %arg15[%dma_start3A_177, %dma_start3A_178] : memref<10008x128xf32, #tpu.memory_space<vmem_shared>> -> memref<10008x128xf32, #tpu.memory_space<vmem_shared>>
        tpu.enqueue_indirect_dma source(%arg9 : memref<88x128xf32, #tpu.memory_space<vmem>>) target(%dma_start3A_179 : memref<10008x128xf32, #tpu.memory_space<vmem_shared>>) offsets(%dma_start3A_176 : memref<88xi32, #tpu.memory_space<vmem>>) semaphore(%run_scoped3A : memref<!tpu.dma_semaphore, #tpu.memory_space<semaphore_mem>>) {add = true}
        %dma_wait3A_180 = arith.constant 0 : i32
        %dma_wait3A_181 = tpu.memref_slice %arg8[%add3A_131, %dma_wait3A_180] : memref<78x88xi32, #tpu.memory_space<vmem>> -> memref<1x88xi32, #tpu.memory_space<vmem>>
        %dma_wait3A_182 = tpu.memref_squeeze %dma_wait3A_181 : memref<1x88xi32, #tpu.memory_space<vmem>> -> memref<88xi32, #tpu.memory_space<vmem>>
        %dma_wait3A_183 = arith.constant 0 : i32
        %dma_wait3A_184 = arith.constant 0 : i32
        %dma_wait3A_185 = tpu.memref_slice %arg15[%dma_wait3A_183, %dma_wait3A_184] : memref<10008x128xf32, #tpu.memory_space<vmem_shared>> -> memref<10008x128xf32, #tpu.memory_space<vmem_shared>>
        tpu.wait_indirect_dma semaphore(%run_scoped3A : memref<!tpu.dma_semaphore, #tpu.memory_space<semaphore_mem>>) src(%arg9 : memref<88x128xf32, #tpu.memory_space<vmem>>) dst(%dma_wait3A_185 : memref<10008x128xf32, #tpu.memory_space<vmem_shared>>)
        tpu.yield
      }) : () -> ()
      %add3A_137 = arith.constant 3 : i32
      %add3A_138 = arith.addi %add3A_131, %add3A_137 : i32
      %lt3A = arith.cmpi slt, %add3A_138, %select_n3A : i32
      %convert_element_type3A_139 = arith.extui %lt3A : i1 to i32
      %cond3A_140 = arith.constant 0 : i32
      %cond3A_141 = arith.cmpi ne, %convert_element_type3A_139, %cond3A_140 : i32
      scf.if %cond3A_141 {
        %add3A_174 = arith.constant 3 : i32
        %add3A_175 = arith.addi %add3A_131, %add3A_174 : i32
        %dma_start3A_176 = arith.constant 0 : i32
        %dma_start3A_177 = tpu.memref_slice %arg7[%add3A_175, %dma_start3A_176] : memref<78x88xi32, #tpu.memory_space<vmem>> -> memref<1x88xi32, #tpu.memory_space<vmem>>
        %dma_start3A_178 = tpu.memref_squeeze %dma_start3A_177 : memref<1x88xi32, #tpu.memory_space<vmem>> -> memref<88xi32, #tpu.memory_space<vmem>>
        %dma_start3A_179 = arith.constant 0 : i32
        %dma_start3A_180 = arith.constant 0 : i32
        %dma_start3A_181 = tpu.memref_slice %arg2[%dma_start3A_179, %dma_start3A_180] : memref<10000x128xf32, #tpu.memory_space<hbm>> -> memref<10000x128xf32, #tpu.memory_space<hbm>>
        tpu.enqueue_indirect_dma source(%dma_start3A_181 : memref<10000x128xf32, #tpu.memory_space<hbm>>) target(%arg9 : memref<88x128xf32, #tpu.memory_space<vmem>>) offsets(%dma_start3A_178 : memref<88xi32, #tpu.memory_space<vmem>>) semaphore(%arg12 : memref<!tpu.dma_semaphore, #tpu.memory_space<semaphore_mem>>)
      } else {
      }
      %mul3A_142 = arith.constant 3 : i32
      %mul3A_143 = arith.muli %mul3A_142, %while3A_128 : i32
      %add3A_144 = arith.constant 1 : i32
      %add3A_145 = arith.addi %mul3A_143, %add3A_144 : i32
      %dma_wait3A_146 = arith.constant 0 : i32
      %dma_wait3A_147 = arith.constant 0 : i32
      %dma_wait3A_148 = tpu.memref_slice %arg5[%dma_wait3A_146, %dma_wait3A_147] : memref<625x128xf32, #tpu.memory_space<hbm>> -> memref<88x128xf32, #tpu.memory_space<hbm>>
      %dma_wait3A_149 = arith.constant 0 : i32
      %dma_wait3A_150 = arith.constant 0 : i32
      %dma_wait3A_151 = tpu.memref_slice %arg5[%dma_wait3A_149, %dma_wait3A_150] : memref<625x128xf32, #tpu.memory_space<hbm>> -> memref<88x128xf32, #tpu.memory_space<hbm>>
      tpu.wait_dma2 semaphore(%arg13 : memref<!tpu.dma_semaphore, #tpu.memory_space<semaphore_mem>>) src(%dma_wait3A_151 : memref<88x128xf32, #tpu.memory_space<hbm>>) dst(%arg10 : memref<88x128xf32, #tpu.memory_space<vmem>>)
      "tpu.region"() ({
        %run_scoped3A = tpu.sem_alloc : memref<!tpu.dma_semaphore, #tpu.memory_space<semaphore_mem>>
        %dma_start3A_174 = arith.constant 0 : i32
        %dma_start3A_175 = tpu.memref_slice %arg8[%add3A_145, %dma_start3A_174] : memref<78x88xi32, #tpu.memory_space<vmem>> -> memref<1x88xi32, #tpu.memory_space<vmem>>
        %dma_start3A_176 = tpu.memref_squeeze %dma_start3A_175 : memref<1x88xi32, #tpu.memory_space<vmem>> -> memref<88xi32, #tpu.memory_space<vmem>>
        %dma_start3A_177 = arith.constant 0 : i32
        %dma_start3A_178 = arith.constant 0 : i32
        %dma_start3A_179 = tpu.memref_slice %arg15[%dma_start3A_177, %dma_start3A_178] : memref<10008x128xf32, #tpu.memory_space<vmem_shared>> -> memref<10008x128xf32, #tpu.memory_space<vmem_shared>>
        tpu.enqueue_indirect_dma source(%arg10 : memref<88x128xf32, #tpu.memory_space<vmem>>) target(%dma_start3A_179 : memref<10008x128xf32, #tpu.memory_space<vmem_shared>>) offsets(%dma_start3A_176 : memref<88xi32, #tpu.memory_space<vmem>>) semaphore(%run_scoped3A : memref<!tpu.dma_semaphore, #tpu.memory_space<semaphore_mem>>) {add = true}
        %dma_wait3A_180 = arith.constant 0 : i32
        %dma_wait3A_181 = tpu.memref_slice %arg8[%add3A_145, %dma_wait3A_180] : memref<78x88xi32, #tpu.memory_space<vmem>> -> memref<1x88xi32, #tpu.memory_space<vmem>>
        %dma_wait3A_182 = tpu.memref_squeeze %dma_wait3A_181 : memref<1x88xi32, #tpu.memory_space<vmem>> -> memref<88xi32, #tpu.memory_space<vmem>>
        %dma_wait3A_183 = arith.constant 0 : i32
        %dma_wait3A_184 = arith.constant 0 : i32
        %dma_wait3A_185 = tpu.memref_slice %arg15[%dma_wait3A_183, %dma_wait3A_184] : memref<10008x128xf32, #tpu.memory_space<vmem_shared>> -> memref<10008x128xf32, #tpu.memory_space<vmem_shared>>
        tpu.wait_indirect_dma semaphore(%run_scoped3A : memref<!tpu.dma_semaphore, #tpu.memory_space<semaphore_mem>>) src(%arg10 : memref<88x128xf32, #tpu.memory_space<vmem>>) dst(%dma_wait3A_185 : memref<10008x128xf32, #tpu.memory_space<vmem_shared>>)
        tpu.yield
      }) : () -> ()
      %add3A_152 = arith.constant 3 : i32
      %add3A_153 = arith.addi %add3A_145, %add3A_152 : i32
      %lt3A_154 = arith.cmpi slt, %add3A_153, %select_n3A : i32
      %convert_element_type3A_155 = arith.extui %lt3A_154 : i1 to i32
      %cond3A_156 = arith.constant 0 : i32
      %cond3A_157 = arith.cmpi ne, %convert_element_type3A_155, %cond3A_156 : i32
      scf.if %cond3A_157 {
        %add3A_174 = arith.constant 3 : i32
        %add3A_175 = arith.addi %add3A_145, %add3A_174 : i32
        %dma_start3A_176 = arith.constant 0 : i32
        %dma_start3A_177 = tpu.memref_slice %arg7[%add3A_175, %dma_start3A_176] : memref<78x88xi32, #tpu.memory_space<vmem>> -> memref<1x88xi32, #tpu.memory_space<vmem>>
        %dma_start3A_178 = tpu.memref_squeeze %dma_start3A_177 : memref<1x88xi32, #tpu.memory_space<vmem>> -> memref<88xi32, #tpu.memory_space<vmem>>
        %dma_start3A_179 = arith.constant 0 : i32
        %dma_start3A_180 = arith.constant 0 : i32
        %dma_start3A_181 = tpu.memref_slice %arg2[%dma_start3A_179, %dma_start3A_180] : memref<10000x128xf32, #tpu.memory_space<hbm>> -> memref<10000x128xf32, #tpu.memory_space<hbm>>
        tpu.enqueue_indirect_dma source(%dma_start3A_181 : memref<10000x128xf32, #tpu.memory_space<hbm>>) target(%arg10 : memref<88x128xf32, #tpu.memory_space<vmem>>) offsets(%dma_start3A_178 : memref<88xi32, #tpu.memory_space<vmem>>) semaphore(%arg13 : memref<!tpu.dma_semaphore, #tpu.memory_space<semaphore_mem>>)
      } else {
      }
      %mul3A_158 = arith.constant 3 : i32
      %mul3A_159 = arith.muli %mul3A_158, %while3A_128 : i32
      %add3A_160 = arith.constant 2 : i32
      %add3A_161 = arith.addi %mul3A_159, %add3A_160 : i32
      %dma_wait3A_162 = arith.constant 0 : i32
      %dma_wait3A_163 = arith.constant 0 : i32
      %dma_wait3A_164 = tpu.memref_slice %arg5[%dma_wait3A_162, %dma_wait3A_163] : memref<625x128xf32, #tpu.memory_space<hbm>> -> memref<88x128xf32, #tpu.memory_space<hbm>>
      %dma_wait3A_165 = arith.constant 0 : i32
      %dma_wait3A_166 = arith.constant 0 : i32
      %dma_wait3A_167 = tpu.memref_slice %arg5[%dma_wait3A_165, %dma_wait3A_166] : memref<625x128xf32, #tpu.memory_space<hbm>> -> memref<88x128xf32, #tpu.memory_space<hbm>>
      tpu.wait_dma2 semaphore(%arg14 : memref<!tpu.dma_semaphore, #tpu.memory_space<semaphore_mem>>) src(%dma_wait3A_167 : memref<88x128xf32, #tpu.memory_space<hbm>>) dst(%arg11 : memref<88x128xf32, #tpu.memory_space<vmem>>)
      "tpu.region"() ({
        %run_scoped3A = tpu.sem_alloc : memref<!tpu.dma_semaphore, #tpu.memory_space<semaphore_mem>>
        %dma_start3A_174 = arith.constant 0 : i32
        %dma_start3A_175 = tpu.memref_slice %arg8[%add3A_161, %dma_start3A_174] : memref<78x88xi32, #tpu.memory_space<vmem>> -> memref<1x88xi32, #tpu.memory_space<vmem>>
        %dma_start3A_176 = tpu.memref_squeeze %dma_start3A_175 : memref<1x88xi32, #tpu.memory_space<vmem>> -> memref<88xi32, #tpu.memory_space<vmem>>
        %dma_start3A_177 = arith.constant 0 : i32
        %dma_start3A_178 = arith.constant 0 : i32
        %dma_start3A_179 = tpu.memref_slice %arg15[%dma_start3A_177, %dma_start3A_178] : memref<10008x128xf32, #tpu.memory_space<vmem_shared>> -> memref<10008x128xf32, #tpu.memory_space<vmem_shared>>
        tpu.enqueue_indirect_dma source(%arg11 : memref<88x128xf32, #tpu.memory_space<vmem>>) target(%dma_start3A_179 : memref<10008x128xf32, #tpu.memory_space<vmem_shared>>) offsets(%dma_start3A_176 : memref<88xi32, #tpu.memory_space<vmem>>) semaphore(%run_scoped3A : memref<!tpu.dma_semaphore, #tpu.memory_space<semaphore_mem>>) {add = true}
        %dma_wait3A_180 = arith.constant 0 : i32
        %dma_wait3A_181 = tpu.memref_slice %arg8[%add3A_161, %dma_wait3A_180] : memref<78x88xi32, #tpu.memory_space<vmem>> -> memref<1x88xi32, #tpu.memory_space<vmem>>
        %dma_wait3A_182 = tpu.memref_squeeze %dma_wait3A_181 : memref<1x88xi32, #tpu.memory_space<vmem>> -> memref<88xi32, #tpu.memory_space<vmem>>
        %dma_wait3A_183 = arith.constant 0 : i32
        %dma_wait3A_184 = arith.constant 0 : i32
        %dma_wait3A_185 = tpu.memref_slice %arg15[%dma_wait3A_183, %dma_wait3A_184] : memref<10008x128xf32, #tpu.memory_space<vmem_shared>> -> memref<10008x128xf32, #tpu.memory_space<vmem_shared>>
        tpu.wait_indirect_dma semaphore(%run_scoped3A : memref<!tpu.dma_semaphore, #tpu.memory_space<semaphore_mem>>) src(%arg11 : memref<88x128xf32, #tpu.memory_space<vmem>>) dst(%dma_wait3A_185 : memref<10008x128xf32, #tpu.memory_space<vmem_shared>>)
        tpu.yield
      }) : () -> ()
      %add3A_168 = arith.constant 3 : i32
      %add3A_169 = arith.addi %add3A_161, %add3A_168 : i32
      %lt3A_170 = arith.cmpi slt, %add3A_169, %select_n3A : i32
      %convert_element_type3A_171 = arith.extui %lt3A_170 : i1 to i32
      %cond3A_172 = arith.constant 0 : i32
      %cond3A_173 = arith.cmpi ne, %convert_element_type3A_171, %cond3A_172 : i32
      scf.if %cond3A_173 {
        %add3A_174 = arith.constant 3 : i32
        %add3A_175 = arith.addi %add3A_161, %add3A_174 : i32
        %dma_start3A_176 = arith.constant 0 : i32
        %dma_start3A_177 = tpu.memref_slice %arg7[%add3A_175, %dma_start3A_176] : memref<78x88xi32, #tpu.memory_space<vmem>> -> memref<1x88xi32, #tpu.memory_space<vmem>>
        %dma_start3A_178 = tpu.memref_squeeze %dma_start3A_177 : memref<1x88xi32, #tpu.memory_space<vmem>> -> memref<88xi32, #tpu.memory_space<vmem>>
        %dma_start3A_179 = arith.constant 0 : i32
        %dma_start3A_180 = arith.constant 0 : i32
        %dma_start3A_181 = tpu.memref_slice %arg2[%dma_start3A_179, %dma_start3A_180] : memref<10000x128xf32, #tpu.memory_space<hbm>> -> memref<10000x128xf32, #tpu.memory_space<hbm>>
        tpu.enqueue_indirect_dma source(%dma_start3A_181 : memref<10000x128xf32, #tpu.memory_space<hbm>>) target(%arg11 : memref<88x128xf32, #tpu.memory_space<vmem>>) offsets(%dma_start3A_178 : memref<88xi32, #tpu.memory_space<vmem>>) semaphore(%arg14 : memref<!tpu.dma_semaphore, #tpu.memory_space<semaphore_mem>>)
      } else {
      }
    }
    %while3A_122 = arith.constant 1 : i32
    scf.for %while3A_128 = %while3A_120 to %while3A_116 step %while3A_122  : i32 {
      %mul3A_129 = arith.constant 3 : i32
      %mul3A_130 = arith.muli %mul3A_129, %while3A_128 : i32
      %add3A = arith.constant 0 : i32
      %add3A_131 = arith.addi %mul3A_130, %add3A : i32
      %dma_wait3A = arith.constant 0 : i32
      %dma_wait3A_132 = arith.constant 0 : i32
      %dma_wait3A_133 = tpu.memref_slice %arg5[%dma_wait3A, %dma_wait3A_132] : memref<625x128xf32, #tpu.memory_space<hbm>> -> memref<88x128xf32, #tpu.memory_space<hbm>>
      %dma_wait3A_134 = arith.constant 0 : i32
      %dma_wait3A_135 = arith.constant 0 : i32
      %dma_wait3A_136 = tpu.memref_slice %arg5[%dma_wait3A_134, %dma_wait3A_135] : memref<625x128xf32, #tpu.memory_space<hbm>> -> memref<88x128xf32, #tpu.memory_space<hbm>>
      tpu.wait_dma2 semaphore(%arg12 : memref<!tpu.dma_semaphore, #tpu.memory_space<semaphore_mem>>) src(%dma_wait3A_136 : memref<88x128xf32, #tpu.memory_space<hbm>>) dst(%arg9 : memref<88x128xf32, #tpu.memory_space<vmem>>)
      "tpu.region"() ({
        %run_scoped3A = tpu.sem_alloc : memref<!tpu.dma_semaphore, #tpu.memory_space<semaphore_mem>>
        %dma_start3A_174 = arith.constant 0 : i32
        %dma_start3A_175 = tpu.memref_slice %arg8[%add3A_131, %dma_start3A_174] : memref<78x88xi32, #tpu.memory_space<vmem>> -> memref<1x88xi32, #tpu.memory_space<vmem>>
        %dma_start3A_176 = tpu.memref_squeeze %dma_start3A_175 : memref<1x88xi32, #tpu.memory_space<vmem>> -> memref<88xi32, #tpu.memory_space<vmem>>
        %dma_start3A_177 = arith.constant 0 : i32
        %dma_start3A_178 = arith.constant 0 : i32
        %dma_start3A_179 = tpu.memref_slice %arg15[%dma_start3A_177, %dma_start3A_178] : memref<10008x128xf32, #tpu.memory_space<vmem_shared>> -> memref<10008x128xf32, #tpu.memory_space<vmem_shared>>
        tpu.enqueue_indirect_dma source(%arg9 : memref<88x128xf32, #tpu.memory_space<vmem>>) target(%dma_start3A_179 : memref<10008x128xf32, #tpu.memory_space<vmem_shared>>) offsets(%dma_start3A_176 : memref<88xi32, #tpu.memory_space<vmem>>) semaphore(%run_scoped3A : memref<!tpu.dma_semaphore, #tpu.memory_space<semaphore_mem>>) {add = true}
        %dma_wait3A_180 = arith.constant 0 : i32
        %dma_wait3A_181 = tpu.memref_slice %arg8[%add3A_131, %dma_wait3A_180] : memref<78x88xi32, #tpu.memory_space<vmem>> -> memref<1x88xi32, #tpu.memory_space<vmem>>
        %dma_wait3A_182 = tpu.memref_squeeze %dma_wait3A_181 : memref<1x88xi32, #tpu.memory_space<vmem>> -> memref<88xi32, #tpu.memory_space<vmem>>
        %dma_wait3A_183 = arith.constant 0 : i32
        %dma_wait3A_184 = arith.constant 0 : i32
        %dma_wait3A_185 = tpu.memref_slice %arg15[%dma_wait3A_183, %dma_wait3A_184] : memref<10008x128xf32, #tpu.memory_space<vmem_shared>> -> memref<10008x128xf32, #tpu.memory_space<vmem_shared>>
        tpu.wait_indirect_dma semaphore(%run_scoped3A : memref<!tpu.dma_semaphore, #tpu.memory_space<semaphore_mem>>) src(%arg9 : memref<88x128xf32, #tpu.memory_space<vmem>>) dst(%dma_wait3A_185 : memref<10008x128xf32, #tpu.memory_space<vmem_shared>>)
        tpu.yield
      }) : () -> ()
      %add3A_137 = arith.constant 3 : i32
      %add3A_138 = arith.addi %add3A_131, %add3A_137 : i32
      %lt3A = arith.cmpi slt, %add3A_138, %select_n3A : i32
      %convert_element_type3A_139 = arith.extui %lt3A : i1 to i32
      %cond3A_140 = arith.constant 0 : i32
      %cond3A_141 = arith.cmpi ne, %convert_element_type3A_139, %cond3A_140 : i32
      scf.if %cond3A_141 {
        %add3A_174 = arith.constant 3 : i32
        %add3A_175 = arith.addi %add3A_131, %add3A_174 : i32
        %dma_start3A_176 = arith.constant 0 : i32
        %dma_start3A_177 = tpu.memref_slice %arg7[%add3A_175, %dma_start3A_176] : memref<78x88xi32, #tpu.memory_space<vmem>> -> memref<1x88xi32, #tpu.memory_space<vmem>>
        %dma_start3A_178 = tpu.memref_squeeze %dma_start3A_177 : memref<1x88xi32, #tpu.memory_space<vmem>> -> memref<88xi32, #tpu.memory_space<vmem>>
        %dma_start3A_179 = arith.constant 0 : i32
        %dma_start3A_180 = arith.constant 0 : i32
        %dma_start3A_181 = tpu.memref_slice %arg2[%dma_start3A_179, %dma_start3A_180] : memref<10000x128xf32, #tpu.memory_space<hbm>> -> memref<10000x128xf32, #tpu.memory_space<hbm>>
        tpu.enqueue_indirect_dma source(%dma_start3A_181 : memref<10000x128xf32, #tpu.memory_space<hbm>>) target(%arg9 : memref<88x128xf32, #tpu.memory_space<vmem>>) offsets(%dma_start3A_178 : memref<88xi32, #tpu.memory_space<vmem>>) semaphore(%arg12 : memref<!tpu.dma_semaphore, #tpu.memory_space<semaphore_mem>>)
      } else {
      }
      %mul3A_142 = arith.constant 3 : i32
      %mul3A_143 = arith.muli %mul3A_142, %while3A_128 : i32
      %add3A_144 = arith.constant 1 : i32
      %add3A_145 = arith.addi %mul3A_143, %add3A_144 : i32
      %dma_wait3A_146 = arith.constant 0 : i32
      %dma_wait3A_147 = arith.constant 0 : i32
      %dma_wait3A_148 = tpu.memref_slice %arg5[%dma_wait3A_146, %dma_wait3A_147] : memref<625x128xf32, #tpu.memory_space<hbm>> -> memref<88x128xf32, #tpu.memory_space<hbm>>
      %dma_wait3A_149 = arith.constant 0 : i32
      %dma_wait3A_150 = arith.constant 0 : i32
      %dma_wait3A_151 = tpu.memref_slice %arg5[%dma_wait3A_149, %dma_wait3A_150] : memref<625x128xf32, #tpu.memory_space<hbm>> -> memref<88x128xf32, #tpu.memory_space<hbm>>
      tpu.wait_dma2 semaphore(%arg13 : memref<!tpu.dma_semaphore, #tpu.memory_space<semaphore_mem>>) src(%dma_wait3A_151 : memref<88x128xf32, #tpu.memory_space<hbm>>) dst(%arg10 : memref<88x128xf32, #tpu.memory_space<vmem>>)
      "tpu.region"() ({
        %run_scoped3A = tpu.sem_alloc : memref<!tpu.dma_semaphore, #tpu.memory_space<semaphore_mem>>
        %dma_start3A_174 = arith.constant 0 : i32
        %dma_start3A_175 = tpu.memref_slice %arg8[%add3A_145, %dma_start3A_174] : memref<78x88xi32, #tpu.memory_space<vmem>> -> memref<1x88xi32, #tpu.memory_space<vmem>>
        %dma_start3A_176 = tpu.memref_squeeze %dma_start3A_175 : memref<1x88xi32, #tpu.memory_space<vmem>> -> memref<88xi32, #tpu.memory_space<vmem>>
        %dma_start3A_177 = arith.constant 0 : i32
        %dma_start3A_178 = arith.constant 0 : i32
        %dma_start3A_179 = tpu.memref_slice %arg15[%dma_start3A_177, %dma_start3A_178] : memref<10008x128xf32, #tpu.memory_space<vmem_shared>> -> memref<10008x128xf32, #tpu.memory_space<vmem_shared>>
        tpu.enqueue_indirect_dma source(%arg10 : memref<88x128xf32, #tpu.memory_space<vmem>>) target(%dma_start3A_179 : memref<10008x128xf32, #tpu.memory_space<vmem_shared>>) offsets(%dma_start3A_176 : memref<88xi32, #tpu.memory_space<vmem>>) semaphore(%run_scoped3A : memref<!tpu.dma_semaphore, #tpu.memory_space<semaphore_mem>>) {add = true}
        %dma_wait3A_180 = arith.constant 0 : i32
        %dma_wait3A_181 = tpu.memref_slice %arg8[%add3A_145, %dma_wait3A_180] : memref<78x88xi32, #tpu.memory_space<vmem>> -> memref<1x88xi32, #tpu.memory_space<vmem>>
        %dma_wait3A_182 = tpu.memref_squeeze %dma_wait3A_181 : memref<1x88xi32, #tpu.memory_space<vmem>> -> memref<88xi32, #tpu.memory_space<vmem>>
        %dma_wait3A_183 = arith.constant 0 : i32
        %dma_wait3A_184 = arith.constant 0 : i32
        %dma_wait3A_185 = tpu.memref_slice %arg15[%dma_wait3A_183, %dma_wait3A_184] : memref<10008x128xf32, #tpu.memory_space<vmem_shared>> -> memref<10008x128xf32, #tpu.memory_space<vmem_shared>>
        tpu.wait_indirect_dma semaphore(%run_scoped3A : memref<!tpu.dma_semaphore, #tpu.memory_space<semaphore_mem>>) src(%arg10 : memref<88x128xf32, #tpu.memory_space<vmem>>) dst(%dma_wait3A_185 : memref<10008x128xf32, #tpu.memory_space<vmem_shared>>)
        tpu.yield
      }) : () -> ()
      %add3A_152 = arith.constant 3 : i32
      %add3A_153 = arith.addi %add3A_145, %add3A_152 : i32
      %lt3A_154 = arith.cmpi slt, %add3A_153, %select_n3A : i32
      %convert_element_type3A_155 = arith.extui %lt3A_154 : i1 to i32
      %cond3A_156 = arith.constant 0 : i32
      %cond3A_157 = arith.cmpi ne, %convert_element_type3A_155, %cond3A_156 : i32
      scf.if %cond3A_157 {
        %add3A_174 = arith.constant 3 : i32
        %add3A_175 = arith.addi %add3A_145, %add3A_174 : i32
        %dma_start3A_176 = arith.constant 0 : i32
        %dma_start3A_177 = tpu.memref_slice %arg7[%add3A_175, %dma_start3A_176] : memref<78x88xi32, #tpu.memory_space<vmem>> -> memref<1x88xi32, #tpu.memory_space<vmem>>
        %dma_start3A_178 = tpu.memref_squeeze %dma_start3A_177 : memref<1x88xi32, #tpu.memory_space<vmem>> -> memref<88xi32, #tpu.memory_space<vmem>>
        %dma_start3A_179 = arith.constant 0 : i32
        %dma_start3A_180 = arith.constant 0 : i32
        %dma_start3A_181 = tpu.memref_slice %arg2[%dma_start3A_179, %dma_start3A_180] : memref<10000x128xf32, #tpu.memory_space<hbm>> -> memref<10000x128xf32, #tpu.memory_space<hbm>>
        tpu.enqueue_indirect_dma source(%dma_start3A_181 : memref<10000x128xf32, #tpu.memory_space<hbm>>) target(%arg10 : memref<88x128xf32, #tpu.memory_space<vmem>>) offsets(%dma_start3A_178 : memref<88xi32, #tpu.memory_space<vmem>>) semaphore(%arg13 : memref<!tpu.dma_semaphore, #tpu.memory_space<semaphore_mem>>)
      } else {
      }
      %mul3A_158 = arith.constant 3 : i32
      %mul3A_159 = arith.muli %mul3A_158, %while3A_128 : i32
      %add3A_160 = arith.constant 2 : i32
      %add3A_161 = arith.addi %mul3A_159, %add3A_160 : i32
      %dma_wait3A_162 = arith.constant 0 : i32
      %dma_wait3A_163 = arith.constant 0 : i32
      %dma_wait3A_164 = tpu.memref_slice %arg5[%dma_wait3A_162, %dma_wait3A_163] : memref<625x128xf32, #tpu.memory_space<hbm>> -> memref<88x128xf32, #tpu.memory_space<hbm>>
      %dma_wait3A_165 = arith.constant 0 : i32
      %dma_wait3A_166 = arith.constant 0 : i32
      %dma_wait3A_167 = tpu.memref_slice %arg5[%dma_wait3A_165, %dma_wait3A_166] : memref<625x128xf32, #tpu.memory_space<hbm>> -> memref<88x128xf32, #tpu.memory_space<hbm>>
      tpu.wait_dma2 semaphore(%arg14 : memref<!tpu.dma_semaphore, #tpu.memory_space<semaphore_mem>>) src(%dma_wait3A_167 : memref<88x128xf32, #tpu.memory_space<hbm>>) dst(%arg11 : memref<88x128xf32, #tpu.memory_space<vmem>>)
      "tpu.region"() ({
        %run_scoped3A = tpu.sem_alloc : memref<!tpu.dma_semaphore, #tpu.memory_space<semaphore_mem>>
        %dma_start3A_174 = arith.constant 0 : i32
        %dma_start3A_175 = tpu.memref_slice %arg8[%add3A_161, %dma_start3A_174] : memref<78x88xi32, #tpu.memory_space<vmem>> -> memref<1x88xi32, #tpu.memory_space<vmem>>
        %dma_start3A_176 = tpu.memref_squeeze %dma_start3A_175 : memref<1x88xi32, #tpu.memory_space<vmem>> -> memref<88xi32, #tpu.memory_space<vmem>>
        %dma_start3A_177 = arith.constant 0 : i32
        %dma_start3A_178 = arith.constant 0 : i32
        %dma_start3A_179 = tpu.memref_slice %arg15[%dma_start3A_177, %dma_start3A_178] : memref<10008x128xf32, #tpu.memory_space<vmem_shared>> -> memref<10008x128xf32, #tpu.memory_space<vmem_shared>>
        tpu.enqueue_indirect_dma source(%arg11 : memref<88x128xf32, #tpu.memory_space<vmem>>) target(%dma_start3A_179 : memref<10008x128xf32, #tpu.memory_space<vmem_shared>>) offsets(%dma_start3A_176 : memref<88xi32, #tpu.memory_space<vmem>>) semaphore(%run_scoped3A : memref<!tpu.dma_semaphore, #tpu.memory_space<semaphore_mem>>) {add = true}
        %dma_wait3A_180 = arith.constant 0 : i32
        %dma_wait3A_181 = tpu.memref_slice %arg8[%add3A_161, %dma_wait3A_180] : memref<78x88xi32, #tpu.memory_space<vmem>> -> memref<1x88xi32, #tpu.memory_space<vmem>>
        %dma_wait3A_182 = tpu.memref_squeeze %dma_wait3A_181 : memref<1x88xi32, #tpu.memory_space<vmem>> -> memref<88xi32, #tpu.memory_space<vmem>>
        %dma_wait3A_183 = arith.constant 0 : i32
        %dma_wait3A_184 = arith.constant 0 : i32
        %dma_wait3A_185 = tpu.memref_slice %arg15[%dma_wait3A_183, %dma_wait3A_184] : memref<10008x128xf32, #tpu.memory_space<vmem_shared>> -> memref<10008x128xf32, #tpu.memory_space<vmem_shared>>
        tpu.wait_indirect_dma semaphore(%run_scoped3A : memref<!tpu.dma_semaphore, #tpu.memory_space<semaphore_mem>>) src(%arg11 : memref<88x128xf32, #tpu.memory_space<vmem>>) dst(%dma_wait3A_185 : memref<10008x128xf32, #tpu.memory_space<vmem_shared>>)
        tpu.yield
      }) : () -> ()
      %add3A_168 = arith.constant 3 : i32
      %add3A_169 = arith.addi %add3A_161, %add3A_168 : i32
      %lt3A_170 = arith.cmpi slt, %add3A_169, %select_n3A : i32
      %convert_element_type3A_171 = arith.extui %lt3A_170 : i1 to i32
      %cond3A_172 = arith.constant 0 : i32
      %cond3A_173 = arith.cmpi ne, %convert_element_type3A_171, %cond3A_172 : i32
      scf.if %cond3A_173 {
        %add3A_174 = arith.constant 3 : i32
        %add3A_175 = arith.addi %add3A_161, %add3A_174 : i32
        %dma_start3A_176 = arith.constant 0 : i32
        %dma_start3A_177 = tpu.memref_slice %arg7[%add3A_175, %dma_start3A_176] : memref<78x88xi32, #tpu.memory_space<vmem>> -> memref<1x88xi32, #tpu.memory_space<vmem>>
        %dma_start3A_178 = tpu.memref_squeeze %dma_start3A_177 : memref<1x88xi32, #tpu.memory_space<vmem>> -> memref<88xi32, #tpu.memory_space<vmem>>
        %dma_start3A_179 = arith.constant 0 : i32
        %dma_start3A_180 = arith.constant 0 : i32
        %dma_start3A_181 = tpu.memref_slice %arg2[%dma_start3A_179, %dma_start3A_180] : memref<10000x128xf32, #tpu.memory_space<hbm>> -> memref<10000x128xf32, #tpu.memory_space<hbm>>
        tpu.enqueue_indirect_dma source(%dma_start3A_181 : memref<10000x128xf32, #tpu.memory_space<hbm>>) target(%arg11 : memref<88x128xf32, #tpu.memory_space<vmem>>) offsets(%dma_start3A_178 : memref<88xi32, #tpu.memory_space<vmem>>) semaphore(%arg14 : memref<!tpu.dma_semaphore, #tpu.memory_space<semaphore_mem>>)
      } else {
      }
    }
    %barrier3A_123 = arith.constant 0 : index
    tpu.barrier barrier_id(%barrier3A_123)
    %mul3A_124 = arith.constant 625 : i32
    %mul3A_125 = arith.muli %arg1, %mul3A_124 : i32
    %mul3A_126 = arith.constant 625 : i32
    %mul3A_127 = arith.muli %arg1, %mul3A_126 : i32
    "tpu.region"() ({
      %run_scoped3A = tpu.sem_alloc : memref<!tpu.dma_semaphore, #tpu.memory_space<semaphore_mem>>
      %dma_start3A_128 = arith.constant 0 : i32
      %dma_start3A_129 = tpu.memref_slice %arg6[%arg0, %mul3A_127, %dma_start3A_128] : memref<2x10000x128xf32, #tpu.memory_space<hbm>> -> memref<1x625x128xf32, #tpu.memory_space<hbm>>
      %dma_start3A_130 = tpu.memref_squeeze %dma_start3A_129 : memref<1x625x128xf32, #tpu.memory_space<hbm>> -> memref<625x128xf32, #tpu.memory_space<hbm>>
      %dma_start3A_131 = arith.constant 0 : i32
      %dma_start3A_132 = tpu.memref_slice %arg15[%mul3A_125, %dma_start3A_131] : memref<10008x128xf32, #tpu.memory_space<vmem_shared>> -> memref<625x128xf32, #tpu.memory_space<vmem_shared>>
      tpu.enqueue_dma source(%dma_start3A_132 : memref<625x128xf32, #tpu.memory_space<vmem_shared>>) target(%dma_start3A_130 : memref<625x128xf32, #tpu.memory_space<hbm>>) target_semaphore(%run_scoped3A : memref<!tpu.dma_semaphore, #tpu.memory_space<semaphore_mem>>)
      %dma_wait3A = arith.constant 0 : i32
      %dma_wait3A_133 = tpu.memref_slice %arg6[%arg0, %mul3A_127, %dma_wait3A] : memref<2x10000x128xf32, #tpu.memory_space<hbm>> -> memref<1x625x128xf32, #tpu.memory_space<hbm>>
      %dma_wait3A_134 = tpu.memref_squeeze %dma_wait3A_133 : memref<1x625x128xf32, #tpu.memory_space<hbm>> -> memref<625x128xf32, #tpu.memory_space<hbm>>
      %dma_wait3A_135 = arith.constant 0 : i32
      %dma_wait3A_136 = tpu.memref_slice %arg15[%mul3A_125, %dma_wait3A_135] : memref<10008x128xf32, #tpu.memory_space<vmem_shared>> -> memref<625x128xf32, #tpu.memory_space<vmem_shared>>
      tpu.wait_dma2 semaphore(%run_scoped3A : memref<!tpu.dma_semaphore, #tpu.memory_space<semaphore_mem>>) src(%dma_wait3A_136 : memref<625x128xf32, #tpu.memory_space<vmem_shared>>) dst(%dma_wait3A_134 : memref<625x128xf32, #tpu.memory_space<hbm>>)
      tpu.yield
    }) : () -> ()
    return
  }
}

#map = affine_map<(d0, d1) -> (0, 0)>
#map1 = affine_map<(d0, d1) -> (0, 0, 0)>
module attributes {stable_mosaic.version = 14 : i64} {
  func.func @agg(%arg0: i32, %arg1: i32, %arg2: memref<10000x128xf32, #tpu.memory_space<hbm>>, %arg3: memref<3648x88xi32, #tpu.memory_space<hbm>>, %arg4: memref<3648x88xi32, #tpu.memory_space<hbm>>, %arg5: memref<625x128xf32, #tpu.memory_space<hbm>>, %arg6: memref<2x10000x128xf32, #tpu.memory_space<hbm>>, %arg7: memref<78x88xi32, #tpu.memory_space<vmem>>, %arg8: memref<78x88xi32, #tpu.memory_space<vmem>>, %arg9: memref<88x128xf32, #tpu.memory_space<vmem>>, %arg10: memref<88x128xf32, #tpu.memory_space<vmem>>, %arg11: memref<88x128xf32, #tpu.memory_space<vmem>>, %arg12: memref<!tpu.dma_semaphore, #tpu.memory_space<semaphore_mem>>, %arg13: memref<!tpu.dma_semaphore, #tpu.memory_space<semaphore_mem>>, %arg14: memref<!tpu.dma_semaphore, #tpu.memory_space<semaphore_mem>>, %arg15: memref<10008x128xf32, #tpu.memory_space<vmem_shared>>) attributes {dimension_semantics = [#tpu.dimension_semantics<core_parallel>, #tpu.dimension_semantics<subcore_parallel>], iteration_bounds = array<i64: 2, 16>, scalar_prefetch = 0 : i64, scratch_operands = 9 : i64, tpu.core_type = #tpu.core_type<sc_vector_subcore>, window_params = [{transform_indices = #map}, {transform_indices = #map}, {transform_indices = #map}, {transform_indices = #map}, {transform_indices = #map1}]} {
    %mul3A = arith.constant 625 : i32
    %mul3A_0 = arith.muli %arg1, %mul3A : i32
    "tpu.region"() ({
      %run_scoped3A = tpu.sem_alloc : memref<!tpu.dma_semaphore, #tpu.memory_space<semaphore_mem>>
      %dma_start3A_128 = arith.constant 0 : i32
      %dma_start3A_129 = tpu.memref_slice %arg15[%mul3A_0, %dma_start3A_128] : memref<10008x128xf32, #tpu.memory_space<vmem_shared>> -> memref<625x128xf32, #tpu.memory_space<vmem_shared>>
      tpu.enqueue_dma source(%arg5 : memref<625x128xf32, #tpu.memory_space<hbm>>) target(%dma_start3A_129 : memref<625x128xf32, #tpu.memory_space<vmem_shared>>) target_semaphore(%run_scoped3A : memref<!tpu.dma_semaphore, #tpu.memory_space<semaphore_mem>>)
      %dma_wait3A = arith.constant 0 : i32
      %dma_wait3A_130 = tpu.memref_slice %arg15[%mul3A_0, %dma_wait3A] : memref<10008x128xf32, #tpu.memory_space<vmem_shared>> -> memref<625x128xf32, #tpu.memory_space<vmem_shared>>
      tpu.wait_dma2 semaphore(%run_scoped3A : memref<!tpu.dma_semaphore, #tpu.memory_space<semaphore_mem>>) src(%arg5 : memref<625x128xf32, #tpu.memory_space<hbm>>) dst(%dma_wait3A_130 : memref<625x128xf32, #tpu.memory_space<vmem_shared>>)
      tpu.yield
    }) : () -> ()
    %barrier3A = arith.constant 0 : index
    tpu.barrier barrier_id(%barrier3A)
    %eq3A = arith.constant 0 : i32
    %eq3A_1 = arith.cmpi eq, %arg0, %eq3A : i32
    %jit3A = arith.constant 78 : i32
    %jit3A_2 = arith.constant 36 : i32
    %select_n3A = arith.select %eq3A_1, %jit3A, %jit3A_2 : i32
    %eq3A_3 = arith.constant 0 : i32
    %eq3A_4 = arith.cmpi eq, %arg0, %eq3A_3 : i32
    %convert_element_type3A = arith.extui %eq3A_4 : i1 to i32
    %cond3A = arith.constant 0 : i32
    %cond3A_5 = arith.cmpi ne, %convert_element_type3A, %cond3A : i32
    scf.if %cond3A_5 {
      %mul3A_128 = arith.constant 156 : i32
      %mul3A_129 = arith.muli %arg1, %mul3A_128 : i32
      %add3A = arith.constant 0 : i32
      %add3A_130 = arith.addi %mul3A_129, %add3A : i32
      "tpu.region"() ({
        %run_scoped3A = tpu.sem_alloc : memref<!tpu.dma_semaphore, #tpu.memory_space<semaphore_mem>>
        %dma_start3A_131 = arith.constant 0 : i32
        %dma_start3A_132 = tpu.memref_slice %arg3[%add3A_130, %dma_start3A_131] : memref<3648x88xi32, #tpu.memory_space<hbm>> -> memref<78x88xi32, #tpu.memory_space<hbm>>
        %dma_start3A_133 = arith.constant 0 : i32
        %dma_start3A_134 = tpu.memref_slice %arg3[%add3A_130, %dma_start3A_133] : memref<3648x88xi32, #tpu.memory_space<hbm>> -> memref<78x88xi32, #tpu.memory_space<hbm>>
        tpu.enqueue_dma source(%dma_start3A_134 : memref<78x88xi32, #tpu.memory_space<hbm>>) target(%arg7 : memref<78x88xi32, #tpu.memory_space<vmem>>) target_semaphore(%run_scoped3A : memref<!tpu.dma_semaphore, #tpu.memory_space<semaphore_mem>>)
        %dma_wait3A = arith.constant 0 : i32
        %dma_wait3A_135 = tpu.memref_slice %arg3[%add3A_130, %dma_wait3A] : memref<3648x88xi32, #tpu.memory_space<hbm>> -> memref<78x88xi32, #tpu.memory_space<hbm>>
        %dma_wait3A_136 = arith.constant 0 : i32
        %dma_wait3A_137 = tpu.memref_slice %arg3[%add3A_130, %dma_wait3A_136] : memref<3648x88xi32, #tpu.memory_space<hbm>> -> memref<78x88xi32, #tpu.memory_space<hbm>>
        tpu.wait_dma2 semaphore(%run_scoped3A : memref<!tpu.dma_semaphore, #tpu.memory_space<semaphore_mem>>) src(%dma_wait3A_137 : memref<78x88xi32, #tpu.memory_space<hbm>>) dst(%arg7 : memref<78x88xi32, #tpu.memory_space<vmem>>)
        tpu.yield
      }) : () -> ()
      "tpu.region"() ({
        %run_scoped3A = tpu.sem_alloc : memref<!tpu.dma_semaphore, #tpu.memory_space<semaphore_mem>>
        %dma_start3A_131 = arith.constant 0 : i32
        %dma_start3A_132 = tpu.memref_slice %arg4[%add3A_130, %dma_start3A_131] : memref<3648x88xi32, #tpu.memory_space<hbm>> -> memref<78x88xi32, #tpu.memory_space<hbm>>
        %dma_start3A_133 = arith.constant 0 : i32
        %dma_start3A_134 = tpu.memref_slice %arg4[%add3A_130, %dma_start3A_133] : memref<3648x88xi32, #tpu.memory_space<hbm>> -> memref<78x88xi32, #tpu.memory_space<hbm>>
        tpu.enqueue_dma source(%dma_start3A_134 : memref<78x88xi32, #tpu.memory_space<hbm>>) target(%arg8 : memref<78x88xi32, #tpu.memory_space<vmem>>) target_semaphore(%run_scoped3A : memref<!tpu.dma_semaphore, #tpu.memory_space<semaphore_mem>>)
        %dma_wait3A = arith.constant 0 : i32
        %dma_wait3A_135 = tpu.memref_slice %arg4[%add3A_130, %dma_wait3A] : memref<3648x88xi32, #tpu.memory_space<hbm>> -> memref<78x88xi32, #tpu.memory_space<hbm>>
        %dma_wait3A_136 = arith.constant 0 : i32
        %dma_wait3A_137 = tpu.memref_slice %arg4[%add3A_130, %dma_wait3A_136] : memref<3648x88xi32, #tpu.memory_space<hbm>> -> memref<78x88xi32, #tpu.memory_space<hbm>>
        tpu.wait_dma2 semaphore(%run_scoped3A : memref<!tpu.dma_semaphore, #tpu.memory_space<semaphore_mem>>) src(%dma_wait3A_137 : memref<78x88xi32, #tpu.memory_space<hbm>>) dst(%arg8 : memref<78x88xi32, #tpu.memory_space<vmem>>)
        tpu.yield
      }) : () -> ()
    } else {
    }
    %eq3A_6 = arith.constant 1 : i32
    %eq3A_7 = arith.cmpi eq, %arg0, %eq3A_6 : i32
    %convert_element_type3A_8 = arith.extui %eq3A_7 : i1 to i32
    %cond3A_9 = arith.constant 0 : i32
    %cond3A_10 = arith.cmpi ne, %convert_element_type3A_8, %cond3A_9 : i32
    scf.if %cond3A_10 {
      %mul3A_128 = arith.constant 72 : i32
      %mul3A_129 = arith.muli %arg1, %mul3A_128 : i32
      %add3A = arith.constant 2496 : i32
      %add3A_130 = arith.addi %add3A, %mul3A_129 : i32
      %add3A_131 = arith.constant 0 : i32
      %add3A_132 = arith.addi %add3A_130, %add3A_131 : i32
      "tpu.region"() ({
        %run_scoped3A = tpu.sem_alloc : memref<!tpu.dma_semaphore, #tpu.memory_space<semaphore_mem>>
        %dma_start3A_133 = arith.constant 0 : i32
        %dma_start3A_134 = arith.constant 0 : i32
        %dma_start3A_135 = tpu.memref_slice %arg7[%dma_start3A_133, %dma_start3A_134] : memref<78x88xi32, #tpu.memory_space<vmem>> -> memref<36x88xi32, #tpu.memory_space<vmem>>
        %dma_start3A_136 = arith.constant 0 : i32
        %dma_start3A_137 = tpu.memref_slice %arg3[%add3A_132, %dma_start3A_136] : memref<3648x88xi32, #tpu.memory_space<hbm>> -> memref<36x88xi32, #tpu.memory_space<hbm>>
        %dma_start3A_138 = arith.constant 0 : i32
        %dma_start3A_139 = arith.constant 0 : i32
        %dma_start3A_140 = tpu.memref_slice %arg7[%dma_start3A_138, %dma_start3A_139] : memref<78x88xi32, #tpu.memory_space<vmem>> -> memref<36x88xi32, #tpu.memory_space<vmem>>
        %dma_start3A_141 = arith.constant 0 : i32
        %dma_start3A_142 = tpu.memref_slice %arg3[%add3A_132, %dma_start3A_141] : memref<3648x88xi32, #tpu.memory_space<hbm>> -> memref<36x88xi32, #tpu.memory_space<hbm>>
        tpu.enqueue_dma source(%dma_start3A_142 : memref<36x88xi32, #tpu.memory_space<hbm>>) target(%dma_start3A_140 : memref<36x88xi32, #tpu.memory_space<vmem>>) target_semaphore(%run_scoped3A : memref<!tpu.dma_semaphore, #tpu.memory_space<semaphore_mem>>)
        %dma_wait3A = arith.constant 0 : i32
        %dma_wait3A_143 = arith.constant 0 : i32
        %dma_wait3A_144 = tpu.memref_slice %arg7[%dma_wait3A, %dma_wait3A_143] : memref<78x88xi32, #tpu.memory_space<vmem>> -> memref<36x88xi32, #tpu.memory_space<vmem>>
        %dma_wait3A_145 = arith.constant 0 : i32
        %dma_wait3A_146 = tpu.memref_slice %arg3[%add3A_132, %dma_wait3A_145] : memref<3648x88xi32, #tpu.memory_space<hbm>> -> memref<36x88xi32, #tpu.memory_space<hbm>>
        %dma_wait3A_147 = arith.constant 0 : i32
        %dma_wait3A_148 = arith.constant 0 : i32
        %dma_wait3A_149 = tpu.memref_slice %arg7[%dma_wait3A_147, %dma_wait3A_148] : memref<78x88xi32, #tpu.memory_space<vmem>> -> memref<36x88xi32, #tpu.memory_space<vmem>>
        %dma_wait3A_150 = arith.constant 0 : i32
        %dma_wait3A_151 = tpu.memref_slice %arg3[%add3A_132, %dma_wait3A_150] : memref<3648x88xi32, #tpu.memory_space<hbm>> -> memref<36x88xi32, #tpu.memory_space<hbm>>
        tpu.wait_dma2 semaphore(%run_scoped3A : memref<!tpu.dma_semaphore, #tpu.memory_space<semaphore_mem>>) src(%dma_wait3A_151 : memref<36x88xi32, #tpu.memory_space<hbm>>) dst(%dma_wait3A_149 : memref<36x88xi32, #tpu.memory_space<vmem>>)
        tpu.yield
      }) : () -> ()
      "tpu.region"() ({
        %run_scoped3A = tpu.sem_alloc : memref<!tpu.dma_semaphore, #tpu.memory_space<semaphore_mem>>
        %dma_start3A_133 = arith.constant 0 : i32
        %dma_start3A_134 = arith.constant 0 : i32
        %dma_start3A_135 = tpu.memref_slice %arg8[%dma_start3A_133, %dma_start3A_134] : memref<78x88xi32, #tpu.memory_space<vmem>> -> memref<36x88xi32, #tpu.memory_space<vmem>>
        %dma_start3A_136 = arith.constant 0 : i32
        %dma_start3A_137 = tpu.memref_slice %arg4[%add3A_132, %dma_start3A_136] : memref<3648x88xi32, #tpu.memory_space<hbm>> -> memref<36x88xi32, #tpu.memory_space<hbm>>
        %dma_start3A_138 = arith.constant 0 : i32
        %dma_start3A_139 = arith.constant 0 : i32
        %dma_start3A_140 = tpu.memref_slice %arg8[%dma_start3A_138, %dma_start3A_139] : memref<78x88xi32, #tpu.memory_space<vmem>> -> memref<36x88xi32, #tpu.memory_space<vmem>>
        %dma_start3A_141 = arith.constant 0 : i32
        %dma_start3A_142 = tpu.memref_slice %arg4[%add3A_132, %dma_start3A_141] : memref<3648x88xi32, #tpu.memory_space<hbm>> -> memref<36x88xi32, #tpu.memory_space<hbm>>
        tpu.enqueue_dma source(%dma_start3A_142 : memref<36x88xi32, #tpu.memory_space<hbm>>) target(%dma_start3A_140 : memref<36x88xi32, #tpu.memory_space<vmem>>) target_semaphore(%run_scoped3A : memref<!tpu.dma_semaphore, #tpu.memory_space<semaphore_mem>>)
        %dma_wait3A = arith.constant 0 : i32
        %dma_wait3A_143 = arith.constant 0 : i32
        %dma_wait3A_144 = tpu.memref_slice %arg8[%dma_wait3A, %dma_wait3A_143] : memref<78x88xi32, #tpu.memory_space<vmem>> -> memref<36x88xi32, #tpu.memory_space<vmem>>
        %dma_wait3A_145 = arith.constant 0 : i32
        %dma_wait3A_146 = tpu.memref_slice %arg4[%add3A_132, %dma_wait3A_145] : memref<3648x88xi32, #tpu.memory_space<hbm>> -> memref<36x88xi32, #tpu.memory_space<hbm>>
        %dma_wait3A_147 = arith.constant 0 : i32
        %dma_wait3A_148 = arith.constant 0 : i32
        %dma_wait3A_149 = tpu.memref_slice %arg8[%dma_wait3A_147, %dma_wait3A_148] : memref<78x88xi32, #tpu.memory_space<vmem>> -> memref<36x88xi32, #tpu.memory_space<vmem>>
        %dma_wait3A_150 = arith.constant 0 : i32
        %dma_wait3A_151 = tpu.memref_slice %arg4[%add3A_132, %dma_wait3A_150] : memref<3648x88xi32, #tpu.memory_space<hbm>> -> memref<36x88xi32, #tpu.memory_space<hbm>>
        tpu.wait_dma2 semaphore(%run_scoped3A : memref<!tpu.dma_semaphore, #tpu.memory_space<semaphore_mem>>) src(%dma_wait3A_151 : memref<36x88xi32, #tpu.memory_space<hbm>>) dst(%dma_wait3A_149 : memref<36x88xi32, #tpu.memory_space<vmem>>)
        tpu.yield
      }) : () -> ()
    } else {
    }
    %dma_start3A = arith.constant 0 : i32
    %dma_start3A_11 = arith.constant 0 : i32
    %dma_start3A_12 = tpu.memref_slice %arg7[%dma_start3A, %dma_start3A_11] : memref<78x88xi32, #tpu.memory_space<vmem>> -> memref<1x88xi32, #tpu.memory_space<vmem>>
    %dma_start3A_13 = tpu.memref_squeeze %dma_start3A_12 : memref<1x88xi32, #tpu.memory_space<vmem>> -> memref<88xi32, #tpu.memory_space<vmem>>
    %dma_start3A_14 = arith.constant 0 : i32
    %dma_start3A_15 = arith.constant 0 : i32
    %dma_start3A_16 = tpu.memref_slice %arg2[%dma_start3A_14, %dma_start3A_15] : memref<10000x128xf32, #tpu.memory_space<hbm>> -> memref<10000x128xf32, #tpu.memory_space<hbm>>
    tpu.enqueue_indirect_dma source(%dma_start3A_16 : memref<10000x128xf32, #tpu.memory_space<hbm>>) target(%arg9 : memref<88x128xf32, #tpu.memory_space<vmem>>) offsets(%dma_start3A_13 : memref<88xi32, #tpu.memory_space<vmem>>) semaphore(%arg12 : memref<!tpu.dma_semaphore, #tpu.memory_space<semaphore_mem>>)
    %dma_start3A_17 = arith.constant 1 : i32
    %dma_start3A_18 = arith.constant 0 : i32
    %dma_start3A_19 = tpu.memref_slice %arg7[%dma_start3A_17, %dma_start3A_18] : memref<78x88xi32, #tpu.memory_space<vmem>> -> memref<1x88xi32, #tpu.memory_space<vmem>>
    %dma_start3A_20 = tpu.memref_squeeze %dma_start3A_19 : memref<1x88xi32, #tpu.memory_space<vmem>> -> memref<88xi32, #tpu.memory_space<vmem>>
    %dma_start3A_21 = arith.constant 0 : i32
    %dma_start3A_22 = arith.constant 0 : i32
    %dma_start3A_23 = tpu.memref_slice %arg2[%dma_start3A_21, %dma_start3A_22] : memref<10000x128xf32, #tpu.memory_space<hbm>> -> memref<10000x128xf32, #tpu.memory_space<hbm>>
    tpu.enqueue_indirect_dma source(%dma_start3A_23 : memref<10000x128xf32, #tpu.memory_space<hbm>>) target(%arg10 : memref<88x128xf32, #tpu.memory_space<vmem>>) offsets(%dma_start3A_20 : memref<88xi32, #tpu.memory_space<vmem>>) semaphore(%arg13 : memref<!tpu.dma_semaphore, #tpu.memory_space<semaphore_mem>>)
    %dma_start3A_24 = arith.constant 2 : i32
    %dma_start3A_25 = arith.constant 0 : i32
    %dma_start3A_26 = tpu.memref_slice %arg7[%dma_start3A_24, %dma_start3A_25] : memref<78x88xi32, #tpu.memory_space<vmem>> -> memref<1x88xi32, #tpu.memory_space<vmem>>
    %dma_start3A_27 = tpu.memref_squeeze %dma_start3A_26 : memref<1x88xi32, #tpu.memory_space<vmem>> -> memref<88xi32, #tpu.memory_space<vmem>>
    %dma_start3A_28 = arith.constant 0 : i32
    %dma_start3A_29 = arith.constant 0 : i32
    %dma_start3A_30 = tpu.memref_slice %arg2[%dma_start3A_28, %dma_start3A_29] : memref<10000x128xf32, #tpu.memory_space<hbm>> -> memref<10000x128xf32, #tpu.memory_space<hbm>>
    tpu.enqueue_indirect_dma source(%dma_start3A_30 : memref<10000x128xf32, #tpu.memory_space<hbm>>) target(%arg11 : memref<88x128xf32, #tpu.memory_space<vmem>>) offsets(%dma_start3A_27 : memref<88xi32, #tpu.memory_space<vmem>>) semaphore(%arg14 : memref<!tpu.dma_semaphore, #tpu.memory_space<semaphore_mem>>)
    %jit3A_31 = arith.constant 3 : i32
    %div3A = arith.divsi %select_n3A, %jit3A_31 : i32
    %sign3A = arith.constant 0 : i32
    %sign3A_32 = arith.cmpi sgt, %select_n3A, %sign3A : i32
    %sign3A_33 = arith.extui %sign3A_32 : i1 to i32
    %sign3A_34 = arith.constant 0 : i32
    %sign3A_35 = arith.cmpi slt, %select_n3A, %sign3A_34 : i32
    %sign3A_36 = arith.extui %sign3A_35 : i1 to i32
    %sign3A_37 = arith.subi %sign3A_33, %sign3A_36 : i32
    %sign3A_38 = arith.constant 0 : i32
    %sign3A_39 = arith.cmpi sgt, %jit3A_31, %sign3A_38 : i32
    %sign3A_40 = arith.extui %sign3A_39 : i1 to i32
    %sign3A_41 = arith.constant 0 : i32
    %sign3A_42 = arith.cmpi slt, %jit3A_31, %sign3A_41 : i32
    %sign3A_43 = arith.extui %sign3A_42 : i1 to i32
    %sign3A_44 = arith.subi %sign3A_40, %sign3A_43 : i32
    %ne3A = arith.cmpi ne, %sign3A_37, %sign3A_44 : i32
    %rem3A = arith.remsi %select_n3A, %jit3A_31 : i32
    %ne3A_45 = arith.constant 0 : i32
    %ne3A_46 = arith.cmpi ne, %rem3A, %ne3A_45 : i32
    %and3A = arith.andi %ne3A, %ne3A_46 : i1
    %sub3A = arith.constant 1 : i32
    %sub3A_47 = arith.subi %div3A, %sub3A : i32
    %select_n3A_48 = arith.select %and3A, %sub3A_47, %div3A : i32
    %while3A = arith.constant 0 : i32
    %while3A_49 = arith.constant 0 : i32
    %while3A_50 = arith.subi %select_n3A_48, %while3A_49 : i32
    %while3A_51 = arith.addi %while3A_49, %while3A_50 : i32
    %while3A_52 = arith.constant 1 : i32
    %while3A_53 = arith.divsi %while3A_50, %while3A_52 : i32
    %while3A_54 = arith.muli %while3A_53, %while3A_52 : i32
    %while3A_55 = arith.addi %while3A_49, %while3A_54 : i32
    %while3A_56 = arith.constant 1 : i32
    scf.for %while3A_128 = %while3A_49 to %while3A_55 step %while3A_56  : i32 {
      %mul3A_129 = arith.constant 3 : i32
      %mul3A_130 = arith.muli %mul3A_129, %while3A_128 : i32
      %add3A = arith.constant 0 : i32
      %add3A_131 = arith.addi %mul3A_130, %add3A : i32
      %dma_wait3A = arith.constant 0 : i32
      %dma_wait3A_132 = arith.constant 0 : i32
      %dma_wait3A_133 = tpu.memref_slice %arg5[%dma_wait3A, %dma_wait3A_132] : memref<625x128xf32, #tpu.memory_space<hbm>> -> memref<88x128xf32, #tpu.memory_space<hbm>>
      %dma_wait3A_134 = arith.constant 0 : i32
      %dma_wait3A_135 = arith.constant 0 : i32
      %dma_wait3A_136 = tpu.memref_slice %arg5[%dma_wait3A_134, %dma_wait3A_135] : memref<625x128xf32, #tpu.memory_space<hbm>> -> memref<88x128xf32, #tpu.memory_space<hbm>>
      tpu.wait_dma2 semaphore(%arg12 : memref<!tpu.dma_semaphore, #tpu.memory_space<semaphore_mem>>) src(%dma_wait3A_136 : memref<88x128xf32, #tpu.memory_space<hbm>>) dst(%arg9 : memref<88x128xf32, #tpu.memory_space<vmem>>)
      "tpu.region"() ({
        %run_scoped3A = tpu.sem_alloc : memref<!tpu.dma_semaphore, #tpu.memory_space<semaphore_mem>>
        %dma_start3A_174 = arith.constant 0 : i32
        %dma_start3A_175 = tpu.memref_slice %arg8[%add3A_131, %dma_start3A_174] : memref<78x88xi32, #tpu.memory_space<vmem>> -> memref<1x88xi32, #tpu.memory_space<vmem>>
        %dma_start3A_176 = tpu.memref_squeeze %dma_start3A_175 : memref<1x88xi32, #tpu.memory_space<vmem>> -> memref<88xi32, #tpu.memory_space<vmem>>
        %dma_start3A_177 = arith.constant 0 : i32
        %dma_start3A_178 = arith.constant 0 : i32
        %dma_start3A_179 = tpu.memref_slice %arg15[%dma_start3A_177, %dma_start3A_178] : memref<10008x128xf32, #tpu.memory_space<vmem_shared>> -> memref<10008x128xf32, #tpu.memory_space<vmem_shared>>
        tpu.enqueue_indirect_dma source(%arg9 : memref<88x128xf32, #tpu.memory_space<vmem>>) target(%dma_start3A_179 : memref<10008x128xf32, #tpu.memory_space<vmem_shared>>) offsets(%dma_start3A_176 : memref<88xi32, #tpu.memory_space<vmem>>) semaphore(%run_scoped3A : memref<!tpu.dma_semaphore, #tpu.memory_space<semaphore_mem>>) {add = true}
        %dma_wait3A_180 = arith.constant 0 : i32
        %dma_wait3A_181 = tpu.memref_slice %arg8[%add3A_131, %dma_wait3A_180] : memref<78x88xi32, #tpu.memory_space<vmem>> -> memref<1x88xi32, #tpu.memory_space<vmem>>
        %dma_wait3A_182 = tpu.memref_squeeze %dma_wait3A_181 : memref<1x88xi32, #tpu.memory_space<vmem>> -> memref<88xi32, #tpu.memory_space<vmem>>
        %dma_wait3A_183 = arith.constant 0 : i32
        %dma_wait3A_184 = arith.constant 0 : i32
        %dma_wait3A_185 = tpu.memref_slice %arg15[%dma_wait3A_183, %dma_wait3A_184] : memref<10008x128xf32, #tpu.memory_space<vmem_shared>> -> memref<10008x128xf32, #tpu.memory_space<vmem_shared>>
        tpu.wait_indirect_dma semaphore(%run_scoped3A : memref<!tpu.dma_semaphore, #tpu.memory_space<semaphore_mem>>) src(%arg9 : memref<88x128xf32, #tpu.memory_space<vmem>>) dst(%dma_wait3A_185 : memref<10008x128xf32, #tpu.memory_space<vmem_shared>>)
        tpu.yield
      }) : () -> ()
      %add3A_137 = arith.constant 3 : i32
      %add3A_138 = arith.addi %add3A_131, %add3A_137 : i32
      %lt3A = arith.cmpi slt, %add3A_138, %select_n3A : i32
      %convert_element_type3A_139 = arith.extui %lt3A : i1 to i32
      %cond3A_140 = arith.constant 0 : i32
      %cond3A_141 = arith.cmpi ne, %convert_element_type3A_139, %cond3A_140 : i32
      scf.if %cond3A_141 {
        %add3A_174 = arith.constant 3 : i32
        %add3A_175 = arith.addi %add3A_131, %add3A_174 : i32
        %dma_start3A_176 = arith.constant 0 : i32
        %dma_start3A_177 = tpu.memref_slice %arg7[%add3A_175, %dma_start3A_176] : memref<78x88xi32, #tpu.memory_space<vmem>> -> memref<1x88xi32, #tpu.memory_space<vmem>>
        %dma_start3A_178 = tpu.memref_squeeze %dma_start3A_177 : memref<1x88xi32, #tpu.memory_space<vmem>> -> memref<88xi32, #tpu.memory_space<vmem>>
        %dma_start3A_179 = arith.constant 0 : i32
        %dma_start3A_180 = arith.constant 0 : i32
        %dma_start3A_181 = tpu.memref_slice %arg2[%dma_start3A_179, %dma_start3A_180] : memref<10000x128xf32, #tpu.memory_space<hbm>> -> memref<10000x128xf32, #tpu.memory_space<hbm>>
        tpu.enqueue_indirect_dma source(%dma_start3A_181 : memref<10000x128xf32, #tpu.memory_space<hbm>>) target(%arg9 : memref<88x128xf32, #tpu.memory_space<vmem>>) offsets(%dma_start3A_178 : memref<88xi32, #tpu.memory_space<vmem>>) semaphore(%arg12 : memref<!tpu.dma_semaphore, #tpu.memory_space<semaphore_mem>>)
      } else {
      }
      %mul3A_142 = arith.constant 3 : i32
      %mul3A_143 = arith.muli %mul3A_142, %while3A_128 : i32
      %add3A_144 = arith.constant 1 : i32
      %add3A_145 = arith.addi %mul3A_143, %add3A_144 : i32
      %dma_wait3A_146 = arith.constant 0 : i32
      %dma_wait3A_147 = arith.constant 0 : i32
      %dma_wait3A_148 = tpu.memref_slice %arg5[%dma_wait3A_146, %dma_wait3A_147] : memref<625x128xf32, #tpu.memory_space<hbm>> -> memref<88x128xf32, #tpu.memory_space<hbm>>
      %dma_wait3A_149 = arith.constant 0 : i32
      %dma_wait3A_150 = arith.constant 0 : i32
      %dma_wait3A_151 = tpu.memref_slice %arg5[%dma_wait3A_149, %dma_wait3A_150] : memref<625x128xf32, #tpu.memory_space<hbm>> -> memref<88x128xf32, #tpu.memory_space<hbm>>
      tpu.wait_dma2 semaphore(%arg13 : memref<!tpu.dma_semaphore, #tpu.memory_space<semaphore_mem>>) src(%dma_wait3A_151 : memref<88x128xf32, #tpu.memory_space<hbm>>) dst(%arg10 : memref<88x128xf32, #tpu.memory_space<vmem>>)
      "tpu.region"() ({
        %run_scoped3A = tpu.sem_alloc : memref<!tpu.dma_semaphore, #tpu.memory_space<semaphore_mem>>
        %dma_start3A_174 = arith.constant 0 : i32
        %dma_start3A_175 = tpu.memref_slice %arg8[%add3A_145, %dma_start3A_174] : memref<78x88xi32, #tpu.memory_space<vmem>> -> memref<1x88xi32, #tpu.memory_space<vmem>>
        %dma_start3A_176 = tpu.memref_squeeze %dma_start3A_175 : memref<1x88xi32, #tpu.memory_space<vmem>> -> memref<88xi32, #tpu.memory_space<vmem>>
        %dma_start3A_177 = arith.constant 0 : i32
        %dma_start3A_178 = arith.constant 0 : i32
        %dma_start3A_179 = tpu.memref_slice %arg15[%dma_start3A_177, %dma_start3A_178] : memref<10008x128xf32, #tpu.memory_space<vmem_shared>> -> memref<10008x128xf32, #tpu.memory_space<vmem_shared>>
        tpu.enqueue_indirect_dma source(%arg10 : memref<88x128xf32, #tpu.memory_space<vmem>>) target(%dma_start3A_179 : memref<10008x128xf32, #tpu.memory_space<vmem_shared>>) offsets(%dma_start3A_176 : memref<88xi32, #tpu.memory_space<vmem>>) semaphore(%run_scoped3A : memref<!tpu.dma_semaphore, #tpu.memory_space<semaphore_mem>>) {add = true}
        %dma_wait3A_180 = arith.constant 0 : i32
        %dma_wait3A_181 = tpu.memref_slice %arg8[%add3A_145, %dma_wait3A_180] : memref<78x88xi32, #tpu.memory_space<vmem>> -> memref<1x88xi32, #tpu.memory_space<vmem>>
        %dma_wait3A_182 = tpu.memref_squeeze %dma_wait3A_181 : memref<1x88xi32, #tpu.memory_space<vmem>> -> memref<88xi32, #tpu.memory_space<vmem>>
        %dma_wait3A_183 = arith.constant 0 : i32
        %dma_wait3A_184 = arith.constant 0 : i32
        %dma_wait3A_185 = tpu.memref_slice %arg15[%dma_wait3A_183, %dma_wait3A_184] : memref<10008x128xf32, #tpu.memory_space<vmem_shared>> -> memref<10008x128xf32, #tpu.memory_space<vmem_shared>>
        tpu.wait_indirect_dma semaphore(%run_scoped3A : memref<!tpu.dma_semaphore, #tpu.memory_space<semaphore_mem>>) src(%arg10 : memref<88x128xf32, #tpu.memory_space<vmem>>) dst(%dma_wait3A_185 : memref<10008x128xf32, #tpu.memory_space<vmem_shared>>)
        tpu.yield
      }) : () -> ()
      %add3A_152 = arith.constant 3 : i32
      %add3A_153 = arith.addi %add3A_145, %add3A_152 : i32
      %lt3A_154 = arith.cmpi slt, %add3A_153, %select_n3A : i32
      %convert_element_type3A_155 = arith.extui %lt3A_154 : i1 to i32
      %cond3A_156 = arith.constant 0 : i32
      %cond3A_157 = arith.cmpi ne, %convert_element_type3A_155, %cond3A_156 : i32
      scf.if %cond3A_157 {
        %add3A_174 = arith.constant 3 : i32
        %add3A_175 = arith.addi %add3A_145, %add3A_174 : i32
        %dma_start3A_176 = arith.constant 0 : i32
        %dma_start3A_177 = tpu.memref_slice %arg7[%add3A_175, %dma_start3A_176] : memref<78x88xi32, #tpu.memory_space<vmem>> -> memref<1x88xi32, #tpu.memory_space<vmem>>
        %dma_start3A_178 = tpu.memref_squeeze %dma_start3A_177 : memref<1x88xi32, #tpu.memory_space<vmem>> -> memref<88xi32, #tpu.memory_space<vmem>>
        %dma_start3A_179 = arith.constant 0 : i32
        %dma_start3A_180 = arith.constant 0 : i32
        %dma_start3A_181 = tpu.memref_slice %arg2[%dma_start3A_179, %dma_start3A_180] : memref<10000x128xf32, #tpu.memory_space<hbm>> -> memref<10000x128xf32, #tpu.memory_space<hbm>>
        tpu.enqueue_indirect_dma source(%dma_start3A_181 : memref<10000x128xf32, #tpu.memory_space<hbm>>) target(%arg10 : memref<88x128xf32, #tpu.memory_space<vmem>>) offsets(%dma_start3A_178 : memref<88xi32, #tpu.memory_space<vmem>>) semaphore(%arg13 : memref<!tpu.dma_semaphore, #tpu.memory_space<semaphore_mem>>)
      } else {
      }
      %mul3A_158 = arith.constant 3 : i32
      %mul3A_159 = arith.muli %mul3A_158, %while3A_128 : i32
      %add3A_160 = arith.constant 2 : i32
      %add3A_161 = arith.addi %mul3A_159, %add3A_160 : i32
      %dma_wait3A_162 = arith.constant 0 : i32
      %dma_wait3A_163 = arith.constant 0 : i32
      %dma_wait3A_164 = tpu.memref_slice %arg5[%dma_wait3A_162, %dma_wait3A_163] : memref<625x128xf32, #tpu.memory_space<hbm>> -> memref<88x128xf32, #tpu.memory_space<hbm>>
      %dma_wait3A_165 = arith.constant 0 : i32
      %dma_wait3A_166 = arith.constant 0 : i32
      %dma_wait3A_167 = tpu.memref_slice %arg5[%dma_wait3A_165, %dma_wait3A_166] : memref<625x128xf32, #tpu.memory_space<hbm>> -> memref<88x128xf32, #tpu.memory_space<hbm>>
      tpu.wait_dma2 semaphore(%arg14 : memref<!tpu.dma_semaphore, #tpu.memory_space<semaphore_mem>>) src(%dma_wait3A_167 : memref<88x128xf32, #tpu.memory_space<hbm>>) dst(%arg11 : memref<88x128xf32, #tpu.memory_space<vmem>>)
      "tpu.region"() ({
        %run_scoped3A = tpu.sem_alloc : memref<!tpu.dma_semaphore, #tpu.memory_space<semaphore_mem>>
        %dma_start3A_174 = arith.constant 0 : i32
        %dma_start3A_175 = tpu.memref_slice %arg8[%add3A_161, %dma_start3A_174] : memref<78x88xi32, #tpu.memory_space<vmem>> -> memref<1x88xi32, #tpu.memory_space<vmem>>
        %dma_start3A_176 = tpu.memref_squeeze %dma_start3A_175 : memref<1x88xi32, #tpu.memory_space<vmem>> -> memref<88xi32, #tpu.memory_space<vmem>>
        %dma_start3A_177 = arith.constant 0 : i32
        %dma_start3A_178 = arith.constant 0 : i32
        %dma_start3A_179 = tpu.memref_slice %arg15[%dma_start3A_177, %dma_start3A_178] : memref<10008x128xf32, #tpu.memory_space<vmem_shared>> -> memref<10008x128xf32, #tpu.memory_space<vmem_shared>>
        tpu.enqueue_indirect_dma source(%arg11 : memref<88x128xf32, #tpu.memory_space<vmem>>) target(%dma_start3A_179 : memref<10008x128xf32, #tpu.memory_space<vmem_shared>>) offsets(%dma_start3A_176 : memref<88xi32, #tpu.memory_space<vmem>>) semaphore(%run_scoped3A : memref<!tpu.dma_semaphore, #tpu.memory_space<semaphore_mem>>) {add = true}
        %dma_wait3A_180 = arith.constant 0 : i32
        %dma_wait3A_181 = tpu.memref_slice %arg8[%add3A_161, %dma_wait3A_180] : memref<78x88xi32, #tpu.memory_space<vmem>> -> memref<1x88xi32, #tpu.memory_space<vmem>>
        %dma_wait3A_182 = tpu.memref_squeeze %dma_wait3A_181 : memref<1x88xi32, #tpu.memory_space<vmem>> -> memref<88xi32, #tpu.memory_space<vmem>>
        %dma_wait3A_183 = arith.constant 0 : i32
        %dma_wait3A_184 = arith.constant 0 : i32
        %dma_wait3A_185 = tpu.memref_slice %arg15[%dma_wait3A_183, %dma_wait3A_184] : memref<10008x128xf32, #tpu.memory_space<vmem_shared>> -> memref<10008x128xf32, #tpu.memory_space<vmem_shared>>
        tpu.wait_indirect_dma semaphore(%run_scoped3A : memref<!tpu.dma_semaphore, #tpu.memory_space<semaphore_mem>>) src(%arg11 : memref<88x128xf32, #tpu.memory_space<vmem>>) dst(%dma_wait3A_185 : memref<10008x128xf32, #tpu.memory_space<vmem_shared>>)
        tpu.yield
      }) : () -> ()
      %add3A_168 = arith.constant 3 : i32
      %add3A_169 = arith.addi %add3A_161, %add3A_168 : i32
      %lt3A_170 = arith.cmpi slt, %add3A_169, %select_n3A : i32
      %convert_element_type3A_171 = arith.extui %lt3A_170 : i1 to i32
      %cond3A_172 = arith.constant 0 : i32
      %cond3A_173 = arith.cmpi ne, %convert_element_type3A_171, %cond3A_172 : i32
      scf.if %cond3A_173 {
        %add3A_174 = arith.constant 3 : i32
        %add3A_175 = arith.addi %add3A_161, %add3A_174 : i32
        %dma_start3A_176 = arith.constant 0 : i32
        %dma_start3A_177 = tpu.memref_slice %arg7[%add3A_175, %dma_start3A_176] : memref<78x88xi32, #tpu.memory_space<vmem>> -> memref<1x88xi32, #tpu.memory_space<vmem>>
        %dma_start3A_178 = tpu.memref_squeeze %dma_start3A_177 : memref<1x88xi32, #tpu.memory_space<vmem>> -> memref<88xi32, #tpu.memory_space<vmem>>
        %dma_start3A_179 = arith.constant 0 : i32
        %dma_start3A_180 = arith.constant 0 : i32
        %dma_start3A_181 = tpu.memref_slice %arg2[%dma_start3A_179, %dma_start3A_180] : memref<10000x128xf32, #tpu.memory_space<hbm>> -> memref<10000x128xf32, #tpu.memory_space<hbm>>
        tpu.enqueue_indirect_dma source(%dma_start3A_181 : memref<10000x128xf32, #tpu.memory_space<hbm>>) target(%arg11 : memref<88x128xf32, #tpu.memory_space<vmem>>) offsets(%dma_start3A_178 : memref<88xi32, #tpu.memory_space<vmem>>) semaphore(%arg14 : memref<!tpu.dma_semaphore, #tpu.memory_space<semaphore_mem>>)
      } else {
      }
    }
    %while3A_57 = arith.constant 1 : i32
    scf.for %while3A_128 = %while3A_55 to %while3A_51 step %while3A_57  : i32 {
      %mul3A_129 = arith.constant 3 : i32
      %mul3A_130 = arith.muli %mul3A_129, %while3A_128 : i32
      %add3A = arith.constant 0 : i32
      %add3A_131 = arith.addi %mul3A_130, %add3A : i32
      %dma_wait3A = arith.constant 0 : i32
      %dma_wait3A_132 = arith.constant 0 : i32
      %dma_wait3A_133 = tpu.memref_slice %arg5[%dma_wait3A, %dma_wait3A_132] : memref<625x128xf32, #tpu.memory_space<hbm>> -> memref<88x128xf32, #tpu.memory_space<hbm>>
      %dma_wait3A_134 = arith.constant 0 : i32
      %dma_wait3A_135 = arith.constant 0 : i32
      %dma_wait3A_136 = tpu.memref_slice %arg5[%dma_wait3A_134, %dma_wait3A_135] : memref<625x128xf32, #tpu.memory_space<hbm>> -> memref<88x128xf32, #tpu.memory_space<hbm>>
      tpu.wait_dma2 semaphore(%arg12 : memref<!tpu.dma_semaphore, #tpu.memory_space<semaphore_mem>>) src(%dma_wait3A_136 : memref<88x128xf32, #tpu.memory_space<hbm>>) dst(%arg9 : memref<88x128xf32, #tpu.memory_space<vmem>>)
      "tpu.region"() ({
        %run_scoped3A = tpu.sem_alloc : memref<!tpu.dma_semaphore, #tpu.memory_space<semaphore_mem>>
        %dma_start3A_174 = arith.constant 0 : i32
        %dma_start3A_175 = tpu.memref_slice %arg8[%add3A_131, %dma_start3A_174] : memref<78x88xi32, #tpu.memory_space<vmem>> -> memref<1x88xi32, #tpu.memory_space<vmem>>
        %dma_start3A_176 = tpu.memref_squeeze %dma_start3A_175 : memref<1x88xi32, #tpu.memory_space<vmem>> -> memref<88xi32, #tpu.memory_space<vmem>>
        %dma_start3A_177 = arith.constant 0 : i32
        %dma_start3A_178 = arith.constant 0 : i32
        %dma_start3A_179 = tpu.memref_slice %arg15[%dma_start3A_177, %dma_start3A_178] : memref<10008x128xf32, #tpu.memory_space<vmem_shared>> -> memref<10008x128xf32, #tpu.memory_space<vmem_shared>>
        tpu.enqueue_indirect_dma source(%arg9 : memref<88x128xf32, #tpu.memory_space<vmem>>) target(%dma_start3A_179 : memref<10008x128xf32, #tpu.memory_space<vmem_shared>>) offsets(%dma_start3A_176 : memref<88xi32, #tpu.memory_space<vmem>>) semaphore(%run_scoped3A : memref<!tpu.dma_semaphore, #tpu.memory_space<semaphore_mem>>) {add = true}
        %dma_wait3A_180 = arith.constant 0 : i32
        %dma_wait3A_181 = tpu.memref_slice %arg8[%add3A_131, %dma_wait3A_180] : memref<78x88xi32, #tpu.memory_space<vmem>> -> memref<1x88xi32, #tpu.memory_space<vmem>>
        %dma_wait3A_182 = tpu.memref_squeeze %dma_wait3A_181 : memref<1x88xi32, #tpu.memory_space<vmem>> -> memref<88xi32, #tpu.memory_space<vmem>>
        %dma_wait3A_183 = arith.constant 0 : i32
        %dma_wait3A_184 = arith.constant 0 : i32
        %dma_wait3A_185 = tpu.memref_slice %arg15[%dma_wait3A_183, %dma_wait3A_184] : memref<10008x128xf32, #tpu.memory_space<vmem_shared>> -> memref<10008x128xf32, #tpu.memory_space<vmem_shared>>
        tpu.wait_indirect_dma semaphore(%run_scoped3A : memref<!tpu.dma_semaphore, #tpu.memory_space<semaphore_mem>>) src(%arg9 : memref<88x128xf32, #tpu.memory_space<vmem>>) dst(%dma_wait3A_185 : memref<10008x128xf32, #tpu.memory_space<vmem_shared>>)
        tpu.yield
      }) : () -> ()
      %add3A_137 = arith.constant 3 : i32
      %add3A_138 = arith.addi %add3A_131, %add3A_137 : i32
      %lt3A = arith.cmpi slt, %add3A_138, %select_n3A : i32
      %convert_element_type3A_139 = arith.extui %lt3A : i1 to i32
      %cond3A_140 = arith.constant 0 : i32
      %cond3A_141 = arith.cmpi ne, %convert_element_type3A_139, %cond3A_140 : i32
      scf.if %cond3A_141 {
        %add3A_174 = arith.constant 3 : i32
        %add3A_175 = arith.addi %add3A_131, %add3A_174 : i32
        %dma_start3A_176 = arith.constant 0 : i32
        %dma_start3A_177 = tpu.memref_slice %arg7[%add3A_175, %dma_start3A_176] : memref<78x88xi32, #tpu.memory_space<vmem>> -> memref<1x88xi32, #tpu.memory_space<vmem>>
        %dma_start3A_178 = tpu.memref_squeeze %dma_start3A_177 : memref<1x88xi32, #tpu.memory_space<vmem>> -> memref<88xi32, #tpu.memory_space<vmem>>
        %dma_start3A_179 = arith.constant 0 : i32
        %dma_start3A_180 = arith.constant 0 : i32
        %dma_start3A_181 = tpu.memref_slice %arg2[%dma_start3A_179, %dma_start3A_180] : memref<10000x128xf32, #tpu.memory_space<hbm>> -> memref<10000x128xf32, #tpu.memory_space<hbm>>
        tpu.enqueue_indirect_dma source(%dma_start3A_181 : memref<10000x128xf32, #tpu.memory_space<hbm>>) target(%arg9 : memref<88x128xf32, #tpu.memory_space<vmem>>) offsets(%dma_start3A_178 : memref<88xi32, #tpu.memory_space<vmem>>) semaphore(%arg12 : memref<!tpu.dma_semaphore, #tpu.memory_space<semaphore_mem>>)
      } else {
      }
      %mul3A_142 = arith.constant 3 : i32
      %mul3A_143 = arith.muli %mul3A_142, %while3A_128 : i32
      %add3A_144 = arith.constant 1 : i32
      %add3A_145 = arith.addi %mul3A_143, %add3A_144 : i32
      %dma_wait3A_146 = arith.constant 0 : i32
      %dma_wait3A_147 = arith.constant 0 : i32
      %dma_wait3A_148 = tpu.memref_slice %arg5[%dma_wait3A_146, %dma_wait3A_147] : memref<625x128xf32, #tpu.memory_space<hbm>> -> memref<88x128xf32, #tpu.memory_space<hbm>>
      %dma_wait3A_149 = arith.constant 0 : i32
      %dma_wait3A_150 = arith.constant 0 : i32
      %dma_wait3A_151 = tpu.memref_slice %arg5[%dma_wait3A_149, %dma_wait3A_150] : memref<625x128xf32, #tpu.memory_space<hbm>> -> memref<88x128xf32, #tpu.memory_space<hbm>>
      tpu.wait_dma2 semaphore(%arg13 : memref<!tpu.dma_semaphore, #tpu.memory_space<semaphore_mem>>) src(%dma_wait3A_151 : memref<88x128xf32, #tpu.memory_space<hbm>>) dst(%arg10 : memref<88x128xf32, #tpu.memory_space<vmem>>)
      "tpu.region"() ({
        %run_scoped3A = tpu.sem_alloc : memref<!tpu.dma_semaphore, #tpu.memory_space<semaphore_mem>>
        %dma_start3A_174 = arith.constant 0 : i32
        %dma_start3A_175 = tpu.memref_slice %arg8[%add3A_145, %dma_start3A_174] : memref<78x88xi32, #tpu.memory_space<vmem>> -> memref<1x88xi32, #tpu.memory_space<vmem>>
        %dma_start3A_176 = tpu.memref_squeeze %dma_start3A_175 : memref<1x88xi32, #tpu.memory_space<vmem>> -> memref<88xi32, #tpu.memory_space<vmem>>
        %dma_start3A_177 = arith.constant 0 : i32
        %dma_start3A_178 = arith.constant 0 : i32
        %dma_start3A_179 = tpu.memref_slice %arg15[%dma_start3A_177, %dma_start3A_178] : memref<10008x128xf32, #tpu.memory_space<vmem_shared>> -> memref<10008x128xf32, #tpu.memory_space<vmem_shared>>
        tpu.enqueue_indirect_dma source(%arg10 : memref<88x128xf32, #tpu.memory_space<vmem>>) target(%dma_start3A_179 : memref<10008x128xf32, #tpu.memory_space<vmem_shared>>) offsets(%dma_start3A_176 : memref<88xi32, #tpu.memory_space<vmem>>) semaphore(%run_scoped3A : memref<!tpu.dma_semaphore, #tpu.memory_space<semaphore_mem>>) {add = true}
        %dma_wait3A_180 = arith.constant 0 : i32
        %dma_wait3A_181 = tpu.memref_slice %arg8[%add3A_145, %dma_wait3A_180] : memref<78x88xi32, #tpu.memory_space<vmem>> -> memref<1x88xi32, #tpu.memory_space<vmem>>
        %dma_wait3A_182 = tpu.memref_squeeze %dma_wait3A_181 : memref<1x88xi32, #tpu.memory_space<vmem>> -> memref<88xi32, #tpu.memory_space<vmem>>
        %dma_wait3A_183 = arith.constant 0 : i32
        %dma_wait3A_184 = arith.constant 0 : i32
        %dma_wait3A_185 = tpu.memref_slice %arg15[%dma_wait3A_183, %dma_wait3A_184] : memref<10008x128xf32, #tpu.memory_space<vmem_shared>> -> memref<10008x128xf32, #tpu.memory_space<vmem_shared>>
        tpu.wait_indirect_dma semaphore(%run_scoped3A : memref<!tpu.dma_semaphore, #tpu.memory_space<semaphore_mem>>) src(%arg10 : memref<88x128xf32, #tpu.memory_space<vmem>>) dst(%dma_wait3A_185 : memref<10008x128xf32, #tpu.memory_space<vmem_shared>>)
        tpu.yield
      }) : () -> ()
      %add3A_152 = arith.constant 3 : i32
      %add3A_153 = arith.addi %add3A_145, %add3A_152 : i32
      %lt3A_154 = arith.cmpi slt, %add3A_153, %select_n3A : i32
      %convert_element_type3A_155 = arith.extui %lt3A_154 : i1 to i32
      %cond3A_156 = arith.constant 0 : i32
      %cond3A_157 = arith.cmpi ne, %convert_element_type3A_155, %cond3A_156 : i32
      scf.if %cond3A_157 {
        %add3A_174 = arith.constant 3 : i32
        %add3A_175 = arith.addi %add3A_145, %add3A_174 : i32
        %dma_start3A_176 = arith.constant 0 : i32
        %dma_start3A_177 = tpu.memref_slice %arg7[%add3A_175, %dma_start3A_176] : memref<78x88xi32, #tpu.memory_space<vmem>> -> memref<1x88xi32, #tpu.memory_space<vmem>>
        %dma_start3A_178 = tpu.memref_squeeze %dma_start3A_177 : memref<1x88xi32, #tpu.memory_space<vmem>> -> memref<88xi32, #tpu.memory_space<vmem>>
        %dma_start3A_179 = arith.constant 0 : i32
        %dma_start3A_180 = arith.constant 0 : i32
        %dma_start3A_181 = tpu.memref_slice %arg2[%dma_start3A_179, %dma_start3A_180] : memref<10000x128xf32, #tpu.memory_space<hbm>> -> memref<10000x128xf32, #tpu.memory_space<hbm>>
        tpu.enqueue_indirect_dma source(%dma_start3A_181 : memref<10000x128xf32, #tpu.memory_space<hbm>>) target(%arg10 : memref<88x128xf32, #tpu.memory_space<vmem>>) offsets(%dma_start3A_178 : memref<88xi32, #tpu.memory_space<vmem>>) semaphore(%arg13 : memref<!tpu.dma_semaphore, #tpu.memory_space<semaphore_mem>>)
      } else {
      }
      %mul3A_158 = arith.constant 3 : i32
      %mul3A_159 = arith.muli %mul3A_158, %while3A_128 : i32
      %add3A_160 = arith.constant 2 : i32
      %add3A_161 = arith.addi %mul3A_159, %add3A_160 : i32
      %dma_wait3A_162 = arith.constant 0 : i32
      %dma_wait3A_163 = arith.constant 0 : i32
      %dma_wait3A_164 = tpu.memref_slice %arg5[%dma_wait3A_162, %dma_wait3A_163] : memref<625x128xf32, #tpu.memory_space<hbm>> -> memref<88x128xf32, #tpu.memory_space<hbm>>
      %dma_wait3A_165 = arith.constant 0 : i32
      %dma_wait3A_166 = arith.constant 0 : i32
      %dma_wait3A_167 = tpu.memref_slice %arg5[%dma_wait3A_165, %dma_wait3A_166] : memref<625x128xf32, #tpu.memory_space<hbm>> -> memref<88x128xf32, #tpu.memory_space<hbm>>
      tpu.wait_dma2 semaphore(%arg14 : memref<!tpu.dma_semaphore, #tpu.memory_space<semaphore_mem>>) src(%dma_wait3A_167 : memref<88x128xf32, #tpu.memory_space<hbm>>) dst(%arg11 : memref<88x128xf32, #tpu.memory_space<vmem>>)
      "tpu.region"() ({
        %run_scoped3A = tpu.sem_alloc : memref<!tpu.dma_semaphore, #tpu.memory_space<semaphore_mem>>
        %dma_start3A_174 = arith.constant 0 : i32
        %dma_start3A_175 = tpu.memref_slice %arg8[%add3A_161, %dma_start3A_174] : memref<78x88xi32, #tpu.memory_space<vmem>> -> memref<1x88xi32, #tpu.memory_space<vmem>>
        %dma_start3A_176 = tpu.memref_squeeze %dma_start3A_175 : memref<1x88xi32, #tpu.memory_space<vmem>> -> memref<88xi32, #tpu.memory_space<vmem>>
        %dma_start3A_177 = arith.constant 0 : i32
        %dma_start3A_178 = arith.constant 0 : i32
        %dma_start3A_179 = tpu.memref_slice %arg15[%dma_start3A_177, %dma_start3A_178] : memref<10008x128xf32, #tpu.memory_space<vmem_shared>> -> memref<10008x128xf32, #tpu.memory_space<vmem_shared>>
        tpu.enqueue_indirect_dma source(%arg11 : memref<88x128xf32, #tpu.memory_space<vmem>>) target(%dma_start3A_179 : memref<10008x128xf32, #tpu.memory_space<vmem_shared>>) offsets(%dma_start3A_176 : memref<88xi32, #tpu.memory_space<vmem>>) semaphore(%run_scoped3A : memref<!tpu.dma_semaphore, #tpu.memory_space<semaphore_mem>>) {add = true}
        %dma_wait3A_180 = arith.constant 0 : i32
        %dma_wait3A_181 = tpu.memref_slice %arg8[%add3A_161, %dma_wait3A_180] : memref<78x88xi32, #tpu.memory_space<vmem>> -> memref<1x88xi32, #tpu.memory_space<vmem>>
        %dma_wait3A_182 = tpu.memref_squeeze %dma_wait3A_181 : memref<1x88xi32, #tpu.memory_space<vmem>> -> memref<88xi32, #tpu.memory_space<vmem>>
        %dma_wait3A_183 = arith.constant 0 : i32
        %dma_wait3A_184 = arith.constant 0 : i32
        %dma_wait3A_185 = tpu.memref_slice %arg15[%dma_wait3A_183, %dma_wait3A_184] : memref<10008x128xf32, #tpu.memory_space<vmem_shared>> -> memref<10008x128xf32, #tpu.memory_space<vmem_shared>>
        tpu.wait_indirect_dma semaphore(%run_scoped3A : memref<!tpu.dma_semaphore, #tpu.memory_space<semaphore_mem>>) src(%arg11 : memref<88x128xf32, #tpu.memory_space<vmem>>) dst(%dma_wait3A_185 : memref<10008x128xf32, #tpu.memory_space<vmem_shared>>)
        tpu.yield
      }) : () -> ()
      %add3A_168 = arith.constant 3 : i32
      %add3A_169 = arith.addi %add3A_161, %add3A_168 : i32
      %lt3A_170 = arith.cmpi slt, %add3A_169, %select_n3A : i32
      %convert_element_type3A_171 = arith.extui %lt3A_170 : i1 to i32
      %cond3A_172 = arith.constant 0 : i32
      %cond3A_173 = arith.cmpi ne, %convert_element_type3A_171, %cond3A_172 : i32
      scf.if %cond3A_173 {
        %add3A_174 = arith.constant 3 : i32
        %add3A_175 = arith.addi %add3A_161, %add3A_174 : i32
        %dma_start3A_176 = arith.constant 0 : i32
        %dma_start3A_177 = tpu.memref_slice %arg7[%add3A_175, %dma_start3A_176] : memref<78x88xi32, #tpu.memory_space<vmem>> -> memref<1x88xi32, #tpu.memory_space<vmem>>
        %dma_start3A_178 = tpu.memref_squeeze %dma_start3A_177 : memref<1x88xi32, #tpu.memory_space<vmem>> -> memref<88xi32, #tpu.memory_space<vmem>>
        %dma_start3A_179 = arith.constant 0 : i32
        %dma_start3A_180 = arith.constant 0 : i32
        %dma_start3A_181 = tpu.memref_slice %arg2[%dma_start3A_179, %dma_start3A_180] : memref<10000x128xf32, #tpu.memory_space<hbm>> -> memref<10000x128xf32, #tpu.memory_space<hbm>>
        tpu.enqueue_indirect_dma source(%dma_start3A_181 : memref<10000x128xf32, #tpu.memory_space<hbm>>) target(%arg11 : memref<88x128xf32, #tpu.memory_space<vmem>>) offsets(%dma_start3A_178 : memref<88xi32, #tpu.memory_space<vmem>>) semaphore(%arg14 : memref<!tpu.dma_semaphore, #tpu.memory_space<semaphore_mem>>)
      } else {
      }
    }
    %eq3A_58 = arith.constant 0 : i32
    %eq3A_59 = arith.cmpi eq, %arg0, %eq3A_58 : i32
    %convert_element_type3A_60 = arith.extui %eq3A_59 : i1 to i32
    %cond3A_61 = arith.constant 0 : i32
    %cond3A_62 = arith.cmpi ne, %convert_element_type3A_60, %cond3A_61 : i32
    scf.if %cond3A_62 {
      %mul3A_128 = arith.constant 156 : i32
      %mul3A_129 = arith.muli %arg1, %mul3A_128 : i32
      %add3A = arith.constant 78 : i32
      %add3A_130 = arith.addi %mul3A_129, %add3A : i32
      "tpu.region"() ({
        %run_scoped3A = tpu.sem_alloc : memref<!tpu.dma_semaphore, #tpu.memory_space<semaphore_mem>>
        %dma_start3A_131 = arith.constant 0 : i32
        %dma_start3A_132 = tpu.memref_slice %arg3[%add3A_130, %dma_start3A_131] : memref<3648x88xi32, #tpu.memory_space<hbm>> -> memref<78x88xi32, #tpu.memory_space<hbm>>
        %dma_start3A_133 = arith.constant 0 : i32
        %dma_start3A_134 = tpu.memref_slice %arg3[%add3A_130, %dma_start3A_133] : memref<3648x88xi32, #tpu.memory_space<hbm>> -> memref<78x88xi32, #tpu.memory_space<hbm>>
        tpu.enqueue_dma source(%dma_start3A_134 : memref<78x88xi32, #tpu.memory_space<hbm>>) target(%arg7 : memref<78x88xi32, #tpu.memory_space<vmem>>) target_semaphore(%run_scoped3A : memref<!tpu.dma_semaphore, #tpu.memory_space<semaphore_mem>>)
        %dma_wait3A = arith.constant 0 : i32
        %dma_wait3A_135 = tpu.memref_slice %arg3[%add3A_130, %dma_wait3A] : memref<3648x88xi32, #tpu.memory_space<hbm>> -> memref<78x88xi32, #tpu.memory_space<hbm>>
        %dma_wait3A_136 = arith.constant 0 : i32
        %dma_wait3A_137 = tpu.memref_slice %arg3[%add3A_130, %dma_wait3A_136] : memref<3648x88xi32, #tpu.memory_space<hbm>> -> memref<78x88xi32, #tpu.memory_space<hbm>>
        tpu.wait_dma2 semaphore(%run_scoped3A : memref<!tpu.dma_semaphore, #tpu.memory_space<semaphore_mem>>) src(%dma_wait3A_137 : memref<78x88xi32, #tpu.memory_space<hbm>>) dst(%arg7 : memref<78x88xi32, #tpu.memory_space<vmem>>)
        tpu.yield
      }) : () -> ()
      "tpu.region"() ({
        %run_scoped3A = tpu.sem_alloc : memref<!tpu.dma_semaphore, #tpu.memory_space<semaphore_mem>>
        %dma_start3A_131 = arith.constant 0 : i32
        %dma_start3A_132 = tpu.memref_slice %arg4[%add3A_130, %dma_start3A_131] : memref<3648x88xi32, #tpu.memory_space<hbm>> -> memref<78x88xi32, #tpu.memory_space<hbm>>
        %dma_start3A_133 = arith.constant 0 : i32
        %dma_start3A_134 = tpu.memref_slice %arg4[%add3A_130, %dma_start3A_133] : memref<3648x88xi32, #tpu.memory_space<hbm>> -> memref<78x88xi32, #tpu.memory_space<hbm>>
        tpu.enqueue_dma source(%dma_start3A_134 : memref<78x88xi32, #tpu.memory_space<hbm>>) target(%arg8 : memref<78x88xi32, #tpu.memory_space<vmem>>) target_semaphore(%run_scoped3A : memref<!tpu.dma_semaphore, #tpu.memory_space<semaphore_mem>>)
        %dma_wait3A = arith.constant 0 : i32
        %dma_wait3A_135 = tpu.memref_slice %arg4[%add3A_130, %dma_wait3A] : memref<3648x88xi32, #tpu.memory_space<hbm>> -> memref<78x88xi32, #tpu.memory_space<hbm>>
        %dma_wait3A_136 = arith.constant 0 : i32
        %dma_wait3A_137 = tpu.memref_slice %arg4[%add3A_130, %dma_wait3A_136] : memref<3648x88xi32, #tpu.memory_space<hbm>> -> memref<78x88xi32, #tpu.memory_space<hbm>>
        tpu.wait_dma2 semaphore(%run_scoped3A : memref<!tpu.dma_semaphore, #tpu.memory_space<semaphore_mem>>) src(%dma_wait3A_137 : memref<78x88xi32, #tpu.memory_space<hbm>>) dst(%arg8 : memref<78x88xi32, #tpu.memory_space<vmem>>)
        tpu.yield
      }) : () -> ()
    } else {
    }
    %eq3A_63 = arith.constant 1 : i32
    %eq3A_64 = arith.cmpi eq, %arg0, %eq3A_63 : i32
    %convert_element_type3A_65 = arith.extui %eq3A_64 : i1 to i32
    %cond3A_66 = arith.constant 0 : i32
    %cond3A_67 = arith.cmpi ne, %convert_element_type3A_65, %cond3A_66 : i32
    scf.if %cond3A_67 {
      %mul3A_128 = arith.constant 72 : i32
      %mul3A_129 = arith.muli %arg1, %mul3A_128 : i32
      %add3A = arith.constant 2496 : i32
      %add3A_130 = arith.addi %add3A, %mul3A_129 : i32
      %add3A_131 = arith.constant 36 : i32
      %add3A_132 = arith.addi %add3A_130, %add3A_131 : i32
      "tpu.region"() ({
        %run_scoped3A = tpu.sem_alloc : memref<!tpu.dma_semaphore, #tpu.memory_space<semaphore_mem>>
        %dma_start3A_133 = arith.constant 0 : i32
        %dma_start3A_134 = arith.constant 0 : i32
        %dma_start3A_135 = tpu.memref_slice %arg7[%dma_start3A_133, %dma_start3A_134] : memref<78x88xi32, #tpu.memory_space<vmem>> -> memref<36x88xi32, #tpu.memory_space<vmem>>
        %dma_start3A_136 = arith.constant 0 : i32
        %dma_start3A_137 = tpu.memref_slice %arg3[%add3A_132, %dma_start3A_136] : memref<3648x88xi32, #tpu.memory_space<hbm>> -> memref<36x88xi32, #tpu.memory_space<hbm>>
        %dma_start3A_138 = arith.constant 0 : i32
        %dma_start3A_139 = arith.constant 0 : i32
        %dma_start3A_140 = tpu.memref_slice %arg7[%dma_start3A_138, %dma_start3A_139] : memref<78x88xi32, #tpu.memory_space<vmem>> -> memref<36x88xi32, #tpu.memory_space<vmem>>
        %dma_start3A_141 = arith.constant 0 : i32
        %dma_start3A_142 = tpu.memref_slice %arg3[%add3A_132, %dma_start3A_141] : memref<3648x88xi32, #tpu.memory_space<hbm>> -> memref<36x88xi32, #tpu.memory_space<hbm>>
        tpu.enqueue_dma source(%dma_start3A_142 : memref<36x88xi32, #tpu.memory_space<hbm>>) target(%dma_start3A_140 : memref<36x88xi32, #tpu.memory_space<vmem>>) target_semaphore(%run_scoped3A : memref<!tpu.dma_semaphore, #tpu.memory_space<semaphore_mem>>)
        %dma_wait3A = arith.constant 0 : i32
        %dma_wait3A_143 = arith.constant 0 : i32
        %dma_wait3A_144 = tpu.memref_slice %arg7[%dma_wait3A, %dma_wait3A_143] : memref<78x88xi32, #tpu.memory_space<vmem>> -> memref<36x88xi32, #tpu.memory_space<vmem>>
        %dma_wait3A_145 = arith.constant 0 : i32
        %dma_wait3A_146 = tpu.memref_slice %arg3[%add3A_132, %dma_wait3A_145] : memref<3648x88xi32, #tpu.memory_space<hbm>> -> memref<36x88xi32, #tpu.memory_space<hbm>>
        %dma_wait3A_147 = arith.constant 0 : i32
        %dma_wait3A_148 = arith.constant 0 : i32
        %dma_wait3A_149 = tpu.memref_slice %arg7[%dma_wait3A_147, %dma_wait3A_148] : memref<78x88xi32, #tpu.memory_space<vmem>> -> memref<36x88xi32, #tpu.memory_space<vmem>>
        %dma_wait3A_150 = arith.constant 0 : i32
        %dma_wait3A_151 = tpu.memref_slice %arg3[%add3A_132, %dma_wait3A_150] : memref<3648x88xi32, #tpu.memory_space<hbm>> -> memref<36x88xi32, #tpu.memory_space<hbm>>
        tpu.wait_dma2 semaphore(%run_scoped3A : memref<!tpu.dma_semaphore, #tpu.memory_space<semaphore_mem>>) src(%dma_wait3A_151 : memref<36x88xi32, #tpu.memory_space<hbm>>) dst(%dma_wait3A_149 : memref<36x88xi32, #tpu.memory_space<vmem>>)
        tpu.yield
      }) : () -> ()
      "tpu.region"() ({
        %run_scoped3A = tpu.sem_alloc : memref<!tpu.dma_semaphore, #tpu.memory_space<semaphore_mem>>
        %dma_start3A_133 = arith.constant 0 : i32
        %dma_start3A_134 = arith.constant 0 : i32
        %dma_start3A_135 = tpu.memref_slice %arg8[%dma_start3A_133, %dma_start3A_134] : memref<78x88xi32, #tpu.memory_space<vmem>> -> memref<36x88xi32, #tpu.memory_space<vmem>>
        %dma_start3A_136 = arith.constant 0 : i32
        %dma_start3A_137 = tpu.memref_slice %arg4[%add3A_132, %dma_start3A_136] : memref<3648x88xi32, #tpu.memory_space<hbm>> -> memref<36x88xi32, #tpu.memory_space<hbm>>
        %dma_start3A_138 = arith.constant 0 : i32
        %dma_start3A_139 = arith.constant 0 : i32
        %dma_start3A_140 = tpu.memref_slice %arg8[%dma_start3A_138, %dma_start3A_139] : memref<78x88xi32, #tpu.memory_space<vmem>> -> memref<36x88xi32, #tpu.memory_space<vmem>>
        %dma_start3A_141 = arith.constant 0 : i32
        %dma_start3A_142 = tpu.memref_slice %arg4[%add3A_132, %dma_start3A_141] : memref<3648x88xi32, #tpu.memory_space<hbm>> -> memref<36x88xi32, #tpu.memory_space<hbm>>
        tpu.enqueue_dma source(%dma_start3A_142 : memref<36x88xi32, #tpu.memory_space<hbm>>) target(%dma_start3A_140 : memref<36x88xi32, #tpu.memory_space<vmem>>) target_semaphore(%run_scoped3A : memref<!tpu.dma_semaphore, #tpu.memory_space<semaphore_mem>>)
        %dma_wait3A = arith.constant 0 : i32
        %dma_wait3A_143 = arith.constant 0 : i32
        %dma_wait3A_144 = tpu.memref_slice %arg8[%dma_wait3A, %dma_wait3A_143] : memref<78x88xi32, #tpu.memory_space<vmem>> -> memref<36x88xi32, #tpu.memory_space<vmem>>
        %dma_wait3A_145 = arith.constant 0 : i32
        %dma_wait3A_146 = tpu.memref_slice %arg4[%add3A_132, %dma_wait3A_145] : memref<3648x88xi32, #tpu.memory_space<hbm>> -> memref<36x88xi32, #tpu.memory_space<hbm>>
        %dma_wait3A_147 = arith.constant 0 : i32
        %dma_wait3A_148 = arith.constant 0 : i32
        %dma_wait3A_149 = tpu.memref_slice %arg8[%dma_wait3A_147, %dma_wait3A_148] : memref<78x88xi32, #tpu.memory_space<vmem>> -> memref<36x88xi32, #tpu.memory_space<vmem>>
        %dma_wait3A_150 = arith.constant 0 : i32
        %dma_wait3A_151 = tpu.memref_slice %arg4[%add3A_132, %dma_wait3A_150] : memref<3648x88xi32, #tpu.memory_space<hbm>> -> memref<36x88xi32, #tpu.memory_space<hbm>>
        tpu.wait_dma2 semaphore(%run_scoped3A : memref<!tpu.dma_semaphore, #tpu.memory_space<semaphore_mem>>) src(%dma_wait3A_151 : memref<36x88xi32, #tpu.memory_space<hbm>>) dst(%dma_wait3A_149 : memref<36x88xi32, #tpu.memory_space<vmem>>)
        tpu.yield
      }) : () -> ()
    } else {
    }
    %dma_start3A_68 = arith.constant 0 : i32
    %dma_start3A_69 = arith.constant 0 : i32
    %dma_start3A_70 = tpu.memref_slice %arg7[%dma_start3A_68, %dma_start3A_69] : memref<78x88xi32, #tpu.memory_space<vmem>> -> memref<1x88xi32, #tpu.memory_space<vmem>>
    %dma_start3A_71 = tpu.memref_squeeze %dma_start3A_70 : memref<1x88xi32, #tpu.memory_space<vmem>> -> memref<88xi32, #tpu.memory_space<vmem>>
    %dma_start3A_72 = arith.constant 0 : i32
    %dma_start3A_73 = arith.constant 0 : i32
    %dma_start3A_74 = tpu.memref_slice %arg2[%dma_start3A_72, %dma_start3A_73] : memref<10000x128xf32, #tpu.memory_space<hbm>> -> memref<10000x128xf32, #tpu.memory_space<hbm>>
    tpu.enqueue_indirect_dma source(%dma_start3A_74 : memref<10000x128xf32, #tpu.memory_space<hbm>>) target(%arg9 : memref<88x128xf32, #tpu.memory_space<vmem>>) offsets(%dma_start3A_71 : memref<88xi32, #tpu.memory_space<vmem>>) semaphore(%arg12 : memref<!tpu.dma_semaphore, #tpu.memory_space<semaphore_mem>>)
    %dma_start3A_75 = arith.constant 1 : i32
    %dma_start3A_76 = arith.constant 0 : i32
    %dma_start3A_77 = tpu.memref_slice %arg7[%dma_start3A_75, %dma_start3A_76] : memref<78x88xi32, #tpu.memory_space<vmem>> -> memref<1x88xi32, #tpu.memory_space<vmem>>
    %dma_start3A_78 = tpu.memref_squeeze %dma_start3A_77 : memref<1x88xi32, #tpu.memory_space<vmem>> -> memref<88xi32, #tpu.memory_space<vmem>>
    %dma_start3A_79 = arith.constant 0 : i32
    %dma_start3A_80 = arith.constant 0 : i32
    %dma_start3A_81 = tpu.memref_slice %arg2[%dma_start3A_79, %dma_start3A_80] : memref<10000x128xf32, #tpu.memory_space<hbm>> -> memref<10000x128xf32, #tpu.memory_space<hbm>>
    tpu.enqueue_indirect_dma source(%dma_start3A_81 : memref<10000x128xf32, #tpu.memory_space<hbm>>) target(%arg10 : memref<88x128xf32, #tpu.memory_space<vmem>>) offsets(%dma_start3A_78 : memref<88xi32, #tpu.memory_space<vmem>>) semaphore(%arg13 : memref<!tpu.dma_semaphore, #tpu.memory_space<semaphore_mem>>)
    %dma_start3A_82 = arith.constant 2 : i32
    %dma_start3A_83 = arith.constant 0 : i32
    %dma_start3A_84 = tpu.memref_slice %arg7[%dma_start3A_82, %dma_start3A_83] : memref<78x88xi32, #tpu.memory_space<vmem>> -> memref<1x88xi32, #tpu.memory_space<vmem>>
    %dma_start3A_85 = tpu.memref_squeeze %dma_start3A_84 : memref<1x88xi32, #tpu.memory_space<vmem>> -> memref<88xi32, #tpu.memory_space<vmem>>
    %dma_start3A_86 = arith.constant 0 : i32
    %dma_start3A_87 = arith.constant 0 : i32
    %dma_start3A_88 = tpu.memref_slice %arg2[%dma_start3A_86, %dma_start3A_87] : memref<10000x128xf32, #tpu.memory_space<hbm>> -> memref<10000x128xf32, #tpu.memory_space<hbm>>
    tpu.enqueue_indirect_dma source(%dma_start3A_88 : memref<10000x128xf32, #tpu.memory_space<hbm>>) target(%arg11 : memref<88x128xf32, #tpu.memory_space<vmem>>) offsets(%dma_start3A_85 : memref<88xi32, #tpu.memory_space<vmem>>) semaphore(%arg14 : memref<!tpu.dma_semaphore, #tpu.memory_space<semaphore_mem>>)
    %jit3A_89 = arith.constant 3 : i32
    %div3A_90 = arith.divsi %select_n3A, %jit3A_89 : i32
    %sign3A_91 = arith.constant 0 : i32
    %sign3A_92 = arith.cmpi sgt, %select_n3A, %sign3A_91 : i32
    %sign3A_93 = arith.extui %sign3A_92 : i1 to i32
    %sign3A_94 = arith.constant 0 : i32
    %sign3A_95 = arith.cmpi slt, %select_n3A, %sign3A_94 : i32
    %sign3A_96 = arith.extui %sign3A_95 : i1 to i32
    %sign3A_97 = arith.subi %sign3A_93, %sign3A_96 : i32
    %sign3A_98 = arith.constant 0 : i32
    %sign3A_99 = arith.cmpi sgt, %jit3A_89, %sign3A_98 : i32
    %sign3A_100 = arith.extui %sign3A_99 : i1 to i32
    %sign3A_101 = arith.constant 0 : i32
    %sign3A_102 = arith.cmpi slt, %jit3A_89, %sign3A_101 : i32
    %sign3A_103 = arith.extui %sign3A_102 : i1 to i32
    %sign3A_104 = arith.subi %sign3A_100, %sign3A_103 : i32
    %ne3A_105 = arith.cmpi ne, %sign3A_97, %sign3A_104 : i32
    %rem3A_106 = arith.remsi %select_n3A, %jit3A_89 : i32
    %ne3A_107 = arith.constant 0 : i32
    %ne3A_108 = arith.cmpi ne, %rem3A_106, %ne3A_107 : i32
    %and3A_109 = arith.andi %ne3A_105, %ne3A_108 : i1
    %sub3A_110 = arith.constant 1 : i32
    %sub3A_111 = arith.subi %div3A_90, %sub3A_110 : i32
    %select_n3A_112 = arith.select %and3A_109, %sub3A_111, %div3A_90 : i32
    %while3A_113 = arith.constant 0 : i32
    %while3A_114 = arith.constant 0 : i32
    %while3A_115 = arith.subi %select_n3A_112, %while3A_114 : i32
    %while3A_116 = arith.addi %while3A_114, %while3A_115 : i32
    %while3A_117 = arith.constant 1 : i32
    %while3A_118 = arith.divsi %while3A_115, %while3A_117 : i32
    %while3A_119 = arith.muli %while3A_118, %while3A_117 : i32
    %while3A_120 = arith.addi %while3A_114, %while3A_119 : i32
    %while3A_121 = arith.constant 1 : i32
    scf.for %while3A_128 = %while3A_114 to %while3A_120 step %while3A_121  : i32 {
      %mul3A_129 = arith.constant 3 : i32
      %mul3A_130 = arith.muli %mul3A_129, %while3A_128 : i32
      %add3A = arith.constant 0 : i32
      %add3A_131 = arith.addi %mul3A_130, %add3A : i32
      %dma_wait3A = arith.constant 0 : i32
      %dma_wait3A_132 = arith.constant 0 : i32
      %dma_wait3A_133 = tpu.memref_slice %arg5[%dma_wait3A, %dma_wait3A_132] : memref<625x128xf32, #tpu.memory_space<hbm>> -> memref<88x128xf32, #tpu.memory_space<hbm>>
      %dma_wait3A_134 = arith.constant 0 : i32
      %dma_wait3A_135 = arith.constant 0 : i32
      %dma_wait3A_136 = tpu.memref_slice %arg5[%dma_wait3A_134, %dma_wait3A_135] : memref<625x128xf32, #tpu.memory_space<hbm>> -> memref<88x128xf32, #tpu.memory_space<hbm>>
      tpu.wait_dma2 semaphore(%arg12 : memref<!tpu.dma_semaphore, #tpu.memory_space<semaphore_mem>>) src(%dma_wait3A_136 : memref<88x128xf32, #tpu.memory_space<hbm>>) dst(%arg9 : memref<88x128xf32, #tpu.memory_space<vmem>>)
      "tpu.region"() ({
        %run_scoped3A = tpu.sem_alloc : memref<!tpu.dma_semaphore, #tpu.memory_space<semaphore_mem>>
        %dma_start3A_174 = arith.constant 0 : i32
        %dma_start3A_175 = tpu.memref_slice %arg8[%add3A_131, %dma_start3A_174] : memref<78x88xi32, #tpu.memory_space<vmem>> -> memref<1x88xi32, #tpu.memory_space<vmem>>
        %dma_start3A_176 = tpu.memref_squeeze %dma_start3A_175 : memref<1x88xi32, #tpu.memory_space<vmem>> -> memref<88xi32, #tpu.memory_space<vmem>>
        %dma_start3A_177 = arith.constant 0 : i32
        %dma_start3A_178 = arith.constant 0 : i32
        %dma_start3A_179 = tpu.memref_slice %arg15[%dma_start3A_177, %dma_start3A_178] : memref<10008x128xf32, #tpu.memory_space<vmem_shared>> -> memref<10008x128xf32, #tpu.memory_space<vmem_shared>>
        tpu.enqueue_indirect_dma source(%arg9 : memref<88x128xf32, #tpu.memory_space<vmem>>) target(%dma_start3A_179 : memref<10008x128xf32, #tpu.memory_space<vmem_shared>>) offsets(%dma_start3A_176 : memref<88xi32, #tpu.memory_space<vmem>>) semaphore(%run_scoped3A : memref<!tpu.dma_semaphore, #tpu.memory_space<semaphore_mem>>) {add = true}
        %dma_wait3A_180 = arith.constant 0 : i32
        %dma_wait3A_181 = tpu.memref_slice %arg8[%add3A_131, %dma_wait3A_180] : memref<78x88xi32, #tpu.memory_space<vmem>> -> memref<1x88xi32, #tpu.memory_space<vmem>>
        %dma_wait3A_182 = tpu.memref_squeeze %dma_wait3A_181 : memref<1x88xi32, #tpu.memory_space<vmem>> -> memref<88xi32, #tpu.memory_space<vmem>>
        %dma_wait3A_183 = arith.constant 0 : i32
        %dma_wait3A_184 = arith.constant 0 : i32
        %dma_wait3A_185 = tpu.memref_slice %arg15[%dma_wait3A_183, %dma_wait3A_184] : memref<10008x128xf32, #tpu.memory_space<vmem_shared>> -> memref<10008x128xf32, #tpu.memory_space<vmem_shared>>
        tpu.wait_indirect_dma semaphore(%run_scoped3A : memref<!tpu.dma_semaphore, #tpu.memory_space<semaphore_mem>>) src(%arg9 : memref<88x128xf32, #tpu.memory_space<vmem>>) dst(%dma_wait3A_185 : memref<10008x128xf32, #tpu.memory_space<vmem_shared>>)
        tpu.yield
      }) : () -> ()
      %add3A_137 = arith.constant 3 : i32
      %add3A_138 = arith.addi %add3A_131, %add3A_137 : i32
      %lt3A = arith.cmpi slt, %add3A_138, %select_n3A : i32
      %convert_element_type3A_139 = arith.extui %lt3A : i1 to i32
      %cond3A_140 = arith.constant 0 : i32
      %cond3A_141 = arith.cmpi ne, %convert_element_type3A_139, %cond3A_140 : i32
      scf.if %cond3A_141 {
        %add3A_174 = arith.constant 3 : i32
        %add3A_175 = arith.addi %add3A_131, %add3A_174 : i32
        %dma_start3A_176 = arith.constant 0 : i32
        %dma_start3A_177 = tpu.memref_slice %arg7[%add3A_175, %dma_start3A_176] : memref<78x88xi32, #tpu.memory_space<vmem>> -> memref<1x88xi32, #tpu.memory_space<vmem>>
        %dma_start3A_178 = tpu.memref_squeeze %dma_start3A_177 : memref<1x88xi32, #tpu.memory_space<vmem>> -> memref<88xi32, #tpu.memory_space<vmem>>
        %dma_start3A_179 = arith.constant 0 : i32
        %dma_start3A_180 = arith.constant 0 : i32
        %dma_start3A_181 = tpu.memref_slice %arg2[%dma_start3A_179, %dma_start3A_180] : memref<10000x128xf32, #tpu.memory_space<hbm>> -> memref<10000x128xf32, #tpu.memory_space<hbm>>
        tpu.enqueue_indirect_dma source(%dma_start3A_181 : memref<10000x128xf32, #tpu.memory_space<hbm>>) target(%arg9 : memref<88x128xf32, #tpu.memory_space<vmem>>) offsets(%dma_start3A_178 : memref<88xi32, #tpu.memory_space<vmem>>) semaphore(%arg12 : memref<!tpu.dma_semaphore, #tpu.memory_space<semaphore_mem>>)
      } else {
      }
      %mul3A_142 = arith.constant 3 : i32
      %mul3A_143 = arith.muli %mul3A_142, %while3A_128 : i32
      %add3A_144 = arith.constant 1 : i32
      %add3A_145 = arith.addi %mul3A_143, %add3A_144 : i32
      %dma_wait3A_146 = arith.constant 0 : i32
      %dma_wait3A_147 = arith.constant 0 : i32
      %dma_wait3A_148 = tpu.memref_slice %arg5[%dma_wait3A_146, %dma_wait3A_147] : memref<625x128xf32, #tpu.memory_space<hbm>> -> memref<88x128xf32, #tpu.memory_space<hbm>>
      %dma_wait3A_149 = arith.constant 0 : i32
      %dma_wait3A_150 = arith.constant 0 : i32
      %dma_wait3A_151 = tpu.memref_slice %arg5[%dma_wait3A_149, %dma_wait3A_150] : memref<625x128xf32, #tpu.memory_space<hbm>> -> memref<88x128xf32, #tpu.memory_space<hbm>>
      tpu.wait_dma2 semaphore(%arg13 : memref<!tpu.dma_semaphore, #tpu.memory_space<semaphore_mem>>) src(%dma_wait3A_151 : memref<88x128xf32, #tpu.memory_space<hbm>>) dst(%arg10 : memref<88x128xf32, #tpu.memory_space<vmem>>)
      "tpu.region"() ({
        %run_scoped3A = tpu.sem_alloc : memref<!tpu.dma_semaphore, #tpu.memory_space<semaphore_mem>>
        %dma_start3A_174 = arith.constant 0 : i32
        %dma_start3A_175 = tpu.memref_slice %arg8[%add3A_145, %dma_start3A_174] : memref<78x88xi32, #tpu.memory_space<vmem>> -> memref<1x88xi32, #tpu.memory_space<vmem>>
        %dma_start3A_176 = tpu.memref_squeeze %dma_start3A_175 : memref<1x88xi32, #tpu.memory_space<vmem>> -> memref<88xi32, #tpu.memory_space<vmem>>
        %dma_start3A_177 = arith.constant 0 : i32
        %dma_start3A_178 = arith.constant 0 : i32
        %dma_start3A_179 = tpu.memref_slice %arg15[%dma_start3A_177, %dma_start3A_178] : memref<10008x128xf32, #tpu.memory_space<vmem_shared>> -> memref<10008x128xf32, #tpu.memory_space<vmem_shared>>
        tpu.enqueue_indirect_dma source(%arg10 : memref<88x128xf32, #tpu.memory_space<vmem>>) target(%dma_start3A_179 : memref<10008x128xf32, #tpu.memory_space<vmem_shared>>) offsets(%dma_start3A_176 : memref<88xi32, #tpu.memory_space<vmem>>) semaphore(%run_scoped3A : memref<!tpu.dma_semaphore, #tpu.memory_space<semaphore_mem>>) {add = true}
        %dma_wait3A_180 = arith.constant 0 : i32
        %dma_wait3A_181 = tpu.memref_slice %arg8[%add3A_145, %dma_wait3A_180] : memref<78x88xi32, #tpu.memory_space<vmem>> -> memref<1x88xi32, #tpu.memory_space<vmem>>
        %dma_wait3A_182 = tpu.memref_squeeze %dma_wait3A_181 : memref<1x88xi32, #tpu.memory_space<vmem>> -> memref<88xi32, #tpu.memory_space<vmem>>
        %dma_wait3A_183 = arith.constant 0 : i32
        %dma_wait3A_184 = arith.constant 0 : i32
        %dma_wait3A_185 = tpu.memref_slice %arg15[%dma_wait3A_183, %dma_wait3A_184] : memref<10008x128xf32, #tpu.memory_space<vmem_shared>> -> memref<10008x128xf32, #tpu.memory_space<vmem_shared>>
        tpu.wait_indirect_dma semaphore(%run_scoped3A : memref<!tpu.dma_semaphore, #tpu.memory_space<semaphore_mem>>) src(%arg10 : memref<88x128xf32, #tpu.memory_space<vmem>>) dst(%dma_wait3A_185 : memref<10008x128xf32, #tpu.memory_space<vmem_shared>>)
        tpu.yield
      }) : () -> ()
      %add3A_152 = arith.constant 3 : i32
      %add3A_153 = arith.addi %add3A_145, %add3A_152 : i32
      %lt3A_154 = arith.cmpi slt, %add3A_153, %select_n3A : i32
      %convert_element_type3A_155 = arith.extui %lt3A_154 : i1 to i32
      %cond3A_156 = arith.constant 0 : i32
      %cond3A_157 = arith.cmpi ne, %convert_element_type3A_155, %cond3A_156 : i32
      scf.if %cond3A_157 {
        %add3A_174 = arith.constant 3 : i32
        %add3A_175 = arith.addi %add3A_145, %add3A_174 : i32
        %dma_start3A_176 = arith.constant 0 : i32
        %dma_start3A_177 = tpu.memref_slice %arg7[%add3A_175, %dma_start3A_176] : memref<78x88xi32, #tpu.memory_space<vmem>> -> memref<1x88xi32, #tpu.memory_space<vmem>>
        %dma_start3A_178 = tpu.memref_squeeze %dma_start3A_177 : memref<1x88xi32, #tpu.memory_space<vmem>> -> memref<88xi32, #tpu.memory_space<vmem>>
        %dma_start3A_179 = arith.constant 0 : i32
        %dma_start3A_180 = arith.constant 0 : i32
        %dma_start3A_181 = tpu.memref_slice %arg2[%dma_start3A_179, %dma_start3A_180] : memref<10000x128xf32, #tpu.memory_space<hbm>> -> memref<10000x128xf32, #tpu.memory_space<hbm>>
        tpu.enqueue_indirect_dma source(%dma_start3A_181 : memref<10000x128xf32, #tpu.memory_space<hbm>>) target(%arg10 : memref<88x128xf32, #tpu.memory_space<vmem>>) offsets(%dma_start3A_178 : memref<88xi32, #tpu.memory_space<vmem>>) semaphore(%arg13 : memref<!tpu.dma_semaphore, #tpu.memory_space<semaphore_mem>>)
      } else {
      }
      %mul3A_158 = arith.constant 3 : i32
      %mul3A_159 = arith.muli %mul3A_158, %while3A_128 : i32
      %add3A_160 = arith.constant 2 : i32
      %add3A_161 = arith.addi %mul3A_159, %add3A_160 : i32
      %dma_wait3A_162 = arith.constant 0 : i32
      %dma_wait3A_163 = arith.constant 0 : i32
      %dma_wait3A_164 = tpu.memref_slice %arg5[%dma_wait3A_162, %dma_wait3A_163] : memref<625x128xf32, #tpu.memory_space<hbm>> -> memref<88x128xf32, #tpu.memory_space<hbm>>
      %dma_wait3A_165 = arith.constant 0 : i32
      %dma_wait3A_166 = arith.constant 0 : i32
      %dma_wait3A_167 = tpu.memref_slice %arg5[%dma_wait3A_165, %dma_wait3A_166] : memref<625x128xf32, #tpu.memory_space<hbm>> -> memref<88x128xf32, #tpu.memory_space<hbm>>
      tpu.wait_dma2 semaphore(%arg14 : memref<!tpu.dma_semaphore, #tpu.memory_space<semaphore_mem>>) src(%dma_wait3A_167 : memref<88x128xf32, #tpu.memory_space<hbm>>) dst(%arg11 : memref<88x128xf32, #tpu.memory_space<vmem>>)
      "tpu.region"() ({
        %run_scoped3A = tpu.sem_alloc : memref<!tpu.dma_semaphore, #tpu.memory_space<semaphore_mem>>
        %dma_start3A_174 = arith.constant 0 : i32
        %dma_start3A_175 = tpu.memref_slice %arg8[%add3A_161, %dma_start3A_174] : memref<78x88xi32, #tpu.memory_space<vmem>> -> memref<1x88xi32, #tpu.memory_space<vmem>>
        %dma_start3A_176 = tpu.memref_squeeze %dma_start3A_175 : memref<1x88xi32, #tpu.memory_space<vmem>> -> memref<88xi32, #tpu.memory_space<vmem>>
        %dma_start3A_177 = arith.constant 0 : i32
        %dma_start3A_178 = arith.constant 0 : i32
        %dma_start3A_179 = tpu.memref_slice %arg15[%dma_start3A_177, %dma_start3A_178] : memref<10008x128xf32, #tpu.memory_space<vmem_shared>> -> memref<10008x128xf32, #tpu.memory_space<vmem_shared>>
        tpu.enqueue_indirect_dma source(%arg11 : memref<88x128xf32, #tpu.memory_space<vmem>>) target(%dma_start3A_179 : memref<10008x128xf32, #tpu.memory_space<vmem_shared>>) offsets(%dma_start3A_176 : memref<88xi32, #tpu.memory_space<vmem>>) semaphore(%run_scoped3A : memref<!tpu.dma_semaphore, #tpu.memory_space<semaphore_mem>>) {add = true}
        %dma_wait3A_180 = arith.constant 0 : i32
        %dma_wait3A_181 = tpu.memref_slice %arg8[%add3A_161, %dma_wait3A_180] : memref<78x88xi32, #tpu.memory_space<vmem>> -> memref<1x88xi32, #tpu.memory_space<vmem>>
        %dma_wait3A_182 = tpu.memref_squeeze %dma_wait3A_181 : memref<1x88xi32, #tpu.memory_space<vmem>> -> memref<88xi32, #tpu.memory_space<vmem>>
        %dma_wait3A_183 = arith.constant 0 : i32
        %dma_wait3A_184 = arith.constant 0 : i32
        %dma_wait3A_185 = tpu.memref_slice %arg15[%dma_wait3A_183, %dma_wait3A_184] : memref<10008x128xf32, #tpu.memory_space<vmem_shared>> -> memref<10008x128xf32, #tpu.memory_space<vmem_shared>>
        tpu.wait_indirect_dma semaphore(%run_scoped3A : memref<!tpu.dma_semaphore, #tpu.memory_space<semaphore_mem>>) src(%arg11 : memref<88x128xf32, #tpu.memory_space<vmem>>) dst(%dma_wait3A_185 : memref<10008x128xf32, #tpu.memory_space<vmem_shared>>)
        tpu.yield
      }) : () -> ()
      %add3A_168 = arith.constant 3 : i32
      %add3A_169 = arith.addi %add3A_161, %add3A_168 : i32
      %lt3A_170 = arith.cmpi slt, %add3A_169, %select_n3A : i32
      %convert_element_type3A_171 = arith.extui %lt3A_170 : i1 to i32
      %cond3A_172 = arith.constant 0 : i32
      %cond3A_173 = arith.cmpi ne, %convert_element_type3A_171, %cond3A_172 : i32
      scf.if %cond3A_173 {
        %add3A_174 = arith.constant 3 : i32
        %add3A_175 = arith.addi %add3A_161, %add3A_174 : i32
        %dma_start3A_176 = arith.constant 0 : i32
        %dma_start3A_177 = tpu.memref_slice %arg7[%add3A_175, %dma_start3A_176] : memref<78x88xi32, #tpu.memory_space<vmem>> -> memref<1x88xi32, #tpu.memory_space<vmem>>
        %dma_start3A_178 = tpu.memref_squeeze %dma_start3A_177 : memref<1x88xi32, #tpu.memory_space<vmem>> -> memref<88xi32, #tpu.memory_space<vmem>>
        %dma_start3A_179 = arith.constant 0 : i32
        %dma_start3A_180 = arith.constant 0 : i32
        %dma_start3A_181 = tpu.memref_slice %arg2[%dma_start3A_179, %dma_start3A_180] : memref<10000x128xf32, #tpu.memory_space<hbm>> -> memref<10000x128xf32, #tpu.memory_space<hbm>>
        tpu.enqueue_indirect_dma source(%dma_start3A_181 : memref<10000x128xf32, #tpu.memory_space<hbm>>) target(%arg11 : memref<88x128xf32, #tpu.memory_space<vmem>>) offsets(%dma_start3A_178 : memref<88xi32, #tpu.memory_space<vmem>>) semaphore(%arg14 : memref<!tpu.dma_semaphore, #tpu.memory_space<semaphore_mem>>)
      } else {
      }
    }
    %while3A_122 = arith.constant 1 : i32
    scf.for %while3A_128 = %while3A_120 to %while3A_116 step %while3A_122  : i32 {
      %mul3A_129 = arith.constant 3 : i32
      %mul3A_130 = arith.muli %mul3A_129, %while3A_128 : i32
      %add3A = arith.constant 0 : i32
      %add3A_131 = arith.addi %mul3A_130, %add3A : i32
      %dma_wait3A = arith.constant 0 : i32
      %dma_wait3A_132 = arith.constant 0 : i32
      %dma_wait3A_133 = tpu.memref_slice %arg5[%dma_wait3A, %dma_wait3A_132] : memref<625x128xf32, #tpu.memory_space<hbm>> -> memref<88x128xf32, #tpu.memory_space<hbm>>
      %dma_wait3A_134 = arith.constant 0 : i32
      %dma_wait3A_135 = arith.constant 0 : i32
      %dma_wait3A_136 = tpu.memref_slice %arg5[%dma_wait3A_134, %dma_wait3A_135] : memref<625x128xf32, #tpu.memory_space<hbm>> -> memref<88x128xf32, #tpu.memory_space<hbm>>
      tpu.wait_dma2 semaphore(%arg12 : memref<!tpu.dma_semaphore, #tpu.memory_space<semaphore_mem>>) src(%dma_wait3A_136 : memref<88x128xf32, #tpu.memory_space<hbm>>) dst(%arg9 : memref<88x128xf32, #tpu.memory_space<vmem>>)
      "tpu.region"() ({
        %run_scoped3A = tpu.sem_alloc : memref<!tpu.dma_semaphore, #tpu.memory_space<semaphore_mem>>
        %dma_start3A_174 = arith.constant 0 : i32
        %dma_start3A_175 = tpu.memref_slice %arg8[%add3A_131, %dma_start3A_174] : memref<78x88xi32, #tpu.memory_space<vmem>> -> memref<1x88xi32, #tpu.memory_space<vmem>>
        %dma_start3A_176 = tpu.memref_squeeze %dma_start3A_175 : memref<1x88xi32, #tpu.memory_space<vmem>> -> memref<88xi32, #tpu.memory_space<vmem>>
        %dma_start3A_177 = arith.constant 0 : i32
        %dma_start3A_178 = arith.constant 0 : i32
        %dma_start3A_179 = tpu.memref_slice %arg15[%dma_start3A_177, %dma_start3A_178] : memref<10008x128xf32, #tpu.memory_space<vmem_shared>> -> memref<10008x128xf32, #tpu.memory_space<vmem_shared>>
        tpu.enqueue_indirect_dma source(%arg9 : memref<88x128xf32, #tpu.memory_space<vmem>>) target(%dma_start3A_179 : memref<10008x128xf32, #tpu.memory_space<vmem_shared>>) offsets(%dma_start3A_176 : memref<88xi32, #tpu.memory_space<vmem>>) semaphore(%run_scoped3A : memref<!tpu.dma_semaphore, #tpu.memory_space<semaphore_mem>>) {add = true}
        %dma_wait3A_180 = arith.constant 0 : i32
        %dma_wait3A_181 = tpu.memref_slice %arg8[%add3A_131, %dma_wait3A_180] : memref<78x88xi32, #tpu.memory_space<vmem>> -> memref<1x88xi32, #tpu.memory_space<vmem>>
        %dma_wait3A_182 = tpu.memref_squeeze %dma_wait3A_181 : memref<1x88xi32, #tpu.memory_space<vmem>> -> memref<88xi32, #tpu.memory_space<vmem>>
        %dma_wait3A_183 = arith.constant 0 : i32
        %dma_wait3A_184 = arith.constant 0 : i32
        %dma_wait3A_185 = tpu.memref_slice %arg15[%dma_wait3A_183, %dma_wait3A_184] : memref<10008x128xf32, #tpu.memory_space<vmem_shared>> -> memref<10008x128xf32, #tpu.memory_space<vmem_shared>>
        tpu.wait_indirect_dma semaphore(%run_scoped3A : memref<!tpu.dma_semaphore, #tpu.memory_space<semaphore_mem>>) src(%arg9 : memref<88x128xf32, #tpu.memory_space<vmem>>) dst(%dma_wait3A_185 : memref<10008x128xf32, #tpu.memory_space<vmem_shared>>)
        tpu.yield
      }) : () -> ()
      %add3A_137 = arith.constant 3 : i32
      %add3A_138 = arith.addi %add3A_131, %add3A_137 : i32
      %lt3A = arith.cmpi slt, %add3A_138, %select_n3A : i32
      %convert_element_type3A_139 = arith.extui %lt3A : i1 to i32
      %cond3A_140 = arith.constant 0 : i32
      %cond3A_141 = arith.cmpi ne, %convert_element_type3A_139, %cond3A_140 : i32
      scf.if %cond3A_141 {
        %add3A_174 = arith.constant 3 : i32
        %add3A_175 = arith.addi %add3A_131, %add3A_174 : i32
        %dma_start3A_176 = arith.constant 0 : i32
        %dma_start3A_177 = tpu.memref_slice %arg7[%add3A_175, %dma_start3A_176] : memref<78x88xi32, #tpu.memory_space<vmem>> -> memref<1x88xi32, #tpu.memory_space<vmem>>
        %dma_start3A_178 = tpu.memref_squeeze %dma_start3A_177 : memref<1x88xi32, #tpu.memory_space<vmem>> -> memref<88xi32, #tpu.memory_space<vmem>>
        %dma_start3A_179 = arith.constant 0 : i32
        %dma_start3A_180 = arith.constant 0 : i32
        %dma_start3A_181 = tpu.memref_slice %arg2[%dma_start3A_179, %dma_start3A_180] : memref<10000x128xf32, #tpu.memory_space<hbm>> -> memref<10000x128xf32, #tpu.memory_space<hbm>>
        tpu.enqueue_indirect_dma source(%dma_start3A_181 : memref<10000x128xf32, #tpu.memory_space<hbm>>) target(%arg9 : memref<88x128xf32, #tpu.memory_space<vmem>>) offsets(%dma_start3A_178 : memref<88xi32, #tpu.memory_space<vmem>>) semaphore(%arg12 : memref<!tpu.dma_semaphore, #tpu.memory_space<semaphore_mem>>)
      } else {
      }
      %mul3A_142 = arith.constant 3 : i32
      %mul3A_143 = arith.muli %mul3A_142, %while3A_128 : i32
      %add3A_144 = arith.constant 1 : i32
      %add3A_145 = arith.addi %mul3A_143, %add3A_144 : i32
      %dma_wait3A_146 = arith.constant 0 : i32
      %dma_wait3A_147 = arith.constant 0 : i32
      %dma_wait3A_148 = tpu.memref_slice %arg5[%dma_wait3A_146, %dma_wait3A_147] : memref<625x128xf32, #tpu.memory_space<hbm>> -> memref<88x128xf32, #tpu.memory_space<hbm>>
      %dma_wait3A_149 = arith.constant 0 : i32
      %dma_wait3A_150 = arith.constant 0 : i32
      %dma_wait3A_151 = tpu.memref_slice %arg5[%dma_wait3A_149, %dma_wait3A_150] : memref<625x128xf32, #tpu.memory_space<hbm>> -> memref<88x128xf32, #tpu.memory_space<hbm>>
      tpu.wait_dma2 semaphore(%arg13 : memref<!tpu.dma_semaphore, #tpu.memory_space<semaphore_mem>>) src(%dma_wait3A_151 : memref<88x128xf32, #tpu.memory_space<hbm>>) dst(%arg10 : memref<88x128xf32, #tpu.memory_space<vmem>>)
      "tpu.region"() ({
        %run_scoped3A = tpu.sem_alloc : memref<!tpu.dma_semaphore, #tpu.memory_space<semaphore_mem>>
        %dma_start3A_174 = arith.constant 0 : i32
        %dma_start3A_175 = tpu.memref_slice %arg8[%add3A_145, %dma_start3A_174] : memref<78x88xi32, #tpu.memory_space<vmem>> -> memref<1x88xi32, #tpu.memory_space<vmem>>
        %dma_start3A_176 = tpu.memref_squeeze %dma_start3A_175 : memref<1x88xi32, #tpu.memory_space<vmem>> -> memref<88xi32, #tpu.memory_space<vmem>>
        %dma_start3A_177 = arith.constant 0 : i32
        %dma_start3A_178 = arith.constant 0 : i32
        %dma_start3A_179 = tpu.memref_slice %arg15[%dma_start3A_177, %dma_start3A_178] : memref<10008x128xf32, #tpu.memory_space<vmem_shared>> -> memref<10008x128xf32, #tpu.memory_space<vmem_shared>>
        tpu.enqueue_indirect_dma source(%arg10 : memref<88x128xf32, #tpu.memory_space<vmem>>) target(%dma_start3A_179 : memref<10008x128xf32, #tpu.memory_space<vmem_shared>>) offsets(%dma_start3A_176 : memref<88xi32, #tpu.memory_space<vmem>>) semaphore(%run_scoped3A : memref<!tpu.dma_semaphore, #tpu.memory_space<semaphore_mem>>) {add = true}
        %dma_wait3A_180 = arith.constant 0 : i32
        %dma_wait3A_181 = tpu.memref_slice %arg8[%add3A_145, %dma_wait3A_180] : memref<78x88xi32, #tpu.memory_space<vmem>> -> memref<1x88xi32, #tpu.memory_space<vmem>>
        %dma_wait3A_182 = tpu.memref_squeeze %dma_wait3A_181 : memref<1x88xi32, #tpu.memory_space<vmem>> -> memref<88xi32, #tpu.memory_space<vmem>>
        %dma_wait3A_183 = arith.constant 0 : i32
        %dma_wait3A_184 = arith.constant 0 : i32
        %dma_wait3A_185 = tpu.memref_slice %arg15[%dma_wait3A_183, %dma_wait3A_184] : memref<10008x128xf32, #tpu.memory_space<vmem_shared>> -> memref<10008x128xf32, #tpu.memory_space<vmem_shared>>
        tpu.wait_indirect_dma semaphore(%run_scoped3A : memref<!tpu.dma_semaphore, #tpu.memory_space<semaphore_mem>>) src(%arg10 : memref<88x128xf32, #tpu.memory_space<vmem>>) dst(%dma_wait3A_185 : memref<10008x128xf32, #tpu.memory_space<vmem_shared>>)
        tpu.yield
      }) : () -> ()
      %add3A_152 = arith.constant 3 : i32
      %add3A_153 = arith.addi %add3A_145, %add3A_152 : i32
      %lt3A_154 = arith.cmpi slt, %add3A_153, %select_n3A : i32
      %convert_element_type3A_155 = arith.extui %lt3A_154 : i1 to i32
      %cond3A_156 = arith.constant 0 : i32
      %cond3A_157 = arith.cmpi ne, %convert_element_type3A_155, %cond3A_156 : i32
      scf.if %cond3A_157 {
        %add3A_174 = arith.constant 3 : i32
        %add3A_175 = arith.addi %add3A_145, %add3A_174 : i32
        %dma_start3A_176 = arith.constant 0 : i32
        %dma_start3A_177 = tpu.memref_slice %arg7[%add3A_175, %dma_start3A_176] : memref<78x88xi32, #tpu.memory_space<vmem>> -> memref<1x88xi32, #tpu.memory_space<vmem>>
        %dma_start3A_178 = tpu.memref_squeeze %dma_start3A_177 : memref<1x88xi32, #tpu.memory_space<vmem>> -> memref<88xi32, #tpu.memory_space<vmem>>
        %dma_start3A_179 = arith.constant 0 : i32
        %dma_start3A_180 = arith.constant 0 : i32
        %dma_start3A_181 = tpu.memref_slice %arg2[%dma_start3A_179, %dma_start3A_180] : memref<10000x128xf32, #tpu.memory_space<hbm>> -> memref<10000x128xf32, #tpu.memory_space<hbm>>
        tpu.enqueue_indirect_dma source(%dma_start3A_181 : memref<10000x128xf32, #tpu.memory_space<hbm>>) target(%arg10 : memref<88x128xf32, #tpu.memory_space<vmem>>) offsets(%dma_start3A_178 : memref<88xi32, #tpu.memory_space<vmem>>) semaphore(%arg13 : memref<!tpu.dma_semaphore, #tpu.memory_space<semaphore_mem>>)
      } else {
      }
      %mul3A_158 = arith.constant 3 : i32
      %mul3A_159 = arith.muli %mul3A_158, %while3A_128 : i32
      %add3A_160 = arith.constant 2 : i32
      %add3A_161 = arith.addi %mul3A_159, %add3A_160 : i32
      %dma_wait3A_162 = arith.constant 0 : i32
      %dma_wait3A_163 = arith.constant 0 : i32
      %dma_wait3A_164 = tpu.memref_slice %arg5[%dma_wait3A_162, %dma_wait3A_163] : memref<625x128xf32, #tpu.memory_space<hbm>> -> memref<88x128xf32, #tpu.memory_space<hbm>>
      %dma_wait3A_165 = arith.constant 0 : i32
      %dma_wait3A_166 = arith.constant 0 : i32
      %dma_wait3A_167 = tpu.memref_slice %arg5[%dma_wait3A_165, %dma_wait3A_166] : memref<625x128xf32, #tpu.memory_space<hbm>> -> memref<88x128xf32, #tpu.memory_space<hbm>>
      tpu.wait_dma2 semaphore(%arg14 : memref<!tpu.dma_semaphore, #tpu.memory_space<semaphore_mem>>) src(%dma_wait3A_167 : memref<88x128xf32, #tpu.memory_space<hbm>>) dst(%arg11 : memref<88x128xf32, #tpu.memory_space<vmem>>)
      "tpu.region"() ({
        %run_scoped3A = tpu.sem_alloc : memref<!tpu.dma_semaphore, #tpu.memory_space<semaphore_mem>>
        %dma_start3A_174 = arith.constant 0 : i32
        %dma_start3A_175 = tpu.memref_slice %arg8[%add3A_161, %dma_start3A_174] : memref<78x88xi32, #tpu.memory_space<vmem>> -> memref<1x88xi32, #tpu.memory_space<vmem>>
        %dma_start3A_176 = tpu.memref_squeeze %dma_start3A_175 : memref<1x88xi32, #tpu.memory_space<vmem>> -> memref<88xi32, #tpu.memory_space<vmem>>
        %dma_start3A_177 = arith.constant 0 : i32
        %dma_start3A_178 = arith.constant 0 : i32
        %dma_start3A_179 = tpu.memref_slice %arg15[%dma_start3A_177, %dma_start3A_178] : memref<10008x128xf32, #tpu.memory_space<vmem_shared>> -> memref<10008x128xf32, #tpu.memory_space<vmem_shared>>
        tpu.enqueue_indirect_dma source(%arg11 : memref<88x128xf32, #tpu.memory_space<vmem>>) target(%dma_start3A_179 : memref<10008x128xf32, #tpu.memory_space<vmem_shared>>) offsets(%dma_start3A_176 : memref<88xi32, #tpu.memory_space<vmem>>) semaphore(%run_scoped3A : memref<!tpu.dma_semaphore, #tpu.memory_space<semaphore_mem>>) {add = true}
        %dma_wait3A_180 = arith.constant 0 : i32
        %dma_wait3A_181 = tpu.memref_slice %arg8[%add3A_161, %dma_wait3A_180] : memref<78x88xi32, #tpu.memory_space<vmem>> -> memref<1x88xi32, #tpu.memory_space<vmem>>
        %dma_wait3A_182 = tpu.memref_squeeze %dma_wait3A_181 : memref<1x88xi32, #tpu.memory_space<vmem>> -> memref<88xi32, #tpu.memory_space<vmem>>
        %dma_wait3A_183 = arith.constant 0 : i32
        %dma_wait3A_184 = arith.constant 0 : i32
        %dma_wait3A_185 = tpu.memref_slice %arg15[%dma_wait3A_183, %dma_wait3A_184] : memref<10008x128xf32, #tpu.memory_space<vmem_shared>> -> memref<10008x128xf32, #tpu.memory_space<vmem_shared>>
        tpu.wait_indirect_dma semaphore(%run_scoped3A : memref<!tpu.dma_semaphore, #tpu.memory_space<semaphore_mem>>) src(%arg11 : memref<88x128xf32, #tpu.memory_space<vmem>>) dst(%dma_wait3A_185 : memref<10008x128xf32, #tpu.memory_space<vmem_shared>>)
        tpu.yield
      }) : () -> ()
      %add3A_168 = arith.constant 3 : i32
      %add3A_169 = arith.addi %add3A_161, %add3A_168 : i32
      %lt3A_170 = arith.cmpi slt, %add3A_169, %select_n3A : i32
      %convert_element_type3A_171 = arith.extui %lt3A_170 : i1 to i32
      %cond3A_172 = arith.constant 0 : i32
      %cond3A_173 = arith.cmpi ne, %convert_element_type3A_171, %cond3A_172 : i32
      scf.if %cond3A_173 {
        %add3A_174 = arith.constant 3 : i32
        %add3A_175 = arith.addi %add3A_161, %add3A_174 : i32
        %dma_start3A_176 = arith.constant 0 : i32
        %dma_start3A_177 = tpu.memref_slice %arg7[%add3A_175, %dma_start3A_176] : memref<78x88xi32, #tpu.memory_space<vmem>> -> memref<1x88xi32, #tpu.memory_space<vmem>>
        %dma_start3A_178 = tpu.memref_squeeze %dma_start3A_177 : memref<1x88xi32, #tpu.memory_space<vmem>> -> memref<88xi32, #tpu.memory_space<vmem>>
        %dma_start3A_179 = arith.constant 0 : i32
        %dma_start3A_180 = arith.constant 0 : i32
        %dma_start3A_181 = tpu.memref_slice %arg2[%dma_start3A_179, %dma_start3A_180] : memref<10000x128xf32, #tpu.memory_space<hbm>> -> memref<10000x128xf32, #tpu.memory_space<hbm>>
        tpu.enqueue_indirect_dma source(%dma_start3A_181 : memref<10000x128xf32, #tpu.memory_space<hbm>>) target(%arg11 : memref<88x128xf32, #tpu.memory_space<vmem>>) offsets(%dma_start3A_178 : memref<88xi32, #tpu.memory_space<vmem>>) semaphore(%arg14 : memref<!tpu.dma_semaphore, #tpu.memory_space<semaphore_mem>>)
      } else {
      }
    }
    %barrier3A_123 = arith.constant 0 : index
    tpu.barrier barrier_id(%barrier3A_123)
    %mul3A_124 = arith.constant 625 : i32
    %mul3A_125 = arith.muli %arg1, %mul3A_124 : i32
    %mul3A_126 = arith.constant 625 : i32
    %mul3A_127 = arith.muli %arg1, %mul3A_126 : i32
    "tpu.region"() ({
      %run_scoped3A = tpu.sem_alloc : memref<!tpu.dma_semaphore, #tpu.memory_space<semaphore_mem>>
      %dma_start3A_128 = arith.constant 0 : i32
      %dma_start3A_129 = tpu.memref_slice %arg6[%arg0, %mul3A_127, %dma_start3A_128] : memref<2x10000x128xf32, #tpu.memory_space<hbm>> -> memref<1x625x128xf32, #tpu.memory_space<hbm>>
      %dma_start3A_130 = tpu.memref_squeeze %dma_start3A_129 : memref<1x625x128xf32, #tpu.memory_space<hbm>> -> memref<625x128xf32, #tpu.memory_space<hbm>>
      %dma_start3A_131 = arith.constant 0 : i32
      %dma_start3A_132 = tpu.memref_slice %arg15[%mul3A_125, %dma_start3A_131] : memref<10008x128xf32, #tpu.memory_space<vmem_shared>> -> memref<625x128xf32, #tpu.memory_space<vmem_shared>>
      tpu.enqueue_dma source(%dma_start3A_132 : memref<625x128xf32, #tpu.memory_space<vmem_shared>>) target(%dma_start3A_130 : memref<625x128xf32, #tpu.memory_space<hbm>>) target_semaphore(%run_scoped3A : memref<!tpu.dma_semaphore, #tpu.memory_space<semaphore_mem>>)
      %dma_wait3A = arith.constant 0 : i32
      %dma_wait3A_133 = tpu.memref_slice %arg6[%arg0, %mul3A_127, %dma_wait3A] : memref<2x10000x128xf32, #tpu.memory_space<hbm>> -> memref<1x625x128xf32, #tpu.memory_space<hbm>>
      %dma_wait3A_134 = tpu.memref_squeeze %dma_wait3A_133 : memref<1x625x128xf32, #tpu.memory_space<hbm>> -> memref<625x128xf32, #tpu.memory_space<hbm>>
      %dma_wait3A_135 = arith.constant 0 : i32
      %dma_wait3A_136 = tpu.memref_slice %arg15[%mul3A_125, %dma_wait3A_135] : memref<10008x128xf32, #tpu.memory_space<vmem_shared>> -> memref<625x128xf32, #tpu.memory_space<vmem_shared>>
      tpu.wait_dma2 semaphore(%run_scoped3A : memref<!tpu.dma_semaphore, #tpu.memory_space<semaphore_mem>>) src(%dma_wait3A_136 : memref<625x128xf32, #tpu.memory_space<vmem_shared>>) dst(%dma_wait3A_134 : memref<625x128xf32, #tpu.memory_space<hbm>>)
      tpu.yield
    }) : () -> ()
    return
  }
}

#map = affine_map<(d0, d1) -> (0, 0)>
#map1 = affine_map<(d0, d1) -> (0, 0, 0)>
module attributes {stable_mosaic.version = 14 : i64} {
  func.func @agg(%arg0: i32, %arg1: i32, %arg2: memref<10000x128xf32, #tpu.memory_space<hbm>>, %arg3: memref<3648x88xi32, #tpu.memory_space<hbm>>, %arg4: memref<3648x88xi32, #tpu.memory_space<hbm>>, %arg5: memref<625x128xf32, #tpu.memory_space<hbm>>, %arg6: memref<2x10000x128xf32, #tpu.memory_space<hbm>>, %arg7: memref<78x88xi32, #tpu.memory_space<vmem>>, %arg8: memref<78x88xi32, #tpu.memory_space<vmem>>, %arg9: memref<88x128xf32, #tpu.memory_space<vmem>>, %arg10: memref<88x128xf32, #tpu.memory_space<vmem>>, %arg11: memref<88x128xf32, #tpu.memory_space<vmem>>, %arg12: memref<!tpu.dma_semaphore, #tpu.memory_space<semaphore_mem>>, %arg13: memref<!tpu.dma_semaphore, #tpu.memory_space<semaphore_mem>>, %arg14: memref<!tpu.dma_semaphore, #tpu.memory_space<semaphore_mem>>, %arg15: memref<10008x128xf32, #tpu.memory_space<vmem_shared>>) attributes {dimension_semantics = [#tpu.dimension_semantics<core_parallel>, #tpu.dimension_semantics<subcore_parallel>], iteration_bounds = array<i64: 2, 16>, scalar_prefetch = 0 : i64, scratch_operands = 9 : i64, tpu.core_type = #tpu.core_type<sc_vector_subcore>, window_params = [{transform_indices = #map}, {transform_indices = #map}, {transform_indices = #map}, {transform_indices = #map}, {transform_indices = #map1}]} {
    %mul3A = arith.constant 625 : i32
    %mul3A_0 = arith.muli %arg1, %mul3A : i32
    "tpu.region"() ({
      %run_scoped3A = tpu.sem_alloc : memref<!tpu.dma_semaphore, #tpu.memory_space<semaphore_mem>>
      %dma_start3A_128 = arith.constant 0 : i32
      %dma_start3A_129 = tpu.memref_slice %arg15[%mul3A_0, %dma_start3A_128] : memref<10008x128xf32, #tpu.memory_space<vmem_shared>> -> memref<625x128xf32, #tpu.memory_space<vmem_shared>>
      tpu.enqueue_dma source(%arg5 : memref<625x128xf32, #tpu.memory_space<hbm>>) target(%dma_start3A_129 : memref<625x128xf32, #tpu.memory_space<vmem_shared>>) target_semaphore(%run_scoped3A : memref<!tpu.dma_semaphore, #tpu.memory_space<semaphore_mem>>)
      %dma_wait3A = arith.constant 0 : i32
      %dma_wait3A_130 = tpu.memref_slice %arg15[%mul3A_0, %dma_wait3A] : memref<10008x128xf32, #tpu.memory_space<vmem_shared>> -> memref<625x128xf32, #tpu.memory_space<vmem_shared>>
      tpu.wait_dma2 semaphore(%run_scoped3A : memref<!tpu.dma_semaphore, #tpu.memory_space<semaphore_mem>>) src(%arg5 : memref<625x128xf32, #tpu.memory_space<hbm>>) dst(%dma_wait3A_130 : memref<625x128xf32, #tpu.memory_space<vmem_shared>>)
      tpu.yield
    }) : () -> ()
    %barrier3A = arith.constant 0 : index
    tpu.barrier barrier_id(%barrier3A)
    %eq3A = arith.constant 0 : i32
    %eq3A_1 = arith.cmpi eq, %arg0, %eq3A : i32
    %jit3A = arith.constant 78 : i32
    %jit3A_2 = arith.constant 36 : i32
    %select_n3A = arith.select %eq3A_1, %jit3A, %jit3A_2 : i32
    %eq3A_3 = arith.constant 0 : i32
    %eq3A_4 = arith.cmpi eq, %arg0, %eq3A_3 : i32
    %convert_element_type3A = arith.extui %eq3A_4 : i1 to i32
    %cond3A = arith.constant 0 : i32
    %cond3A_5 = arith.cmpi ne, %convert_element_type3A, %cond3A : i32
    scf.if %cond3A_5 {
      %mul3A_128 = arith.constant 156 : i32
      %mul3A_129 = arith.muli %arg1, %mul3A_128 : i32
      %add3A = arith.constant 0 : i32
      %add3A_130 = arith.addi %mul3A_129, %add3A : i32
      "tpu.region"() ({
        %run_scoped3A = tpu.sem_alloc : memref<!tpu.dma_semaphore, #tpu.memory_space<semaphore_mem>>
        %dma_start3A_131 = arith.constant 0 : i32
        %dma_start3A_132 = tpu.memref_slice %arg3[%add3A_130, %dma_start3A_131] : memref<3648x88xi32, #tpu.memory_space<hbm>> -> memref<78x88xi32, #tpu.memory_space<hbm>>
        %dma_start3A_133 = arith.constant 0 : i32
        %dma_start3A_134 = tpu.memref_slice %arg3[%add3A_130, %dma_start3A_133] : memref<3648x88xi32, #tpu.memory_space<hbm>> -> memref<78x88xi32, #tpu.memory_space<hbm>>
        tpu.enqueue_dma source(%dma_start3A_134 : memref<78x88xi32, #tpu.memory_space<hbm>>) target(%arg7 : memref<78x88xi32, #tpu.memory_space<vmem>>) target_semaphore(%run_scoped3A : memref<!tpu.dma_semaphore, #tpu.memory_space<semaphore_mem>>)
        %dma_wait3A = arith.constant 0 : i32
        %dma_wait3A_135 = tpu.memref_slice %arg3[%add3A_130, %dma_wait3A] : memref<3648x88xi32, #tpu.memory_space<hbm>> -> memref<78x88xi32, #tpu.memory_space<hbm>>
        %dma_wait3A_136 = arith.constant 0 : i32
        %dma_wait3A_137 = tpu.memref_slice %arg3[%add3A_130, %dma_wait3A_136] : memref<3648x88xi32, #tpu.memory_space<hbm>> -> memref<78x88xi32, #tpu.memory_space<hbm>>
        tpu.wait_dma2 semaphore(%run_scoped3A : memref<!tpu.dma_semaphore, #tpu.memory_space<semaphore_mem>>) src(%dma_wait3A_137 : memref<78x88xi32, #tpu.memory_space<hbm>>) dst(%arg7 : memref<78x88xi32, #tpu.memory_space<vmem>>)
        tpu.yield
      }) : () -> ()
      "tpu.region"() ({
        %run_scoped3A = tpu.sem_alloc : memref<!tpu.dma_semaphore, #tpu.memory_space<semaphore_mem>>
        %dma_start3A_131 = arith.constant 0 : i32
        %dma_start3A_132 = tpu.memref_slice %arg4[%add3A_130, %dma_start3A_131] : memref<3648x88xi32, #tpu.memory_space<hbm>> -> memref<78x88xi32, #tpu.memory_space<hbm>>
        %dma_start3A_133 = arith.constant 0 : i32
        %dma_start3A_134 = tpu.memref_slice %arg4[%add3A_130, %dma_start3A_133] : memref<3648x88xi32, #tpu.memory_space<hbm>> -> memref<78x88xi32, #tpu.memory_space<hbm>>
        tpu.enqueue_dma source(%dma_start3A_134 : memref<78x88xi32, #tpu.memory_space<hbm>>) target(%arg8 : memref<78x88xi32, #tpu.memory_space<vmem>>) target_semaphore(%run_scoped3A : memref<!tpu.dma_semaphore, #tpu.memory_space<semaphore_mem>>)
        %dma_wait3A = arith.constant 0 : i32
        %dma_wait3A_135 = tpu.memref_slice %arg4[%add3A_130, %dma_wait3A] : memref<3648x88xi32, #tpu.memory_space<hbm>> -> memref<78x88xi32, #tpu.memory_space<hbm>>
        %dma_wait3A_136 = arith.constant 0 : i32
        %dma_wait3A_137 = tpu.memref_slice %arg4[%add3A_130, %dma_wait3A_136] : memref<3648x88xi32, #tpu.memory_space<hbm>> -> memref<78x88xi32, #tpu.memory_space<hbm>>
        tpu.wait_dma2 semaphore(%run_scoped3A : memref<!tpu.dma_semaphore, #tpu.memory_space<semaphore_mem>>) src(%dma_wait3A_137 : memref<78x88xi32, #tpu.memory_space<hbm>>) dst(%arg8 : memref<78x88xi32, #tpu.memory_space<vmem>>)
        tpu.yield
      }) : () -> ()
    } else {
    }
    %eq3A_6 = arith.constant 1 : i32
    %eq3A_7 = arith.cmpi eq, %arg0, %eq3A_6 : i32
    %convert_element_type3A_8 = arith.extui %eq3A_7 : i1 to i32
    %cond3A_9 = arith.constant 0 : i32
    %cond3A_10 = arith.cmpi ne, %convert_element_type3A_8, %cond3A_9 : i32
    scf.if %cond3A_10 {
      %mul3A_128 = arith.constant 72 : i32
      %mul3A_129 = arith.muli %arg1, %mul3A_128 : i32
      %add3A = arith.constant 2496 : i32
      %add3A_130 = arith.addi %add3A, %mul3A_129 : i32
      %add3A_131 = arith.constant 0 : i32
      %add3A_132 = arith.addi %add3A_130, %add3A_131 : i32
      "tpu.region"() ({
        %run_scoped3A = tpu.sem_alloc : memref<!tpu.dma_semaphore, #tpu.memory_space<semaphore_mem>>
        %dma_start3A_133 = arith.constant 0 : i32
        %dma_start3A_134 = arith.constant 0 : i32
        %dma_start3A_135 = tpu.memref_slice %arg7[%dma_start3A_133, %dma_start3A_134] : memref<78x88xi32, #tpu.memory_space<vmem>> -> memref<36x88xi32, #tpu.memory_space<vmem>>
        %dma_start3A_136 = arith.constant 0 : i32
        %dma_start3A_137 = tpu.memref_slice %arg3[%add3A_132, %dma_start3A_136] : memref<3648x88xi32, #tpu.memory_space<hbm>> -> memref<36x88xi32, #tpu.memory_space<hbm>>
        %dma_start3A_138 = arith.constant 0 : i32
        %dma_start3A_139 = arith.constant 0 : i32
        %dma_start3A_140 = tpu.memref_slice %arg7[%dma_start3A_138, %dma_start3A_139] : memref<78x88xi32, #tpu.memory_space<vmem>> -> memref<36x88xi32, #tpu.memory_space<vmem>>
        %dma_start3A_141 = arith.constant 0 : i32
        %dma_start3A_142 = tpu.memref_slice %arg3[%add3A_132, %dma_start3A_141] : memref<3648x88xi32, #tpu.memory_space<hbm>> -> memref<36x88xi32, #tpu.memory_space<hbm>>
        tpu.enqueue_dma source(%dma_start3A_142 : memref<36x88xi32, #tpu.memory_space<hbm>>) target(%dma_start3A_140 : memref<36x88xi32, #tpu.memory_space<vmem>>) target_semaphore(%run_scoped3A : memref<!tpu.dma_semaphore, #tpu.memory_space<semaphore_mem>>)
        %dma_wait3A = arith.constant 0 : i32
        %dma_wait3A_143 = arith.constant 0 : i32
        %dma_wait3A_144 = tpu.memref_slice %arg7[%dma_wait3A, %dma_wait3A_143] : memref<78x88xi32, #tpu.memory_space<vmem>> -> memref<36x88xi32, #tpu.memory_space<vmem>>
        %dma_wait3A_145 = arith.constant 0 : i32
        %dma_wait3A_146 = tpu.memref_slice %arg3[%add3A_132, %dma_wait3A_145] : memref<3648x88xi32, #tpu.memory_space<hbm>> -> memref<36x88xi32, #tpu.memory_space<hbm>>
        %dma_wait3A_147 = arith.constant 0 : i32
        %dma_wait3A_148 = arith.constant 0 : i32
        %dma_wait3A_149 = tpu.memref_slice %arg7[%dma_wait3A_147, %dma_wait3A_148] : memref<78x88xi32, #tpu.memory_space<vmem>> -> memref<36x88xi32, #tpu.memory_space<vmem>>
        %dma_wait3A_150 = arith.constant 0 : i32
        %dma_wait3A_151 = tpu.memref_slice %arg3[%add3A_132, %dma_wait3A_150] : memref<3648x88xi32, #tpu.memory_space<hbm>> -> memref<36x88xi32, #tpu.memory_space<hbm>>
        tpu.wait_dma2 semaphore(%run_scoped3A : memref<!tpu.dma_semaphore, #tpu.memory_space<semaphore_mem>>) src(%dma_wait3A_151 : memref<36x88xi32, #tpu.memory_space<hbm>>) dst(%dma_wait3A_149 : memref<36x88xi32, #tpu.memory_space<vmem>>)
        tpu.yield
      }) : () -> ()
      "tpu.region"() ({
        %run_scoped3A = tpu.sem_alloc : memref<!tpu.dma_semaphore, #tpu.memory_space<semaphore_mem>>
        %dma_start3A_133 = arith.constant 0 : i32
        %dma_start3A_134 = arith.constant 0 : i32
        %dma_start3A_135 = tpu.memref_slice %arg8[%dma_start3A_133, %dma_start3A_134] : memref<78x88xi32, #tpu.memory_space<vmem>> -> memref<36x88xi32, #tpu.memory_space<vmem>>
        %dma_start3A_136 = arith.constant 0 : i32
        %dma_start3A_137 = tpu.memref_slice %arg4[%add3A_132, %dma_start3A_136] : memref<3648x88xi32, #tpu.memory_space<hbm>> -> memref<36x88xi32, #tpu.memory_space<hbm>>
        %dma_start3A_138 = arith.constant 0 : i32
        %dma_start3A_139 = arith.constant 0 : i32
        %dma_start3A_140 = tpu.memref_slice %arg8[%dma_start3A_138, %dma_start3A_139] : memref<78x88xi32, #tpu.memory_space<vmem>> -> memref<36x88xi32, #tpu.memory_space<vmem>>
        %dma_start3A_141 = arith.constant 0 : i32
        %dma_start3A_142 = tpu.memref_slice %arg4[%add3A_132, %dma_start3A_141] : memref<3648x88xi32, #tpu.memory_space<hbm>> -> memref<36x88xi32, #tpu.memory_space<hbm>>
        tpu.enqueue_dma source(%dma_start3A_142 : memref<36x88xi32, #tpu.memory_space<hbm>>) target(%dma_start3A_140 : memref<36x88xi32, #tpu.memory_space<vmem>>) target_semaphore(%run_scoped3A : memref<!tpu.dma_semaphore, #tpu.memory_space<semaphore_mem>>)
        %dma_wait3A = arith.constant 0 : i32
        %dma_wait3A_143 = arith.constant 0 : i32
        %dma_wait3A_144 = tpu.memref_slice %arg8[%dma_wait3A, %dma_wait3A_143] : memref<78x88xi32, #tpu.memory_space<vmem>> -> memref<36x88xi32, #tpu.memory_space<vmem>>
        %dma_wait3A_145 = arith.constant 0 : i32
        %dma_wait3A_146 = tpu.memref_slice %arg4[%add3A_132, %dma_wait3A_145] : memref<3648x88xi32, #tpu.memory_space<hbm>> -> memref<36x88xi32, #tpu.memory_space<hbm>>
        %dma_wait3A_147 = arith.constant 0 : i32
        %dma_wait3A_148 = arith.constant 0 : i32
        %dma_wait3A_149 = tpu.memref_slice %arg8[%dma_wait3A_147, %dma_wait3A_148] : memref<78x88xi32, #tpu.memory_space<vmem>> -> memref<36x88xi32, #tpu.memory_space<vmem>>
        %dma_wait3A_150 = arith.constant 0 : i32
        %dma_wait3A_151 = tpu.memref_slice %arg4[%add3A_132, %dma_wait3A_150] : memref<3648x88xi32, #tpu.memory_space<hbm>> -> memref<36x88xi32, #tpu.memory_space<hbm>>
        tpu.wait_dma2 semaphore(%run_scoped3A : memref<!tpu.dma_semaphore, #tpu.memory_space<semaphore_mem>>) src(%dma_wait3A_151 : memref<36x88xi32, #tpu.memory_space<hbm>>) dst(%dma_wait3A_149 : memref<36x88xi32, #tpu.memory_space<vmem>>)
        tpu.yield
      }) : () -> ()
    } else {
    }
    %dma_start3A = arith.constant 0 : i32
    %dma_start3A_11 = arith.constant 0 : i32
    %dma_start3A_12 = tpu.memref_slice %arg7[%dma_start3A, %dma_start3A_11] : memref<78x88xi32, #tpu.memory_space<vmem>> -> memref<1x88xi32, #tpu.memory_space<vmem>>
    %dma_start3A_13 = tpu.memref_squeeze %dma_start3A_12 : memref<1x88xi32, #tpu.memory_space<vmem>> -> memref<88xi32, #tpu.memory_space<vmem>>
    %dma_start3A_14 = arith.constant 0 : i32
    %dma_start3A_15 = arith.constant 0 : i32
    %dma_start3A_16 = tpu.memref_slice %arg2[%dma_start3A_14, %dma_start3A_15] : memref<10000x128xf32, #tpu.memory_space<hbm>> -> memref<10000x128xf32, #tpu.memory_space<hbm>>
    tpu.enqueue_indirect_dma source(%dma_start3A_16 : memref<10000x128xf32, #tpu.memory_space<hbm>>) target(%arg9 : memref<88x128xf32, #tpu.memory_space<vmem>>) offsets(%dma_start3A_13 : memref<88xi32, #tpu.memory_space<vmem>>) semaphore(%arg12 : memref<!tpu.dma_semaphore, #tpu.memory_space<semaphore_mem>>)
    %dma_start3A_17 = arith.constant 1 : i32
    %dma_start3A_18 = arith.constant 0 : i32
    %dma_start3A_19 = tpu.memref_slice %arg7[%dma_start3A_17, %dma_start3A_18] : memref<78x88xi32, #tpu.memory_space<vmem>> -> memref<1x88xi32, #tpu.memory_space<vmem>>
    %dma_start3A_20 = tpu.memref_squeeze %dma_start3A_19 : memref<1x88xi32, #tpu.memory_space<vmem>> -> memref<88xi32, #tpu.memory_space<vmem>>
    %dma_start3A_21 = arith.constant 0 : i32
    %dma_start3A_22 = arith.constant 0 : i32
    %dma_start3A_23 = tpu.memref_slice %arg2[%dma_start3A_21, %dma_start3A_22] : memref<10000x128xf32, #tpu.memory_space<hbm>> -> memref<10000x128xf32, #tpu.memory_space<hbm>>
    tpu.enqueue_indirect_dma source(%dma_start3A_23 : memref<10000x128xf32, #tpu.memory_space<hbm>>) target(%arg10 : memref<88x128xf32, #tpu.memory_space<vmem>>) offsets(%dma_start3A_20 : memref<88xi32, #tpu.memory_space<vmem>>) semaphore(%arg13 : memref<!tpu.dma_semaphore, #tpu.memory_space<semaphore_mem>>)
    %dma_start3A_24 = arith.constant 2 : i32
    %dma_start3A_25 = arith.constant 0 : i32
    %dma_start3A_26 = tpu.memref_slice %arg7[%dma_start3A_24, %dma_start3A_25] : memref<78x88xi32, #tpu.memory_space<vmem>> -> memref<1x88xi32, #tpu.memory_space<vmem>>
    %dma_start3A_27 = tpu.memref_squeeze %dma_start3A_26 : memref<1x88xi32, #tpu.memory_space<vmem>> -> memref<88xi32, #tpu.memory_space<vmem>>
    %dma_start3A_28 = arith.constant 0 : i32
    %dma_start3A_29 = arith.constant 0 : i32
    %dma_start3A_30 = tpu.memref_slice %arg2[%dma_start3A_28, %dma_start3A_29] : memref<10000x128xf32, #tpu.memory_space<hbm>> -> memref<10000x128xf32, #tpu.memory_space<hbm>>
    tpu.enqueue_indirect_dma source(%dma_start3A_30 : memref<10000x128xf32, #tpu.memory_space<hbm>>) target(%arg11 : memref<88x128xf32, #tpu.memory_space<vmem>>) offsets(%dma_start3A_27 : memref<88xi32, #tpu.memory_space<vmem>>) semaphore(%arg14 : memref<!tpu.dma_semaphore, #tpu.memory_space<semaphore_mem>>)
    %jit3A_31 = arith.constant 3 : i32
    %div3A = arith.divsi %select_n3A, %jit3A_31 : i32
    %sign3A = arith.constant 0 : i32
    %sign3A_32 = arith.cmpi sgt, %select_n3A, %sign3A : i32
    %sign3A_33 = arith.extui %sign3A_32 : i1 to i32
    %sign3A_34 = arith.constant 0 : i32
    %sign3A_35 = arith.cmpi slt, %select_n3A, %sign3A_34 : i32
    %sign3A_36 = arith.extui %sign3A_35 : i1 to i32
    %sign3A_37 = arith.subi %sign3A_33, %sign3A_36 : i32
    %sign3A_38 = arith.constant 0 : i32
    %sign3A_39 = arith.cmpi sgt, %jit3A_31, %sign3A_38 : i32
    %sign3A_40 = arith.extui %sign3A_39 : i1 to i32
    %sign3A_41 = arith.constant 0 : i32
    %sign3A_42 = arith.cmpi slt, %jit3A_31, %sign3A_41 : i32
    %sign3A_43 = arith.extui %sign3A_42 : i1 to i32
    %sign3A_44 = arith.subi %sign3A_40, %sign3A_43 : i32
    %ne3A = arith.cmpi ne, %sign3A_37, %sign3A_44 : i32
    %rem3A = arith.remsi %select_n3A, %jit3A_31 : i32
    %ne3A_45 = arith.constant 0 : i32
    %ne3A_46 = arith.cmpi ne, %rem3A, %ne3A_45 : i32
    %and3A = arith.andi %ne3A, %ne3A_46 : i1
    %sub3A = arith.constant 1 : i32
    %sub3A_47 = arith.subi %div3A, %sub3A : i32
    %select_n3A_48 = arith.select %and3A, %sub3A_47, %div3A : i32
    %while3A = arith.constant 0 : i32
    %while3A_49 = arith.constant 0 : i32
    %while3A_50 = arith.subi %select_n3A_48, %while3A_49 : i32
    %while3A_51 = arith.addi %while3A_49, %while3A_50 : i32
    %while3A_52 = arith.constant 1 : i32
    %while3A_53 = arith.divsi %while3A_50, %while3A_52 : i32
    %while3A_54 = arith.muli %while3A_53, %while3A_52 : i32
    %while3A_55 = arith.addi %while3A_49, %while3A_54 : i32
    %while3A_56 = arith.constant 1 : i32
    scf.for %while3A_128 = %while3A_49 to %while3A_55 step %while3A_56  : i32 {
      %mul3A_129 = arith.constant 3 : i32
      %mul3A_130 = arith.muli %mul3A_129, %while3A_128 : i32
      %add3A = arith.constant 0 : i32
      %add3A_131 = arith.addi %mul3A_130, %add3A : i32
      %dma_wait3A = arith.constant 0 : i32
      %dma_wait3A_132 = arith.constant 0 : i32
      %dma_wait3A_133 = tpu.memref_slice %arg5[%dma_wait3A, %dma_wait3A_132] : memref<625x128xf32, #tpu.memory_space<hbm>> -> memref<88x128xf32, #tpu.memory_space<hbm>>
      %dma_wait3A_134 = arith.constant 0 : i32
      %dma_wait3A_135 = arith.constant 0 : i32
      %dma_wait3A_136 = tpu.memref_slice %arg5[%dma_wait3A_134, %dma_wait3A_135] : memref<625x128xf32, #tpu.memory_space<hbm>> -> memref<88x128xf32, #tpu.memory_space<hbm>>
      tpu.wait_dma2 semaphore(%arg12 : memref<!tpu.dma_semaphore, #tpu.memory_space<semaphore_mem>>) src(%dma_wait3A_136 : memref<88x128xf32, #tpu.memory_space<hbm>>) dst(%arg9 : memref<88x128xf32, #tpu.memory_space<vmem>>)
      "tpu.region"() ({
        %run_scoped3A = tpu.sem_alloc : memref<!tpu.dma_semaphore, #tpu.memory_space<semaphore_mem>>
        %dma_start3A_174 = arith.constant 0 : i32
        %dma_start3A_175 = tpu.memref_slice %arg8[%add3A_131, %dma_start3A_174] : memref<78x88xi32, #tpu.memory_space<vmem>> -> memref<1x88xi32, #tpu.memory_space<vmem>>
        %dma_start3A_176 = tpu.memref_squeeze %dma_start3A_175 : memref<1x88xi32, #tpu.memory_space<vmem>> -> memref<88xi32, #tpu.memory_space<vmem>>
        %dma_start3A_177 = arith.constant 0 : i32
        %dma_start3A_178 = arith.constant 0 : i32
        %dma_start3A_179 = tpu.memref_slice %arg15[%dma_start3A_177, %dma_start3A_178] : memref<10008x128xf32, #tpu.memory_space<vmem_shared>> -> memref<10008x128xf32, #tpu.memory_space<vmem_shared>>
        tpu.enqueue_indirect_dma source(%arg9 : memref<88x128xf32, #tpu.memory_space<vmem>>) target(%dma_start3A_179 : memref<10008x128xf32, #tpu.memory_space<vmem_shared>>) offsets(%dma_start3A_176 : memref<88xi32, #tpu.memory_space<vmem>>) semaphore(%run_scoped3A : memref<!tpu.dma_semaphore, #tpu.memory_space<semaphore_mem>>) {add = true}
        %dma_wait3A_180 = arith.constant 0 : i32
        %dma_wait3A_181 = tpu.memref_slice %arg8[%add3A_131, %dma_wait3A_180] : memref<78x88xi32, #tpu.memory_space<vmem>> -> memref<1x88xi32, #tpu.memory_space<vmem>>
        %dma_wait3A_182 = tpu.memref_squeeze %dma_wait3A_181 : memref<1x88xi32, #tpu.memory_space<vmem>> -> memref<88xi32, #tpu.memory_space<vmem>>
        %dma_wait3A_183 = arith.constant 0 : i32
        %dma_wait3A_184 = arith.constant 0 : i32
        %dma_wait3A_185 = tpu.memref_slice %arg15[%dma_wait3A_183, %dma_wait3A_184] : memref<10008x128xf32, #tpu.memory_space<vmem_shared>> -> memref<10008x128xf32, #tpu.memory_space<vmem_shared>>
        tpu.wait_indirect_dma semaphore(%run_scoped3A : memref<!tpu.dma_semaphore, #tpu.memory_space<semaphore_mem>>) src(%arg9 : memref<88x128xf32, #tpu.memory_space<vmem>>) dst(%dma_wait3A_185 : memref<10008x128xf32, #tpu.memory_space<vmem_shared>>)
        tpu.yield
      }) : () -> ()
      %add3A_137 = arith.constant 3 : i32
      %add3A_138 = arith.addi %add3A_131, %add3A_137 : i32
      %lt3A = arith.cmpi slt, %add3A_138, %select_n3A : i32
      %convert_element_type3A_139 = arith.extui %lt3A : i1 to i32
      %cond3A_140 = arith.constant 0 : i32
      %cond3A_141 = arith.cmpi ne, %convert_element_type3A_139, %cond3A_140 : i32
      scf.if %cond3A_141 {
        %add3A_174 = arith.constant 3 : i32
        %add3A_175 = arith.addi %add3A_131, %add3A_174 : i32
        %dma_start3A_176 = arith.constant 0 : i32
        %dma_start3A_177 = tpu.memref_slice %arg7[%add3A_175, %dma_start3A_176] : memref<78x88xi32, #tpu.memory_space<vmem>> -> memref<1x88xi32, #tpu.memory_space<vmem>>
        %dma_start3A_178 = tpu.memref_squeeze %dma_start3A_177 : memref<1x88xi32, #tpu.memory_space<vmem>> -> memref<88xi32, #tpu.memory_space<vmem>>
        %dma_start3A_179 = arith.constant 0 : i32
        %dma_start3A_180 = arith.constant 0 : i32
        %dma_start3A_181 = tpu.memref_slice %arg2[%dma_start3A_179, %dma_start3A_180] : memref<10000x128xf32, #tpu.memory_space<hbm>> -> memref<10000x128xf32, #tpu.memory_space<hbm>>
        tpu.enqueue_indirect_dma source(%dma_start3A_181 : memref<10000x128xf32, #tpu.memory_space<hbm>>) target(%arg9 : memref<88x128xf32, #tpu.memory_space<vmem>>) offsets(%dma_start3A_178 : memref<88xi32, #tpu.memory_space<vmem>>) semaphore(%arg12 : memref<!tpu.dma_semaphore, #tpu.memory_space<semaphore_mem>>)
      } else {
      }
      %mul3A_142 = arith.constant 3 : i32
      %mul3A_143 = arith.muli %mul3A_142, %while3A_128 : i32
      %add3A_144 = arith.constant 1 : i32
      %add3A_145 = arith.addi %mul3A_143, %add3A_144 : i32
      %dma_wait3A_146 = arith.constant 0 : i32
      %dma_wait3A_147 = arith.constant 0 : i32
      %dma_wait3A_148 = tpu.memref_slice %arg5[%dma_wait3A_146, %dma_wait3A_147] : memref<625x128xf32, #tpu.memory_space<hbm>> -> memref<88x128xf32, #tpu.memory_space<hbm>>
      %dma_wait3A_149 = arith.constant 0 : i32
      %dma_wait3A_150 = arith.constant 0 : i32
      %dma_wait3A_151 = tpu.memref_slice %arg5[%dma_wait3A_149, %dma_wait3A_150] : memref<625x128xf32, #tpu.memory_space<hbm>> -> memref<88x128xf32, #tpu.memory_space<hbm>>
      tpu.wait_dma2 semaphore(%arg13 : memref<!tpu.dma_semaphore, #tpu.memory_space<semaphore_mem>>) src(%dma_wait3A_151 : memref<88x128xf32, #tpu.memory_space<hbm>>) dst(%arg10 : memref<88x128xf32, #tpu.memory_space<vmem>>)
      "tpu.region"() ({
        %run_scoped3A = tpu.sem_alloc : memref<!tpu.dma_semaphore, #tpu.memory_space<semaphore_mem>>
        %dma_start3A_174 = arith.constant 0 : i32
        %dma_start3A_175 = tpu.memref_slice %arg8[%add3A_145, %dma_start3A_174] : memref<78x88xi32, #tpu.memory_space<vmem>> -> memref<1x88xi32, #tpu.memory_space<vmem>>
        %dma_start3A_176 = tpu.memref_squeeze %dma_start3A_175 : memref<1x88xi32, #tpu.memory_space<vmem>> -> memref<88xi32, #tpu.memory_space<vmem>>
        %dma_start3A_177 = arith.constant 0 : i32
        %dma_start3A_178 = arith.constant 0 : i32
        %dma_start3A_179 = tpu.memref_slice %arg15[%dma_start3A_177, %dma_start3A_178] : memref<10008x128xf32, #tpu.memory_space<vmem_shared>> -> memref<10008x128xf32, #tpu.memory_space<vmem_shared>>
        tpu.enqueue_indirect_dma source(%arg10 : memref<88x128xf32, #tpu.memory_space<vmem>>) target(%dma_start3A_179 : memref<10008x128xf32, #tpu.memory_space<vmem_shared>>) offsets(%dma_start3A_176 : memref<88xi32, #tpu.memory_space<vmem>>) semaphore(%run_scoped3A : memref<!tpu.dma_semaphore, #tpu.memory_space<semaphore_mem>>) {add = true}
        %dma_wait3A_180 = arith.constant 0 : i32
        %dma_wait3A_181 = tpu.memref_slice %arg8[%add3A_145, %dma_wait3A_180] : memref<78x88xi32, #tpu.memory_space<vmem>> -> memref<1x88xi32, #tpu.memory_space<vmem>>
        %dma_wait3A_182 = tpu.memref_squeeze %dma_wait3A_181 : memref<1x88xi32, #tpu.memory_space<vmem>> -> memref<88xi32, #tpu.memory_space<vmem>>
        %dma_wait3A_183 = arith.constant 0 : i32
        %dma_wait3A_184 = arith.constant 0 : i32
        %dma_wait3A_185 = tpu.memref_slice %arg15[%dma_wait3A_183, %dma_wait3A_184] : memref<10008x128xf32, #tpu.memory_space<vmem_shared>> -> memref<10008x128xf32, #tpu.memory_space<vmem_shared>>
        tpu.wait_indirect_dma semaphore(%run_scoped3A : memref<!tpu.dma_semaphore, #tpu.memory_space<semaphore_mem>>) src(%arg10 : memref<88x128xf32, #tpu.memory_space<vmem>>) dst(%dma_wait3A_185 : memref<10008x128xf32, #tpu.memory_space<vmem_shared>>)
        tpu.yield
      }) : () -> ()
      %add3A_152 = arith.constant 3 : i32
      %add3A_153 = arith.addi %add3A_145, %add3A_152 : i32
      %lt3A_154 = arith.cmpi slt, %add3A_153, %select_n3A : i32
      %convert_element_type3A_155 = arith.extui %lt3A_154 : i1 to i32
      %cond3A_156 = arith.constant 0 : i32
      %cond3A_157 = arith.cmpi ne, %convert_element_type3A_155, %cond3A_156 : i32
      scf.if %cond3A_157 {
        %add3A_174 = arith.constant 3 : i32
        %add3A_175 = arith.addi %add3A_145, %add3A_174 : i32
        %dma_start3A_176 = arith.constant 0 : i32
        %dma_start3A_177 = tpu.memref_slice %arg7[%add3A_175, %dma_start3A_176] : memref<78x88xi32, #tpu.memory_space<vmem>> -> memref<1x88xi32, #tpu.memory_space<vmem>>
        %dma_start3A_178 = tpu.memref_squeeze %dma_start3A_177 : memref<1x88xi32, #tpu.memory_space<vmem>> -> memref<88xi32, #tpu.memory_space<vmem>>
        %dma_start3A_179 = arith.constant 0 : i32
        %dma_start3A_180 = arith.constant 0 : i32
        %dma_start3A_181 = tpu.memref_slice %arg2[%dma_start3A_179, %dma_start3A_180] : memref<10000x128xf32, #tpu.memory_space<hbm>> -> memref<10000x128xf32, #tpu.memory_space<hbm>>
        tpu.enqueue_indirect_dma source(%dma_start3A_181 : memref<10000x128xf32, #tpu.memory_space<hbm>>) target(%arg10 : memref<88x128xf32, #tpu.memory_space<vmem>>) offsets(%dma_start3A_178 : memref<88xi32, #tpu.memory_space<vmem>>) semaphore(%arg13 : memref<!tpu.dma_semaphore, #tpu.memory_space<semaphore_mem>>)
      } else {
      }
      %mul3A_158 = arith.constant 3 : i32
      %mul3A_159 = arith.muli %mul3A_158, %while3A_128 : i32
      %add3A_160 = arith.constant 2 : i32
      %add3A_161 = arith.addi %mul3A_159, %add3A_160 : i32
      %dma_wait3A_162 = arith.constant 0 : i32
      %dma_wait3A_163 = arith.constant 0 : i32
      %dma_wait3A_164 = tpu.memref_slice %arg5[%dma_wait3A_162, %dma_wait3A_163] : memref<625x128xf32, #tpu.memory_space<hbm>> -> memref<88x128xf32, #tpu.memory_space<hbm>>
      %dma_wait3A_165 = arith.constant 0 : i32
      %dma_wait3A_166 = arith.constant 0 : i32
      %dma_wait3A_167 = tpu.memref_slice %arg5[%dma_wait3A_165, %dma_wait3A_166] : memref<625x128xf32, #tpu.memory_space<hbm>> -> memref<88x128xf32, #tpu.memory_space<hbm>>
      tpu.wait_dma2 semaphore(%arg14 : memref<!tpu.dma_semaphore, #tpu.memory_space<semaphore_mem>>) src(%dma_wait3A_167 : memref<88x128xf32, #tpu.memory_space<hbm>>) dst(%arg11 : memref<88x128xf32, #tpu.memory_space<vmem>>)
      "tpu.region"() ({
        %run_scoped3A = tpu.sem_alloc : memref<!tpu.dma_semaphore, #tpu.memory_space<semaphore_mem>>
        %dma_start3A_174 = arith.constant 0 : i32
        %dma_start3A_175 = tpu.memref_slice %arg8[%add3A_161, %dma_start3A_174] : memref<78x88xi32, #tpu.memory_space<vmem>> -> memref<1x88xi32, #tpu.memory_space<vmem>>
        %dma_start3A_176 = tpu.memref_squeeze %dma_start3A_175 : memref<1x88xi32, #tpu.memory_space<vmem>> -> memref<88xi32, #tpu.memory_space<vmem>>
        %dma_start3A_177 = arith.constant 0 : i32
        %dma_start3A_178 = arith.constant 0 : i32
        %dma_start3A_179 = tpu.memref_slice %arg15[%dma_start3A_177, %dma_start3A_178] : memref<10008x128xf32, #tpu.memory_space<vmem_shared>> -> memref<10008x128xf32, #tpu.memory_space<vmem_shared>>
        tpu.enqueue_indirect_dma source(%arg11 : memref<88x128xf32, #tpu.memory_space<vmem>>) target(%dma_start3A_179 : memref<10008x128xf32, #tpu.memory_space<vmem_shared>>) offsets(%dma_start3A_176 : memref<88xi32, #tpu.memory_space<vmem>>) semaphore(%run_scoped3A : memref<!tpu.dma_semaphore, #tpu.memory_space<semaphore_mem>>) {add = true}
        %dma_wait3A_180 = arith.constant 0 : i32
        %dma_wait3A_181 = tpu.memref_slice %arg8[%add3A_161, %dma_wait3A_180] : memref<78x88xi32, #tpu.memory_space<vmem>> -> memref<1x88xi32, #tpu.memory_space<vmem>>
        %dma_wait3A_182 = tpu.memref_squeeze %dma_wait3A_181 : memref<1x88xi32, #tpu.memory_space<vmem>> -> memref<88xi32, #tpu.memory_space<vmem>>
        %dma_wait3A_183 = arith.constant 0 : i32
        %dma_wait3A_184 = arith.constant 0 : i32
        %dma_wait3A_185 = tpu.memref_slice %arg15[%dma_wait3A_183, %dma_wait3A_184] : memref<10008x128xf32, #tpu.memory_space<vmem_shared>> -> memref<10008x128xf32, #tpu.memory_space<vmem_shared>>
        tpu.wait_indirect_dma semaphore(%run_scoped3A : memref<!tpu.dma_semaphore, #tpu.memory_space<semaphore_mem>>) src(%arg11 : memref<88x128xf32, #tpu.memory_space<vmem>>) dst(%dma_wait3A_185 : memref<10008x128xf32, #tpu.memory_space<vmem_shared>>)
        tpu.yield
      }) : () -> ()
      %add3A_168 = arith.constant 3 : i32
      %add3A_169 = arith.addi %add3A_161, %add3A_168 : i32
      %lt3A_170 = arith.cmpi slt, %add3A_169, %select_n3A : i32
      %convert_element_type3A_171 = arith.extui %lt3A_170 : i1 to i32
      %cond3A_172 = arith.constant 0 : i32
      %cond3A_173 = arith.cmpi ne, %convert_element_type3A_171, %cond3A_172 : i32
      scf.if %cond3A_173 {
        %add3A_174 = arith.constant 3 : i32
        %add3A_175 = arith.addi %add3A_161, %add3A_174 : i32
        %dma_start3A_176 = arith.constant 0 : i32
        %dma_start3A_177 = tpu.memref_slice %arg7[%add3A_175, %dma_start3A_176] : memref<78x88xi32, #tpu.memory_space<vmem>> -> memref<1x88xi32, #tpu.memory_space<vmem>>
        %dma_start3A_178 = tpu.memref_squeeze %dma_start3A_177 : memref<1x88xi32, #tpu.memory_space<vmem>> -> memref<88xi32, #tpu.memory_space<vmem>>
        %dma_start3A_179 = arith.constant 0 : i32
        %dma_start3A_180 = arith.constant 0 : i32
        %dma_start3A_181 = tpu.memref_slice %arg2[%dma_start3A_179, %dma_start3A_180] : memref<10000x128xf32, #tpu.memory_space<hbm>> -> memref<10000x128xf32, #tpu.memory_space<hbm>>
        tpu.enqueue_indirect_dma source(%dma_start3A_181 : memref<10000x128xf32, #tpu.memory_space<hbm>>) target(%arg11 : memref<88x128xf32, #tpu.memory_space<vmem>>) offsets(%dma_start3A_178 : memref<88xi32, #tpu.memory_space<vmem>>) semaphore(%arg14 : memref<!tpu.dma_semaphore, #tpu.memory_space<semaphore_mem>>)
      } else {
      }
    }
    %while3A_57 = arith.constant 1 : i32
    scf.for %while3A_128 = %while3A_55 to %while3A_51 step %while3A_57  : i32 {
      %mul3A_129 = arith.constant 3 : i32
      %mul3A_130 = arith.muli %mul3A_129, %while3A_128 : i32
      %add3A = arith.constant 0 : i32
      %add3A_131 = arith.addi %mul3A_130, %add3A : i32
      %dma_wait3A = arith.constant 0 : i32
      %dma_wait3A_132 = arith.constant 0 : i32
      %dma_wait3A_133 = tpu.memref_slice %arg5[%dma_wait3A, %dma_wait3A_132] : memref<625x128xf32, #tpu.memory_space<hbm>> -> memref<88x128xf32, #tpu.memory_space<hbm>>
      %dma_wait3A_134 = arith.constant 0 : i32
      %dma_wait3A_135 = arith.constant 0 : i32
      %dma_wait3A_136 = tpu.memref_slice %arg5[%dma_wait3A_134, %dma_wait3A_135] : memref<625x128xf32, #tpu.memory_space<hbm>> -> memref<88x128xf32, #tpu.memory_space<hbm>>
      tpu.wait_dma2 semaphore(%arg12 : memref<!tpu.dma_semaphore, #tpu.memory_space<semaphore_mem>>) src(%dma_wait3A_136 : memref<88x128xf32, #tpu.memory_space<hbm>>) dst(%arg9 : memref<88x128xf32, #tpu.memory_space<vmem>>)
      "tpu.region"() ({
        %run_scoped3A = tpu.sem_alloc : memref<!tpu.dma_semaphore, #tpu.memory_space<semaphore_mem>>
        %dma_start3A_174 = arith.constant 0 : i32
        %dma_start3A_175 = tpu.memref_slice %arg8[%add3A_131, %dma_start3A_174] : memref<78x88xi32, #tpu.memory_space<vmem>> -> memref<1x88xi32, #tpu.memory_space<vmem>>
        %dma_start3A_176 = tpu.memref_squeeze %dma_start3A_175 : memref<1x88xi32, #tpu.memory_space<vmem>> -> memref<88xi32, #tpu.memory_space<vmem>>
        %dma_start3A_177 = arith.constant 0 : i32
        %dma_start3A_178 = arith.constant 0 : i32
        %dma_start3A_179 = tpu.memref_slice %arg15[%dma_start3A_177, %dma_start3A_178] : memref<10008x128xf32, #tpu.memory_space<vmem_shared>> -> memref<10008x128xf32, #tpu.memory_space<vmem_shared>>
        tpu.enqueue_indirect_dma source(%arg9 : memref<88x128xf32, #tpu.memory_space<vmem>>) target(%dma_start3A_179 : memref<10008x128xf32, #tpu.memory_space<vmem_shared>>) offsets(%dma_start3A_176 : memref<88xi32, #tpu.memory_space<vmem>>) semaphore(%run_scoped3A : memref<!tpu.dma_semaphore, #tpu.memory_space<semaphore_mem>>) {add = true}
        %dma_wait3A_180 = arith.constant 0 : i32
        %dma_wait3A_181 = tpu.memref_slice %arg8[%add3A_131, %dma_wait3A_180] : memref<78x88xi32, #tpu.memory_space<vmem>> -> memref<1x88xi32, #tpu.memory_space<vmem>>
        %dma_wait3A_182 = tpu.memref_squeeze %dma_wait3A_181 : memref<1x88xi32, #tpu.memory_space<vmem>> -> memref<88xi32, #tpu.memory_space<vmem>>
        %dma_wait3A_183 = arith.constant 0 : i32
        %dma_wait3A_184 = arith.constant 0 : i32
        %dma_wait3A_185 = tpu.memref_slice %arg15[%dma_wait3A_183, %dma_wait3A_184] : memref<10008x128xf32, #tpu.memory_space<vmem_shared>> -> memref<10008x128xf32, #tpu.memory_space<vmem_shared>>
        tpu.wait_indirect_dma semaphore(%run_scoped3A : memref<!tpu.dma_semaphore, #tpu.memory_space<semaphore_mem>>) src(%arg9 : memref<88x128xf32, #tpu.memory_space<vmem>>) dst(%dma_wait3A_185 : memref<10008x128xf32, #tpu.memory_space<vmem_shared>>)
        tpu.yield
      }) : () -> ()
      %add3A_137 = arith.constant 3 : i32
      %add3A_138 = arith.addi %add3A_131, %add3A_137 : i32
      %lt3A = arith.cmpi slt, %add3A_138, %select_n3A : i32
      %convert_element_type3A_139 = arith.extui %lt3A : i1 to i32
      %cond3A_140 = arith.constant 0 : i32
      %cond3A_141 = arith.cmpi ne, %convert_element_type3A_139, %cond3A_140 : i32
      scf.if %cond3A_141 {
        %add3A_174 = arith.constant 3 : i32
        %add3A_175 = arith.addi %add3A_131, %add3A_174 : i32
        %dma_start3A_176 = arith.constant 0 : i32
        %dma_start3A_177 = tpu.memref_slice %arg7[%add3A_175, %dma_start3A_176] : memref<78x88xi32, #tpu.memory_space<vmem>> -> memref<1x88xi32, #tpu.memory_space<vmem>>
        %dma_start3A_178 = tpu.memref_squeeze %dma_start3A_177 : memref<1x88xi32, #tpu.memory_space<vmem>> -> memref<88xi32, #tpu.memory_space<vmem>>
        %dma_start3A_179 = arith.constant 0 : i32
        %dma_start3A_180 = arith.constant 0 : i32
        %dma_start3A_181 = tpu.memref_slice %arg2[%dma_start3A_179, %dma_start3A_180] : memref<10000x128xf32, #tpu.memory_space<hbm>> -> memref<10000x128xf32, #tpu.memory_space<hbm>>
        tpu.enqueue_indirect_dma source(%dma_start3A_181 : memref<10000x128xf32, #tpu.memory_space<hbm>>) target(%arg9 : memref<88x128xf32, #tpu.memory_space<vmem>>) offsets(%dma_start3A_178 : memref<88xi32, #tpu.memory_space<vmem>>) semaphore(%arg12 : memref<!tpu.dma_semaphore, #tpu.memory_space<semaphore_mem>>)
      } else {
      }
      %mul3A_142 = arith.constant 3 : i32
      %mul3A_143 = arith.muli %mul3A_142, %while3A_128 : i32
      %add3A_144 = arith.constant 1 : i32
      %add3A_145 = arith.addi %mul3A_143, %add3A_144 : i32
      %dma_wait3A_146 = arith.constant 0 : i32
      %dma_wait3A_147 = arith.constant 0 : i32
      %dma_wait3A_148 = tpu.memref_slice %arg5[%dma_wait3A_146, %dma_wait3A_147] : memref<625x128xf32, #tpu.memory_space<hbm>> -> memref<88x128xf32, #tpu.memory_space<hbm>>
      %dma_wait3A_149 = arith.constant 0 : i32
      %dma_wait3A_150 = arith.constant 0 : i32
      %dma_wait3A_151 = tpu.memref_slice %arg5[%dma_wait3A_149, %dma_wait3A_150] : memref<625x128xf32, #tpu.memory_space<hbm>> -> memref<88x128xf32, #tpu.memory_space<hbm>>
      tpu.wait_dma2 semaphore(%arg13 : memref<!tpu.dma_semaphore, #tpu.memory_space<semaphore_mem>>) src(%dma_wait3A_151 : memref<88x128xf32, #tpu.memory_space<hbm>>) dst(%arg10 : memref<88x128xf32, #tpu.memory_space<vmem>>)
      "tpu.region"() ({
        %run_scoped3A = tpu.sem_alloc : memref<!tpu.dma_semaphore, #tpu.memory_space<semaphore_mem>>
        %dma_start3A_174 = arith.constant 0 : i32
        %dma_start3A_175 = tpu.memref_slice %arg8[%add3A_145, %dma_start3A_174] : memref<78x88xi32, #tpu.memory_space<vmem>> -> memref<1x88xi32, #tpu.memory_space<vmem>>
        %dma_start3A_176 = tpu.memref_squeeze %dma_start3A_175 : memref<1x88xi32, #tpu.memory_space<vmem>> -> memref<88xi32, #tpu.memory_space<vmem>>
        %dma_start3A_177 = arith.constant 0 : i32
        %dma_start3A_178 = arith.constant 0 : i32
        %dma_start3A_179 = tpu.memref_slice %arg15[%dma_start3A_177, %dma_start3A_178] : memref<10008x128xf32, #tpu.memory_space<vmem_shared>> -> memref<10008x128xf32, #tpu.memory_space<vmem_shared>>
        tpu.enqueue_indirect_dma source(%arg10 : memref<88x128xf32, #tpu.memory_space<vmem>>) target(%dma_start3A_179 : memref<10008x128xf32, #tpu.memory_space<vmem_shared>>) offsets(%dma_start3A_176 : memref<88xi32, #tpu.memory_space<vmem>>) semaphore(%run_scoped3A : memref<!tpu.dma_semaphore, #tpu.memory_space<semaphore_mem>>) {add = true}
        %dma_wait3A_180 = arith.constant 0 : i32
        %dma_wait3A_181 = tpu.memref_slice %arg8[%add3A_145, %dma_wait3A_180] : memref<78x88xi32, #tpu.memory_space<vmem>> -> memref<1x88xi32, #tpu.memory_space<vmem>>
        %dma_wait3A_182 = tpu.memref_squeeze %dma_wait3A_181 : memref<1x88xi32, #tpu.memory_space<vmem>> -> memref<88xi32, #tpu.memory_space<vmem>>
        %dma_wait3A_183 = arith.constant 0 : i32
        %dma_wait3A_184 = arith.constant 0 : i32
        %dma_wait3A_185 = tpu.memref_slice %arg15[%dma_wait3A_183, %dma_wait3A_184] : memref<10008x128xf32, #tpu.memory_space<vmem_shared>> -> memref<10008x128xf32, #tpu.memory_space<vmem_shared>>
        tpu.wait_indirect_dma semaphore(%run_scoped3A : memref<!tpu.dma_semaphore, #tpu.memory_space<semaphore_mem>>) src(%arg10 : memref<88x128xf32, #tpu.memory_space<vmem>>) dst(%dma_wait3A_185 : memref<10008x128xf32, #tpu.memory_space<vmem_shared>>)
        tpu.yield
      }) : () -> ()
      %add3A_152 = arith.constant 3 : i32
      %add3A_153 = arith.addi %add3A_145, %add3A_152 : i32
      %lt3A_154 = arith.cmpi slt, %add3A_153, %select_n3A : i32
      %convert_element_type3A_155 = arith.extui %lt3A_154 : i1 to i32
      %cond3A_156 = arith.constant 0 : i32
      %cond3A_157 = arith.cmpi ne, %convert_element_type3A_155, %cond3A_156 : i32
      scf.if %cond3A_157 {
        %add3A_174 = arith.constant 3 : i32
        %add3A_175 = arith.addi %add3A_145, %add3A_174 : i32
        %dma_start3A_176 = arith.constant 0 : i32
        %dma_start3A_177 = tpu.memref_slice %arg7[%add3A_175, %dma_start3A_176] : memref<78x88xi32, #tpu.memory_space<vmem>> -> memref<1x88xi32, #tpu.memory_space<vmem>>
        %dma_start3A_178 = tpu.memref_squeeze %dma_start3A_177 : memref<1x88xi32, #tpu.memory_space<vmem>> -> memref<88xi32, #tpu.memory_space<vmem>>
        %dma_start3A_179 = arith.constant 0 : i32
        %dma_start3A_180 = arith.constant 0 : i32
        %dma_start3A_181 = tpu.memref_slice %arg2[%dma_start3A_179, %dma_start3A_180] : memref<10000x128xf32, #tpu.memory_space<hbm>> -> memref<10000x128xf32, #tpu.memory_space<hbm>>
        tpu.enqueue_indirect_dma source(%dma_start3A_181 : memref<10000x128xf32, #tpu.memory_space<hbm>>) target(%arg10 : memref<88x128xf32, #tpu.memory_space<vmem>>) offsets(%dma_start3A_178 : memref<88xi32, #tpu.memory_space<vmem>>) semaphore(%arg13 : memref<!tpu.dma_semaphore, #tpu.memory_space<semaphore_mem>>)
      } else {
      }
      %mul3A_158 = arith.constant 3 : i32
      %mul3A_159 = arith.muli %mul3A_158, %while3A_128 : i32
      %add3A_160 = arith.constant 2 : i32
      %add3A_161 = arith.addi %mul3A_159, %add3A_160 : i32
      %dma_wait3A_162 = arith.constant 0 : i32
      %dma_wait3A_163 = arith.constant 0 : i32
      %dma_wait3A_164 = tpu.memref_slice %arg5[%dma_wait3A_162, %dma_wait3A_163] : memref<625x128xf32, #tpu.memory_space<hbm>> -> memref<88x128xf32, #tpu.memory_space<hbm>>
      %dma_wait3A_165 = arith.constant 0 : i32
      %dma_wait3A_166 = arith.constant 0 : i32
      %dma_wait3A_167 = tpu.memref_slice %arg5[%dma_wait3A_165, %dma_wait3A_166] : memref<625x128xf32, #tpu.memory_space<hbm>> -> memref<88x128xf32, #tpu.memory_space<hbm>>
      tpu.wait_dma2 semaphore(%arg14 : memref<!tpu.dma_semaphore, #tpu.memory_space<semaphore_mem>>) src(%dma_wait3A_167 : memref<88x128xf32, #tpu.memory_space<hbm>>) dst(%arg11 : memref<88x128xf32, #tpu.memory_space<vmem>>)
      "tpu.region"() ({
        %run_scoped3A = tpu.sem_alloc : memref<!tpu.dma_semaphore, #tpu.memory_space<semaphore_mem>>
        %dma_start3A_174 = arith.constant 0 : i32
        %dma_start3A_175 = tpu.memref_slice %arg8[%add3A_161, %dma_start3A_174] : memref<78x88xi32, #tpu.memory_space<vmem>> -> memref<1x88xi32, #tpu.memory_space<vmem>>
        %dma_start3A_176 = tpu.memref_squeeze %dma_start3A_175 : memref<1x88xi32, #tpu.memory_space<vmem>> -> memref<88xi32, #tpu.memory_space<vmem>>
        %dma_start3A_177 = arith.constant 0 : i32
        %dma_start3A_178 = arith.constant 0 : i32
        %dma_start3A_179 = tpu.memref_slice %arg15[%dma_start3A_177, %dma_start3A_178] : memref<10008x128xf32, #tpu.memory_space<vmem_shared>> -> memref<10008x128xf32, #tpu.memory_space<vmem_shared>>
        tpu.enqueue_indirect_dma source(%arg11 : memref<88x128xf32, #tpu.memory_space<vmem>>) target(%dma_start3A_179 : memref<10008x128xf32, #tpu.memory_space<vmem_shared>>) offsets(%dma_start3A_176 : memref<88xi32, #tpu.memory_space<vmem>>) semaphore(%run_scoped3A : memref<!tpu.dma_semaphore, #tpu.memory_space<semaphore_mem>>) {add = true}
        %dma_wait3A_180 = arith.constant 0 : i32
        %dma_wait3A_181 = tpu.memref_slice %arg8[%add3A_161, %dma_wait3A_180] : memref<78x88xi32, #tpu.memory_space<vmem>> -> memref<1x88xi32, #tpu.memory_space<vmem>>
        %dma_wait3A_182 = tpu.memref_squeeze %dma_wait3A_181 : memref<1x88xi32, #tpu.memory_space<vmem>> -> memref<88xi32, #tpu.memory_space<vmem>>
        %dma_wait3A_183 = arith.constant 0 : i32
        %dma_wait3A_184 = arith.constant 0 : i32
        %dma_wait3A_185 = tpu.memref_slice %arg15[%dma_wait3A_183, %dma_wait3A_184] : memref<10008x128xf32, #tpu.memory_space<vmem_shared>> -> memref<10008x128xf32, #tpu.memory_space<vmem_shared>>
        tpu.wait_indirect_dma semaphore(%run_scoped3A : memref<!tpu.dma_semaphore, #tpu.memory_space<semaphore_mem>>) src(%arg11 : memref<88x128xf32, #tpu.memory_space<vmem>>) dst(%dma_wait3A_185 : memref<10008x128xf32, #tpu.memory_space<vmem_shared>>)
        tpu.yield
      }) : () -> ()
      %add3A_168 = arith.constant 3 : i32
      %add3A_169 = arith.addi %add3A_161, %add3A_168 : i32
      %lt3A_170 = arith.cmpi slt, %add3A_169, %select_n3A : i32
      %convert_element_type3A_171 = arith.extui %lt3A_170 : i1 to i32
      %cond3A_172 = arith.constant 0 : i32
      %cond3A_173 = arith.cmpi ne, %convert_element_type3A_171, %cond3A_172 : i32
      scf.if %cond3A_173 {
        %add3A_174 = arith.constant 3 : i32
        %add3A_175 = arith.addi %add3A_161, %add3A_174 : i32
        %dma_start3A_176 = arith.constant 0 : i32
        %dma_start3A_177 = tpu.memref_slice %arg7[%add3A_175, %dma_start3A_176] : memref<78x88xi32, #tpu.memory_space<vmem>> -> memref<1x88xi32, #tpu.memory_space<vmem>>
        %dma_start3A_178 = tpu.memref_squeeze %dma_start3A_177 : memref<1x88xi32, #tpu.memory_space<vmem>> -> memref<88xi32, #tpu.memory_space<vmem>>
        %dma_start3A_179 = arith.constant 0 : i32
        %dma_start3A_180 = arith.constant 0 : i32
        %dma_start3A_181 = tpu.memref_slice %arg2[%dma_start3A_179, %dma_start3A_180] : memref<10000x128xf32, #tpu.memory_space<hbm>> -> memref<10000x128xf32, #tpu.memory_space<hbm>>
        tpu.enqueue_indirect_dma source(%dma_start3A_181 : memref<10000x128xf32, #tpu.memory_space<hbm>>) target(%arg11 : memref<88x128xf32, #tpu.memory_space<vmem>>) offsets(%dma_start3A_178 : memref<88xi32, #tpu.memory_space<vmem>>) semaphore(%arg14 : memref<!tpu.dma_semaphore, #tpu.memory_space<semaphore_mem>>)
      } else {
      }
    }
    %eq3A_58 = arith.constant 0 : i32
    %eq3A_59 = arith.cmpi eq, %arg0, %eq3A_58 : i32
    %convert_element_type3A_60 = arith.extui %eq3A_59 : i1 to i32
    %cond3A_61 = arith.constant 0 : i32
    %cond3A_62 = arith.cmpi ne, %convert_element_type3A_60, %cond3A_61 : i32
    scf.if %cond3A_62 {
      %mul3A_128 = arith.constant 156 : i32
      %mul3A_129 = arith.muli %arg1, %mul3A_128 : i32
      %add3A = arith.constant 78 : i32
      %add3A_130 = arith.addi %mul3A_129, %add3A : i32
      "tpu.region"() ({
        %run_scoped3A = tpu.sem_alloc : memref<!tpu.dma_semaphore, #tpu.memory_space<semaphore_mem>>
        %dma_start3A_131 = arith.constant 0 : i32
        %dma_start3A_132 = tpu.memref_slice %arg3[%add3A_130, %dma_start3A_131] : memref<3648x88xi32, #tpu.memory_space<hbm>> -> memref<78x88xi32, #tpu.memory_space<hbm>>
        %dma_start3A_133 = arith.constant 0 : i32
        %dma_start3A_134 = tpu.memref_slice %arg3[%add3A_130, %dma_start3A_133] : memref<3648x88xi32, #tpu.memory_space<hbm>> -> memref<78x88xi32, #tpu.memory_space<hbm>>
        tpu.enqueue_dma source(%dma_start3A_134 : memref<78x88xi32, #tpu.memory_space<hbm>>) target(%arg7 : memref<78x88xi32, #tpu.memory_space<vmem>>) target_semaphore(%run_scoped3A : memref<!tpu.dma_semaphore, #tpu.memory_space<semaphore_mem>>)
        %dma_wait3A = arith.constant 0 : i32
        %dma_wait3A_135 = tpu.memref_slice %arg3[%add3A_130, %dma_wait3A] : memref<3648x88xi32, #tpu.memory_space<hbm>> -> memref<78x88xi32, #tpu.memory_space<hbm>>
        %dma_wait3A_136 = arith.constant 0 : i32
        %dma_wait3A_137 = tpu.memref_slice %arg3[%add3A_130, %dma_wait3A_136] : memref<3648x88xi32, #tpu.memory_space<hbm>> -> memref<78x88xi32, #tpu.memory_space<hbm>>
        tpu.wait_dma2 semaphore(%run_scoped3A : memref<!tpu.dma_semaphore, #tpu.memory_space<semaphore_mem>>) src(%dma_wait3A_137 : memref<78x88xi32, #tpu.memory_space<hbm>>) dst(%arg7 : memref<78x88xi32, #tpu.memory_space<vmem>>)
        tpu.yield
      }) : () -> ()
      "tpu.region"() ({
        %run_scoped3A = tpu.sem_alloc : memref<!tpu.dma_semaphore, #tpu.memory_space<semaphore_mem>>
        %dma_start3A_131 = arith.constant 0 : i32
        %dma_start3A_132 = tpu.memref_slice %arg4[%add3A_130, %dma_start3A_131] : memref<3648x88xi32, #tpu.memory_space<hbm>> -> memref<78x88xi32, #tpu.memory_space<hbm>>
        %dma_start3A_133 = arith.constant 0 : i32
        %dma_start3A_134 = tpu.memref_slice %arg4[%add3A_130, %dma_start3A_133] : memref<3648x88xi32, #tpu.memory_space<hbm>> -> memref<78x88xi32, #tpu.memory_space<hbm>>
        tpu.enqueue_dma source(%dma_start3A_134 : memref<78x88xi32, #tpu.memory_space<hbm>>) target(%arg8 : memref<78x88xi32, #tpu.memory_space<vmem>>) target_semaphore(%run_scoped3A : memref<!tpu.dma_semaphore, #tpu.memory_space<semaphore_mem>>)
        %dma_wait3A = arith.constant 0 : i32
        %dma_wait3A_135 = tpu.memref_slice %arg4[%add3A_130, %dma_wait3A] : memref<3648x88xi32, #tpu.memory_space<hbm>> -> memref<78x88xi32, #tpu.memory_space<hbm>>
        %dma_wait3A_136 = arith.constant 0 : i32
        %dma_wait3A_137 = tpu.memref_slice %arg4[%add3A_130, %dma_wait3A_136] : memref<3648x88xi32, #tpu.memory_space<hbm>> -> memref<78x88xi32, #tpu.memory_space<hbm>>
        tpu.wait_dma2 semaphore(%run_scoped3A : memref<!tpu.dma_semaphore, #tpu.memory_space<semaphore_mem>>) src(%dma_wait3A_137 : memref<78x88xi32, #tpu.memory_space<hbm>>) dst(%arg8 : memref<78x88xi32, #tpu.memory_space<vmem>>)
        tpu.yield
      }) : () -> ()
    } else {
    }
    %eq3A_63 = arith.constant 1 : i32
    %eq3A_64 = arith.cmpi eq, %arg0, %eq3A_63 : i32
    %convert_element_type3A_65 = arith.extui %eq3A_64 : i1 to i32
    %cond3A_66 = arith.constant 0 : i32
    %cond3A_67 = arith.cmpi ne, %convert_element_type3A_65, %cond3A_66 : i32
    scf.if %cond3A_67 {
      %mul3A_128 = arith.constant 72 : i32
      %mul3A_129 = arith.muli %arg1, %mul3A_128 : i32
      %add3A = arith.constant 2496 : i32
      %add3A_130 = arith.addi %add3A, %mul3A_129 : i32
      %add3A_131 = arith.constant 36 : i32
      %add3A_132 = arith.addi %add3A_130, %add3A_131 : i32
      "tpu.region"() ({
        %run_scoped3A = tpu.sem_alloc : memref<!tpu.dma_semaphore, #tpu.memory_space<semaphore_mem>>
        %dma_start3A_133 = arith.constant 0 : i32
        %dma_start3A_134 = arith.constant 0 : i32
        %dma_start3A_135 = tpu.memref_slice %arg7[%dma_start3A_133, %dma_start3A_134] : memref<78x88xi32, #tpu.memory_space<vmem>> -> memref<36x88xi32, #tpu.memory_space<vmem>>
        %dma_start3A_136 = arith.constant 0 : i32
        %dma_start3A_137 = tpu.memref_slice %arg3[%add3A_132, %dma_start3A_136] : memref<3648x88xi32, #tpu.memory_space<hbm>> -> memref<36x88xi32, #tpu.memory_space<hbm>>
        %dma_start3A_138 = arith.constant 0 : i32
        %dma_start3A_139 = arith.constant 0 : i32
        %dma_start3A_140 = tpu.memref_slice %arg7[%dma_start3A_138, %dma_start3A_139] : memref<78x88xi32, #tpu.memory_space<vmem>> -> memref<36x88xi32, #tpu.memory_space<vmem>>
        %dma_start3A_141 = arith.constant 0 : i32
        %dma_start3A_142 = tpu.memref_slice %arg3[%add3A_132, %dma_start3A_141] : memref<3648x88xi32, #tpu.memory_space<hbm>> -> memref<36x88xi32, #tpu.memory_space<hbm>>
        tpu.enqueue_dma source(%dma_start3A_142 : memref<36x88xi32, #tpu.memory_space<hbm>>) target(%dma_start3A_140 : memref<36x88xi32, #tpu.memory_space<vmem>>) target_semaphore(%run_scoped3A : memref<!tpu.dma_semaphore, #tpu.memory_space<semaphore_mem>>)
        %dma_wait3A = arith.constant 0 : i32
        %dma_wait3A_143 = arith.constant 0 : i32
        %dma_wait3A_144 = tpu.memref_slice %arg7[%dma_wait3A, %dma_wait3A_143] : memref<78x88xi32, #tpu.memory_space<vmem>> -> memref<36x88xi32, #tpu.memory_space<vmem>>
        %dma_wait3A_145 = arith.constant 0 : i32
        %dma_wait3A_146 = tpu.memref_slice %arg3[%add3A_132, %dma_wait3A_145] : memref<3648x88xi32, #tpu.memory_space<hbm>> -> memref<36x88xi32, #tpu.memory_space<hbm>>
        %dma_wait3A_147 = arith.constant 0 : i32
        %dma_wait3A_148 = arith.constant 0 : i32
        %dma_wait3A_149 = tpu.memref_slice %arg7[%dma_wait3A_147, %dma_wait3A_148] : memref<78x88xi32, #tpu.memory_space<vmem>> -> memref<36x88xi32, #tpu.memory_space<vmem>>
        %dma_wait3A_150 = arith.constant 0 : i32
        %dma_wait3A_151 = tpu.memref_slice %arg3[%add3A_132, %dma_wait3A_150] : memref<3648x88xi32, #tpu.memory_space<hbm>> -> memref<36x88xi32, #tpu.memory_space<hbm>>
        tpu.wait_dma2 semaphore(%run_scoped3A : memref<!tpu.dma_semaphore, #tpu.memory_space<semaphore_mem>>) src(%dma_wait3A_151 : memref<36x88xi32, #tpu.memory_space<hbm>>) dst(%dma_wait3A_149 : memref<36x88xi32, #tpu.memory_space<vmem>>)
        tpu.yield
      }) : () -> ()
      "tpu.region"() ({
        %run_scoped3A = tpu.sem_alloc : memref<!tpu.dma_semaphore, #tpu.memory_space<semaphore_mem>>
        %dma_start3A_133 = arith.constant 0 : i32
        %dma_start3A_134 = arith.constant 0 : i32
        %dma_start3A_135 = tpu.memref_slice %arg8[%dma_start3A_133, %dma_start3A_134] : memref<78x88xi32, #tpu.memory_space<vmem>> -> memref<36x88xi32, #tpu.memory_space<vmem>>
        %dma_start3A_136 = arith.constant 0 : i32
        %dma_start3A_137 = tpu.memref_slice %arg4[%add3A_132, %dma_start3A_136] : memref<3648x88xi32, #tpu.memory_space<hbm>> -> memref<36x88xi32, #tpu.memory_space<hbm>>
        %dma_start3A_138 = arith.constant 0 : i32
        %dma_start3A_139 = arith.constant 0 : i32
        %dma_start3A_140 = tpu.memref_slice %arg8[%dma_start3A_138, %dma_start3A_139] : memref<78x88xi32, #tpu.memory_space<vmem>> -> memref<36x88xi32, #tpu.memory_space<vmem>>
        %dma_start3A_141 = arith.constant 0 : i32
        %dma_start3A_142 = tpu.memref_slice %arg4[%add3A_132, %dma_start3A_141] : memref<3648x88xi32, #tpu.memory_space<hbm>> -> memref<36x88xi32, #tpu.memory_space<hbm>>
        tpu.enqueue_dma source(%dma_start3A_142 : memref<36x88xi32, #tpu.memory_space<hbm>>) target(%dma_start3A_140 : memref<36x88xi32, #tpu.memory_space<vmem>>) target_semaphore(%run_scoped3A : memref<!tpu.dma_semaphore, #tpu.memory_space<semaphore_mem>>)
        %dma_wait3A = arith.constant 0 : i32
        %dma_wait3A_143 = arith.constant 0 : i32
        %dma_wait3A_144 = tpu.memref_slice %arg8[%dma_wait3A, %dma_wait3A_143] : memref<78x88xi32, #tpu.memory_space<vmem>> -> memref<36x88xi32, #tpu.memory_space<vmem>>
        %dma_wait3A_145 = arith.constant 0 : i32
        %dma_wait3A_146 = tpu.memref_slice %arg4[%add3A_132, %dma_wait3A_145] : memref<3648x88xi32, #tpu.memory_space<hbm>> -> memref<36x88xi32, #tpu.memory_space<hbm>>
        %dma_wait3A_147 = arith.constant 0 : i32
        %dma_wait3A_148 = arith.constant 0 : i32
        %dma_wait3A_149 = tpu.memref_slice %arg8[%dma_wait3A_147, %dma_wait3A_148] : memref<78x88xi32, #tpu.memory_space<vmem>> -> memref<36x88xi32, #tpu.memory_space<vmem>>
        %dma_wait3A_150 = arith.constant 0 : i32
        %dma_wait3A_151 = tpu.memref_slice %arg4[%add3A_132, %dma_wait3A_150] : memref<3648x88xi32, #tpu.memory_space<hbm>> -> memref<36x88xi32, #tpu.memory_space<hbm>>
        tpu.wait_dma2 semaphore(%run_scoped3A : memref<!tpu.dma_semaphore, #tpu.memory_space<semaphore_mem>>) src(%dma_wait3A_151 : memref<36x88xi32, #tpu.memory_space<hbm>>) dst(%dma_wait3A_149 : memref<36x88xi32, #tpu.memory_space<vmem>>)
        tpu.yield
      }) : () -> ()
    } else {
    }
    %dma_start3A_68 = arith.constant 0 : i32
    %dma_start3A_69 = arith.constant 0 : i32
    %dma_start3A_70 = tpu.memref_slice %arg7[%dma_start3A_68, %dma_start3A_69] : memref<78x88xi32, #tpu.memory_space<vmem>> -> memref<1x88xi32, #tpu.memory_space<vmem>>
    %dma_start3A_71 = tpu.memref_squeeze %dma_start3A_70 : memref<1x88xi32, #tpu.memory_space<vmem>> -> memref<88xi32, #tpu.memory_space<vmem>>
    %dma_start3A_72 = arith.constant 0 : i32
    %dma_start3A_73 = arith.constant 0 : i32
    %dma_start3A_74 = tpu.memref_slice %arg2[%dma_start3A_72, %dma_start3A_73] : memref<10000x128xf32, #tpu.memory_space<hbm>> -> memref<10000x128xf32, #tpu.memory_space<hbm>>
    tpu.enqueue_indirect_dma source(%dma_start3A_74 : memref<10000x128xf32, #tpu.memory_space<hbm>>) target(%arg9 : memref<88x128xf32, #tpu.memory_space<vmem>>) offsets(%dma_start3A_71 : memref<88xi32, #tpu.memory_space<vmem>>) semaphore(%arg12 : memref<!tpu.dma_semaphore, #tpu.memory_space<semaphore_mem>>)
    %dma_start3A_75 = arith.constant 1 : i32
    %dma_start3A_76 = arith.constant 0 : i32
    %dma_start3A_77 = tpu.memref_slice %arg7[%dma_start3A_75, %dma_start3A_76] : memref<78x88xi32, #tpu.memory_space<vmem>> -> memref<1x88xi32, #tpu.memory_space<vmem>>
    %dma_start3A_78 = tpu.memref_squeeze %dma_start3A_77 : memref<1x88xi32, #tpu.memory_space<vmem>> -> memref<88xi32, #tpu.memory_space<vmem>>
    %dma_start3A_79 = arith.constant 0 : i32
    %dma_start3A_80 = arith.constant 0 : i32
    %dma_start3A_81 = tpu.memref_slice %arg2[%dma_start3A_79, %dma_start3A_80] : memref<10000x128xf32, #tpu.memory_space<hbm>> -> memref<10000x128xf32, #tpu.memory_space<hbm>>
    tpu.enqueue_indirect_dma source(%dma_start3A_81 : memref<10000x128xf32, #tpu.memory_space<hbm>>) target(%arg10 : memref<88x128xf32, #tpu.memory_space<vmem>>) offsets(%dma_start3A_78 : memref<88xi32, #tpu.memory_space<vmem>>) semaphore(%arg13 : memref<!tpu.dma_semaphore, #tpu.memory_space<semaphore_mem>>)
    %dma_start3A_82 = arith.constant 2 : i32
    %dma_start3A_83 = arith.constant 0 : i32
    %dma_start3A_84 = tpu.memref_slice %arg7[%dma_start3A_82, %dma_start3A_83] : memref<78x88xi32, #tpu.memory_space<vmem>> -> memref<1x88xi32, #tpu.memory_space<vmem>>
    %dma_start3A_85 = tpu.memref_squeeze %dma_start3A_84 : memref<1x88xi32, #tpu.memory_space<vmem>> -> memref<88xi32, #tpu.memory_space<vmem>>
    %dma_start3A_86 = arith.constant 0 : i32
    %dma_start3A_87 = arith.constant 0 : i32
    %dma_start3A_88 = tpu.memref_slice %arg2[%dma_start3A_86, %dma_start3A_87] : memref<10000x128xf32, #tpu.memory_space<hbm>> -> memref<10000x128xf32, #tpu.memory_space<hbm>>
    tpu.enqueue_indirect_dma source(%dma_start3A_88 : memref<10000x128xf32, #tpu.memory_space<hbm>>) target(%arg11 : memref<88x128xf32, #tpu.memory_space<vmem>>) offsets(%dma_start3A_85 : memref<88xi32, #tpu.memory_space<vmem>>) semaphore(%arg14 : memref<!tpu.dma_semaphore, #tpu.memory_space<semaphore_mem>>)
    %jit3A_89 = arith.constant 3 : i32
    %div3A_90 = arith.divsi %select_n3A, %jit3A_89 : i32
    %sign3A_91 = arith.constant 0 : i32
    %sign3A_92 = arith.cmpi sgt, %select_n3A, %sign3A_91 : i32
    %sign3A_93 = arith.extui %sign3A_92 : i1 to i32
    %sign3A_94 = arith.constant 0 : i32
    %sign3A_95 = arith.cmpi slt, %select_n3A, %sign3A_94 : i32
    %sign3A_96 = arith.extui %sign3A_95 : i1 to i32
    %sign3A_97 = arith.subi %sign3A_93, %sign3A_96 : i32
    %sign3A_98 = arith.constant 0 : i32
    %sign3A_99 = arith.cmpi sgt, %jit3A_89, %sign3A_98 : i32
    %sign3A_100 = arith.extui %sign3A_99 : i1 to i32
    %sign3A_101 = arith.constant 0 : i32
    %sign3A_102 = arith.cmpi slt, %jit3A_89, %sign3A_101 : i32
    %sign3A_103 = arith.extui %sign3A_102 : i1 to i32
    %sign3A_104 = arith.subi %sign3A_100, %sign3A_103 : i32
    %ne3A_105 = arith.cmpi ne, %sign3A_97, %sign3A_104 : i32
    %rem3A_106 = arith.remsi %select_n3A, %jit3A_89 : i32
    %ne3A_107 = arith.constant 0 : i32
    %ne3A_108 = arith.cmpi ne, %rem3A_106, %ne3A_107 : i32
    %and3A_109 = arith.andi %ne3A_105, %ne3A_108 : i1
    %sub3A_110 = arith.constant 1 : i32
    %sub3A_111 = arith.subi %div3A_90, %sub3A_110 : i32
    %select_n3A_112 = arith.select %and3A_109, %sub3A_111, %div3A_90 : i32
    %while3A_113 = arith.constant 0 : i32
    %while3A_114 = arith.constant 0 : i32
    %while3A_115 = arith.subi %select_n3A_112, %while3A_114 : i32
    %while3A_116 = arith.addi %while3A_114, %while3A_115 : i32
    %while3A_117 = arith.constant 1 : i32
    %while3A_118 = arith.divsi %while3A_115, %while3A_117 : i32
    %while3A_119 = arith.muli %while3A_118, %while3A_117 : i32
    %while3A_120 = arith.addi %while3A_114, %while3A_119 : i32
    %while3A_121 = arith.constant 1 : i32
    scf.for %while3A_128 = %while3A_114 to %while3A_120 step %while3A_121  : i32 {
      %mul3A_129 = arith.constant 3 : i32
      %mul3A_130 = arith.muli %mul3A_129, %while3A_128 : i32
      %add3A = arith.constant 0 : i32
      %add3A_131 = arith.addi %mul3A_130, %add3A : i32
      %dma_wait3A = arith.constant 0 : i32
      %dma_wait3A_132 = arith.constant 0 : i32
      %dma_wait3A_133 = tpu.memref_slice %arg5[%dma_wait3A, %dma_wait3A_132] : memref<625x128xf32, #tpu.memory_space<hbm>> -> memref<88x128xf32, #tpu.memory_space<hbm>>
      %dma_wait3A_134 = arith.constant 0 : i32
      %dma_wait3A_135 = arith.constant 0 : i32
      %dma_wait3A_136 = tpu.memref_slice %arg5[%dma_wait3A_134, %dma_wait3A_135] : memref<625x128xf32, #tpu.memory_space<hbm>> -> memref<88x128xf32, #tpu.memory_space<hbm>>
      tpu.wait_dma2 semaphore(%arg12 : memref<!tpu.dma_semaphore, #tpu.memory_space<semaphore_mem>>) src(%dma_wait3A_136 : memref<88x128xf32, #tpu.memory_space<hbm>>) dst(%arg9 : memref<88x128xf32, #tpu.memory_space<vmem>>)
      "tpu.region"() ({
        %run_scoped3A = tpu.sem_alloc : memref<!tpu.dma_semaphore, #tpu.memory_space<semaphore_mem>>
        %dma_start3A_174 = arith.constant 0 : i32
        %dma_start3A_175 = tpu.memref_slice %arg8[%add3A_131, %dma_start3A_174] : memref<78x88xi32, #tpu.memory_space<vmem>> -> memref<1x88xi32, #tpu.memory_space<vmem>>
        %dma_start3A_176 = tpu.memref_squeeze %dma_start3A_175 : memref<1x88xi32, #tpu.memory_space<vmem>> -> memref<88xi32, #tpu.memory_space<vmem>>
        %dma_start3A_177 = arith.constant 0 : i32
        %dma_start3A_178 = arith.constant 0 : i32
        %dma_start3A_179 = tpu.memref_slice %arg15[%dma_start3A_177, %dma_start3A_178] : memref<10008x128xf32, #tpu.memory_space<vmem_shared>> -> memref<10008x128xf32, #tpu.memory_space<vmem_shared>>
        tpu.enqueue_indirect_dma source(%arg9 : memref<88x128xf32, #tpu.memory_space<vmem>>) target(%dma_start3A_179 : memref<10008x128xf32, #tpu.memory_space<vmem_shared>>) offsets(%dma_start3A_176 : memref<88xi32, #tpu.memory_space<vmem>>) semaphore(%run_scoped3A : memref<!tpu.dma_semaphore, #tpu.memory_space<semaphore_mem>>) {add = true}
        %dma_wait3A_180 = arith.constant 0 : i32
        %dma_wait3A_181 = tpu.memref_slice %arg8[%add3A_131, %dma_wait3A_180] : memref<78x88xi32, #tpu.memory_space<vmem>> -> memref<1x88xi32, #tpu.memory_space<vmem>>
        %dma_wait3A_182 = tpu.memref_squeeze %dma_wait3A_181 : memref<1x88xi32, #tpu.memory_space<vmem>> -> memref<88xi32, #tpu.memory_space<vmem>>
        %dma_wait3A_183 = arith.constant 0 : i32
        %dma_wait3A_184 = arith.constant 0 : i32
        %dma_wait3A_185 = tpu.memref_slice %arg15[%dma_wait3A_183, %dma_wait3A_184] : memref<10008x128xf32, #tpu.memory_space<vmem_shared>> -> memref<10008x128xf32, #tpu.memory_space<vmem_shared>>
        tpu.wait_indirect_dma semaphore(%run_scoped3A : memref<!tpu.dma_semaphore, #tpu.memory_space<semaphore_mem>>) src(%arg9 : memref<88x128xf32, #tpu.memory_space<vmem>>) dst(%dma_wait3A_185 : memref<10008x128xf32, #tpu.memory_space<vmem_shared>>)
        tpu.yield
      }) : () -> ()
      %add3A_137 = arith.constant 3 : i32
      %add3A_138 = arith.addi %add3A_131, %add3A_137 : i32
      %lt3A = arith.cmpi slt, %add3A_138, %select_n3A : i32
      %convert_element_type3A_139 = arith.extui %lt3A : i1 to i32
      %cond3A_140 = arith.constant 0 : i32
      %cond3A_141 = arith.cmpi ne, %convert_element_type3A_139, %cond3A_140 : i32
      scf.if %cond3A_141 {
        %add3A_174 = arith.constant 3 : i32
        %add3A_175 = arith.addi %add3A_131, %add3A_174 : i32
        %dma_start3A_176 = arith.constant 0 : i32
        %dma_start3A_177 = tpu.memref_slice %arg7[%add3A_175, %dma_start3A_176] : memref<78x88xi32, #tpu.memory_space<vmem>> -> memref<1x88xi32, #tpu.memory_space<vmem>>
        %dma_start3A_178 = tpu.memref_squeeze %dma_start3A_177 : memref<1x88xi32, #tpu.memory_space<vmem>> -> memref<88xi32, #tpu.memory_space<vmem>>
        %dma_start3A_179 = arith.constant 0 : i32
        %dma_start3A_180 = arith.constant 0 : i32
        %dma_start3A_181 = tpu.memref_slice %arg2[%dma_start3A_179, %dma_start3A_180] : memref<10000x128xf32, #tpu.memory_space<hbm>> -> memref<10000x128xf32, #tpu.memory_space<hbm>>
        tpu.enqueue_indirect_dma source(%dma_start3A_181 : memref<10000x128xf32, #tpu.memory_space<hbm>>) target(%arg9 : memref<88x128xf32, #tpu.memory_space<vmem>>) offsets(%dma_start3A_178 : memref<88xi32, #tpu.memory_space<vmem>>) semaphore(%arg12 : memref<!tpu.dma_semaphore, #tpu.memory_space<semaphore_mem>>)
      } else {
      }
      %mul3A_142 = arith.constant 3 : i32
      %mul3A_143 = arith.muli %mul3A_142, %while3A_128 : i32
      %add3A_144 = arith.constant 1 : i32
      %add3A_145 = arith.addi %mul3A_143, %add3A_144 : i32
      %dma_wait3A_146 = arith.constant 0 : i32
      %dma_wait3A_147 = arith.constant 0 : i32
      %dma_wait3A_148 = tpu.memref_slice %arg5[%dma_wait3A_146, %dma_wait3A_147] : memref<625x128xf32, #tpu.memory_space<hbm>> -> memref<88x128xf32, #tpu.memory_space<hbm>>
      %dma_wait3A_149 = arith.constant 0 : i32
      %dma_wait3A_150 = arith.constant 0 : i32
      %dma_wait3A_151 = tpu.memref_slice %arg5[%dma_wait3A_149, %dma_wait3A_150] : memref<625x128xf32, #tpu.memory_space<hbm>> -> memref<88x128xf32, #tpu.memory_space<hbm>>
      tpu.wait_dma2 semaphore(%arg13 : memref<!tpu.dma_semaphore, #tpu.memory_space<semaphore_mem>>) src(%dma_wait3A_151 : memref<88x128xf32, #tpu.memory_space<hbm>>) dst(%arg10 : memref<88x128xf32, #tpu.memory_space<vmem>>)
      "tpu.region"() ({
        %run_scoped3A = tpu.sem_alloc : memref<!tpu.dma_semaphore, #tpu.memory_space<semaphore_mem>>
        %dma_start3A_174 = arith.constant 0 : i32
        %dma_start3A_175 = tpu.memref_slice %arg8[%add3A_145, %dma_start3A_174] : memref<78x88xi32, #tpu.memory_space<vmem>> -> memref<1x88xi32, #tpu.memory_space<vmem>>
        %dma_start3A_176 = tpu.memref_squeeze %dma_start3A_175 : memref<1x88xi32, #tpu.memory_space<vmem>> -> memref<88xi32, #tpu.memory_space<vmem>>
        %dma_start3A_177 = arith.constant 0 : i32
        %dma_start3A_178 = arith.constant 0 : i32
        %dma_start3A_179 = tpu.memref_slice %arg15[%dma_start3A_177, %dma_start3A_178] : memref<10008x128xf32, #tpu.memory_space<vmem_shared>> -> memref<10008x128xf32, #tpu.memory_space<vmem_shared>>
        tpu.enqueue_indirect_dma source(%arg10 : memref<88x128xf32, #tpu.memory_space<vmem>>) target(%dma_start3A_179 : memref<10008x128xf32, #tpu.memory_space<vmem_shared>>) offsets(%dma_start3A_176 : memref<88xi32, #tpu.memory_space<vmem>>) semaphore(%run_scoped3A : memref<!tpu.dma_semaphore, #tpu.memory_space<semaphore_mem>>) {add = true}
        %dma_wait3A_180 = arith.constant 0 : i32
        %dma_wait3A_181 = tpu.memref_slice %arg8[%add3A_145, %dma_wait3A_180] : memref<78x88xi32, #tpu.memory_space<vmem>> -> memref<1x88xi32, #tpu.memory_space<vmem>>
        %dma_wait3A_182 = tpu.memref_squeeze %dma_wait3A_181 : memref<1x88xi32, #tpu.memory_space<vmem>> -> memref<88xi32, #tpu.memory_space<vmem>>
        %dma_wait3A_183 = arith.constant 0 : i32
        %dma_wait3A_184 = arith.constant 0 : i32
        %dma_wait3A_185 = tpu.memref_slice %arg15[%dma_wait3A_183, %dma_wait3A_184] : memref<10008x128xf32, #tpu.memory_space<vmem_shared>> -> memref<10008x128xf32, #tpu.memory_space<vmem_shared>>
        tpu.wait_indirect_dma semaphore(%run_scoped3A : memref<!tpu.dma_semaphore, #tpu.memory_space<semaphore_mem>>) src(%arg10 : memref<88x128xf32, #tpu.memory_space<vmem>>) dst(%dma_wait3A_185 : memref<10008x128xf32, #tpu.memory_space<vmem_shared>>)
        tpu.yield
      }) : () -> ()
      %add3A_152 = arith.constant 3 : i32
      %add3A_153 = arith.addi %add3A_145, %add3A_152 : i32
      %lt3A_154 = arith.cmpi slt, %add3A_153, %select_n3A : i32
      %convert_element_type3A_155 = arith.extui %lt3A_154 : i1 to i32
      %cond3A_156 = arith.constant 0 : i32
      %cond3A_157 = arith.cmpi ne, %convert_element_type3A_155, %cond3A_156 : i32
      scf.if %cond3A_157 {
        %add3A_174 = arith.constant 3 : i32
        %add3A_175 = arith.addi %add3A_145, %add3A_174 : i32
        %dma_start3A_176 = arith.constant 0 : i32
        %dma_start3A_177 = tpu.memref_slice %arg7[%add3A_175, %dma_start3A_176] : memref<78x88xi32, #tpu.memory_space<vmem>> -> memref<1x88xi32, #tpu.memory_space<vmem>>
        %dma_start3A_178 = tpu.memref_squeeze %dma_start3A_177 : memref<1x88xi32, #tpu.memory_space<vmem>> -> memref<88xi32, #tpu.memory_space<vmem>>
        %dma_start3A_179 = arith.constant 0 : i32
        %dma_start3A_180 = arith.constant 0 : i32
        %dma_start3A_181 = tpu.memref_slice %arg2[%dma_start3A_179, %dma_start3A_180] : memref<10000x128xf32, #tpu.memory_space<hbm>> -> memref<10000x128xf32, #tpu.memory_space<hbm>>
        tpu.enqueue_indirect_dma source(%dma_start3A_181 : memref<10000x128xf32, #tpu.memory_space<hbm>>) target(%arg10 : memref<88x128xf32, #tpu.memory_space<vmem>>) offsets(%dma_start3A_178 : memref<88xi32, #tpu.memory_space<vmem>>) semaphore(%arg13 : memref<!tpu.dma_semaphore, #tpu.memory_space<semaphore_mem>>)
      } else {
      }
      %mul3A_158 = arith.constant 3 : i32
      %mul3A_159 = arith.muli %mul3A_158, %while3A_128 : i32
      %add3A_160 = arith.constant 2 : i32
      %add3A_161 = arith.addi %mul3A_159, %add3A_160 : i32
      %dma_wait3A_162 = arith.constant 0 : i32
      %dma_wait3A_163 = arith.constant 0 : i32
      %dma_wait3A_164 = tpu.memref_slice %arg5[%dma_wait3A_162, %dma_wait3A_163] : memref<625x128xf32, #tpu.memory_space<hbm>> -> memref<88x128xf32, #tpu.memory_space<hbm>>
      %dma_wait3A_165 = arith.constant 0 : i32
      %dma_wait3A_166 = arith.constant 0 : i32
      %dma_wait3A_167 = tpu.memref_slice %arg5[%dma_wait3A_165, %dma_wait3A_166] : memref<625x128xf32, #tpu.memory_space<hbm>> -> memref<88x128xf32, #tpu.memory_space<hbm>>
      tpu.wait_dma2 semaphore(%arg14 : memref<!tpu.dma_semaphore, #tpu.memory_space<semaphore_mem>>) src(%dma_wait3A_167 : memref<88x128xf32, #tpu.memory_space<hbm>>) dst(%arg11 : memref<88x128xf32, #tpu.memory_space<vmem>>)
      "tpu.region"() ({
        %run_scoped3A = tpu.sem_alloc : memref<!tpu.dma_semaphore, #tpu.memory_space<semaphore_mem>>
        %dma_start3A_174 = arith.constant 0 : i32
        %dma_start3A_175 = tpu.memref_slice %arg8[%add3A_161, %dma_start3A_174] : memref<78x88xi32, #tpu.memory_space<vmem>> -> memref<1x88xi32, #tpu.memory_space<vmem>>
        %dma_start3A_176 = tpu.memref_squeeze %dma_start3A_175 : memref<1x88xi32, #tpu.memory_space<vmem>> -> memref<88xi32, #tpu.memory_space<vmem>>
        %dma_start3A_177 = arith.constant 0 : i32
        %dma_start3A_178 = arith.constant 0 : i32
        %dma_start3A_179 = tpu.memref_slice %arg15[%dma_start3A_177, %dma_start3A_178] : memref<10008x128xf32, #tpu.memory_space<vmem_shared>> -> memref<10008x128xf32, #tpu.memory_space<vmem_shared>>
        tpu.enqueue_indirect_dma source(%arg11 : memref<88x128xf32, #tpu.memory_space<vmem>>) target(%dma_start3A_179 : memref<10008x128xf32, #tpu.memory_space<vmem_shared>>) offsets(%dma_start3A_176 : memref<88xi32, #tpu.memory_space<vmem>>) semaphore(%run_scoped3A : memref<!tpu.dma_semaphore, #tpu.memory_space<semaphore_mem>>) {add = true}
        %dma_wait3A_180 = arith.constant 0 : i32
        %dma_wait3A_181 = tpu.memref_slice %arg8[%add3A_161, %dma_wait3A_180] : memref<78x88xi32, #tpu.memory_space<vmem>> -> memref<1x88xi32, #tpu.memory_space<vmem>>
        %dma_wait3A_182 = tpu.memref_squeeze %dma_wait3A_181 : memref<1x88xi32, #tpu.memory_space<vmem>> -> memref<88xi32, #tpu.memory_space<vmem>>
        %dma_wait3A_183 = arith.constant 0 : i32
        %dma_wait3A_184 = arith.constant 0 : i32
        %dma_wait3A_185 = tpu.memref_slice %arg15[%dma_wait3A_183, %dma_wait3A_184] : memref<10008x128xf32, #tpu.memory_space<vmem_shared>> -> memref<10008x128xf32, #tpu.memory_space<vmem_shared>>
        tpu.wait_indirect_dma semaphore(%run_scoped3A : memref<!tpu.dma_semaphore, #tpu.memory_space<semaphore_mem>>) src(%arg11 : memref<88x128xf32, #tpu.memory_space<vmem>>) dst(%dma_wait3A_185 : memref<10008x128xf32, #tpu.memory_space<vmem_shared>>)
        tpu.yield
      }) : () -> ()
      %add3A_168 = arith.constant 3 : i32
      %add3A_169 = arith.addi %add3A_161, %add3A_168 : i32
      %lt3A_170 = arith.cmpi slt, %add3A_169, %select_n3A : i32
      %convert_element_type3A_171 = arith.extui %lt3A_170 : i1 to i32
      %cond3A_172 = arith.constant 0 : i32
      %cond3A_173 = arith.cmpi ne, %convert_element_type3A_171, %cond3A_172 : i32
      scf.if %cond3A_173 {
        %add3A_174 = arith.constant 3 : i32
        %add3A_175 = arith.addi %add3A_161, %add3A_174 : i32
        %dma_start3A_176 = arith.constant 0 : i32
        %dma_start3A_177 = tpu.memref_slice %arg7[%add3A_175, %dma_start3A_176] : memref<78x88xi32, #tpu.memory_space<vmem>> -> memref<1x88xi32, #tpu.memory_space<vmem>>
        %dma_start3A_178 = tpu.memref_squeeze %dma_start3A_177 : memref<1x88xi32, #tpu.memory_space<vmem>> -> memref<88xi32, #tpu.memory_space<vmem>>
        %dma_start3A_179 = arith.constant 0 : i32
        %dma_start3A_180 = arith.constant 0 : i32
        %dma_start3A_181 = tpu.memref_slice %arg2[%dma_start3A_179, %dma_start3A_180] : memref<10000x128xf32, #tpu.memory_space<hbm>> -> memref<10000x128xf32, #tpu.memory_space<hbm>>
        tpu.enqueue_indirect_dma source(%dma_start3A_181 : memref<10000x128xf32, #tpu.memory_space<hbm>>) target(%arg11 : memref<88x128xf32, #tpu.memory_space<vmem>>) offsets(%dma_start3A_178 : memref<88xi32, #tpu.memory_space<vmem>>) semaphore(%arg14 : memref<!tpu.dma_semaphore, #tpu.memory_space<semaphore_mem>>)
      } else {
      }
    }
    %while3A_122 = arith.constant 1 : i32
    scf.for %while3A_128 = %while3A_120 to %while3A_116 step %while3A_122  : i32 {
      %mul3A_129 = arith.constant 3 : i32
      %mul3A_130 = arith.muli %mul3A_129, %while3A_128 : i32
      %add3A = arith.constant 0 : i32
      %add3A_131 = arith.addi %mul3A_130, %add3A : i32
      %dma_wait3A = arith.constant 0 : i32
      %dma_wait3A_132 = arith.constant 0 : i32
      %dma_wait3A_133 = tpu.memref_slice %arg5[%dma_wait3A, %dma_wait3A_132] : memref<625x128xf32, #tpu.memory_space<hbm>> -> memref<88x128xf32, #tpu.memory_space<hbm>>
      %dma_wait3A_134 = arith.constant 0 : i32
      %dma_wait3A_135 = arith.constant 0 : i32
      %dma_wait3A_136 = tpu.memref_slice %arg5[%dma_wait3A_134, %dma_wait3A_135] : memref<625x128xf32, #tpu.memory_space<hbm>> -> memref<88x128xf32, #tpu.memory_space<hbm>>
      tpu.wait_dma2 semaphore(%arg12 : memref<!tpu.dma_semaphore, #tpu.memory_space<semaphore_mem>>) src(%dma_wait3A_136 : memref<88x128xf32, #tpu.memory_space<hbm>>) dst(%arg9 : memref<88x128xf32, #tpu.memory_space<vmem>>)
      "tpu.region"() ({
        %run_scoped3A = tpu.sem_alloc : memref<!tpu.dma_semaphore, #tpu.memory_space<semaphore_mem>>
        %dma_start3A_174 = arith.constant 0 : i32
        %dma_start3A_175 = tpu.memref_slice %arg8[%add3A_131, %dma_start3A_174] : memref<78x88xi32, #tpu.memory_space<vmem>> -> memref<1x88xi32, #tpu.memory_space<vmem>>
        %dma_start3A_176 = tpu.memref_squeeze %dma_start3A_175 : memref<1x88xi32, #tpu.memory_space<vmem>> -> memref<88xi32, #tpu.memory_space<vmem>>
        %dma_start3A_177 = arith.constant 0 : i32
        %dma_start3A_178 = arith.constant 0 : i32
        %dma_start3A_179 = tpu.memref_slice %arg15[%dma_start3A_177, %dma_start3A_178] : memref<10008x128xf32, #tpu.memory_space<vmem_shared>> -> memref<10008x128xf32, #tpu.memory_space<vmem_shared>>
        tpu.enqueue_indirect_dma source(%arg9 : memref<88x128xf32, #tpu.memory_space<vmem>>) target(%dma_start3A_179 : memref<10008x128xf32, #tpu.memory_space<vmem_shared>>) offsets(%dma_start3A_176 : memref<88xi32, #tpu.memory_space<vmem>>) semaphore(%run_scoped3A : memref<!tpu.dma_semaphore, #tpu.memory_space<semaphore_mem>>) {add = true}
        %dma_wait3A_180 = arith.constant 0 : i32
        %dma_wait3A_181 = tpu.memref_slice %arg8[%add3A_131, %dma_wait3A_180] : memref<78x88xi32, #tpu.memory_space<vmem>> -> memref<1x88xi32, #tpu.memory_space<vmem>>
        %dma_wait3A_182 = tpu.memref_squeeze %dma_wait3A_181 : memref<1x88xi32, #tpu.memory_space<vmem>> -> memref<88xi32, #tpu.memory_space<vmem>>
        %dma_wait3A_183 = arith.constant 0 : i32
        %dma_wait3A_184 = arith.constant 0 : i32
        %dma_wait3A_185 = tpu.memref_slice %arg15[%dma_wait3A_183, %dma_wait3A_184] : memref<10008x128xf32, #tpu.memory_space<vmem_shared>> -> memref<10008x128xf32, #tpu.memory_space<vmem_shared>>
        tpu.wait_indirect_dma semaphore(%run_scoped3A : memref<!tpu.dma_semaphore, #tpu.memory_space<semaphore_mem>>) src(%arg9 : memref<88x128xf32, #tpu.memory_space<vmem>>) dst(%dma_wait3A_185 : memref<10008x128xf32, #tpu.memory_space<vmem_shared>>)
        tpu.yield
      }) : () -> ()
      %add3A_137 = arith.constant 3 : i32
      %add3A_138 = arith.addi %add3A_131, %add3A_137 : i32
      %lt3A = arith.cmpi slt, %add3A_138, %select_n3A : i32
      %convert_element_type3A_139 = arith.extui %lt3A : i1 to i32
      %cond3A_140 = arith.constant 0 : i32
      %cond3A_141 = arith.cmpi ne, %convert_element_type3A_139, %cond3A_140 : i32
      scf.if %cond3A_141 {
        %add3A_174 = arith.constant 3 : i32
        %add3A_175 = arith.addi %add3A_131, %add3A_174 : i32
        %dma_start3A_176 = arith.constant 0 : i32
        %dma_start3A_177 = tpu.memref_slice %arg7[%add3A_175, %dma_start3A_176] : memref<78x88xi32, #tpu.memory_space<vmem>> -> memref<1x88xi32, #tpu.memory_space<vmem>>
        %dma_start3A_178 = tpu.memref_squeeze %dma_start3A_177 : memref<1x88xi32, #tpu.memory_space<vmem>> -> memref<88xi32, #tpu.memory_space<vmem>>
        %dma_start3A_179 = arith.constant 0 : i32
        %dma_start3A_180 = arith.constant 0 : i32
        %dma_start3A_181 = tpu.memref_slice %arg2[%dma_start3A_179, %dma_start3A_180] : memref<10000x128xf32, #tpu.memory_space<hbm>> -> memref<10000x128xf32, #tpu.memory_space<hbm>>
        tpu.enqueue_indirect_dma source(%dma_start3A_181 : memref<10000x128xf32, #tpu.memory_space<hbm>>) target(%arg9 : memref<88x128xf32, #tpu.memory_space<vmem>>) offsets(%dma_start3A_178 : memref<88xi32, #tpu.memory_space<vmem>>) semaphore(%arg12 : memref<!tpu.dma_semaphore, #tpu.memory_space<semaphore_mem>>)
      } else {
      }
      %mul3A_142 = arith.constant 3 : i32
      %mul3A_143 = arith.muli %mul3A_142, %while3A_128 : i32
      %add3A_144 = arith.constant 1 : i32
      %add3A_145 = arith.addi %mul3A_143, %add3A_144 : i32
      %dma_wait3A_146 = arith.constant 0 : i32
      %dma_wait3A_147 = arith.constant 0 : i32
      %dma_wait3A_148 = tpu.memref_slice %arg5[%dma_wait3A_146, %dma_wait3A_147] : memref<625x128xf32, #tpu.memory_space<hbm>> -> memref<88x128xf32, #tpu.memory_space<hbm>>
      %dma_wait3A_149 = arith.constant 0 : i32
      %dma_wait3A_150 = arith.constant 0 : i32
      %dma_wait3A_151 = tpu.memref_slice %arg5[%dma_wait3A_149, %dma_wait3A_150] : memref<625x128xf32, #tpu.memory_space<hbm>> -> memref<88x128xf32, #tpu.memory_space<hbm>>
      tpu.wait_dma2 semaphore(%arg13 : memref<!tpu.dma_semaphore, #tpu.memory_space<semaphore_mem>>) src(%dma_wait3A_151 : memref<88x128xf32, #tpu.memory_space<hbm>>) dst(%arg10 : memref<88x128xf32, #tpu.memory_space<vmem>>)
      "tpu.region"() ({
        %run_scoped3A = tpu.sem_alloc : memref<!tpu.dma_semaphore, #tpu.memory_space<semaphore_mem>>
        %dma_start3A_174 = arith.constant 0 : i32
        %dma_start3A_175 = tpu.memref_slice %arg8[%add3A_145, %dma_start3A_174] : memref<78x88xi32, #tpu.memory_space<vmem>> -> memref<1x88xi32, #tpu.memory_space<vmem>>
        %dma_start3A_176 = tpu.memref_squeeze %dma_start3A_175 : memref<1x88xi32, #tpu.memory_space<vmem>> -> memref<88xi32, #tpu.memory_space<vmem>>
        %dma_start3A_177 = arith.constant 0 : i32
        %dma_start3A_178 = arith.constant 0 : i32
        %dma_start3A_179 = tpu.memref_slice %arg15[%dma_start3A_177, %dma_start3A_178] : memref<10008x128xf32, #tpu.memory_space<vmem_shared>> -> memref<10008x128xf32, #tpu.memory_space<vmem_shared>>
        tpu.enqueue_indirect_dma source(%arg10 : memref<88x128xf32, #tpu.memory_space<vmem>>) target(%dma_start3A_179 : memref<10008x128xf32, #tpu.memory_space<vmem_shared>>) offsets(%dma_start3A_176 : memref<88xi32, #tpu.memory_space<vmem>>) semaphore(%run_scoped3A : memref<!tpu.dma_semaphore, #tpu.memory_space<semaphore_mem>>) {add = true}
        %dma_wait3A_180 = arith.constant 0 : i32
        %dma_wait3A_181 = tpu.memref_slice %arg8[%add3A_145, %dma_wait3A_180] : memref<78x88xi32, #tpu.memory_space<vmem>> -> memref<1x88xi32, #tpu.memory_space<vmem>>
        %dma_wait3A_182 = tpu.memref_squeeze %dma_wait3A_181 : memref<1x88xi32, #tpu.memory_space<vmem>> -> memref<88xi32, #tpu.memory_space<vmem>>
        %dma_wait3A_183 = arith.constant 0 : i32
        %dma_wait3A_184 = arith.constant 0 : i32
        %dma_wait3A_185 = tpu.memref_slice %arg15[%dma_wait3A_183, %dma_wait3A_184] : memref<10008x128xf32, #tpu.memory_space<vmem_shared>> -> memref<10008x128xf32, #tpu.memory_space<vmem_shared>>
        tpu.wait_indirect_dma semaphore(%run_scoped3A : memref<!tpu.dma_semaphore, #tpu.memory_space<semaphore_mem>>) src(%arg10 : memref<88x128xf32, #tpu.memory_space<vmem>>) dst(%dma_wait3A_185 : memref<10008x128xf32, #tpu.memory_space<vmem_shared>>)
        tpu.yield
      }) : () -> ()
      %add3A_152 = arith.constant 3 : i32
      %add3A_153 = arith.addi %add3A_145, %add3A_152 : i32
      %lt3A_154 = arith.cmpi slt, %add3A_153, %select_n3A : i32
      %convert_element_type3A_155 = arith.extui %lt3A_154 : i1 to i32
      %cond3A_156 = arith.constant 0 : i32
      %cond3A_157 = arith.cmpi ne, %convert_element_type3A_155, %cond3A_156 : i32
      scf.if %cond3A_157 {
        %add3A_174 = arith.constant 3 : i32
        %add3A_175 = arith.addi %add3A_145, %add3A_174 : i32
        %dma_start3A_176 = arith.constant 0 : i32
        %dma_start3A_177 = tpu.memref_slice %arg7[%add3A_175, %dma_start3A_176] : memref<78x88xi32, #tpu.memory_space<vmem>> -> memref<1x88xi32, #tpu.memory_space<vmem>>
        %dma_start3A_178 = tpu.memref_squeeze %dma_start3A_177 : memref<1x88xi32, #tpu.memory_space<vmem>> -> memref<88xi32, #tpu.memory_space<vmem>>
        %dma_start3A_179 = arith.constant 0 : i32
        %dma_start3A_180 = arith.constant 0 : i32
        %dma_start3A_181 = tpu.memref_slice %arg2[%dma_start3A_179, %dma_start3A_180] : memref<10000x128xf32, #tpu.memory_space<hbm>> -> memref<10000x128xf32, #tpu.memory_space<hbm>>
        tpu.enqueue_indirect_dma source(%dma_start3A_181 : memref<10000x128xf32, #tpu.memory_space<hbm>>) target(%arg10 : memref<88x128xf32, #tpu.memory_space<vmem>>) offsets(%dma_start3A_178 : memref<88xi32, #tpu.memory_space<vmem>>) semaphore(%arg13 : memref<!tpu.dma_semaphore, #tpu.memory_space<semaphore_mem>>)
      } else {
      }
      %mul3A_158 = arith.constant 3 : i32
      %mul3A_159 = arith.muli %mul3A_158, %while3A_128 : i32
      %add3A_160 = arith.constant 2 : i32
      %add3A_161 = arith.addi %mul3A_159, %add3A_160 : i32
      %dma_wait3A_162 = arith.constant 0 : i32
      %dma_wait3A_163 = arith.constant 0 : i32
      %dma_wait3A_164 = tpu.memref_slice %arg5[%dma_wait3A_162, %dma_wait3A_163] : memref<625x128xf32, #tpu.memory_space<hbm>> -> memref<88x128xf32, #tpu.memory_space<hbm>>
      %dma_wait3A_165 = arith.constant 0 : i32
      %dma_wait3A_166 = arith.constant 0 : i32
      %dma_wait3A_167 = tpu.memref_slice %arg5[%dma_wait3A_165, %dma_wait3A_166] : memref<625x128xf32, #tpu.memory_space<hbm>> -> memref<88x128xf32, #tpu.memory_space<hbm>>
      tpu.wait_dma2 semaphore(%arg14 : memref<!tpu.dma_semaphore, #tpu.memory_space<semaphore_mem>>) src(%dma_wait3A_167 : memref<88x128xf32, #tpu.memory_space<hbm>>) dst(%arg11 : memref<88x128xf32, #tpu.memory_space<vmem>>)
      "tpu.region"() ({
        %run_scoped3A = tpu.sem_alloc : memref<!tpu.dma_semaphore, #tpu.memory_space<semaphore_mem>>
        %dma_start3A_174 = arith.constant 0 : i32
        %dma_start3A_175 = tpu.memref_slice %arg8[%add3A_161, %dma_start3A_174] : memref<78x88xi32, #tpu.memory_space<vmem>> -> memref<1x88xi32, #tpu.memory_space<vmem>>
        %dma_start3A_176 = tpu.memref_squeeze %dma_start3A_175 : memref<1x88xi32, #tpu.memory_space<vmem>> -> memref<88xi32, #tpu.memory_space<vmem>>
        %dma_start3A_177 = arith.constant 0 : i32
        %dma_start3A_178 = arith.constant 0 : i32
        %dma_start3A_179 = tpu.memref_slice %arg15[%dma_start3A_177, %dma_start3A_178] : memref<10008x128xf32, #tpu.memory_space<vmem_shared>> -> memref<10008x128xf32, #tpu.memory_space<vmem_shared>>
        tpu.enqueue_indirect_dma source(%arg11 : memref<88x128xf32, #tpu.memory_space<vmem>>) target(%dma_start3A_179 : memref<10008x128xf32, #tpu.memory_space<vmem_shared>>) offsets(%dma_start3A_176 : memref<88xi32, #tpu.memory_space<vmem>>) semaphore(%run_scoped3A : memref<!tpu.dma_semaphore, #tpu.memory_space<semaphore_mem>>) {add = true}
        %dma_wait3A_180 = arith.constant 0 : i32
        %dma_wait3A_181 = tpu.memref_slice %arg8[%add3A_161, %dma_wait3A_180] : memref<78x88xi32, #tpu.memory_space<vmem>> -> memref<1x88xi32, #tpu.memory_space<vmem>>
        %dma_wait3A_182 = tpu.memref_squeeze %dma_wait3A_181 : memref<1x88xi32, #tpu.memory_space<vmem>> -> memref<88xi32, #tpu.memory_space<vmem>>
        %dma_wait3A_183 = arith.constant 0 : i32
        %dma_wait3A_184 = arith.constant 0 : i32
        %dma_wait3A_185 = tpu.memref_slice %arg15[%dma_wait3A_183, %dma_wait3A_184] : memref<10008x128xf32, #tpu.memory_space<vmem_shared>> -> memref<10008x128xf32, #tpu.memory_space<vmem_shared>>
        tpu.wait_indirect_dma semaphore(%run_scoped3A : memref<!tpu.dma_semaphore, #tpu.memory_space<semaphore_mem>>) src(%arg11 : memref<88x128xf32, #tpu.memory_space<vmem>>) dst(%dma_wait3A_185 : memref<10008x128xf32, #tpu.memory_space<vmem_shared>>)
        tpu.yield
      }) : () -> ()
      %add3A_168 = arith.constant 3 : i32
      %add3A_169 = arith.addi %add3A_161, %add3A_168 : i32
      %lt3A_170 = arith.cmpi slt, %add3A_169, %select_n3A : i32
      %convert_element_type3A_171 = arith.extui %lt3A_170 : i1 to i32
      %cond3A_172 = arith.constant 0 : i32
      %cond3A_173 = arith.cmpi ne, %convert_element_type3A_171, %cond3A_172 : i32
      scf.if %cond3A_173 {
        %add3A_174 = arith.constant 3 : i32
        %add3A_175 = arith.addi %add3A_161, %add3A_174 : i32
        %dma_start3A_176 = arith.constant 0 : i32
        %dma_start3A_177 = tpu.memref_slice %arg7[%add3A_175, %dma_start3A_176] : memref<78x88xi32, #tpu.memory_space<vmem>> -> memref<1x88xi32, #tpu.memory_space<vmem>>
        %dma_start3A_178 = tpu.memref_squeeze %dma_start3A_177 : memref<1x88xi32, #tpu.memory_space<vmem>> -> memref<88xi32, #tpu.memory_space<vmem>>
        %dma_start3A_179 = arith.constant 0 : i32
        %dma_start3A_180 = arith.constant 0 : i32
        %dma_start3A_181 = tpu.memref_slice %arg2[%dma_start3A_179, %dma_start3A_180] : memref<10000x128xf32, #tpu.memory_space<hbm>> -> memref<10000x128xf32, #tpu.memory_space<hbm>>
        tpu.enqueue_indirect_dma source(%dma_start3A_181 : memref<10000x128xf32, #tpu.memory_space<hbm>>) target(%arg11 : memref<88x128xf32, #tpu.memory_space<vmem>>) offsets(%dma_start3A_178 : memref<88xi32, #tpu.memory_space<vmem>>) semaphore(%arg14 : memref<!tpu.dma_semaphore, #tpu.memory_space<semaphore_mem>>)
      } else {
      }
    }
    %barrier3A_123 = arith.constant 0 : index
    tpu.barrier barrier_id(%barrier3A_123)
    %mul3A_124 = arith.constant 625 : i32
    %mul3A_125 = arith.muli %arg1, %mul3A_124 : i32
    %mul3A_126 = arith.constant 625 : i32
    %mul3A_127 = arith.muli %arg1, %mul3A_126 : i32
    "tpu.region"() ({
      %run_scoped3A = tpu.sem_alloc : memref<!tpu.dma_semaphore, #tpu.memory_space<semaphore_mem>>
      %dma_start3A_128 = arith.constant 0 : i32
      %dma_start3A_129 = tpu.memref_slice %arg6[%arg0, %mul3A_127, %dma_start3A_128] : memref<2x10000x128xf32, #tpu.memory_space<hbm>> -> memref<1x625x128xf32, #tpu.memory_space<hbm>>
      %dma_start3A_130 = tpu.memref_squeeze %dma_start3A_129 : memref<1x625x128xf32, #tpu.memory_space<hbm>> -> memref<625x128xf32, #tpu.memory_space<hbm>>
      %dma_start3A_131 = arith.constant 0 : i32
      %dma_start3A_132 = tpu.memref_slice %arg15[%mul3A_125, %dma_start3A_131] : memref<10008x128xf32, #tpu.memory_space<vmem_shared>> -> memref<625x128xf32, #tpu.memory_space<vmem_shared>>
      tpu.enqueue_dma source(%dma_start3A_132 : memref<625x128xf32, #tpu.memory_space<vmem_shared>>) target(%dma_start3A_130 : memref<625x128xf32, #tpu.memory_space<hbm>>) target_semaphore(%run_scoped3A : memref<!tpu.dma_semaphore, #tpu.memory_space<semaphore_mem>>)
      %dma_wait3A = arith.constant 0 : i32
      %dma_wait3A_133 = tpu.memref_slice %arg6[%arg0, %mul3A_127, %dma_wait3A] : memref<2x10000x128xf32, #tpu.memory_space<hbm>> -> memref<1x625x128xf32, #tpu.memory_space<hbm>>
      %dma_wait3A_134 = tpu.memref_squeeze %dma_wait3A_133 : memref<1x625x128xf32, #tpu.memory_space<hbm>> -> memref<625x128xf32, #tpu.memory_space<hbm>>
      %dma_wait3A_135 = arith.constant 0 : i32
      %dma_wait3A_136 = tpu.memref_slice %arg15[%mul3A_125, %dma_wait3A_135] : memref<10008x128xf32, #tpu.memory_space<vmem_shared>> -> memref<625x128xf32, #tpu.memory_space<vmem_shared>>
      tpu.wait_dma2 semaphore(%run_scoped3A : memref<!tpu.dma_semaphore, #tpu.memory_space<semaphore_mem>>) src(%dma_wait3A_136 : memref<625x128xf32, #tpu.memory_space<vmem_shared>>) dst(%dma_wait3A_134 : memref<625x128xf32, #tpu.memory_space<hbm>>)
      tpu.yield
    }) : () -> ()
    return
  }
}

module attributes {stable_mosaic.version = 14 : i64} {
  func.func @body(%arg0: i32, %arg1: memref<1000x128xf32, #tpu.memory_space<vmem>>, %arg2: memref<128x128xf32, #tpu.memory_space<vmem>>, %arg3: memref<1x128xf32, #tpu.memory_space<vmem>>, %arg4: memref<1000x128xf32, #tpu.memory_space<vmem>>) attributes {dimension_semantics = [#tpu.dimension_semantics<arbitrary>], iteration_bounds = array<i64: 10>, scalar_prefetch = 0 : i64, scratch_operands = 0 : i64, tpu.core_type = #tpu.core_type<tc>, window_params = [{transform_indices = @transform_0, window_bounds = array<i64: 1000, 128>}, {pipeline_mode = #tpu.pipeline_mode<synchronous>, transform_indices = @transform_1, window_bounds = array<i64: 128, 128>}, {pipeline_mode = #tpu.pipeline_mode<synchronous>, transform_indices = @transform_2, window_bounds = array<i64: 1, 128>}, {transform_indices = @transform_3, window_bounds = array<i64: 1000, 128>}]} {
    %get3A = arith.constant 0 : index
    %get3A_0 = arith.constant 0 : index
    %get3A_1 = vector.load %arg1[%get3A, %get3A_0] : memref<1000x128xf32, #tpu.memory_space<vmem>>, vector<1000x128xf32>
    %get3A_2 = arith.constant 0 : index
    %get3A_3 = arith.constant 0 : index
    %get3A_4 = vector.load %arg2[%get3A_2, %get3A_3] : memref<128x128xf32, #tpu.memory_space<vmem>>, vector<128x128xf32>
    %dot_general3A = arith.constant dense<0.000000e+00> : vector<1000x128xf32>
    %dot_general3A_5 = tpu.matmul %get3A_1, %get3A_4, %dot_general3A {dimension_numbers = #tpu.dot_dimension_numbers<[1], [0], [0], [1], [0, 0, 1, 1], [], []>, transpose_lhs_hint = false} : vector<1000x128xf32>, vector<128x128xf32>, vector<1000x128xf32> -> vector<1000x128xf32>
    %get3A_6 = arith.constant 0 : index
    %get3A_7 = arith.constant 0 : index
    %get3A_8 = vector.load %arg3[%get3A_6, %get3A_7] : memref<1x128xf32, #tpu.memory_space<vmem>>, vector<1x128xf32>
    %add3A = vector.broadcast %get3A_8 : vector<1x128xf32> to vector<1000x128xf32>
    %add3A_9 = arith.addf %dot_general3A_5, %add3A : vector<1000x128xf32>
    %max3A = arith.constant 0.000000e+00 : f32
    %max3A_10 = vector.broadcast %max3A : f32 to vector<1000x128xf32>
    %max3A_11 = arith.maximumf %add3A_9, %max3A_10 : vector<1000x128xf32>
    %swap3A = arith.constant 0 : index
    %swap3A_12 = arith.constant 0 : index
    %swap3A_13 = vector.load %arg4[%swap3A, %swap3A_12] : memref<1000x128xf32, #tpu.memory_space<vmem>>, vector<1000x128xf32>
    tpu.vector_store %arg4[%swap3A, %swap3A_12], %max3A_11 {strides = array<i32>} : memref<1000x128xf32, #tpu.memory_space<vmem>>, vector<1000x128xf32>,
    return
  }
  func.func @transform_0(%arg0: i32) -> (i32, i32) {
    %c0_i32 = arith.constant 0 : i32
    %c0_i32_0 = arith.constant 0 : i32
    return %arg0, %c0_i32 : i32, i32
  }
  func.func @transform_1(%arg0: i32) -> (i32, i32) {
    %c0_i32 = arith.constant 0 : i32
    %c0_i32_0 = arith.constant 0 : i32
    %c0_i32_1 = arith.constant 0 : i32
    return %c0_i32, %c0_i32_0 : i32, i32
  }
  func.func @transform_2(%arg0: i32) -> (i32, i32) {
    %c0_i32 = arith.constant 0 : i32
    %c0_i32_0 = arith.constant 0 : i32
    %c0_i32_1 = arith.constant 0 : i32
    return %c0_i32, %c0_i32_0 : i32, i32
  }
  func.func @transform_3(%arg0: i32) -> (i32, i32) {
    %c0_i32 = arith.constant 0 : i32
    %c0_i32_0 = arith.constant 0 : i32
    return %arg0, %c0_i32 : i32, i32
  }
}

module attributes {stable_mosaic.version = 14 : i64} {
  func.func @body(%arg0: i32, %arg1: memref<1x1000x128xf32, #tpu.memory_space<vmem>>, %arg2: memref<1x1000x128xf32, #tpu.memory_space<vmem>>, %arg3: memref<128x128xf32, #tpu.memory_space<vmem>>, %arg4: memref<1x128xf32, #tpu.memory_space<vmem>>, %arg5: memref<1000x128xf32, #tpu.memory_space<vmem>>, %arg6: memref<1000x128xf32, #tpu.memory_space<vmem>>) attributes {dimension_semantics = [#tpu.dimension_semantics<arbitrary>], iteration_bounds = array<i64: 10>, scalar_prefetch = 0 : i64, scratch_operands = 0 : i64, tpu.core_type = #tpu.core_type<tc>, window_params = [{transform_indices = @transform_0, window_bounds = array<i64: 1, 1000, 128>}, {transform_indices = @transform_1, window_bounds = array<i64: 1, 1000, 128>}, {pipeline_mode = #tpu.pipeline_mode<synchronous>, transform_indices = @transform_2, window_bounds = array<i64: 128, 128>}, {pipeline_mode = #tpu.pipeline_mode<synchronous>, transform_indices = @transform_3, window_bounds = array<i64: 1, 128>}, {transform_indices = @transform_4, window_bounds = array<i64: 1000, 128>}, {transform_indices = @transform_5, window_bounds = array<i64: 1000, 128>}]} {
    %get3A = arith.constant 0 : index
    %get3A_0 = arith.constant 0 : index
    %get3A_1 = arith.constant 0 : index
    %get3A_2 = vector.load %arg1[%get3A, %get3A_0, %get3A_1] : memref<1x1000x128xf32, #tpu.memory_space<vmem>>, vector<1x1000x128xf32>
    %get3A_3 = vector.shape_cast %get3A_2 : vector<1x1000x128xf32> to vector<1000x128xf32>
    %get3A_4 = arith.constant 0 : index
    %get3A_5 = arith.constant 0 : index
    %get3A_6 = arith.constant 0 : index
    %get3A_7 = vector.load %arg2[%get3A_4, %get3A_5, %get3A_6] : memref<1x1000x128xf32, #tpu.memory_space<vmem>>, vector<1x1000x128xf32>
    %get3A_8 = vector.shape_cast %get3A_7 : vector<1x1000x128xf32> to vector<1000x128xf32>
    %add3A = arith.addf %get3A_3, %get3A_8 : vector<1000x128xf32>
    %get3A_9 = arith.constant 0 : index
    %get3A_10 = arith.constant 0 : index
    %get3A_11 = vector.load %arg3[%get3A_9, %get3A_10] : memref<128x128xf32, #tpu.memory_space<vmem>>, vector<128x128xf32>
    %dot_general3A = arith.constant dense<0.000000e+00> : vector<1000x128xf32>
    %dot_general3A_12 = tpu.matmul %add3A, %get3A_11, %dot_general3A {dimension_numbers = #tpu.dot_dimension_numbers<[1], [0], [0], [1], [0, 0, 1, 1], [], []>, transpose_lhs_hint = false} : vector<1000x128xf32>, vector<128x128xf32>, vector<1000x128xf32> -> vector<1000x128xf32>
    %get3A_13 = arith.constant 0 : index
    %get3A_14 = arith.constant 0 : index
    %get3A_15 = vector.load %arg4[%get3A_13, %get3A_14] : memref<1x128xf32, #tpu.memory_space<vmem>>, vector<1x128xf32>
    %add3A_16 = vector.broadcast %get3A_15 : vector<1x128xf32> to vector<1000x128xf32>
    %add3A_17 = arith.addf %dot_general3A_12, %add3A_16 : vector<1000x128xf32>
    %get3A_18 = arith.constant 0 : index
    %get3A_19 = arith.constant 0 : index
    %get3A_20 = vector.load %arg5[%get3A_18, %get3A_19] : memref<1000x128xf32, #tpu.memory_space<vmem>>, vector<1000x128xf32>
    %add3A_21 = arith.addf %add3A_17, %get3A_20 : vector<1000x128xf32>
    %max3A = arith.constant 0.000000e+00 : f32
    %max3A_22 = vector.broadcast %max3A : f32 to vector<1000x128xf32>
    %max3A_23 = arith.maximumf %add3A_21, %max3A_22 : vector<1000x128xf32>
    %swap3A = arith.constant 0 : index
    %swap3A_24 = arith.constant 0 : index
    %swap3A_25 = vector.load %arg6[%swap3A, %swap3A_24] : memref<1000x128xf32, #tpu.memory_space<vmem>>, vector<1000x128xf32>
    tpu.vector_store %arg6[%swap3A, %swap3A_24], %max3A_23 {strides = array<i32>} : memref<1000x128xf32, #tpu.memory_space<vmem>>, vector<1000x128xf32>,
    return
  }
  func.func @transform_0(%arg0: i32) -> (i32, i32, i32) {
    %c0_i32 = arith.constant 0 : i32
    %c0_i32_0 = arith.constant 0 : i32
    %c0_i32_1 = arith.constant 0 : i32
    return %c0_i32, %arg0, %c0_i32_0 : i32, i32, i32
  }
  func.func @transform_1(%arg0: i32) -> (i32, i32, i32) {
    %c1_i32 = arith.constant 1 : i32
    %c0_i32 = arith.constant 0 : i32
    %c0_i32_0 = arith.constant 0 : i32
    return %c1_i32, %arg0, %c0_i32 : i32, i32, i32
  }
  func.func @transform_2(%arg0: i32) -> (i32, i32) {
    %c0_i32 = arith.constant 0 : i32
    %c0_i32_0 = arith.constant 0 : i32
    %c0_i32_1 = arith.constant 0 : i32
    return %c0_i32, %c0_i32_0 : i32, i32
  }
  func.func @transform_3(%arg0: i32) -> (i32, i32) {
    %c0_i32 = arith.constant 0 : i32
    %c0_i32_0 = arith.constant 0 : i32
    %c0_i32_1 = arith.constant 0 : i32
    return %c0_i32, %c0_i32_0 : i32, i32
  }
  func.func @transform_4(%arg0: i32) -> (i32, i32) {
    %c0_i32 = arith.constant 0 : i32
    %c0_i32_0 = arith.constant 0 : i32
    return %arg0, %c0_i32 : i32, i32
  }
  func.func @transform_5(%arg0: i32) -> (i32, i32) {
    %c0_i32 = arith.constant 0 : i32
    %c0_i32_0 = arith.constant 0 : i32
    return %arg0, %c0_i32 : i32, i32
  }
}

module attributes {stable_mosaic.version = 14 : i64} {
  func.func @body(%arg0: i32, %arg1: memref<1000x128xf32, #tpu.memory_space<vmem>>, %arg2: memref<1000x1xi32, #tpu.memory_space<vmem>>, %arg3: memref<64x1xi32, #tpu.memory_space<vmem>>, %arg4: memref<128x128xf32, #tpu.memory_space<vmem>>, %arg5: memref<1x128xf32, #tpu.memory_space<vmem>>, %arg6: memref<128x128xf32, #tpu.memory_space<vmem>>, %arg7: memref<1x128xf32, #tpu.memory_space<vmem>>, %arg8: memref<128x10xf32, #tpu.memory_space<vmem>>, %arg9: memref<1x10xf32, #tpu.memory_space<vmem>>, %arg10: memref<64x10xf32, #tpu.memory_space<vmem>>, %arg11: memref<1x1xf32, #tpu.memory_space<vmem>>, %arg12: memref<64x1xf32, #tpu.memory_space<vmem>>, %arg13: memref<64x128xf32, #tpu.memory_space<vmem>>) attributes {dimension_semantics = [#tpu.dimension_semantics<arbitrary>], iteration_bounds = array<i64: 10>, scalar_prefetch = 0 : i64, scratch_operands = 1 : i64, tpu.core_type = #tpu.core_type<tc>, window_params = [{transform_indices = @transform_0, window_bounds = array<i64: 1000, 128>}, {transform_indices = @transform_1, window_bounds = array<i64: 1000, 1>}, {pipeline_mode = #tpu.pipeline_mode<synchronous>, transform_indices = @transform_2, window_bounds = array<i64: 64, 1>}, {pipeline_mode = #tpu.pipeline_mode<synchronous>, transform_indices = @transform_3, window_bounds = array<i64: 128, 128>}, {pipeline_mode = #tpu.pipeline_mode<synchronous>, transform_indices = @transform_4, window_bounds = array<i64: 1, 128>}, {pipeline_mode = #tpu.pipeline_mode<synchronous>, transform_indices = @transform_5, window_bounds = array<i64: 128, 128>}, {pipeline_mode = #tpu.pipeline_mode<synchronous>, transform_indices = @transform_6, window_bounds = array<i64: 1, 128>}, {pipeline_mode = #tpu.pipeline_mode<synchronous>, transform_indices = @transform_7, window_bounds = array<i64: 128, 10>}, {pipeline_mode = #tpu.pipeline_mode<synchronous>, transform_indices = @transform_8, window_bounds = array<i64: 1, 10>}, {pipeline_mode = #tpu.pipeline_mode<synchronous>, transform_indices = @transform_9, window_bounds = array<i64: 64, 10>}, {pipeline_mode = #tpu.pipeline_mode<synchronous>, transform_indices = @transform_10, window_bounds = array<i64: 1, 1>}, {pipeline_mode = #tpu.pipeline_mode<synchronous>, transform_indices = @transform_11, window_bounds = array<i64: 64, 1>}]} {
    %get3A = arith.constant 0 : index
    %get3A_0 = arith.constant 0 : index
    %get3A_1 = vector.load %arg2[%get3A, %get3A_0] : memref<1000x1xi32, #tpu.memory_space<vmem>>, vector<1000x1xi32>
    %iota3A = tpu.iota {dimensions = array<i32: 1>} : vector<1000x64xi32>
    %eq3A = vector.broadcast %get3A_1 : vector<1000x1xi32> to vector<1000x64xi32>
    %eq3A_2 = arith.cmpi eq, %eq3A, %iota3A : vector<1000x64xi32>
    %convert_element_type3A = arith.extui %eq3A_2 : vector<1000x64xi1> to vector<1000x64xi32>
    %convert_element_type3A_3 = arith.sitofp %convert_element_type3A : vector<1000x64xi32> to vector<1000x64xf32>
    %get3A_4 = arith.constant 0 : index
    %get3A_5 = arith.constant 0 : index
    %get3A_6 = vector.load %arg1[%get3A_4, %get3A_5] : memref<1000x128xf32, #tpu.memory_space<vmem>>, vector<1000x128xf32>
    %dot_general3A = arith.constant dense<0.000000e+00> : vector<64x128xf32>
    %dot_general3A_7 = tpu.matmul %convert_element_type3A_3, %get3A_6, %dot_general3A {dimension_numbers = #tpu.dot_dimension_numbers<[0], [0], [1], [1], [0, 1, 1, 1], [], []>, transpose_lhs_hint = false} : vector<1000x64xf32>, vector<1000x128xf32>, vector<64x128xf32> -> vector<64x128xf32>
    %eq3A_8 = arith.constant 0 : i32
    %eq3A_9 = arith.cmpi eq, %arg0, %eq3A_8 : i32
    %convert_element_type3A_10 = arith.extui %eq3A_9 : i1 to i32
    %cond3A = arith.constant 0 : i32
    %cond3A_11 = arith.cmpi ne, %convert_element_type3A_10, %cond3A : i32
    scf.if %cond3A_11 {
      %swap3A = arith.constant 0 : index
      %swap3A_21 = arith.constant 0 : index
      %swap3A_22 = vector.load %arg13[%swap3A, %swap3A_21] : memref<64x128xf32, #tpu.memory_space<vmem>>, vector<64x128xf32>
      tpu.vector_store %arg13[%swap3A, %swap3A_21], %dot_general3A_7 {strides = array<i32>} : memref<64x128xf32, #tpu.memory_space<vmem>>, vector<64x128xf32>,
    } else {
    }
    %gt3A = arith.constant 0 : i32
    %gt3A_12 = arith.cmpi sgt, %arg0, %gt3A : i32
    %convert_element_type3A_13 = arith.extui %gt3A_12 : i1 to i32
    %cond3A_14 = arith.constant 0 : i32
    %cond3A_15 = arith.cmpi ne, %convert_element_type3A_13, %cond3A_14 : i32
    scf.if %cond3A_15 {
      %get3A_21 = arith.constant 0 : index
      %get3A_22 = arith.constant 0 : index
      %get3A_23 = vector.load %arg13[%get3A_21, %get3A_22] : memref<64x128xf32, #tpu.memory_space<vmem>>, vector<64x128xf32>
      %add3A = arith.addf %get3A_23, %dot_general3A_7 : vector<64x128xf32>
      %swap3A = arith.constant 0 : index
      %swap3A_24 = arith.constant 0 : index
      %swap3A_25 = vector.load %arg13[%swap3A, %swap3A_24] : memref<64x128xf32, #tpu.memory_space<vmem>>, vector<64x128xf32>
      tpu.vector_store %arg13[%swap3A, %swap3A_24], %add3A {strides = array<i32>} : memref<64x128xf32, #tpu.memory_space<vmem>>, vector<64x128xf32>,
    } else {
    }
    %eq3A_16 = arith.constant 9 : i32
    %eq3A_17 = arith.cmpi eq, %arg0, %eq3A_16 : i32
    %convert_element_type3A_18 = arith.extui %eq3A_17 : i1 to i32
    %cond3A_19 = arith.constant 0 : i32
    %cond3A_20 = arith.cmpi ne, %convert_element_type3A_18, %cond3A_19 : i32
    scf.if %cond3A_20 {
      %get3A_21 = arith.constant 0 : index
      %get3A_22 = arith.constant 0 : index
      %get3A_23 = vector.load %arg13[%get3A_21, %get3A_22] : memref<64x128xf32, #tpu.memory_space<vmem>>, vector<64x128xf32>
      %get3A_24 = arith.constant 0 : index
      %get3A_25 = arith.constant 0 : index
      %get3A_26 = vector.load %arg4[%get3A_24, %get3A_25] : memref<128x128xf32, #tpu.memory_space<vmem>>, vector<128x128xf32>
      %dot_general3A_27 = arith.constant dense<0.000000e+00> : vector<64x128xf32>
      %dot_general3A_28 = tpu.matmul %get3A_23, %get3A_26, %dot_general3A_27 {dimension_numbers = #tpu.dot_dimension_numbers<[1], [0], [0], [1], [0, 0, 1, 1], [], []>, transpose_lhs_hint = false} : vector<64x128xf32>, vector<128x128xf32>, vector<64x128xf32> -> vector<64x128xf32>
      %get3A_29 = arith.constant 0 : index
      %get3A_30 = arith.constant 0 : index
      %get3A_31 = vector.load %arg5[%get3A_29, %get3A_30] : memref<1x128xf32, #tpu.memory_space<vmem>>, vector<1x128xf32>
      %add3A = vector.broadcast %get3A_31 : vector<1x128xf32> to vector<64x128xf32>
      %add3A_32 = arith.addf %dot_general3A_28, %add3A : vector<64x128xf32>
      %max3A = arith.constant 0.000000e+00 : f32
      %max3A_33 = vector.broadcast %max3A : f32 to vector<64x128xf32>
      %max3A_34 = arith.maximumf %add3A_32, %max3A_33 : vector<64x128xf32>
      %get3A_35 = arith.constant 0 : index
      %get3A_36 = arith.constant 0 : index
      %get3A_37 = vector.load %arg6[%get3A_35, %get3A_36] : memref<128x128xf32, #tpu.memory_space<vmem>>, vector<128x128xf32>
      %dot_general3A_38 = arith.constant dense<0.000000e+00> : vector<64x128xf32>
      %dot_general3A_39 = tpu.matmul %max3A_34, %get3A_37, %dot_general3A_38 {dimension_numbers = #tpu.dot_dimension_numbers<[1], [0], [0], [1], [0, 0, 1, 1], [], []>, transpose_lhs_hint = false} : vector<64x128xf32>, vector<128x128xf32>, vector<64x128xf32> -> vector<64x128xf32>
      %get3A_40 = arith.constant 0 : index
      %get3A_41 = arith.constant 0 : index
      %get3A_42 = vector.load %arg7[%get3A_40, %get3A_41] : memref<1x128xf32, #tpu.memory_space<vmem>>, vector<1x128xf32>
      %add3A_43 = vector.broadcast %get3A_42 : vector<1x128xf32> to vector<64x128xf32>
      %add3A_44 = arith.addf %dot_general3A_39, %add3A_43 : vector<64x128xf32>
      %max3A_45 = arith.constant 0.000000e+00 : f32
      %max3A_46 = vector.broadcast %max3A_45 : f32 to vector<64x128xf32>
      %max3A_47 = arith.maximumf %add3A_44, %max3A_46 : vector<64x128xf32>
      %get3A_48 = arith.constant 0 : index
      %get3A_49 = arith.constant 0 : index
      %get3A_50 = vector.load %arg8[%get3A_48, %get3A_49] : memref<128x10xf32, #tpu.memory_space<vmem>>, vector<128x10xf32>
      %dot_general3A_51 = arith.constant dense<0.000000e+00> : vector<64x10xf32>
      %dot_general3A_52 = tpu.matmul %max3A_47, %get3A_50, %dot_general3A_51 {dimension_numbers = #tpu.dot_dimension_numbers<[1], [0], [0], [1], [0, 0, 1, 1], [], []>, transpose_lhs_hint = false} : vector<64x128xf32>, vector<128x10xf32>, vector<64x10xf32> -> vector<64x10xf32>
      %get3A_53 = arith.constant 0 : index
      %get3A_54 = arith.constant 0 : index
      %get3A_55 = vector.load %arg9[%get3A_53, %get3A_54] : memref<1x10xf32, #tpu.memory_space<vmem>>, vector<1x10xf32>
      %add3A_56 = vector.broadcast %get3A_55 : vector<1x10xf32> to vector<64x10xf32>
      %add3A_57 = arith.addf %dot_general3A_52, %add3A_56 : vector<64x10xf32>
      %reduce_max3A = arith.constant dense<0xFF800000> : vector<64xf32>
      %reduce_max3A_58 = vector.multi_reduction <maximumf>, %add3A_57, %reduce_max3A [1] : vector<64x10xf32> to vector<64xf32>
      %broadcast_in_dim3A = vector.shape_cast %reduce_max3A_58 : vector<64xf32> to vector<64x1xf32>
      %sub3A = vector.broadcast %broadcast_in_dim3A : vector<64x1xf32> to vector<64x10xf32>
      %sub3A_59 = arith.subf %add3A_57, %sub3A : vector<64x10xf32>
      %exp3A = math.exp %sub3A_59 : vector<64x10xf32>
      %reduce_sum3A = arith.constant dense<0.000000e+00> : vector<64xf32>
      %reduce_sum3A_60 = vector.multi_reduction <add>, %exp3A, %reduce_sum3A [1] : vector<64x10xf32> to vector<64xf32>
      %broadcast_in_dim3A_61 = vector.shape_cast %reduce_sum3A_60 : vector<64xf32> to vector<64x1xf32>
      %log3A = math.log %broadcast_in_dim3A_61 : vector<64x1xf32>
      %add3A_62 = arith.addf %broadcast_in_dim3A, %log3A : vector<64x1xf32>
      %sub3A_63 = vector.broadcast %add3A_62 : vector<64x1xf32> to vector<64x10xf32>
      %sub3A_64 = arith.subf %add3A_57, %sub3A_63 : vector<64x10xf32>
      %swap3A = arith.constant 0 : index
      %swap3A_65 = arith.constant 0 : index
      %swap3A_66 = vector.load %arg10[%swap3A, %swap3A_65] : memref<64x10xf32, #tpu.memory_space<vmem>>, vector<64x10xf32>
      tpu.vector_store %arg10[%swap3A, %swap3A_65], %sub3A_64 {strides = array<i32>} : memref<64x10xf32, #tpu.memory_space<vmem>>, vector<64x10xf32>,
      %get3A_67 = arith.constant 0 : index
      %get3A_68 = arith.constant 0 : index
      %get3A_69 = vector.load %arg3[%get3A_67, %get3A_68] : memref<64x1xi32, #tpu.memory_space<vmem>>, vector<64x1xi32>
      %iota3A_70 = tpu.iota {dimensions = array<i32: 1>} : vector<64x10xi32>
      %eq3A_71 = vector.broadcast %get3A_69 : vector<64x1xi32> to vector<64x10xi32>
      %eq3A_72 = arith.cmpi eq, %iota3A_70, %eq3A_71 : vector<64x10xi32>
      %jit3A = arith.constant 0.000000e+00 : f32
      %broadcast_in_dim3A_73 = vector.broadcast %jit3A : f32 to vector<64x10xf32>
      %select_n3A = arith.select %eq3A_72, %sub3A_64, %broadcast_in_dim3A_73 : vector<64x10xi1>, vector<64x10xf32>
      %reduce_sum3A_74 = arith.constant dense<0.000000e+00> : vector<64xf32>
      %reduce_sum3A_75 = vector.multi_reduction <add>, %select_n3A, %reduce_sum3A_74 [1] : vector<64x10xf32> to vector<64xf32>
      %broadcast_in_dim3A_76 = vector.shape_cast %reduce_sum3A_75 : vector<64xf32> to vector<64x1xf32>
      %reduce_sum3A_77 = arith.constant dense<0.000000e+00> : vector<1xf32>
      %reduce_sum3A_78 = vector.multi_reduction <add>, %broadcast_in_dim3A_76, %reduce_sum3A_77 [0] : vector<64x1xf32> to vector<1xf32>
      %broadcast_in_dim3A_79 = vector.shape_cast %reduce_sum3A_78 : vector<1xf32> to vector<1x1xf32>
      %neg3A = arith.constant 0.000000e+00 : f32
      %neg3A_80 = vector.broadcast %neg3A : f32 to vector<1x1xf32>
      %neg3A_81 = arith.subf %neg3A_80, %broadcast_in_dim3A_79 : vector<1x1xf32>
      %div3A = arith.constant 6.400000e+01 : f32
      %div3A_82 = vector.broadcast %div3A : f32 to vector<1x1xf32>
      %div3A_83 = arith.divf %neg3A_81, %div3A_82 : vector<1x1xf32>
      %swap3A_84 = arith.constant 0 : index
      %swap3A_85 = arith.constant 0 : index
      %swap3A_86 = vector.load %arg11[%swap3A_84, %swap3A_85] : memref<1x1xf32, #tpu.memory_space<vmem>>, vector<1x1xf32>
      tpu.vector_store %arg11[%swap3A_84, %swap3A_85], %div3A_83 {strides = array<i32>} : memref<1x1xf32, #tpu.memory_space<vmem>>, vector<1x1xf32>,
      %reduce_max3A_87 = arith.constant dense<0xFF800000> : vector<64xf32>
      %reduce_max3A_88 = vector.multi_reduction <maximumf>, %sub3A_64, %reduce_max3A_87 [1] : vector<64x10xf32> to vector<64xf32>
      %broadcast_in_dim3A_89 = vector.shape_cast %reduce_max3A_88 : vector<64xf32> to vector<64x1xf32>
      %ge3A = vector.broadcast %broadcast_in_dim3A_89 : vector<64x1xf32> to vector<64x10xf32>
      %ge3A_90 = arith.cmpf oge, %sub3A_64, %ge3A : vector<64x10xf32>
      %jit3A_91 = arith.constant 10 : i32
      %broadcast_in_dim3A_92 = vector.broadcast %jit3A_91 : i32 to vector<64x10xi32>
      %select_n3A_93 = arith.select %ge3A_90, %iota3A_70, %broadcast_in_dim3A_92 : vector<64x10xi1>, vector<64x10xi32>
      %reduce_min3A = arith.constant dense<2147483647> : vector<64xi32>
      %reduce_min3A_94 = vector.multi_reduction <minsi>, %select_n3A_93, %reduce_min3A [1] : vector<64x10xi32> to vector<64xi32>
      %broadcast_in_dim3A_95 = vector.shape_cast %reduce_min3A_94 : vector<64xi32> to vector<64x1xi32>
      %eq3A_96 = arith.cmpi eq, %broadcast_in_dim3A_95, %get3A_69 : vector<64x1xi32>
      %convert_element_type3A_97 = arith.extui %eq3A_96 : vector<64x1xi1> to vector<64x1xi32>
      %convert_element_type3A_98 = arith.sitofp %convert_element_type3A_97 : vector<64x1xi32> to vector<64x1xf32>
      %swap3A_99 = arith.constant 0 : index
      %swap3A_100 = arith.constant 0 : index
      %swap3A_101 = vector.load %arg12[%swap3A_99, %swap3A_100] : memref<64x1xf32, #tpu.memory_space<vmem>>, vector<64x1xf32>
      tpu.vector_store %arg12[%swap3A_99, %swap3A_100], %convert_element_type3A_98 {strides = array<i32>} : memref<64x1xf32, #tpu.memory_space<vmem>>, vector<64x1xf32>,
    } else {
    }
    return
  }
  func.func @transform_0(%arg0: i32) -> (i32, i32) {
    %c0_i32 = arith.constant 0 : i32
    %c0_i32_0 = arith.constant 0 : i32
    return %arg0, %c0_i32 : i32, i32
  }
  func.func @transform_1(%arg0: i32) -> (i32, i32) {
    %c0_i32 = arith.constant 0 : i32
    %c0_i32_0 = arith.constant 0 : i32
    return %arg0, %c0_i32 : i32, i32
  }
  func.func @transform_2(%arg0: i32) -> (i32, i32) {
    %c0_i32 = arith.constant 0 : i32
    %c0_i32_0 = arith.constant 0 : i32
    %c0_i32_1 = arith.constant 0 : i32
    return %c0_i32, %c0_i32_0 : i32, i32
  }
  func.func @transform_3(%arg0: i32) -> (i32, i32) {
    %c0_i32 = arith.constant 0 : i32
    %c0_i32_0 = arith.constant 0 : i32
    %c0_i32_1 = arith.constant 0 : i32
    return %c0_i32, %c0_i32_0 : i32, i32
  }
  func.func @transform_4(%arg0: i32) -> (i32, i32) {
    %c0_i32 = arith.constant 0 : i32
    %c0_i32_0 = arith.constant 0 : i32
    %c0_i32_1 = arith.constant 0 : i32
    return %c0_i32, %c0_i32_0 : i32, i32
  }
  func.func @transform_5(%arg0: i32) -> (i32, i32) {
    %c0_i32 = arith.constant 0 : i32
    %c0_i32_0 = arith.constant 0 : i32
    %c0_i32_1 = arith.constant 0 : i32
    return %c0_i32, %c0_i32_0 : i32, i32
  }
  func.func @transform_6(%arg0: i32) -> (i32, i32) {
    %c0_i32 = arith.constant 0 : i32
    %c0_i32_0 = arith.constant 0 : i32
    %c0_i32_1 = arith.constant 0 : i32
    return %c0_i32, %c0_i32_0 : i32, i32
  }
  func.func @transform_7(%arg0: i32) -> (i32, i32) {
    %c0_i32 = arith.constant 0 : i32
    %c0_i32_0 = arith.constant 0 : i32
    %c0_i32_1 = arith.constant 0 : i32
    return %c0_i32, %c0_i32_0 : i32, i32
  }
  func.func @transform_8(%arg0: i32) -> (i32, i32) {
    %c0_i32 = arith.constant 0 : i32
    %c0_i32_0 = arith.constant 0 : i32
    %c0_i32_1 = arith.constant 0 : i32
    return %c0_i32, %c0_i32_0 : i32, i32
  }
  func.func @transform_9(%arg0: i32) -> (i32, i32) {
    %c0_i32 = arith.constant 0 : i32
    %c0_i32_0 = arith.constant 0 : i32
    %c0_i32_1 = arith.constant 0 : i32
    return %c0_i32, %c0_i32_0 : i32, i32
  }
  func.func @transform_10(%arg0: i32) -> (i32, i32) {
    %c0_i32 = arith.constant 0 : i32
    %c0_i32_0 = arith.constant 0 : i32
    %c0_i32_1 = arith.constant 0 : i32
    return %c0_i32, %c0_i32_0 : i32, i32
  }
  func.func @transform_11(%arg0: i32) -> (i32, i32) {
    %c0_i32 = arith.constant 0 : i32
    %c0_i32_0 = arith.constant 0 : i32
    %c0_i32_1 = arith.constant 0 : i32
    return %c0_i32, %c0_i32_0 : i32, i32
  }
}

</mosaic_0001>

<sc_bundles>
// kernel: kernel.10.cloned.1.call-start
scs
__scs_entry_jumppad:
0x0: {  	(pc) =	sbr.rel $0x88, $3  }
0x1: {  	(tag) =	ssettag $0x0;
	lr =	simm.s32 $0x1  }
0x2: {  	[smem:$0x3F93] =	sst lr;
	_ =	strace $0xD0000000  }
0x3: {  	_ = 	snop  }
0x4: {  	_ = 	snop  }
0x5: {  	_ = 	snop  }
0x6: {  	_ = 	snop  }
0x7: {  	_ = 	snop  }
__scs_overlays_trampoline_lowered:
0x8: {  	[smem:$0x3FA2] =	sst s0  }
0x9: {  	[smem:$0x3FA3] =	sst s1  }
0xa: {  	[smem:$0x3FA4] =	sst s2  }
0xb: {  	[smem:$0x3FA5] =	sst s3  }
0xc: {  	[smem:$0x3FA6] =	sst s4  }
0xd: {  	[smem:$0x3FA7] =	sst s5  }
0xe: {  	[smem:$0x3FA8] =	sst s6  }
0xf: {  	[smem:$0x3FA9] =	sst s7  }
0x10: {  	[smem:$0x3FAA] =	sst s8  }
0x11: {  	[smem:$0x3FAB] =	sst s9;
	s0 =	simm.s32 @!p0 $0x0  }
0x12: {  	s1 =	sld [smem:$0x3F91];
	s0 =	simm.s32 @p0 $0x1  }
0x13: {  	[smem:$0x3FAC] =	sst s0;
	s0 =	simm.s32 @!p1 $0x0  }
0x14: {  	s2 =	sld [smem:$0x3F90];
	s0 =	simm.s32 @p1 $0x1  }
0x15: {  	[smem:$0x3FAD] =	sst s0;
	s0 =	simm.s32 @!p2 $0x0  }
0x16: {  	s3 =	sld [smem:$0x3FDB];
	s0 =	simm.s32 @p2 $0x1  }
0x17: {  	s4 =	simm.s32 $0x1BF5;
	[smem:$0x3FAF] =	sst s0  }
0x18: {  	s0 =	sld [smem:$0x3F92];
	_ =	swait.ge [sflag:s4], $0x0  }
0x19: {  	s7 =	sld [smem:$0x3F93]  }
0x1a: {  	s8 =	sadd.s32 $0xFFFFE003, lr  }
0x1b: {  	s9 =	sadd.s32 $0xFFFFFEF7, lr;
	s5 =	simm.s32 $0xFFFFFFFF;
	p2 =	slt.u32 s8, $0xFFFFF086  }
0x1c: {  	p1 =	slt.u32 s9, $0xF7A;
	s5 =	simm.s32 @!p2 $0x0  }
0x1d: {  	s5 =	simm.s32 @p1 $0x1;
	p0 =	seq.s32 s7, s2  }
0x1e: {  	s7 =	smul.u32 @!p0 $0xF7A, s2;
	p2 =	seq.s32 @!p0 s5, $0x0  }
0x1f: {  	s9 =	smul.u32 $0xF7A, s1;
	s8 =	simm.s32 @!p0 $0x1BF5;
	p2 =	por !p2, p0  }
0x20: {  	[sflag:s8] =	ssyncset.s32 @!p0 $0xFFFFF086;
	s6 =	sadd.s32 @!p0 s3, s7;
	s7 =	simm.s32 @!p0 $0x108  }
0x21: {  	s3 =	sadd.s32 s3, s9;
	s6 =	sadd.s32 @!p0 $0x88, s6;
	s7 =	simm.s32 @p2 $0x1082  }
0x22: {  	[simem:s7], [sflag:s8] =	dma.local @!p0 [hbm:s6], $0xF7A  }
0x23: {  	s9 =	sor.u32 $0xD0000000, s2;
	s6 =	simm.s32 $0x108;
	_ =	swait.ge @!p0 [sflag:s8], $0x0  }
0x24: {  	s3 =	sadd.s32 $0x88, s3;
	s6 =	simm.s32 @!p1 $0x1082;
	[sflag:s4] =	ssyncset.s32 $0xFFFFF086  }
0x25: {  	[simem:s6], [sflag:s4] =	dma.local [hbm:s3], $0xF7A  }
0x26: {  	[smem:$0x3F93] =	sst s1;
	(tag) =	ssettag s2;
	_ =	strace s9  }
0x27: {  	s1 =	sld [smem:$0x3FA3]  }
0x28: {  	s2 =	sld [smem:$0x3FA4]  }
0x29: {  	s4 =	sld [smem:$0x3FA6]  }
0x2a: {  	p0 =	seq.s32 s5, $0x0;
	s5 =	sld [smem:$0x3FA7]  }
0x2b: {  	s6 =	sld [smem:$0x3FA8]  }
0x2c: {  	s7 =	sld [smem:$0x3FA9]  }
0x2d: {  	s3 =	simm.s32 $0x108;
	s8 =	sld [smem:$0x3FAA]  }
0x2e: {  	s3 =	simm.s32 @!p0 $0x1082;
	s9 =	sld [smem:$0x3FAB]  }
0x2f: {  	lr =	sadd.s32 s0, s3;
	s0 =	sld [smem:$0x3FA2]  }
0x30: {  	s3 =	sld [smem:$0x3FA5]  }
0x31: {  	[smem:$0x3FAE] =	sst s10  }
0x32: {  	s10 =	sld [smem:$0x3FAC];
	_ =	sdelay $0x3  }
0x33: {  	p0 =	seq.s32 s10, $0x1;
	s10 =	sld [smem:$0x3FAE];
	_ =	sdelay $0x3  }
0x34: {  	[smem:$0x3FAE] =	sst s10  }
0x35: {  	s10 =	sld [smem:$0x3FAD];
	_ =	sdelay $0x3  }
0x36: {  	p1 =	seq.s32 s10, $0x1;
	s10 =	sld [smem:$0x3FAE];
	_ =	sdelay $0x3  }
0x37: {  	[smem:$0x3FAE] =	sst s10  }
0x38: {  	s10 =	sld [smem:$0x3FAF]  }
0x39: {  	_ = 	snop;
	(pc) =	sbr.ind lr, $3  }
0x3a: {  	_ = 	snop  }
0x3b: {  	_ = 	snop  }
0x3c: {  	p2 =	seq.s32 s10, $0x1;
	s10 =	sld [smem:$0x3FAE]  }
0x3d: {  	_ =	shalt  }
0x3e: {  	_ =	shalt  }
0x3f: {  	_ =	shalt  }
0x40: {  	_ =	shalt  }
0x41: {  	_ =	shalt  }
0x42: {  	_ =	shalt  }
0x43: {  	_ =	shalt  }
0x44: {  	_ =	shalt  }
0x45: {  	_ =	shalt  }
0x46: {  	_ =	shalt  }
0x47: {  	_ =	shalt  }
0x48: {  	_ =	shalt  }
0x49: {  	_ =	shalt  }
0x4a: {  	_ =	shalt  }
0x4b: {  	_ =	shalt  }
0x4c: {  	_ =	shalt  }
0x4d: {  	_ =	shalt  }
0x4e: {  	_ =	shalt  }
0x4f: {  	_ =	shalt  }
0x50: {  	_ =	shalt  }
0x51: {  	_ =	shalt  }
0x52: {  	_ =	shalt  }
0x53: {  	_ =	shalt  }
0x54: {  	_ =	shalt  }
0x55: {  	_ =	shalt  }
0x56: {  	_ =	shalt  }
0x57: {  	_ =	shalt  }
0x58: {  	_ =	shalt  }
0x59: {  	_ =	shalt  }
0x5a: {  	_ =	shalt  }
0x5b: {  	_ =	shalt  }
0x5c: {  	_ =	shalt  }
0x5d: {  	_ =	shalt  }
0x5e: {  	_ =	shalt  }
0x5f: {  	_ =	shalt  }
0x60: {  	_ =	shalt  }
0x61: {  	_ =	shalt  }
0x62: {  	_ =	shalt  }
0x63: {  	_ =	shalt  }
0x64: {  	_ =	shalt  }
0x65: {  	_ =	shalt  }
0x66: {  	_ =	shalt  }
0x67: {  	_ =	shalt  }
0x68: {  	_ =	shalt  }
0x69: {  	_ =	shalt  }
0x6a: {  	_ =	shalt  }
0x6b: {  	_ =	shalt  }
0x6c: {  	_ =	shalt  }
0x6d: {  	_ =	shalt  }
0x6e: {  	_ =	shalt  }
0x6f: {  	_ =	shalt  }
0x70: {  	_ =	shalt  }
0x71: {  	_ =	shalt  }
0x72: {  	_ =	shalt  }
0x73: {  	_ =	shalt  }
0x74: {  	_ =	shalt  }
0x75: {  	_ =	shalt  }
0x76: {  	_ =	shalt  }
0x77: {  	_ =	shalt  }
0x78: {  	_ =	shalt  }
0x79: {  	_ =	shalt  }
0x7a: {  	_ =	shalt  }
0x7b: {  	_ =	shalt  }
0x7c: {  	_ =	shalt  }
0x7d: {  	_ =	shalt  }
0x7e: {  	_ =	shalt  }
0x7f: {  	_ =	shalt  }
0x80: {  	_ =	shalt  }
0x81: {  	_ =	shalt  }
0x82: {  	_ =	shalt  }
0x83: {  	_ =	shalt  }
0x84: {  	_ =	shalt  }
0x85: {  	_ =	shalt  }
0x86: {  	_ =	shalt  }
0x87: {  	_ =	shalt  }
.Lfunc_end0:
.L_simem_size_0:
called_computation_lowered:
.L_overlay_start_0:
0x88: {  	s2 =	sld [smem:$0x3FD9]  }
0x89: {  	s3 =	sld [smem:$0x3FFE];
	_ =	sdelay $0x1  }
0x8a: {  	s1 =	srdreg.scid  }
0x8b: {  	s0 =	sand.u32 $0x1, s1  }
0x8c: {  	s16 =	sshll.u32 s0, $0xA;
	s2 =	sadd.s32 s3, s2  }
0x8d: {  	s2 =	sadd.s32 s2, s16  }
0x8e: {  	[smem:$0x3FBA] =	sst s2  }
0x8f: {  	_ = 	snop  }
0x90: {  	(tm) =	ssettm $0x1  }
0x91: {  	s17 =	sld [smem:$0x3FFB];
	_ =	sdelay $0x3  }
0x92: {  	_ =	strace s17  }
0x93: {  	s2 =	sld [smem:$0x3FFC];
	_ =	sdelay $0x3  }
0x94: {  	_ =	strace s2  }
0x95: {  	s2 =	sld [smem:$0x3FFD];
	_ =	sdelay $0x3  }
0x96: {  	_ =	strace s2  }
0x97: {  	_ =	strace $0x8FFFFFFF  }
0x98: {  	s18 =	sld [smem:$0x3FDB];
	_ =	sdelay $0x1  }
0x99: {  	s19 =	simm.s32 $_scs_section_size  }
0x9a: {  	s4 =	simm.s32 $_size__tile_overlayer_lowered;
	s5 =	simm.s32 $_tile_overlayer_lowered  }
0x9b: {  	s22 =	simm.s32 $0x1BFF;
	s21 =	sshll.u32 s5, $0x1;
	s2 =	sadd.s32 s19, s18  }
0x9c: {  	s6 =	simm.s32 $0x0;
	s20 =	sshll.u32 s4, $0x1;
	s4 =	sadd.s32 s21, s2  }
0x9d: {  	[timem:s6], [sflag:s22] =	dma.local [hbm:s4], s20  }
0x9e: {  	_ =	swait.ge [sflag:s22], s20  }
0x9f: {  	s3 =	ssub.s32 $0x0, s20;
	[sflag:s22] =	ssyncset.done $0x0  }
0xa0: {  	[sflag:s22] =	ssyncadd.s32 s3;
	_ =	sdelay $0x1  }
0xa1: {  	s23 =	simm.s32 $0x1B8B  }
0xa2: {  	_ =	swait.ge [sflag:s23], $0x1  }
0xa3: {  	[sflag:s23] =	ssyncset.done $0x0  }
0xa4: {  	s25 =	simm.s32 $0x1B8E;
	s24 =	sld [smem:$0x3FFE];
	[sflag:s23] =	ssyncadd.s32 $0xFFFFFFFF  }
0xa5: {  	s26 =	simm.s32 $execute0_lowered;
	[smem:$0x3FD2] =	sst s25  }
0xa6: {  	s4 =	sshll.u32 s26, $0x1;
	_ =	strace $0x80000046;
	[dreg:$0x1] =	wrdreg $0xFFFFFFFF  }
0xa7: {  	s28 =	simm.s32 $_size_execute0_lowered;
	s2 =	sadd.s32 s2, s4;
	[dreg:$0x0] =	wrdreg $0x0  }
0xa8: {  	s4 =	sshll.u32 s28, $0x1;
	[dreg:$0x2] =	wrdreg s2  }
0xa9: {  	[dreg:$0x3] =	wrdreg s4  }
0xaa: {  	[dreg:$0x4] =	wrdreg $0xC0  }
0xab: {  	_ =	task [dreg:s6], $0x5FFFF  }
0xac: {  	[dreg:$0x1] =	wrdreg $0xFFFFFFFF  }
0xad: {  	[dreg:$0x0] =	wrdreg $0x60  }
0xae: {  	[dreg:$0x2] =	wrdreg s24  }
0xaf: {  	[dreg:$0x3] =	wrdreg $0xB9A00  }
0xb0: {  	[dreg:$0x4] =	wrdreg $0x9  }
0xb1: {  	_ =	task.clear_ibuf [dreg:s6], $0x5FFFF;
	_ =	strace $0x90000046  }
0xb2: {  	s29 =	simm.s32 $0x9;
	_ =	strace $0x80000048  }
0xb3: {  	_ =	swait.ge [sflag:s29], $0x1  }
0xb4: {  	[sflag:s29] =	ssyncadd.s32 $0xFFFFFFFF  }
0xb5: {  	_ =	strace $0x90000048  }
0xb6: {  	_ =	sfence  }
0xb7: {  	s30 =	sld [smem:$0x0];
	_ =	sdelay $0x2  }
0xb8: {  	s31 =	sshll.u32 s1, $0xD;
	s1 =	sshrl.u32 s1, $0x2  }
0xb9: {  	s3 =	sand.u32 $0x4000, s31;
	s1 =	sadd.s32 s1, s30  }
0xba: {  	s0 =	sor.u32 s3, s0;
	s1 =	sshll.u32 s1, $0x11  }
0xbb: {  	s0 =	sor.u32 s1, s0  }
0xbc: {  	s0 =	sadd.s32 $0x8F2B, s0  }
0xbd: {  	[sflag:s0] =	ssyncadd.remote.s32 $0x1  }
0xbe: {  	_ =	sfence.sel $0xFFFF  }
0xbf: {  	[dreg:$0x0] =	wrdreg $0xFFFFFFFF;
	(pc) =	sbr.abs _section_cstart, $3  }
0xc0: {  	[dreg:$0x1] =	wrdreg $0xFFFFFFFF  }
0xc1: {  	_ =	task.clear_ibuf [dreg:s6], $0x2FFFF;
	_ =	strace $0x9FFFFFFF  }
0xc2: {  	(tm) =	ssettm $0x7FFFFFFF  }
0xc3: {  	_ =	shalt  }
tec
execute0_lowered:
.L_overlay_start_1:
0x0: {  	(tag) =	ssettag $0x1  }
0x1: {  	s0 =	rddreg [dreg:$0x0]  }
0x2: {  	s2 =	rddreg [dreg:$0x1]  }
0x3: {  	s1 =	srdreg.scid;
	s11 =	stileid.u32;
	s4 =	simm.s32 $0x0  }
0x4: {  	s28 =	simm.s32 $0x2;
	s29 =	simm.s32 $0x3;
	s3 =	smul.u32 $0x13880, s11  }
0x5: {  	s30 =	simm.s32 $0x0;
	s1 =	sand.u32 $0x1, s1;
	s18 =	smul.u32 $0x18C0, s11  }
0x6: {  	[smem:$0x7FF] =	sst s4;
	s4 =	sadd.s32 $0x16A00, s0;
	s20 =	smul.u32 $0x6B4, s11  }
0x7: {  	s6 =	sadd.s32 $0xCC00, s0;
	s17 =	sshll.u32 s11, $0x6;
	s11 =	smul.u32 $0x35A0, s11  }
0x8: {  	s7 =	sadd.s32 $0x2E00, s0;
	s9 =	sadd.s32 $0x3DC00, s0;
	s5 =	smul.u32 $0x138800, s1  }
0x9: {  	_ =	strace $0x80000047;
	s8 =	ssub.s32 $0x2, s1;
	[dreg:$0x3] =	wrdreg s9  }
0xa: {  	s12 =	sor.u32 $0x1C04, s17;
	p0 =	seq.s32 s1, $0x0;
	s16 =	sshrl.u32 s8, $0x1  }
0xb: {  	s19 =	sshrl.u32 s18, $0x3;
	s22 =	sadd.s32 s6, s20;
	s9 =	sadd.s32 s7, s20  }
0xc: {  	s23 =	sshrl.u32 s11, $0x3;
	s20 =	simm.s32 $0x4;
	[dreg:$0x5] =	wrdreg s12  }
0xd: {  	s5 =	sadd.s32 s3, s5;
	s3 =	sadd.s32 s3, s2;
	[dreg:$0x8] =	wrdreg s22  }
0xe: {  	s10 =	sadd.s32 $0x6B40, s19;
	[dreg:$0x9] =	wrdreg s9;
	s9 =	sadd.s32 $0x35A, s23  }
0xf: {  	s22 =	simm.s32 $0x35A0;
	s23 =	simm.s32 $0x61A0;
	s5 =	sshrl.u32 s5, $0x3  }
0x10: {  	[dreg:$0x4] =	wrdreg s3;
	s13 =	sadd.s32 s6, s10;
	s10 =	sadd.s32 s7, s10  }
0x11: {  	s3 =	sadd.s32 $0x6CCC, s19;
	s25 =	sadd.s32 s6, s9;
	[dreg:$0x6] =	wrdreg s13  }
0x12: {  	s26 =	sadd.s32 s7, s9;
	s0 =	sadd.s32 s5, s0;
	[dreg:$0x7] =	wrdreg s10  }
0x13: {  	s5 =	ssub.s32 s8, s16;
	s8 =	simm.s32 $0x4E;
	[dreg:$0xc] =	wrdreg s25  }
0x14: {  	s24 =	sadd.s32 s6, s3;
	s3 =	sadd.s32 s7, s3;
	[dreg:$0xd] =	wrdreg s26  }
0x15: {  	s25 =	simm.s32 $0x8DA0;
	s8 =	simm.s32 @!p0 $0x24;
	[dreg:$0xa] =	wrdreg s24  }
0x16: {  	[dreg:$0xb] =	wrdreg s3;
	s0 =	sadd.s32 $0x40400, s0;
	s21 =	smul.u32 $0x56, s8  }
0x17: {  	s26 =	simm.s32 $0x1;
	s31 =	smax.u32 s5, $0x1;
	[dreg:$0xe] =	wrdreg s0  }
0x18: {  	p0 =	sne.s32 s1, $0x0;
	[dreg:$0xf] =	wrdreg s31;
	s10 =	sshrl.u32 s21, $0x8  }
0x19: {  	s21 =	simm.s32 $0x58;
	s19 =	smul.u32 $0x420, s10;
	s10 =	simm.s32 $0xB0  }
.LBB2_1:
0x1a: {  	s0 =	rddreg [dreg:$0x4]  }
0x1b: {  	s15 =	rddreg [dreg:$0x3];
	s31 =	sshrl.u32 s0, $0x3  }
0x1c: {  	[spmem:s31], [sflag:s12] =	dma.local [hbm:s15], $0x2710  }
0x1d: {  	_ =	swait.ge [sflag:s20], $0x2710  }
0x1e: {  	[sflag:s20] =	ssyncset.done $0x0  }
0x1f: {  	[sflag:s20] =	ssyncadd.s32 $0xFFFFD8F0  }
0x20: {  	[bflag:$0x0] =	sbarrier.arrive $0xFFFF  }
0x21: {  	s1 =	simm.s32 @p0 $0x0;
	s0 =	rddreg [dreg:$0x6]  }
0x22: {  	[tilespmem:s1], [sflag:$0x4] =	stream.linear.gather @p0 [hbm4b:s0+s1], $0xC60, $0x38;
	[tilespmem:$0x1F260] =	vst v63  }
0x23: {  	s0 =	simm.s32 @p0 $0x4  }
0x24: {  	_ =	swait.ge @p0 [sflag:s0], $0xC60  }
0x25: {  	[sflag:s0] =	ssyncset.done @p0 $0x0  }
0x26: {  	s5 =	simm.s32 @p0 $0x1AD0;
	s3 =	rddreg [dreg:$0x7];
	[sflag:s0] =	ssyncadd.s32 @p0 $0xFFFFF3A0  }
0x27: {  	[tilespmem:s5], [sflag:$0x4] =	stream.linear.gather @p0 [hbm4b:s3+s1], $0xC60, $0x38;
	[tilespmem:$0x1F260] =	vst v63  }
0x28: {  	_ =	swait.ge @p0 [sflag:s0], $0xC60  }
0x29: {  	[sflag:s0] =	ssyncset.done @p0 $0x0  }
0x2a: {  	s6 =	simm.s32 @!p0 $0x0;
	s3 =	rddreg [dreg:$0x8];
	[sflag:s0] =	ssyncadd.s32 @p0 $0xFFFFF3A0  }
0x2b: {  	[tilespmem:s6], [sflag:$0x4] =	stream.linear.gather @!p0 [hbm4b:s3+s6], $0x1AD0, $0x38;
	[tilespmem:$0x1F260] =	vst v63  }
0x2c: {  	s3 =	simm.s32 @!p0 $0x4  }
0x2d: {  	_ =	swait.ge @!p0 [sflag:s3], $0x1AD0  }
0x2e: {  	[sflag:s3] =	ssyncset.done @!p0 $0x0  }
0x2f: {  	s11 =	simm.s32 @!p0 $0x1AD0;
	s5 =	rddreg [dreg:$0x9];
	[sflag:s3] =	ssyncadd.s32 @!p0 $0xFFFFE530  }
0x30: {  	[tilespmem:s11], [sflag:$0x4] =	stream.linear.gather @!p0 [hbm4b:s5+s6], $0x1AD0, $0x38;
	[tilespmem:$0x1F260] =	vst v63  }
0x31: {  	_ =	swait.ge @!p0 [sflag:s3], $0x1AD0  }
0x32: {  	[sflag:s3] =	ssyncset.done @!p0 $0x0  }
0x33: {  	s16 =	simm.s32 $0x0;
	[sflag:s3] =	ssyncadd.s32 @!p0 $0xFFFFE530  }
0x34: {  	[tilespmem:s22], [sflag:$0x1] =	stream.indirect.gather [hbm4b:s4+s21], $0x80, s16, s21, $0xb8;
	[tilespmem:$0x1F260] =	vst v63  }
0x35: {  	_ = 	snop  }
0x36: {  	[tilespmem:s23], [sflag:$0x2] =	stream.indirect.gather [hbm4b:s4+s21], $0x80, s21, s21, $0xb8;
	[tilespmem:$0x1F260] =	vst v63  }
0x37: {  	_ = 	snop  }
0x38: {  	[tilespmem:s25], [sflag:$0x3] =	stream.indirect.gather [hbm4b:s4+s21], $0x80, s10, s21, $0xb8;
	[tilespmem:$0x1F260] =	vst v63  }
0x39: {  	_ =	swait.ge [sflag:s26], $0x2C00  }
0x3a: {  	[sflag:s26] =	ssyncset.done $0x0  }
0x3b: {  	s17 =	simm.s32 $0x1AD0;
	[sflag:s26] =	ssyncadd.s32 $0xFFFFD400  }
0x3c: {  	[spmem:s2] =	stream.indirect.scatter.add.f32 [tilespmem:s22], [sflag:$0x4], $0x80, s17, s21, $0xb8;
	[tilespmem:$0x1F260] =	vst v63  }
0x3d: {  	p2 =	sle.u32 s8, $0x3;
	_ =	swait.ge [sflag:s20], $0x2C00  }
0x3e: {  	s7 =	simm.s32 @!p2 $0x35A0;
	[sflag:s20] =	ssyncset.done $0x0  }
0x3f: {  	s13 =	simm.s32 @!p2 $0x58;
	s5 =	simm.s32 @!p2 $0x108;
	[sflag:s20] =	ssyncadd.s32 $0xFFFFD400  }
0x40: {  	[tilespmem:s7], [sflag:$0x1] =	stream.indirect.gather @!p2 [hbm4b:s4+s13], $0x80, s5, s13, $0xb8;
	[tilespmem:$0x1F260] =	vst v63  }
0x41: {  	_ =	swait.ge [sflag:s28], $0x2C00  }
0x42: {  	[sflag:s28] =	ssyncset.done $0x0  }
0x43: {  	s18 =	simm.s32 $0x1B28;
	[sflag:s28] =	ssyncadd.s32 $0xFFFFD400  }
0x44: {  	[spmem:s2] =	stream.indirect.scatter.add.f32 [tilespmem:s23], [sflag:$0x4], $0x80, s18, s21, $0xb8;
	[tilespmem:$0x1F260] =	vst v63  }
0x45: {  	p3 =	sle.u32 s8, $0x4;
	_ =	swait.ge [sflag:s20], $0x2C00  }
0x46: {  	s14 =	simm.s32 @!p3 $0x61A0;
	[sflag:s20] =	ssyncset.done $0x0  }
0x47: {  	s15 =	simm.s32 @!p3 $0x58;
	s5 =	simm.s32 @!p3 $0x160;
	[sflag:s20] =	ssyncadd.s32 $0xFFFFD400  }
0x48: {  	[tilespmem:s14], [sflag:$0x2] =	stream.indirect.gather @!p3 [hbm4b:s4+s15], $0x80, s5, s15, $0xb8;
	[tilespmem:$0x1F260] =	vst v63  }
0x49: {  	s24 =	simm.s32 $0x1B80;
	p1 =	sle.u32 s8, $0x5;
	_ =	swait.ge [sflag:s29], $0x2C00  }
0x4a: {  	p4 =	sne.s32 s19, $0x420;
	p5 =	por p1, p1;
	[sflag:s29] =	ssyncset.done $0x0  }
.Ltmp0:
0x4b: {  	s12 =	simm.s32 @!p1 $0x58;
	[sflag:s29] =	ssyncadd.s32 $0xFFFFD400;
	(pc) =	sbr.rel @!p4 .LBB2_3-.Ltmp0, $4  }
0x4c: {  	[spmem:s2] =	stream.indirect.scatter.add.f32 [tilespmem:s25], [sflag:$0x4], $0x80, s24, s21, $0xb8;
	[tilespmem:$0x1F260] =	vst v63  }
0x4d: {  	s16 =	simm.s32 $0x420;
	s17 =	simm.s32 $0x8;
	_ =	swait.ge [sflag:s20], $0x2C00  }
0x4e: {  	s7 =	simm.s32 @!p1 $0x58;
	s18 =	simm.s32 @!p1 $0x8DA0;
	[sflag:s20] =	ssyncset.done $0x0  }
0x4f: {  	s5 =	simm.s32 @!p1 $0x8DA0;
	s24 =	simm.s32 @!p1 $0x1B8;
	[sflag:s20] =	ssyncadd.s32 $0xFFFFD400  }
.LBB2_2:
0x50: {  	[tilespmem:s18], [sflag:$0x3] =	stream.indirect.gather @!p5 [hbm4b:s4+s7], $0x80, s24, s7, $0xb8;
	[tilespmem:$0x1F260] =	vst v63  }
0x51: {  	s18 =	smov.u32 s16;
	s16 =	sadd.s32 $0x420, s16;
	_ =	swait.ge [sflag:s26], $0x2C00  }
0x52: {  	s7 =	sshra.s32 s18, $0x2;
	p4 =	sne.s32 s19, s16;
	[sflag:s26] =	ssyncset.done $0x0  }
0x53: {  	s9 =	sadd.s32 $0xFFFFFFFE, s17;
	s24 =	sadd.s32 $0x1AD0, s7;
	[sflag:s26] =	ssyncadd.s32 $0xFFFFD400  }
0x54: {  	[spmem:s2] =	stream.indirect.scatter.add.f32 [tilespmem:s22], [sflag:$0x4], $0x80, s24, s21, $0xb8;
	[tilespmem:$0x1F260] =	vst v63  }
0x55: {  	p5 =	sge.u32 s9, s8;
	_ =	swait.ge [sflag:s20], $0x2C00  }
0x56: {  	s9 =	sshra.s32 @!p5 s18, $0x2;
	s24 =	simm.s32 @!p5 $0x35A0;
	[sflag:s20] =	ssyncset.done $0x0  }
0x57: {  	s10 =	simm.s32 @!p5 $0x58;
	s9 =	sadd.s32 @!p5 $0x108, s9;
	[sflag:s20] =	ssyncadd.s32 $0xFFFFD400  }
0x58: {  	[tilespmem:s24], [sflag:$0x1] =	stream.indirect.gather @!p5 [hbm4b:s4+s10], $0x80, s9, s10, $0xb8;
	[tilespmem:$0x1F260] =	vst v63  }
0x59: {  	_ =	swait.ge [sflag:s28], $0x2C00  }
0x5a: {  	[sflag:s28] =	ssyncset.done $0x0  }
0x5b: {  	s9 =	sadd.s32 $0x1B28, s7;
	s10 =	sadd.s32 $0xFFFFFFFF, s17;
	[sflag:s28] =	ssyncadd.s32 $0xFFFFD400  }
0x5c: {  	[spmem:s2] =	stream.indirect.scatter.add.f32 [tilespmem:s23], [sflag:$0x4], $0x80, s9, s21, $0xb8;
	[tilespmem:$0x1F260] =	vst v63  }
0x5d: {  	p5 =	sge.u32 s10, s8;
	_ =	swait.ge [sflag:s20], $0x2C00  }
0x5e: {  	s10 =	simm.s32 @!p5 $0x61A0;
	s9 =	sshra.s32 @!p5 s18, $0x2;
	[sflag:s20] =	ssyncset.done $0x0  }
0x5f: {  	s24 =	simm.s32 @!p5 $0x58;
	s9 =	sadd.s32 @!p5 $0x160, s9;
	[sflag:s20] =	ssyncadd.s32 $0xFFFFD400  }
0x60: {  	[tilespmem:s10], [sflag:$0x2] =	stream.indirect.gather @!p5 [hbm4b:s4+s24], $0x80, s9, s24, $0xb8;
	[tilespmem:$0x1F260] =	vst v63  }
0x61: {  	_ =	swait.ge [sflag:s29], $0x2C00  }
0x62: {  	[sflag:s29] =	ssyncset.done $0x0  }
.Ltmp1:
0x63: {  	s7 =	sadd.s32 $0x1B80, s7;
	[sflag:s29] =	ssyncadd.s32 $0xFFFFD400;
	(pc) =	sbr.rel @p4 .LBB2_2-.Ltmp1, $4  }
0x64: {  	[spmem:s2] =	stream.indirect.scatter.add.f32 [tilespmem:s25], [sflag:$0x4], $0x80, s7, s21, $0xb8;
	[tilespmem:$0x1F260] =	vst v63  }
0x65: {  	p5 =	sge.u32 s17, s8;
	s17 =	sadd.s32 $0x3, s17;
	_ =	swait.ge [sflag:s20], $0x2C00  }
0x66: {  	s7 =	sshra.s32 @!p5 s18, $0x2;
	s18 =	simm.s32 @!p5 $0x8DA0;
	[sflag:s20] =	ssyncset.done $0x0  }
0x67: {  	s24 =	sadd.s32 @!p5 $0x1B8, s7;
	s7 =	simm.s32 @!p5 $0x58;
	[sflag:s20] =	ssyncadd.s32 $0xFFFFD400  }
.LBB2_3:
0x68: {  	[tilespmem:s18], [sflag:$0x3] =	stream.indirect.gather @!p5 [hbm4b:s4+s7], $0x80, s24, s7, $0xb8;
	[tilespmem:$0x1F260] =	vst v63  }
0x69: {  	s7 =	rddreg [dreg:$0xa]  }
0x6a: {  	[tilespmem:s1], [sflag:$0x4] =	stream.linear.gather @p0 [hbm4b:s7+s1], $0xC60, $0x38;
	[tilespmem:$0x1F260] =	vst v63  }
0x6b: {  	_ =	swait.ge @p0 [sflag:s0], $0xC60  }
0x6c: {  	[sflag:s0] =	ssyncset.done @p0 $0x0  }
0x6d: {  	s9 =	simm.s32 @p0 $0x1AD0;
	s7 =	rddreg [dreg:$0xb];
	[sflag:s0] =	ssyncadd.s32 @p0 $0xFFFFF3A0  }
0x6e: {  	[tilespmem:s9], [sflag:$0x4] =	stream.linear.gather @p0 [hbm4b:s7+s1], $0xC60, $0x38;
	[tilespmem:$0x1F260] =	vst v63  }
0x6f: {  	_ =	swait.ge @p0 [sflag:s0], $0xC60  }
0x70: {  	[sflag:s0] =	ssyncset.done @p0 $0x0  }
0x71: {  	[sflag:s0] =	ssyncadd.s32 @p0 $0xFFFFF3A0;
	s0 =	rddreg [dreg:$0xc]  }
0x72: {  	[tilespmem:s6], [sflag:$0x4] =	stream.linear.gather @!p0 [hbm4b:s0+s6], $0x1AD0, $0x38;
	[tilespmem:$0x1F260] =	vst v63  }
0x73: {  	_ =	swait.ge @!p0 [sflag:s3], $0x1AD0  }
0x74: {  	[sflag:s3] =	ssyncset.done @!p0 $0x0  }
0x75: {  	s0 =	rddreg [dreg:$0xd];
	[sflag:s3] =	ssyncadd.s32 @!p0 $0xFFFFE530  }
0x76: {  	[tilespmem:s11], [sflag:$0x4] =	stream.linear.gather @!p0 [hbm4b:s0+s6], $0x1AD0, $0x38;
	[tilespmem:$0x1F260] =	vst v63  }
0x77: {  	_ =	swait.ge @!p0 [sflag:s3], $0x1AD0  }
0x78: {  	[sflag:s3] =	ssyncset.done @!p0 $0x0  }
0x79: {  	s16 =	simm.s32 $0x0;
	[sflag:s3] =	ssyncadd.s32 @!p0 $0xFFFFE530  }
0x7a: {  	[tilespmem:s22], [sflag:$0x1] =	stream.indirect.gather [hbm4b:s4+s21], $0x80, s16, s21, $0xb8;
	[tilespmem:$0x1F260] =	vst v63  }
0x7b: {  	_ = 	snop  }
0x7c: {  	[tilespmem:s23], [sflag:$0x2] =	stream.indirect.gather [hbm4b:s4+s21], $0x80, s21, s21, $0xb8;
	[tilespmem:$0x1F260] =	vst v63  }
0x7d: {  	s10 =	simm.s32 $0xB0  }
0x7e: {  	[tilespmem:s25], [sflag:$0x3] =	stream.indirect.gather [hbm4b:s4+s21], $0x80, s10, s21, $0xb8;
	[tilespmem:$0x1F260] =	vst v63  }
0x7f: {  	_ =	swait.ge [sflag:s26], $0x2C00  }
0x80: {  	[sflag:s26] =	ssyncset.done $0x0  }
0x81: {  	s17 =	simm.s32 $0x1AD0;
	[sflag:s26] =	ssyncadd.s32 $0xFFFFD400  }
0x82: {  	[spmem:s2] =	stream.indirect.scatter.add.f32 [tilespmem:s22], [sflag:$0x4], $0x80, s17, s21, $0xb8;
	[tilespmem:$0x1F260] =	vst v63  }
0x83: {  	_ =	swait.ge [sflag:s20], $0x2C00  }
0x84: {  	[sflag:s20] =	ssyncset.done $0x0  }
0x85: {  	s1 =	simm.s32 @!p2 $0x35A0;
	s0 =	simm.s32 @!p2 $0x108;
	[sflag:s20] =	ssyncadd.s32 $0xFFFFD400  }
0x86: {  	[tilespmem:s1], [sflag:$0x1] =	stream.indirect.gather @!p2 [hbm4b:s4+s13], $0x80, s0, s13, $0xb8;
	[tilespmem:$0x1F260] =	vst v63  }
0x87: {  	_ =	swait.ge [sflag:s28], $0x2C00  }
0x88: {  	[sflag:s28] =	ssyncset.done $0x0  }
0x89: {  	s18 =	simm.s32 $0x1B28;
	[sflag:s28] =	ssyncadd.s32 $0xFFFFD400  }
0x8a: {  	[spmem:s2] =	stream.indirect.scatter.add.f32 [tilespmem:s23], [sflag:$0x4], $0x80, s18, s21, $0xb8;
	[tilespmem:$0x1F260] =	vst v63  }
0x8b: {  	_ =	swait.ge [sflag:s20], $0x2C00  }
0x8c: {  	[sflag:s20] =	ssyncset.done $0x0  }
0x8d: {  	s0 =	simm.s32 @!p3 $0x160;
	[sflag:s20] =	ssyncadd.s32 $0xFFFFD400  }
0x8e: {  	[tilespmem:s14], [sflag:$0x2] =	stream.indirect.gather @!p3 [hbm4b:s4+s15], $0x80, s0, s15, $0xb8;
	[tilespmem:$0x1F260] =	vst v63  }
0x8f: {  	_ =	swait.ge [sflag:s29], $0x2C00  }
0x90: {  	p2 =	sne.s32 s19, $0x420;
	[sflag:s29] =	ssyncset.done $0x0  }
.Ltmp2:
0x91: {  	s24 =	simm.s32 $0x1B80;
	[sflag:s29] =	ssyncadd.s32 $0xFFFFD400;
	(pc) =	sbr.rel @!p2 .LBB2_5-.Ltmp2, $4  }
0x92: {  	[spmem:s2] =	stream.indirect.scatter.add.f32 [tilespmem:s25], [sflag:$0x4], $0x80, s24, s21, $0xb8;
	[tilespmem:$0x1F260] =	vst v63  }
0x93: {  	_ =	swait.ge [sflag:s20], $0x2C00  }
0x94: {  	s3 =	simm.s32 @!p1 $0x1B8;
	[sflag:s20] =	ssyncset.done $0x0  }
0x95: {  	s1 =	simm.s32 $0x8;
	s0 =	simm.s32 $0x420;
	[sflag:s20] =	ssyncadd.s32 $0xFFFFD400  }
.LBB2_4:
0x96: {  	[tilespmem:s5], [sflag:$0x3] =	stream.indirect.gather @!p1 [hbm4b:s4+s12], $0x80, s3, s12, $0xb8;
	[tilespmem:$0x1F260] =	vst v63  }
0x97: {  	s3 =	smov.u32 s0;
	s0 =	sadd.s32 $0x420, s0;
	_ =	swait.ge [sflag:s26], $0x2C00  }
0x98: {  	s5 =	sshra.s32 s3, $0x2;
	p2 =	sne.s32 s19, s0;
	[sflag:s26] =	ssyncset.done $0x0  }
0x99: {  	s7 =	sadd.s32 $0xFFFFFFFE, s1;
	s6 =	sadd.s32 $0x1AD0, s5;
	[sflag:s26] =	ssyncadd.s32 $0xFFFFD400  }
0x9a: {  	[spmem:s2] =	stream.indirect.scatter.add.f32 [tilespmem:s22], [sflag:$0x4], $0x80, s6, s21, $0xb8;
	[tilespmem:$0x1F260] =	vst v63  }
0x9b: {  	p1 =	sge.u32 s7, s8;
	_ =	swait.ge [sflag:s20], $0x2C00  }
0x9c: {  	s7 =	simm.s32 @!p1 $0x35A0;
	s6 =	sshra.s32 @!p1 s3, $0x2;
	[sflag:s20] =	ssyncset.done $0x0  }
0x9d: {  	s9 =	simm.s32 @!p1 $0x58;
	s6 =	sadd.s32 @!p1 $0x108, s6;
	[sflag:s20] =	ssyncadd.s32 $0xFFFFD400  }
0x9e: {  	[tilespmem:s7], [sflag:$0x1] =	stream.indirect.gather @!p1 [hbm4b:s4+s9], $0x80, s6, s9, $0xb8;
	[tilespmem:$0x1F260] =	vst v63  }
0x9f: {  	_ =	swait.ge [sflag:s28], $0x2C00  }
0xa0: {  	[sflag:s28] =	ssyncset.done $0x0  }
0xa1: {  	s6 =	sadd.s32 $0x1B28, s5;
	s7 =	sadd.s32 $0xFFFFFFFF, s1;
	[sflag:s28] =	ssyncadd.s32 $0xFFFFD400  }
0xa2: {  	[spmem:s2] =	stream.indirect.scatter.add.f32 [tilespmem:s23], [sflag:$0x4], $0x80, s6, s21, $0xb8;
	[tilespmem:$0x1F260] =	vst v63  }
0xa3: {  	p1 =	sge.u32 s7, s8;
	_ =	swait.ge [sflag:s20], $0x2C00  }
0xa4: {  	s7 =	simm.s32 @!p1 $0x61A0;
	s6 =	sshra.s32 @!p1 s3, $0x2;
	[sflag:s20] =	ssyncset.done $0x0  }
0xa5: {  	s9 =	simm.s32 @!p1 $0x58;
	s6 =	sadd.s32 @!p1 $0x160, s6;
	[sflag:s20] =	ssyncadd.s32 $0xFFFFD400  }
0xa6: {  	[tilespmem:s7], [sflag:$0x2] =	stream.indirect.gather @!p1 [hbm4b:s4+s9], $0x80, s6, s9, $0xb8;
	[tilespmem:$0x1F260] =	vst v63  }
0xa7: {  	_ =	swait.ge [sflag:s29], $0x2C00  }
0xa8: {  	[sflag:s29] =	ssyncset.done $0x0  }
.Ltmp3:
0xa9: {  	s5 =	sadd.s32 $0x1B80, s5;
	[sflag:s29] =	ssyncadd.s32 $0xFFFFD400;
	(pc) =	sbr.rel @p2 .LBB2_4-.Ltmp3, $4  }
0xaa: {  	[spmem:s2] =	stream.indirect.scatter.add.f32 [tilespmem:s25], [sflag:$0x4], $0x80, s5, s21, $0xb8;
	[tilespmem:$0x1F260] =	vst v63  }
0xab: {  	p1 =	sge.u32 s1, s8;
	s1 =	sadd.s32 $0x3, s1;
	_ =	swait.ge [sflag:s20], $0x2C00  }
0xac: {  	s3 =	sshra.s32 @!p1 s3, $0x2;
	s5 =	simm.s32 @!p1 $0x8DA0;
	[sflag:s20] =	ssyncset.done $0x0  }
0xad: {  	s12 =	simm.s32 @!p1 $0x58;
	s3 =	sadd.s32 @!p1 $0x1B8, s3;
	[sflag:s20] =	ssyncadd.s32 $0xFFFFD400  }
.LBB2_5:
0xae: {  	[tilespmem:s5], [sflag:$0x3] =	stream.indirect.gather @!p1 [hbm4b:s4+s12], $0x80, s3, s12, $0xb8;
	[tilespmem:$0x1F260] =	vst v63  }
0xaf: {  	[bflag:$0x0] =	sbarrier.arrive $0xFFFF  }
0xb0: {  	s12 =	rddreg [dreg:$0x5]  }
0xb1: {  	s0 =	rddreg [dreg:$0xe]  }
0xb2: {  	[hbm:s0], [sflag:s12] =	dma.local [spmem:s31], $0x2710  }
0xb3: {  	_ =	swait.ge [sflag:s20], $0x2710  }
0xb4: {  	s30 =	sadd.s32 $0x1, s30;
	s31 =	rddreg [dreg:$0xf]  }
0xb5: {  	p1 =	sne.s32 s30, s31  }
.Ltmp4:
0xb6: {  	_ = 	snop;
	(pc) =	sbr.rel @p1 .LBB2_1-.Ltmp4, $3  }
0xb7: {  	_ =	sdelay $0x1  }
0xb8: {  	[sflag:s20] =	ssyncset.done $0x0  }
0xb9: {  	[sflag:s20] =	ssyncadd.s32 $0xFFFFD8F0  }
0xba: {  	_ =	sfence.sel $0x180000  }
0xbb: {  	[bflag:$0x0] =	sbarrier.arrive $0xFFFF  }
0xbc: {  	_ =	strace $0x90000047  }
0xbd: {  	s0 =	stileid.u32;
	[bflag:$0x2] =	sbarrier.arrive $0xFFFF  }
0xbe: {  	p0 =	sne.s32 s0, $0x0;
	s0 =	rddreg [dreg:$0x2]  }
0xbf: {  	s0 =	sadd.s32 @!p0 $0x100000, s0  }
0xc0: {  	[sflag:s0] =	ssyncadd.tile.s32 @!p0 $0x1;
	_ =	shalt  }
.Lfunc_end2:
_tile_overlayer_lowered:
.L_overlay_start_2:
0xc1: {  	(tag) =	ssettag $0x2  }
0xc2: {  	s0 =	rddreg [dreg:$0x0];
	s2 =	stileid.u32  }
0xc3: {  	s1 =	rddreg [dreg:$0x1];
	p0 =	sne.s32 s2, $0x0  }
0xc4: {  	s3 =	rddreg [dreg:$0x2];
	[bflag:$0x3] =	sbarrier.arrive $0xFFFF;
	s2 =	simm.s32 @!p0 $0x1C04  }
0xc5: {  	[timem:s3], [sflag:s2] =	dma.local @!p0 [hbm:s0], s1  }
0xc6: {  	s0 =	simm.s32 @!p0 $0x4  }
0xc7: {  	_ =	swait.ge @!p0 [sflag:s0], s1  }
0xc8: {  	s1 =	ssub.s32 @!p0 $0x0, s1;
	[sflag:s0] =	ssyncset.done @!p0 $0x0  }
0xc9: {  	[sflag:s0] =	ssyncadd.s32 @!p0 s1  }
0xca: {  	[bflag:$0x3] =	sbarrier.arrive $0xFFFF  }
0xcb: {  	_ =	shalt  }

// kernel: kernel.13.cloned.1.call-start
scs
__scs_entry_jumppad:
0x0: {  	(pc) =	sbr.rel $0x88, $3  }
0x1: {  	(tag) =	ssettag $0x0;
	lr =	simm.s32 $0x1  }
0x2: {  	[smem:$0x3F93] =	sst lr;
	_ =	strace $0xD0000000  }
0x3: {  	_ = 	snop  }
0x4: {  	_ = 	snop  }
0x5: {  	_ = 	snop  }
0x6: {  	_ = 	snop  }
0x7: {  	_ = 	snop  }
__scs_overlays_trampoline_lowered:
0x8: {  	[smem:$0x3FA2] =	sst s0  }
0x9: {  	[smem:$0x3FA3] =	sst s1  }
0xa: {  	[smem:$0x3FA4] =	sst s2  }
0xb: {  	[smem:$0x3FA5] =	sst s3  }
0xc: {  	[smem:$0x3FA6] =	sst s4  }
0xd: {  	[smem:$0x3FA7] =	sst s5  }
0xe: {  	[smem:$0x3FA8] =	sst s6  }
0xf: {  	[smem:$0x3FA9] =	sst s7  }
0x10: {  	[smem:$0x3FAA] =	sst s8  }
0x11: {  	[smem:$0x3FAB] =	sst s9;
	s0 =	simm.s32 @!p0 $0x0  }
0x12: {  	s1 =	sld [smem:$0x3F91];
	s0 =	simm.s32 @p0 $0x1  }
0x13: {  	[smem:$0x3FAC] =	sst s0;
	s0 =	simm.s32 @!p1 $0x0  }
0x14: {  	s2 =	sld [smem:$0x3F90];
	s0 =	simm.s32 @p1 $0x1  }
0x15: {  	[smem:$0x3FAD] =	sst s0;
	s0 =	simm.s32 @!p2 $0x0  }
0x16: {  	s3 =	sld [smem:$0x3FDB];
	s0 =	simm.s32 @p2 $0x1  }
0x17: {  	s4 =	simm.s32 $0x1BF5;
	[smem:$0x3FAF] =	sst s0  }
0x18: {  	s0 =	sld [smem:$0x3F92];
	_ =	swait.ge [sflag:s4], $0x0  }
0x19: {  	s7 =	sld [smem:$0x3F93]  }
0x1a: {  	s8 =	sadd.s32 $0xFFFFE003, lr  }
0x1b: {  	s9 =	sadd.s32 $0xFFFFFEF7, lr;
	s5 =	simm.s32 $0xFFFFFFFF;
	p2 =	slt.u32 s8, $0xFFFFF086  }
0x1c: {  	p1 =	slt.u32 s9, $0xF7A;
	s5 =	simm.s32 @!p2 $0x0  }
0x1d: {  	s5 =	simm.s32 @p1 $0x1;
	p0 =	seq.s32 s7, s2  }
0x1e: {  	s7 =	smul.u32 @!p0 $0xF7A, s2;
	p2 =	seq.s32 @!p0 s5, $0x0  }
0x1f: {  	s9 =	smul.u32 $0xF7A, s1;
	s8 =	simm.s32 @!p0 $0x1BF5;
	p2 =	por !p2, p0  }
0x20: {  	[sflag:s8] =	ssyncset.s32 @!p0 $0xFFFFF086;
	s6 =	sadd.s32 @!p0 s3, s7;
	s7 =	simm.s32 @!p0 $0x108  }
0x21: {  	s3 =	sadd.s32 s3, s9;
	s6 =	sadd.s32 @!p0 $0x88, s6;
	s7 =	simm.s32 @p2 $0x1082  }
0x22: {  	[simem:s7], [sflag:s8] =	dma.local @!p0 [hbm:s6], $0xF7A  }
0x23: {  	s9 =	sor.u32 $0xD0000000, s2;
	s6 =	simm.s32 $0x108;
	_ =	swait.ge @!p0 [sflag:s8], $0x0  }
0x24: {  	s3 =	sadd.s32 $0x88, s3;
	s6 =	simm.s32 @!p1 $0x1082;
	[sflag:s4] =	ssyncset.s32 $0xFFFFF086  }
0x25: {  	[simem:s6], [sflag:s4] =	dma.local [hbm:s3], $0xF7A  }
0x26: {  	[smem:$0x3F93] =	sst s1;
	(tag) =	ssettag s2;
	_ =	strace s9  }
0x27: {  	s1 =	sld [smem:$0x3FA3]  }
0x28: {  	s2 =	sld [smem:$0x3FA4]  }
0x29: {  	s4 =	sld [smem:$0x3FA6]  }
0x2a: {  	p0 =	seq.s32 s5, $0x0;
	s5 =	sld [smem:$0x3FA7]  }
0x2b: {  	s6 =	sld [smem:$0x3FA8]  }
0x2c: {  	s7 =	sld [smem:$0x3FA9]  }
0x2d: {  	s3 =	simm.s32 $0x108;
	s8 =	sld [smem:$0x3FAA]  }
0x2e: {  	s3 =	simm.s32 @!p0 $0x1082;
	s9 =	sld [smem:$0x3FAB]  }
0x2f: {  	lr =	sadd.s32 s0, s3;
	s0 =	sld [smem:$0x3FA2]  }
0x30: {  	s3 =	sld [smem:$0x3FA5]  }
0x31: {  	[smem:$0x3FAE] =	sst s10  }
0x32: {  	s10 =	sld [smem:$0x3FAC];
	_ =	sdelay $0x3  }
0x33: {  	p0 =	seq.s32 s10, $0x1;
	s10 =	sld [smem:$0x3FAE];
	_ =	sdelay $0x3  }
0x34: {  	[smem:$0x3FAE] =	sst s10  }
0x35: {  	s10 =	sld [smem:$0x3FAD];
	_ =	sdelay $0x3  }
0x36: {  	p1 =	seq.s32 s10, $0x1;
	s10 =	sld [smem:$0x3FAE];
	_ =	sdelay $0x3  }
0x37: {  	[smem:$0x3FAE] =	sst s10  }
0x38: {  	s10 =	sld [smem:$0x3FAF]  }
0x39: {  	_ = 	snop;
	(pc) =	sbr.ind lr, $3  }
0x3a: {  	_ = 	snop  }
0x3b: {  	_ = 	snop  }
0x3c: {  	p2 =	seq.s32 s10, $0x1;
	s10 =	sld [smem:$0x3FAE]  }
0x3d: {  	_ =	shalt  }
0x3e: {  	_ =	shalt  }
0x3f: {  	_ =	shalt  }
0x40: {  	_ =	shalt  }
0x41: {  	_ =	shalt  }
0x42: {  	_ =	shalt  }
0x43: {  	_ =	shalt  }
0x44: {  	_ =	shalt  }
0x45: {  	_ =	shalt  }
0x46: {  	_ =	shalt  }
0x47: {  	_ =	shalt  }
0x48: {  	_ =	shalt  }
0x49: {  	_ =	shalt  }
0x4a: {  	_ =	shalt  }
0x4b: {  	_ =	shalt  }
0x4c: {  	_ =	shalt  }
0x4d: {  	_ =	shalt  }
0x4e: {  	_ =	shalt  }
0x4f: {  	_ =	shalt  }
0x50: {  	_ =	shalt  }
0x51: {  	_ =	shalt  }
0x52: {  	_ =	shalt  }
0x53: {  	_ =	shalt  }
0x54: {  	_ =	shalt  }
0x55: {  	_ =	shalt  }
0x56: {  	_ =	shalt  }
0x57: {  	_ =	shalt  }
0x58: {  	_ =	shalt  }
0x59: {  	_ =	shalt  }
0x5a: {  	_ =	shalt  }
0x5b: {  	_ =	shalt  }
0x5c: {  	_ =	shalt  }
0x5d: {  	_ =	shalt  }
0x5e: {  	_ =	shalt  }
0x5f: {  	_ =	shalt  }
0x60: {  	_ =	shalt  }
0x61: {  	_ =	shalt  }
0x62: {  	_ =	shalt  }
0x63: {  	_ =	shalt  }
0x64: {  	_ =	shalt  }
0x65: {  	_ =	shalt  }
0x66: {  	_ =	shalt  }
0x67: {  	_ =	shalt  }
0x68: {  	_ =	shalt  }
0x69: {  	_ =	shalt  }
0x6a: {  	_ =	shalt  }
0x6b: {  	_ =	shalt  }
0x6c: {  	_ =	shalt  }
0x6d: {  	_ =	shalt  }
0x6e: {  	_ =	shalt  }
0x6f: {  	_ =	shalt  }
0x70: {  	_ =	shalt  }
0x71: {  	_ =	shalt  }
0x72: {  	_ =	shalt  }
0x73: {  	_ =	shalt  }
0x74: {  	_ =	shalt  }
0x75: {  	_ =	shalt  }
0x76: {  	_ =	shalt  }
0x77: {  	_ =	shalt  }
0x78: {  	_ =	shalt  }
0x79: {  	_ =	shalt  }
0x7a: {  	_ =	shalt  }
0x7b: {  	_ =	shalt  }
0x7c: {  	_ =	shalt  }
0x7d: {  	_ =	shalt  }
0x7e: {  	_ =	shalt  }
0x7f: {  	_ =	shalt  }
0x80: {  	_ =	shalt  }
0x81: {  	_ =	shalt  }
0x82: {  	_ =	shalt  }
0x83: {  	_ =	shalt  }
0x84: {  	_ =	shalt  }
0x85: {  	_ =	shalt  }
0x86: {  	_ =	shalt  }
0x87: {  	_ =	shalt  }
.Lfunc_end0:
.L_simem_size_0:
called_computation.1_lowered:
.L_overlay_start_0:
0x88: {  	s2 =	sld [smem:$0x3FD9]  }
0x89: {  	s3 =	sld [smem:$0x3FFE];
	_ =	sdelay $0x1  }
0x8a: {  	s1 =	srdreg.scid  }
0x8b: {  	s0 =	sand.u32 $0x1, s1  }
0x8c: {  	s16 =	sshll.u32 s0, $0xA;
	s2 =	sadd.s32 s3, s2  }
0x8d: {  	s2 =	sadd.s32 s2, s16  }
0x8e: {  	[smem:$0x3FBA] =	sst s2  }
0x8f: {  	_ = 	snop  }
0x90: {  	(tm) =	ssettm $0x1  }
0x91: {  	s17 =	sld [smem:$0x3FFB];
	_ =	sdelay $0x3  }
0x92: {  	_ =	strace s17  }
0x93: {  	s2 =	sld [smem:$0x3FFC];
	_ =	sdelay $0x3  }
0x94: {  	_ =	strace s2  }
0x95: {  	s2 =	sld [smem:$0x3FFD];
	_ =	sdelay $0x3  }
0x96: {  	_ =	strace s2  }
0x97: {  	_ =	strace $0x8FFFFFFF  }
0x98: {  	s18 =	sld [smem:$0x3FDB];
	_ =	sdelay $0x1  }
0x99: {  	s19 =	simm.s32 $_scs_section_size  }
0x9a: {  	s4 =	simm.s32 $_size__tile_overlayer_lowered;
	s5 =	simm.s32 $_tile_overlayer_lowered  }
0x9b: {  	s22 =	simm.s32 $0x1BFF;
	s21 =	sshll.u32 s5, $0x1;
	s2 =	sadd.s32 s19, s18  }
0x9c: {  	s6 =	simm.s32 $0x0;
	s20 =	sshll.u32 s4, $0x1;
	s4 =	sadd.s32 s21, s2  }
0x9d: {  	[timem:s6], [sflag:s22] =	dma.local [hbm:s4], s20  }
0x9e: {  	_ =	swait.ge [sflag:s22], s20  }
0x9f: {  	s3 =	ssub.s32 $0x0, s20;
	[sflag:s22] =	ssyncset.done $0x0  }
0xa0: {  	[sflag:s22] =	ssyncadd.s32 s3;
	_ =	sdelay $0x1  }
0xa1: {  	s23 =	simm.s32 $0x1B8B  }
0xa2: {  	_ =	swait.ge [sflag:s23], $0x1  }
0xa3: {  	[sflag:s23] =	ssyncset.done $0x0  }
0xa4: {  	s25 =	simm.s32 $0x1B8E;
	s24 =	sld [smem:$0x3FFE];
	[sflag:s23] =	ssyncadd.s32 $0xFFFFFFFF  }
0xa5: {  	s26 =	simm.s32 $execute0_lowered;
	[smem:$0x3FD2] =	sst s25  }
0xa6: {  	s4 =	sshll.u32 s26, $0x1;
	_ =	strace $0x80000049;
	[dreg:$0x1] =	wrdreg $0xFFFFFFFF  }
0xa7: {  	s28 =	simm.s32 $_size_execute0_lowered;
	s2 =	sadd.s32 s2, s4;
	[dreg:$0x0] =	wrdreg $0x0  }
0xa8: {  	s4 =	sshll.u32 s28, $0x1;
	[dreg:$0x2] =	wrdreg s2  }
0xa9: {  	[dreg:$0x3] =	wrdreg s4  }
0xaa: {  	[dreg:$0x4] =	wrdreg $0xC0  }
0xab: {  	_ =	task [dreg:s6], $0x5FFFF  }
0xac: {  	[dreg:$0x1] =	wrdreg $0xFFFFFFFF  }
0xad: {  	[dreg:$0x0] =	wrdreg $0x60  }
0xae: {  	[dreg:$0x2] =	wrdreg s24  }
0xaf: {  	[dreg:$0x3] =	wrdreg $0xB9A00  }
0xb0: {  	[dreg:$0x4] =	wrdreg $0x9  }
0xb1: {  	_ =	task.clear_ibuf [dreg:s6], $0x5FFFF;
	_ =	strace $0x90000049  }
0xb2: {  	s29 =	simm.s32 $0x9;
	_ =	strace $0x8000004B  }
0xb3: {  	_ =	swait.ge [sflag:s29], $0x1  }
0xb4: {  	[sflag:s29] =	ssyncadd.s32 $0xFFFFFFFF  }
0xb5: {  	_ =	strace $0x9000004B  }
0xb6: {  	_ =	sfence  }
0xb7: {  	s30 =	sld [smem:$0x0];
	_ =	sdelay $0x2  }
0xb8: {  	s31 =	sshll.u32 s1, $0xD;
	s1 =	sshrl.u32 s1, $0x2  }
0xb9: {  	s3 =	sand.u32 $0x4000, s31;
	s1 =	sadd.s32 s1, s30  }
0xba: {  	s0 =	sor.u32 s3, s0;
	s1 =	sshll.u32 s1, $0x11  }
0xbb: {  	s0 =	sor.u32 s1, s0  }
0xbc: {  	s0 =	sadd.s32 $0x8F2B, s0  }
0xbd: {  	[sflag:s0] =	ssyncadd.remote.s32 $0x1  }
0xbe: {  	_ =	sfence.sel $0xFFFF  }
0xbf: {  	[dreg:$0x0] =	wrdreg $0xFFFFFFFF;
	(pc) =	sbr.abs _section_cstart, $3  }
0xc0: {  	[dreg:$0x1] =	wrdreg $0xFFFFFFFF  }
0xc1: {  	_ =	task.clear_ibuf [dreg:s6], $0x2FFFF;
	_ =	strace $0x9FFFFFFF  }
0xc2: {  	(tm) =	ssettm $0x7FFFFFFF  }
0xc3: {  	_ =	shalt  }
tec
execute0_lowered:
.L_overlay_start_1:
0x0: {  	(tag) =	ssettag $0x1  }
0x1: {  	s0 =	rddreg [dreg:$0x0]  }
0x2: {  	s2 =	rddreg [dreg:$0x1]  }
0x3: {  	s1 =	srdreg.scid;
	s11 =	stileid.u32;
	s4 =	simm.s32 $0x0  }
0x4: {  	s28 =	simm.s32 $0x2;
	s29 =	simm.s32 $0x3;
	s3 =	smul.u32 $0x13880, s11  }
0x5: {  	s30 =	simm.s32 $0x0;
	s1 =	sand.u32 $0x1, s1;
	s18 =	smul.u32 $0x18C0, s11  }
0x6: {  	[smem:$0x7FF] =	sst s4;
	s4 =	sadd.s32 $0x16A00, s0;
	s20 =	smul.u32 $0x6B4, s11  }
0x7: {  	s6 =	sadd.s32 $0xCC00, s0;
	s17 =	sshll.u32 s11, $0x6;
	s11 =	smul.u32 $0x35A0, s11  }
0x8: {  	s7 =	sadd.s32 $0x2E00, s0;
	s9 =	sadd.s32 $0x3DC00, s0;
	s5 =	smul.u32 $0x138800, s1  }
0x9: {  	_ =	strace $0x8000004A;
	s8 =	ssub.s32 $0x2, s1;
	[dreg:$0x3] =	wrdreg s9  }
0xa: {  	s12 =	sor.u32 $0x1C04, s17;
	p0 =	seq.s32 s1, $0x0;
	s16 =	sshrl.u32 s8, $0x1  }
0xb: {  	s19 =	sshrl.u32 s18, $0x3;
	s22 =	sadd.s32 s6, s20;
	s9 =	sadd.s32 s7, s20  }
0xc: {  	s23 =	sshrl.u32 s11, $0x3;
	s20 =	simm.s32 $0x4;
	[dreg:$0x5] =	wrdreg s12  }
0xd: {  	s5 =	sadd.s32 s3, s5;
	s3 =	sadd.s32 s3, s2;
	[dreg:$0x8] =	wrdreg s22  }
0xe: {  	s10 =	sadd.s32 $0x6B40, s19;
	[dreg:$0x9] =	wrdreg s9;
	s9 =	sadd.s32 $0x35A, s23  }
0xf: {  	s22 =	simm.s32 $0x35A0;
	s23 =	simm.s32 $0x61A0;
	s5 =	sshrl.u32 s5, $0x3  }
0x10: {  	[dreg:$0x4] =	wrdreg s3;
	s13 =	sadd.s32 s6, s10;
	s10 =	sadd.s32 s7, s10  }
0x11: {  	s3 =	sadd.s32 $0x6CCC, s19;
	s25 =	sadd.s32 s6, s9;
	[dreg:$0x6] =	wrdreg s13  }
0x12: {  	s26 =	sadd.s32 s7, s9;
	s0 =	sadd.s32 s5, s0;
	[dreg:$0x7] =	wrdreg s10  }
0x13: {  	s5 =	ssub.s32 s8, s16;
	s8 =	simm.s32 $0x4E;
	[dreg:$0xc] =	wrdreg s25  }
0x14: {  	s24 =	sadd.s32 s6, s3;
	s3 =	sadd.s32 s7, s3;
	[dreg:$0xd] =	wrdreg s26  }
0x15: {  	s25 =	simm.s32 $0x8DA0;
	s8 =	simm.s32 @!p0 $0x24;
	[dreg:$0xa] =	wrdreg s24  }
0x16: {  	[dreg:$0xb] =	wrdreg s3;
	s0 =	sadd.s32 $0x40400, s0;
	s21 =	smul.u32 $0x56, s8  }
0x17: {  	s26 =	simm.s32 $0x1;
	s31 =	smax.u32 s5, $0x1;
	[dreg:$0xe] =	wrdreg s0  }
0x18: {  	p0 =	sne.s32 s1, $0x0;
	[dreg:$0xf] =	wrdreg s31;
	s10 =	sshrl.u32 s21, $0x8  }
0x19: {  	s21 =	simm.s32 $0x58;
	s19 =	smul.u32 $0x420, s10;
	s10 =	simm.s32 $0xB0  }
.LBB2_1:
0x1a: {  	s0 =	rddreg [dreg:$0x4]  }
0x1b: {  	s15 =	rddreg [dreg:$0x3];
	s31 =	sshrl.u32 s0, $0x3  }
0x1c: {  	[spmem:s31], [sflag:s12] =	dma.local [hbm:s15], $0x2710  }
0x1d: {  	_ =	swait.ge [sflag:s20], $0x2710  }
0x1e: {  	[sflag:s20] =	ssyncset.done $0x0  }
0x1f: {  	[sflag:s20] =	ssyncadd.s32 $0xFFFFD8F0  }
0x20: {  	[bflag:$0x0] =	sbarrier.arrive $0xFFFF  }
0x21: {  	s1 =	simm.s32 @p0 $0x0;
	s0 =	rddreg [dreg:$0x6]  }
0x22: {  	[tilespmem:s1], [sflag:$0x4] =	stream.linear.gather @p0 [hbm4b:s0+s1], $0xC60, $0x38;
	[tilespmem:$0x1F260] =	vst v63  }
0x23: {  	s0 =	simm.s32 @p0 $0x4  }
0x24: {  	_ =	swait.ge @p0 [sflag:s0], $0xC60  }
0x25: {  	[sflag:s0] =	ssyncset.done @p0 $0x0  }
0x26: {  	s5 =	simm.s32 @p0 $0x1AD0;
	s3 =	rddreg [dreg:$0x7];
	[sflag:s0] =	ssyncadd.s32 @p0 $0xFFFFF3A0  }
0x27: {  	[tilespmem:s5], [sflag:$0x4] =	stream.linear.gather @p0 [hbm4b:s3+s1], $0xC60, $0x38;
	[tilespmem:$0x1F260] =	vst v63  }
0x28: {  	_ =	swait.ge @p0 [sflag:s0], $0xC60  }
0x29: {  	[sflag:s0] =	ssyncset.done @p0 $0x0  }
0x2a: {  	s6 =	simm.s32 @!p0 $0x0;
	s3 =	rddreg [dreg:$0x8];
	[sflag:s0] =	ssyncadd.s32 @p0 $0xFFFFF3A0  }
0x2b: {  	[tilespmem:s6], [sflag:$0x4] =	stream.linear.gather @!p0 [hbm4b:s3+s6], $0x1AD0, $0x38;
	[tilespmem:$0x1F260] =	vst v63  }
0x2c: {  	s3 =	simm.s32 @!p0 $0x4  }
0x2d: {  	_ =	swait.ge @!p0 [sflag:s3], $0x1AD0  }
0x2e: {  	[sflag:s3] =	ssyncset.done @!p0 $0x0  }
0x2f: {  	s11 =	simm.s32 @!p0 $0x1AD0;
	s5 =	rddreg [dreg:$0x9];
	[sflag:s3] =	ssyncadd.s32 @!p0 $0xFFFFE530  }
0x30: {  	[tilespmem:s11], [sflag:$0x4] =	stream.linear.gather @!p0 [hbm4b:s5+s6], $0x1AD0, $0x38;
	[tilespmem:$0x1F260] =	vst v63  }
0x31: {  	_ =	swait.ge @!p0 [sflag:s3], $0x1AD0  }
0x32: {  	[sflag:s3] =	ssyncset.done @!p0 $0x0  }
0x33: {  	s16 =	simm.s32 $0x0;
	[sflag:s3] =	ssyncadd.s32 @!p0 $0xFFFFE530  }
0x34: {  	[tilespmem:s22], [sflag:$0x1] =	stream.indirect.gather [hbm4b:s4+s21], $0x80, s16, s21, $0xb8;
	[tilespmem:$0x1F260] =	vst v63  }
0x35: {  	_ = 	snop  }
0x36: {  	[tilespmem:s23], [sflag:$0x2] =	stream.indirect.gather [hbm4b:s4+s21], $0x80, s21, s21, $0xb8;
	[tilespmem:$0x1F260] =	vst v63  }
0x37: {  	_ = 	snop  }
0x38: {  	[tilespmem:s25], [sflag:$0x3] =	stream.indirect.gather [hbm4b:s4+s21], $0x80, s10, s21, $0xb8;
	[tilespmem:$0x1F260] =	vst v63  }
0x39: {  	_ =	swait.ge [sflag:s26], $0x2C00  }
0x3a: {  	[sflag:s26] =	ssyncset.done $0x0  }
0x3b: {  	s17 =	simm.s32 $0x1AD0;
	[sflag:s26] =	ssyncadd.s32 $0xFFFFD400  }
0x3c: {  	[spmem:s2] =	stream.indirect.scatter.add.f32 [tilespmem:s22], [sflag:$0x4], $0x80, s17, s21, $0xb8;
	[tilespmem:$0x1F260] =	vst v63  }
0x3d: {  	p2 =	sle.u32 s8, $0x3;
	_ =	swait.ge [sflag:s20], $0x2C00  }
0x3e: {  	s7 =	simm.s32 @!p2 $0x35A0;
	[sflag:s20] =	ssyncset.done $0x0  }
0x3f: {  	s13 =	simm.s32 @!p2 $0x58;
	s5 =	simm.s32 @!p2 $0x108;
	[sflag:s20] =	ssyncadd.s32 $0xFFFFD400  }
0x40: {  	[tilespmem:s7], [sflag:$0x1] =	stream.indirect.gather @!p2 [hbm4b:s4+s13], $0x80, s5, s13, $0xb8;
	[tilespmem:$0x1F260] =	vst v63  }
0x41: {  	_ =	swait.ge [sflag:s28], $0x2C00  }
0x42: {  	[sflag:s28] =	ssyncset.done $0x0  }
0x43: {  	s18 =	simm.s32 $0x1B28;
	[sflag:s28] =	ssyncadd.s32 $0xFFFFD400  }
0x44: {  	[spmem:s2] =	stream.indirect.scatter.add.f32 [tilespmem:s23], [sflag:$0x4], $0x80, s18, s21, $0xb8;
	[tilespmem:$0x1F260] =	vst v63  }
0x45: {  	p3 =	sle.u32 s8, $0x4;
	_ =	swait.ge [sflag:s20], $0x2C00  }
0x46: {  	s14 =	simm.s32 @!p3 $0x61A0;
	[sflag:s20] =	ssyncset.done $0x0  }
0x47: {  	s15 =	simm.s32 @!p3 $0x58;
	s5 =	simm.s32 @!p3 $0x160;
	[sflag:s20] =	ssyncadd.s32 $0xFFFFD400  }
0x48: {  	[tilespmem:s14], [sflag:$0x2] =	stream.indirect.gather @!p3 [hbm4b:s4+s15], $0x80, s5, s15, $0xb8;
	[tilespmem:$0x1F260] =	vst v63  }
0x49: {  	s24 =	simm.s32 $0x1B80;
	p1 =	sle.u32 s8, $0x5;
	_ =	swait.ge [sflag:s29], $0x2C00  }
0x4a: {  	p4 =	sne.s32 s19, $0x420;
	p5 =	por p1, p1;
	[sflag:s29] =	ssyncset.done $0x0  }
.Ltmp0:
0x4b: {  	s12 =	simm.s32 @!p1 $0x58;
	[sflag:s29] =	ssyncadd.s32 $0xFFFFD400;
	(pc) =	sbr.rel @!p4 .LBB2_3-.Ltmp0, $4  }
0x4c: {  	[spmem:s2] =	stream.indirect.scatter.add.f32 [tilespmem:s25], [sflag:$0x4], $0x80, s24, s21, $0xb8;
	[tilespmem:$0x1F260] =	vst v63  }
0x4d: {  	s16 =	simm.s32 $0x420;
	s17 =	simm.s32 $0x8;
	_ =	swait.ge [sflag:s20], $0x2C00  }
0x4e: {  	s7 =	simm.s32 @!p1 $0x58;
	s18 =	simm.s32 @!p1 $0x8DA0;
	[sflag:s20] =	ssyncset.done $0x0  }
0x4f: {  	s5 =	simm.s32 @!p1 $0x8DA0;
	s24 =	simm.s32 @!p1 $0x1B8;
	[sflag:s20] =	ssyncadd.s32 $0xFFFFD400  }
.LBB2_2:
0x50: {  	[tilespmem:s18], [sflag:$0x3] =	stream.indirect.gather @!p5 [hbm4b:s4+s7], $0x80, s24, s7, $0xb8;
	[tilespmem:$0x1F260] =	vst v63  }
0x51: {  	s18 =	smov.u32 s16;
	s16 =	sadd.s32 $0x420, s16;
	_ =	swait.ge [sflag:s26], $0x2C00  }
0x52: {  	s7 =	sshra.s32 s18, $0x2;
	p4 =	sne.s32 s19, s16;
	[sflag:s26] =	ssyncset.done $0x0  }
0x53: {  	s9 =	sadd.s32 $0xFFFFFFFE, s17;
	s24 =	sadd.s32 $0x1AD0, s7;
	[sflag:s26] =	ssyncadd.s32 $0xFFFFD400  }
0x54: {  	[spmem:s2] =	stream.indirect.scatter.add.f32 [tilespmem:s22], [sflag:$0x4], $0x80, s24, s21, $0xb8;
	[tilespmem:$0x1F260] =	vst v63  }
0x55: {  	p5 =	sge.u32 s9, s8;
	_ =	swait.ge [sflag:s20], $0x2C00  }
0x56: {  	s9 =	sshra.s32 @!p5 s18, $0x2;
	s24 =	simm.s32 @!p5 $0x35A0;
	[sflag:s20] =	ssyncset.done $0x0  }
0x57: {  	s10 =	simm.s32 @!p5 $0x58;
	s9 =	sadd.s32 @!p5 $0x108, s9;
	[sflag:s20] =	ssyncadd.s32 $0xFFFFD400  }
0x58: {  	[tilespmem:s24], [sflag:$0x1] =	stream.indirect.gather @!p5 [hbm4b:s4+s10], $0x80, s9, s10, $0xb8;
	[tilespmem:$0x1F260] =	vst v63  }
0x59: {  	_ =	swait.ge [sflag:s28], $0x2C00  }
0x5a: {  	[sflag:s28] =	ssyncset.done $0x0  }
0x5b: {  	s9 =	sadd.s32 $0x1B28, s7;
	s10 =	sadd.s32 $0xFFFFFFFF, s17;
	[sflag:s28] =	ssyncadd.s32 $0xFFFFD400  }
0x5c: {  	[spmem:s2] =	stream.indirect.scatter.add.f32 [tilespmem:s23], [sflag:$0x4], $0x80, s9, s21, $0xb8;
	[tilespmem:$0x1F260] =	vst v63  }
0x5d: {  	p5 =	sge.u32 s10, s8;
	_ =	swait.ge [sflag:s20], $0x2C00  }
0x5e: {  	s10 =	simm.s32 @!p5 $0x61A0;
	s9 =	sshra.s32 @!p5 s18, $0x2;
	[sflag:s20] =	ssyncset.done $0x0  }
0x5f: {  	s24 =	simm.s32 @!p5 $0x58;
	s9 =	sadd.s32 @!p5 $0x160, s9;
	[sflag:s20] =	ssyncadd.s32 $0xFFFFD400  }
0x60: {  	[tilespmem:s10], [sflag:$0x2] =	stream.indirect.gather @!p5 [hbm4b:s4+s24], $0x80, s9, s24, $0xb8;
	[tilespmem:$0x1F260] =	vst v63  }
0x61: {  	_ =	swait.ge [sflag:s29], $0x2C00  }
0x62: {  	[sflag:s29] =	ssyncset.done $0x0  }
.Ltmp1:
0x63: {  	s7 =	sadd.s32 $0x1B80, s7;
	[sflag:s29] =	ssyncadd.s32 $0xFFFFD400;
	(pc) =	sbr.rel @p4 .LBB2_2-.Ltmp1, $4  }
0x64: {  	[spmem:s2] =	stream.indirect.scatter.add.f32 [tilespmem:s25], [sflag:$0x4], $0x80, s7, s21, $0xb8;
	[tilespmem:$0x1F260] =	vst v63  }
0x65: {  	p5 =	sge.u32 s17, s8;
	s17 =	sadd.s32 $0x3, s17;
	_ =	swait.ge [sflag:s20], $0x2C00  }
0x66: {  	s7 =	sshra.s32 @!p5 s18, $0x2;
	s18 =	simm.s32 @!p5 $0x8DA0;
	[sflag:s20] =	ssyncset.done $0x0  }
0x67: {  	s24 =	sadd.s32 @!p5 $0x1B8, s7;
	s7 =	simm.s32 @!p5 $0x58;
	[sflag:s20] =	ssyncadd.s32 $0xFFFFD400  }
.LBB2_3:
0x68: {  	[tilespmem:s18], [sflag:$0x3] =	stream.indirect.gather @!p5 [hbm4b:s4+s7], $0x80, s24, s7, $0xb8;
	[tilespmem:$0x1F260] =	vst v63  }
0x69: {  	s7 =	rddreg [dreg:$0xa]  }
0x6a: {  	[tilespmem:s1], [sflag:$0x4] =	stream.linear.gather @p0 [hbm4b:s7+s1], $0xC60, $0x38;
	[tilespmem:$0x1F260] =	vst v63  }
0x6b: {  	_ =	swait.ge @p0 [sflag:s0], $0xC60  }
0x6c: {  	[sflag:s0] =	ssyncset.done @p0 $0x0  }
0x6d: {  	s9 =	simm.s32 @p0 $0x1AD0;
	s7 =	rddreg [dreg:$0xb];
	[sflag:s0] =	ssyncadd.s32 @p0 $0xFFFFF3A0  }
0x6e: {  	[tilespmem:s9], [sflag:$0x4] =	stream.linear.gather @p0 [hbm4b:s7+s1], $0xC60, $0x38;
	[tilespmem:$0x1F260] =	vst v63  }
0x6f: {  	_ =	swait.ge @p0 [sflag:s0], $0xC60  }
0x70: {  	[sflag:s0] =	ssyncset.done @p0 $0x0  }
0x71: {  	[sflag:s0] =	ssyncadd.s32 @p0 $0xFFFFF3A0;
	s0 =	rddreg [dreg:$0xc]  }
0x72: {  	[tilespmem:s6], [sflag:$0x4] =	stream.linear.gather @!p0 [hbm4b:s0+s6], $0x1AD0, $0x38;
	[tilespmem:$0x1F260] =	vst v63  }
0x73: {  	_ =	swait.ge @!p0 [sflag:s3], $0x1AD0  }
0x74: {  	[sflag:s3] =	ssyncset.done @!p0 $0x0  }
0x75: {  	s0 =	rddreg [dreg:$0xd];
	[sflag:s3] =	ssyncadd.s32 @!p0 $0xFFFFE530  }
0x76: {  	[tilespmem:s11], [sflag:$0x4] =	stream.linear.gather @!p0 [hbm4b:s0+s6], $0x1AD0, $0x38;
	[tilespmem:$0x1F260] =	vst v63  }
0x77: {  	_ =	swait.ge @!p0 [sflag:s3], $0x1AD0  }
0x78: {  	[sflag:s3] =	ssyncset.done @!p0 $0x0  }
0x79: {  	s16 =	simm.s32 $0x0;
	[sflag:s3] =	ssyncadd.s32 @!p0 $0xFFFFE530  }
0x7a: {  	[tilespmem:s22], [sflag:$0x1] =	stream.indirect.gather [hbm4b:s4+s21], $0x80, s16, s21, $0xb8;
	[tilespmem:$0x1F260] =	vst v63  }
0x7b: {  	_ = 	snop  }
0x7c: {  	[tilespmem:s23], [sflag:$0x2] =	stream.indirect.gather [hbm4b:s4+s21], $0x80, s21, s21, $0xb8;
	[tilespmem:$0x1F260] =	vst v63  }
0x7d: {  	s10 =	simm.s32 $0xB0  }
0x7e: {  	[tilespmem:s25], [sflag:$0x3] =	stream.indirect.gather [hbm4b:s4+s21], $0x80, s10, s21, $0xb8;
	[tilespmem:$0x1F260] =	vst v63  }
0x7f: {  	_ =	swait.ge [sflag:s26], $0x2C00  }
0x80: {  	[sflag:s26] =	ssyncset.done $0x0  }
0x81: {  	s17 =	simm.s32 $0x1AD0;
	[sflag:s26] =	ssyncadd.s32 $0xFFFFD400  }
0x82: {  	[spmem:s2] =	stream.indirect.scatter.add.f32 [tilespmem:s22], [sflag:$0x4], $0x80, s17, s21, $0xb8;
	[tilespmem:$0x1F260] =	vst v63  }
0x83: {  	_ =	swait.ge [sflag:s20], $0x2C00  }
0x84: {  	[sflag:s20] =	ssyncset.done $0x0  }
0x85: {  	s1 =	simm.s32 @!p2 $0x35A0;
	s0 =	simm.s32 @!p2 $0x108;
	[sflag:s20] =	ssyncadd.s32 $0xFFFFD400  }
0x86: {  	[tilespmem:s1], [sflag:$0x1] =	stream.indirect.gather @!p2 [hbm4b:s4+s13], $0x80, s0, s13, $0xb8;
	[tilespmem:$0x1F260] =	vst v63  }
0x87: {  	_ =	swait.ge [sflag:s28], $0x2C00  }
0x88: {  	[sflag:s28] =	ssyncset.done $0x0  }
0x89: {  	s18 =	simm.s32 $0x1B28;
	[sflag:s28] =	ssyncadd.s32 $0xFFFFD400  }
0x8a: {  	[spmem:s2] =	stream.indirect.scatter.add.f32 [tilespmem:s23], [sflag:$0x4], $0x80, s18, s21, $0xb8;
	[tilespmem:$0x1F260] =	vst v63  }
0x8b: {  	_ =	swait.ge [sflag:s20], $0x2C00  }
0x8c: {  	[sflag:s20] =	ssyncset.done $0x0  }
0x8d: {  	s0 =	simm.s32 @!p3 $0x160;
	[sflag:s20] =	ssyncadd.s32 $0xFFFFD400  }
0x8e: {  	[tilespmem:s14], [sflag:$0x2] =	stream.indirect.gather @!p3 [hbm4b:s4+s15], $0x80, s0, s15, $0xb8;
	[tilespmem:$0x1F260] =	vst v63  }
0x8f: {  	_ =	swait.ge [sflag:s29], $0x2C00  }
0x90: {  	p2 =	sne.s32 s19, $0x420;
	[sflag:s29] =	ssyncset.done $0x0  }
.Ltmp2:
0x91: {  	s24 =	simm.s32 $0x1B80;
	[sflag:s29] =	ssyncadd.s32 $0xFFFFD400;
	(pc) =	sbr.rel @!p2 .LBB2_5-.Ltmp2, $4  }
0x92: {  	[spmem:s2] =	stream.indirect.scatter.add.f32 [tilespmem:s25], [sflag:$0x4], $0x80, s24, s21, $0xb8;
	[tilespmem:$0x1F260] =	vst v63  }
0x93: {  	_ =	swait.ge [sflag:s20], $0x2C00  }
0x94: {  	s3 =	simm.s32 @!p1 $0x1B8;
	[sflag:s20] =	ssyncset.done $0x0  }
0x95: {  	s1 =	simm.s32 $0x8;
	s0 =	simm.s32 $0x420;
	[sflag:s20] =	ssyncadd.s32 $0xFFFFD400  }
.LBB2_4:
0x96: {  	[tilespmem:s5], [sflag:$0x3] =	stream.indirect.gather @!p1 [hbm4b:s4+s12], $0x80, s3, s12, $0xb8;
	[tilespmem:$0x1F260] =	vst v63  }
0x97: {  	s3 =	smov.u32 s0;
	s0 =	sadd.s32 $0x420, s0;
	_ =	swait.ge [sflag:s26], $0x2C00  }
0x98: {  	s5 =	sshra.s32 s3, $0x2;
	p2 =	sne.s32 s19, s0;
	[sflag:s26] =	ssyncset.done $0x0  }
0x99: {  	s7 =	sadd.s32 $0xFFFFFFFE, s1;
	s6 =	sadd.s32 $0x1AD0, s5;
	[sflag:s26] =	ssyncadd.s32 $0xFFFFD400  }
0x9a: {  	[spmem:s2] =	stream.indirect.scatter.add.f32 [tilespmem:s22], [sflag:$0x4], $0x80, s6, s21, $0xb8;
	[tilespmem:$0x1F260] =	vst v63  }
0x9b: {  	p1 =	sge.u32 s7, s8;
	_ =	swait.ge [sflag:s20], $0x2C00  }
0x9c: {  	s7 =	simm.s32 @!p1 $0x35A0;
	s6 =	sshra.s32 @!p1 s3, $0x2;
	[sflag:s20] =	ssyncset.done $0x0  }
0x9d: {  	s9 =	simm.s32 @!p1 $0x58;
	s6 =	sadd.s32 @!p1 $0x108, s6;
	[sflag:s20] =	ssyncadd.s32 $0xFFFFD400  }
0x9e: {  	[tilespmem:s7], [sflag:$0x1] =	stream.indirect.gather @!p1 [hbm4b:s4+s9], $0x80, s6, s9, $0xb8;
	[tilespmem:$0x1F260] =	vst v63  }
0x9f: {  	_ =	swait.ge [sflag:s28], $0x2C00  }
0xa0: {  	[sflag:s28] =	ssyncset.done $0x0  }
0xa1: {  	s6 =	sadd.s32 $0x1B28, s5;
	s7 =	sadd.s32 $0xFFFFFFFF, s1;
	[sflag:s28] =	ssyncadd.s32 $0xFFFFD400  }
0xa2: {  	[spmem:s2] =	stream.indirect.scatter.add.f32 [tilespmem:s23], [sflag:$0x4], $0x80, s6, s21, $0xb8;
	[tilespmem:$0x1F260] =	vst v63  }
0xa3: {  	p1 =	sge.u32 s7, s8;
	_ =	swait.ge [sflag:s20], $0x2C00  }
0xa4: {  	s7 =	simm.s32 @!p1 $0x61A0;
	s6 =	sshra.s32 @!p1 s3, $0x2;
	[sflag:s20] =	ssyncset.done $0x0  }
0xa5: {  	s9 =	simm.s32 @!p1 $0x58;
	s6 =	sadd.s32 @!p1 $0x160, s6;
	[sflag:s20] =	ssyncadd.s32 $0xFFFFD400  }
0xa6: {  	[tilespmem:s7], [sflag:$0x2] =	stream.indirect.gather @!p1 [hbm4b:s4+s9], $0x80, s6, s9, $0xb8;
	[tilespmem:$0x1F260] =	vst v63  }
0xa7: {  	_ =	swait.ge [sflag:s29], $0x2C00  }
0xa8: {  	[sflag:s29] =	ssyncset.done $0x0  }
.Ltmp3:
0xa9: {  	s5 =	sadd.s32 $0x1B80, s5;
	[sflag:s29] =	ssyncadd.s32 $0xFFFFD400;
	(pc) =	sbr.rel @p2 .LBB2_4-.Ltmp3, $4  }
0xaa: {  	[spmem:s2] =	stream.indirect.scatter.add.f32 [tilespmem:s25], [sflag:$0x4], $0x80, s5, s21, $0xb8;
	[tilespmem:$0x1F260] =	vst v63  }
0xab: {  	p1 =	sge.u32 s1, s8;
	s1 =	sadd.s32 $0x3, s1;
	_ =	swait.ge [sflag:s20], $0x2C00  }
0xac: {  	s3 =	sshra.s32 @!p1 s3, $0x2;
	s5 =	simm.s32 @!p1 $0x8DA0;
	[sflag:s20] =	ssyncset.done $0x0  }
0xad: {  	s12 =	simm.s32 @!p1 $0x58;
	s3 =	sadd.s32 @!p1 $0x1B8, s3;
	[sflag:s20] =	ssyncadd.s32 $0xFFFFD400  }
.LBB2_5:
0xae: {  	[tilespmem:s5], [sflag:$0x3] =	stream.indirect.gather @!p1 [hbm4b:s4+s12], $0x80, s3, s12, $0xb8;
	[tilespmem:$0x1F260] =	vst v63  }
0xaf: {  	[bflag:$0x0] =	sbarrier.arrive $0xFFFF  }
0xb0: {  	s12 =	rddreg [dreg:$0x5]  }
0xb1: {  	s0 =	rddreg [dreg:$0xe]  }
0xb2: {  	[hbm:s0], [sflag:s12] =	dma.local [spmem:s31], $0x2710  }
0xb3: {  	_ =	swait.ge [sflag:s20], $0x2710  }
0xb4: {  	s30 =	sadd.s32 $0x1, s30;
	s31 =	rddreg [dreg:$0xf]  }
0xb5: {  	p1 =	sne.s32 s30, s31  }
.Ltmp4:
0xb6: {  	_ = 	snop;
	(pc) =	sbr.rel @p1 .LBB2_1-.Ltmp4, $3  }
0xb7: {  	_ =	sdelay $0x1  }
0xb8: {  	[sflag:s20] =	ssyncset.done $0x0  }
0xb9: {  	[sflag:s20] =	ssyncadd.s32 $0xFFFFD8F0  }
0xba: {  	_ =	sfence.sel $0x180000  }
0xbb: {  	[bflag:$0x0] =	sbarrier.arrive $0xFFFF  }
0xbc: {  	_ =	strace $0x9000004A  }
0xbd: {  	s0 =	stileid.u32;
	[bflag:$0x2] =	sbarrier.arrive $0xFFFF  }
0xbe: {  	p0 =	sne.s32 s0, $0x0;
	s0 =	rddreg [dreg:$0x2]  }
0xbf: {  	s0 =	sadd.s32 @!p0 $0x100000, s0  }
0xc0: {  	[sflag:s0] =	ssyncadd.tile.s32 @!p0 $0x1;
	_ =	shalt  }
.Lfunc_end2:
_tile_overlayer_lowered:
.L_overlay_start_2:
0xc1: {  	(tag) =	ssettag $0x2  }
0xc2: {  	s0 =	rddreg [dreg:$0x0];
	s2 =	stileid.u32  }
0xc3: {  	s1 =	rddreg [dreg:$0x1];
	p0 =	sne.s32 s2, $0x0  }
0xc4: {  	s3 =	rddreg [dreg:$0x2];
	[bflag:$0x3] =	sbarrier.arrive $0xFFFF;
	s2 =	simm.s32 @!p0 $0x1C04  }
0xc5: {  	[timem:s3], [sflag:s2] =	dma.local @!p0 [hbm:s0], s1  }
0xc6: {  	s0 =	simm.s32 @!p0 $0x4  }
0xc7: {  	_ =	swait.ge @!p0 [sflag:s0], s1  }
0xc8: {  	s1 =	ssub.s32 @!p0 $0x0, s1;
	[sflag:s0] =	ssyncset.done @!p0 $0x0  }
0xc9: {  	[sflag:s0] =	ssyncadd.s32 @!p0 s1  }
0xca: {  	[bflag:$0x3] =	sbarrier.arrive $0xFFFF  }
0xcb: {  	_ =	shalt  }

// kernel: kernel.16.cloned.1.call-start
scs
__scs_entry_jumppad:
0x0: {  	(pc) =	sbr.rel $0x88, $3  }
0x1: {  	(tag) =	ssettag $0x0;
	lr =	simm.s32 $0x1  }
0x2: {  	[smem:$0x3F93] =	sst lr;
	_ =	strace $0xD0000000  }
0x3: {  	_ = 	snop  }
0x4: {  	_ = 	snop  }
0x5: {  	_ = 	snop  }
0x6: {  	_ = 	snop  }
0x7: {  	_ = 	snop  }
__scs_overlays_trampoline_lowered:
0x8: {  	[smem:$0x3FA2] =	sst s0  }
0x9: {  	[smem:$0x3FA3] =	sst s1  }
0xa: {  	[smem:$0x3FA4] =	sst s2  }
0xb: {  	[smem:$0x3FA5] =	sst s3  }
0xc: {  	[smem:$0x3FA6] =	sst s4  }
0xd: {  	[smem:$0x3FA7] =	sst s5  }
0xe: {  	[smem:$0x3FA8] =	sst s6  }
0xf: {  	[smem:$0x3FA9] =	sst s7  }
0x10: {  	[smem:$0x3FAA] =	sst s8  }
0x11: {  	[smem:$0x3FAB] =	sst s9;
	s0 =	simm.s32 @!p0 $0x0  }
0x12: {  	s1 =	sld [smem:$0x3F91];
	s0 =	simm.s32 @p0 $0x1  }
0x13: {  	[smem:$0x3FAC] =	sst s0;
	s0 =	simm.s32 @!p1 $0x0  }
0x14: {  	s2 =	sld [smem:$0x3F90];
	s0 =	simm.s32 @p1 $0x1  }
0x15: {  	[smem:$0x3FAD] =	sst s0;
	s0 =	simm.s32 @!p2 $0x0  }
0x16: {  	s3 =	sld [smem:$0x3FDB];
	s0 =	simm.s32 @p2 $0x1  }
0x17: {  	s4 =	simm.s32 $0x1BF5;
	[smem:$0x3FAF] =	sst s0  }
0x18: {  	s0 =	sld [smem:$0x3F92];
	_ =	swait.ge [sflag:s4], $0x0  }
0x19: {  	s7 =	sld [smem:$0x3F93]  }
0x1a: {  	s8 =	sadd.s32 $0xFFFFE003, lr  }
0x1b: {  	s9 =	sadd.s32 $0xFFFFFEF7, lr;
	s5 =	simm.s32 $0xFFFFFFFF;
	p2 =	slt.u32 s8, $0xFFFFF086  }
0x1c: {  	p1 =	slt.u32 s9, $0xF7A;
	s5 =	simm.s32 @!p2 $0x0  }
0x1d: {  	s5 =	simm.s32 @p1 $0x1;
	p0 =	seq.s32 s7, s2  }
0x1e: {  	s7 =	smul.u32 @!p0 $0xF7A, s2;
	p2 =	seq.s32 @!p0 s5, $0x0  }
0x1f: {  	s9 =	smul.u32 $0xF7A, s1;
	s8 =	simm.s32 @!p0 $0x1BF5;
	p2 =	por !p2, p0  }
0x20: {  	[sflag:s8] =	ssyncset.s32 @!p0 $0xFFFFF086;
	s6 =	sadd.s32 @!p0 s3, s7;
	s7 =	simm.s32 @!p0 $0x108  }
0x21: {  	s3 =	sadd.s32 s3, s9;
	s6 =	sadd.s32 @!p0 $0x88, s6;
	s7 =	simm.s32 @p2 $0x1082  }
0x22: {  	[simem:s7], [sflag:s8] =	dma.local @!p0 [hbm:s6], $0xF7A  }
0x23: {  	s9 =	sor.u32 $0xD0000000, s2;
	s6 =	simm.s32 $0x108;
	_ =	swait.ge @!p0 [sflag:s8], $0x0  }
0x24: {  	s3 =	sadd.s32 $0x88, s3;
	s6 =	simm.s32 @!p1 $0x1082;
	[sflag:s4] =	ssyncset.s32 $0xFFFFF086  }
0x25: {  	[simem:s6], [sflag:s4] =	dma.local [hbm:s3], $0xF7A  }
0x26: {  	[smem:$0x3F93] =	sst s1;
	(tag) =	ssettag s2;
	_ =	strace s9  }
0x27: {  	s1 =	sld [smem:$0x3FA3]  }
0x28: {  	s2 =	sld [smem:$0x3FA4]  }
0x29: {  	s4 =	sld [smem:$0x3FA6]  }
0x2a: {  	p0 =	seq.s32 s5, $0x0;
	s5 =	sld [smem:$0x3FA7]  }
0x2b: {  	s6 =	sld [smem:$0x3FA8]  }
0x2c: {  	s7 =	sld [smem:$0x3FA9]  }
0x2d: {  	s3 =	simm.s32 $0x108;
	s8 =	sld [smem:$0x3FAA]  }
0x2e: {  	s3 =	simm.s32 @!p0 $0x1082;
	s9 =	sld [smem:$0x3FAB]  }
0x2f: {  	lr =	sadd.s32 s0, s3;
	s0 =	sld [smem:$0x3FA2]  }
0x30: {  	s3 =	sld [smem:$0x3FA5]  }
0x31: {  	[smem:$0x3FAE] =	sst s10  }
0x32: {  	s10 =	sld [smem:$0x3FAC];
	_ =	sdelay $0x3  }
0x33: {  	p0 =	seq.s32 s10, $0x1;
	s10 =	sld [smem:$0x3FAE];
	_ =	sdelay $0x3  }
0x34: {  	[smem:$0x3FAE] =	sst s10  }
0x35: {  	s10 =	sld [smem:$0x3FAD];
	_ =	sdelay $0x3  }
0x36: {  	p1 =	seq.s32 s10, $0x1;
	s10 =	sld [smem:$0x3FAE];
	_ =	sdelay $0x3  }
0x37: {  	[smem:$0x3FAE] =	sst s10  }
0x38: {  	s10 =	sld [smem:$0x3FAF]  }
0x39: {  	_ = 	snop;
	(pc) =	sbr.ind lr, $3  }
0x3a: {  	_ = 	snop  }
0x3b: {  	_ = 	snop  }
0x3c: {  	p2 =	seq.s32 s10, $0x1;
	s10 =	sld [smem:$0x3FAE]  }
0x3d: {  	_ =	shalt  }
0x3e: {  	_ =	shalt  }
0x3f: {  	_ =	shalt  }
0x40: {  	_ =	shalt  }
0x41: {  	_ =	shalt  }
0x42: {  	_ =	shalt  }
0x43: {  	_ =	shalt  }
0x44: {  	_ =	shalt  }
0x45: {  	_ =	shalt  }
0x46: {  	_ =	shalt  }
0x47: {  	_ =	shalt  }
0x48: {  	_ =	shalt  }
0x49: {  	_ =	shalt  }
0x4a: {  	_ =	shalt  }
0x4b: {  	_ =	shalt  }
0x4c: {  	_ =	shalt  }
0x4d: {  	_ =	shalt  }
0x4e: {  	_ =	shalt  }
0x4f: {  	_ =	shalt  }
0x50: {  	_ =	shalt  }
0x51: {  	_ =	shalt  }
0x52: {  	_ =	shalt  }
0x53: {  	_ =	shalt  }
0x54: {  	_ =	shalt  }
0x55: {  	_ =	shalt  }
0x56: {  	_ =	shalt  }
0x57: {  	_ =	shalt  }
0x58: {  	_ =	shalt  }
0x59: {  	_ =	shalt  }
0x5a: {  	_ =	shalt  }
0x5b: {  	_ =	shalt  }
0x5c: {  	_ =	shalt  }
0x5d: {  	_ =	shalt  }
0x5e: {  	_ =	shalt  }
0x5f: {  	_ =	shalt  }
0x60: {  	_ =	shalt  }
0x61: {  	_ =	shalt  }
0x62: {  	_ =	shalt  }
0x63: {  	_ =	shalt  }
0x64: {  	_ =	shalt  }
0x65: {  	_ =	shalt  }
0x66: {  	_ =	shalt  }
0x67: {  	_ =	shalt  }
0x68: {  	_ =	shalt  }
0x69: {  	_ =	shalt  }
0x6a: {  	_ =	shalt  }
0x6b: {  	_ =	shalt  }
0x6c: {  	_ =	shalt  }
0x6d: {  	_ =	shalt  }
0x6e: {  	_ =	shalt  }
0x6f: {  	_ =	shalt  }
0x70: {  	_ =	shalt  }
0x71: {  	_ =	shalt  }
0x72: {  	_ =	shalt  }
0x73: {  	_ =	shalt  }
0x74: {  	_ =	shalt  }
0x75: {  	_ =	shalt  }
0x76: {  	_ =	shalt  }
0x77: {  	_ =	shalt  }
0x78: {  	_ =	shalt  }
0x79: {  	_ =	shalt  }
0x7a: {  	_ =	shalt  }
0x7b: {  	_ =	shalt  }
0x7c: {  	_ =	shalt  }
0x7d: {  	_ =	shalt  }
0x7e: {  	_ =	shalt  }
0x7f: {  	_ =	shalt  }
0x80: {  	_ =	shalt  }
0x81: {  	_ =	shalt  }
0x82: {  	_ =	shalt  }
0x83: {  	_ =	shalt  }
0x84: {  	_ =	shalt  }
0x85: {  	_ =	shalt  }
0x86: {  	_ =	shalt  }
0x87: {  	_ =	shalt  }
.Lfunc_end0:
.L_simem_size_0:
called_computation.2_lowered:
.L_overlay_start_0:
0x88: {  	s2 =	sld [smem:$0x3FD9]  }
0x89: {  	s3 =	sld [smem:$0x3FFE];
	_ =	sdelay $0x1  }
0x8a: {  	s1 =	srdreg.scid  }
0x8b: {  	s0 =	sand.u32 $0x1, s1  }
0x8c: {  	s16 =	sshll.u32 s0, $0xA;
	s2 =	sadd.s32 s3, s2  }
0x8d: {  	s2 =	sadd.s32 s2, s16  }
0x8e: {  	[smem:$0x3FBA] =	sst s2  }
0x8f: {  	_ = 	snop  }
0x90: {  	(tm) =	ssettm $0x1  }
0x91: {  	s17 =	sld [smem:$0x3FFB];
	_ =	sdelay $0x3  }
0x92: {  	_ =	strace s17  }
0x93: {  	s2 =	sld [smem:$0x3FFC];
	_ =	sdelay $0x3  }
0x94: {  	_ =	strace s2  }
0x95: {  	s2 =	sld [smem:$0x3FFD];
	_ =	sdelay $0x3  }
0x96: {  	_ =	strace s2  }
0x97: {  	_ =	strace $0x8FFFFFFF  }
0x98: {  	s18 =	sld [smem:$0x3FDB];
	_ =	sdelay $0x1  }
0x99: {  	s19 =	simm.s32 $_scs_section_size  }
0x9a: {  	s4 =	simm.s32 $_size__tile_overlayer_lowered;
	s5 =	simm.s32 $_tile_overlayer_lowered  }
0x9b: {  	s22 =	simm.s32 $0x1BFF;
	s21 =	sshll.u32 s5, $0x1;
	s2 =	sadd.s32 s19, s18  }
0x9c: {  	s6 =	simm.s32 $0x0;
	s20 =	sshll.u32 s4, $0x1;
	s4 =	sadd.s32 s21, s2  }
0x9d: {  	[timem:s6], [sflag:s22] =	dma.local [hbm:s4], s20  }
0x9e: {  	_ =	swait.ge [sflag:s22], s20  }
0x9f: {  	s3 =	ssub.s32 $0x0, s20;
	[sflag:s22] =	ssyncset.done $0x0  }
0xa0: {  	[sflag:s22] =	ssyncadd.s32 s3;
	_ =	sdelay $0x1  }
0xa1: {  	s23 =	simm.s32 $0x1B8B  }
0xa2: {  	_ =	swait.ge [sflag:s23], $0x1  }
0xa3: {  	[sflag:s23] =	ssyncset.done $0x0  }
0xa4: {  	s25 =	simm.s32 $0x1B8E;
	s24 =	sld [smem:$0x3FFE];
	[sflag:s23] =	ssyncadd.s32 $0xFFFFFFFF  }
0xa5: {  	s26 =	simm.s32 $execute0_lowered;
	[smem:$0x3FD2] =	sst s25  }
0xa6: {  	s4 =	sshll.u32 s26, $0x1;
	_ =	strace $0x8000004C;
	[dreg:$0x1] =	wrdreg $0xFFFFFFFF  }
0xa7: {  	s28 =	simm.s32 $_size_execute0_lowered;
	s2 =	sadd.s32 s2, s4;
	[dreg:$0x0] =	wrdreg $0x0  }
0xa8: {  	s4 =	sshll.u32 s28, $0x1;
	[dreg:$0x2] =	wrdreg s2  }
0xa9: {  	[dreg:$0x3] =	wrdreg s4  }
0xaa: {  	[dreg:$0x4] =	wrdreg $0xC0  }
0xab: {  	_ =	task [dreg:s6], $0x5FFFF  }
0xac: {  	[dreg:$0x1] =	wrdreg $0xFFFFFFFF  }
0xad: {  	[dreg:$0x0] =	wrdreg $0x60  }
0xae: {  	[dreg:$0x2] =	wrdreg s24  }
0xaf: {  	[dreg:$0x3] =	wrdreg $0xB9A00  }
0xb0: {  	[dreg:$0x4] =	wrdreg $0x9  }
0xb1: {  	_ =	task.clear_ibuf [dreg:s6], $0x5FFFF;
	_ =	strace $0x9000004C  }
0xb2: {  	s29 =	simm.s32 $0x9;
	_ =	strace $0x8000004E  }
0xb3: {  	_ =	swait.ge [sflag:s29], $0x1  }
0xb4: {  	[sflag:s29] =	ssyncadd.s32 $0xFFFFFFFF  }
0xb5: {  	_ =	strace $0x9000004E  }
0xb6: {  	_ =	sfence  }
0xb7: {  	s30 =	sld [smem:$0x0];
	_ =	sdelay $0x2  }
0xb8: {  	s31 =	sshll.u32 s1, $0xD;
	s1 =	sshrl.u32 s1, $0x2  }
0xb9: {  	s3 =	sand.u32 $0x4000, s31;
	s1 =	sadd.s32 s1, s30  }
0xba: {  	s0 =	sor.u32 s3, s0;
	s1 =	sshll.u32 s1, $0x11  }
0xbb: {  	s0 =	sor.u32 s1, s0  }
0xbc: {  	s0 =	sadd.s32 $0x8F2B, s0  }
0xbd: {  	[sflag:s0] =	ssyncadd.remote.s32 $0x1  }
0xbe: {  	_ =	sfence.sel $0xFFFF  }
0xbf: {  	[dreg:$0x0] =	wrdreg $0xFFFFFFFF;
	(pc) =	sbr.abs _section_cstart, $3  }
0xc0: {  	[dreg:$0x1] =	wrdreg $0xFFFFFFFF  }
0xc1: {  	_ =	task.clear_ibuf [dreg:s6], $0x2FFFF;
	_ =	strace $0x9FFFFFFF  }
0xc2: {  	(tm) =	ssettm $0x7FFFFFFF  }
0xc3: {  	_ =	shalt  }
tec
execute0_lowered:
.L_overlay_start_1:
0x0: {  	(tag) =	ssettag $0x1  }
0x1: {  	s0 =	rddreg [dreg:$0x0]  }
0x2: {  	s2 =	rddreg [dreg:$0x1]  }
0x3: {  	s1 =	srdreg.scid;
	s11 =	stileid.u32;
	s4 =	simm.s32 $0x0  }
0x4: {  	s28 =	simm.s32 $0x2;
	s29 =	simm.s32 $0x3;
	s3 =	smul.u32 $0x13880, s11  }
0x5: {  	s30 =	simm.s32 $0x0;
	s1 =	sand.u32 $0x1, s1;
	s18 =	smul.u32 $0x18C0, s11  }
0x6: {  	[smem:$0x7FF] =	sst s4;
	s4 =	sadd.s32 $0x16A00, s0;
	s20 =	smul.u32 $0x6B4, s11  }
0x7: {  	s6 =	sadd.s32 $0xCC00, s0;
	s17 =	sshll.u32 s11, $0x6;
	s11 =	smul.u32 $0x35A0, s11  }
0x8: {  	s7 =	sadd.s32 $0x2E00, s0;
	s9 =	sadd.s32 $0x3DC00, s0;
	s5 =	smul.u32 $0x138800, s1  }
0x9: {  	_ =	strace $0x8000004D;
	s8 =	ssub.s32 $0x2, s1;
	[dreg:$0x3] =	wrdreg s9  }
0xa: {  	s12 =	sor.u32 $0x1C04, s17;
	p0 =	seq.s32 s1, $0x0;
	s16 =	sshrl.u32 s8, $0x1  }
0xb: {  	s19 =	sshrl.u32 s18, $0x3;
	s22 =	sadd.s32 s6, s20;
	s9 =	sadd.s32 s7, s20  }
0xc: {  	s23 =	sshrl.u32 s11, $0x3;
	s20 =	simm.s32 $0x4;
	[dreg:$0x5] =	wrdreg s12  }
0xd: {  	s5 =	sadd.s32 s3, s5;
	s3 =	sadd.s32 s3, s2;
	[dreg:$0x8] =	wrdreg s22  }
0xe: {  	s10 =	sadd.s32 $0x6B40, s19;
	[dreg:$0x9] =	wrdreg s9;
	s9 =	sadd.s32 $0x35A, s23  }
0xf: {  	s22 =	simm.s32 $0x35A0;
	s23 =	simm.s32 $0x61A0;
	s5 =	sshrl.u32 s5, $0x3  }
0x10: {  	[dreg:$0x4] =	wrdreg s3;
	s13 =	sadd.s32 s6, s10;
	s10 =	sadd.s32 s7, s10  }
0x11: {  	s3 =	sadd.s32 $0x6CCC, s19;
	s25 =	sadd.s32 s6, s9;
	[dreg:$0x6] =	wrdreg s13  }
0x12: {  	s26 =	sadd.s32 s7, s9;
	s0 =	sadd.s32 s5, s0;
	[dreg:$0x7] =	wrdreg s10  }
0x13: {  	s5 =	ssub.s32 s8, s16;
	s8 =	simm.s32 $0x4E;
	[dreg:$0xc] =	wrdreg s25  }
0x14: {  	s24 =	sadd.s32 s6, s3;
	s3 =	sadd.s32 s7, s3;
	[dreg:$0xd] =	wrdreg s26  }
0x15: {  	s25 =	simm.s32 $0x8DA0;
	s8 =	simm.s32 @!p0 $0x24;
	[dreg:$0xa] =	wrdreg s24  }
0x16: {  	[dreg:$0xb] =	wrdreg s3;
	s0 =	sadd.s32 $0x40400, s0;
	s21 =	smul.u32 $0x56, s8  }
0x17: {  	s26 =	simm.s32 $0x1;
	s31 =	smax.u32 s5, $0x1;
	[dreg:$0xe] =	wrdreg s0  }
0x18: {  	p0 =	sne.s32 s1, $0x0;
	[dreg:$0xf] =	wrdreg s31;
	s10 =	sshrl.u32 s21, $0x8  }
0x19: {  	s21 =	simm.s32 $0x58;
	s19 =	smul.u32 $0x420, s10;
	s10 =	simm.s32 $0xB0  }
.LBB2_1:
0x1a: {  	s0 =	rddreg [dreg:$0x4]  }
0x1b: {  	s15 =	rddreg [dreg:$0x3];
	s31 =	sshrl.u32 s0, $0x3  }
0x1c: {  	[spmem:s31], [sflag:s12] =	dma.local [hbm:s15], $0x2710  }
0x1d: {  	_ =	swait.ge [sflag:s20], $0x2710  }
0x1e: {  	[sflag:s20] =	ssyncset.done $0x0  }
0x1f: {  	[sflag:s20] =	ssyncadd.s32 $0xFFFFD8F0  }
0x20: {  	[bflag:$0x0] =	sbarrier.arrive $0xFFFF  }
0x21: {  	s1 =	simm.s32 @p0 $0x0;
	s0 =	rddreg [dreg:$0x6]  }
0x22: {  	[tilespmem:s1], [sflag:$0x4] =	stream.linear.gather @p0 [hbm4b:s0+s1], $0xC60, $0x38;
	[tilespmem:$0x1F260] =	vst v63  }
0x23: {  	s0 =	simm.s32 @p0 $0x4  }
0x24: {  	_ =	swait.ge @p0 [sflag:s0], $0xC60  }
0x25: {  	[sflag:s0] =	ssyncset.done @p0 $0x0  }
0x26: {  	s5 =	simm.s32 @p0 $0x1AD0;
	s3 =	rddreg [dreg:$0x7];
	[sflag:s0] =	ssyncadd.s32 @p0 $0xFFFFF3A0  }
0x27: {  	[tilespmem:s5], [sflag:$0x4] =	stream.linear.gather @p0 [hbm4b:s3+s1], $0xC60, $0x38;
	[tilespmem:$0x1F260] =	vst v63  }
0x28: {  	_ =	swait.ge @p0 [sflag:s0], $0xC60  }
0x29: {  	[sflag:s0] =	ssyncset.done @p0 $0x0  }
0x2a: {  	s6 =	simm.s32 @!p0 $0x0;
	s3 =	rddreg [dreg:$0x8];
	[sflag:s0] =	ssyncadd.s32 @p0 $0xFFFFF3A0  }
0x2b: {  	[tilespmem:s6], [sflag:$0x4] =	stream.linear.gather @!p0 [hbm4b:s3+s6], $0x1AD0, $0x38;
	[tilespmem:$0x1F260] =	vst v63  }
0x2c: {  	s3 =	simm.s32 @!p0 $0x4  }
0x2d: {  	_ =	swait.ge @!p0 [sflag:s3], $0x1AD0  }
0x2e: {  	[sflag:s3] =	ssyncset.done @!p0 $0x0  }
0x2f: {  	s11 =	simm.s32 @!p0 $0x1AD0;
	s5 =	rddreg [dreg:$0x9];
	[sflag:s3] =	ssyncadd.s32 @!p0 $0xFFFFE530  }
0x30: {  	[tilespmem:s11], [sflag:$0x4] =	stream.linear.gather @!p0 [hbm4b:s5+s6], $0x1AD0, $0x38;
	[tilespmem:$0x1F260] =	vst v63  }
0x31: {  	_ =	swait.ge @!p0 [sflag:s3], $0x1AD0  }
0x32: {  	[sflag:s3] =	ssyncset.done @!p0 $0x0  }
0x33: {  	s16 =	simm.s32 $0x0;
	[sflag:s3] =	ssyncadd.s32 @!p0 $0xFFFFE530  }
0x34: {  	[tilespmem:s22], [sflag:$0x1] =	stream.indirect.gather [hbm4b:s4+s21], $0x80, s16, s21, $0xb8;
	[tilespmem:$0x1F260] =	vst v63  }
0x35: {  	_ = 	snop  }
0x36: {  	[tilespmem:s23], [sflag:$0x2] =	stream.indirect.gather [hbm4b:s4+s21], $0x80, s21, s21, $0xb8;
	[tilespmem:$0x1F260] =	vst v63  }
0x37: {  	_ = 	snop  }
0x38: {  	[tilespmem:s25], [sflag:$0x3] =	stream.indirect.gather [hbm4b:s4+s21], $0x80, s10, s21, $0xb8;
	[tilespmem:$0x1F260] =	vst v63  }
0x39: {  	_ =	swait.ge [sflag:s26], $0x2C00  }
0x3a: {  	[sflag:s26] =	ssyncset.done $0x0  }
0x3b: {  	s17 =	simm.s32 $0x1AD0;
	[sflag:s26] =	ssyncadd.s32 $0xFFFFD400  }
0x3c: {  	[spmem:s2] =	stream.indirect.scatter.add.f32 [tilespmem:s22], [sflag:$0x4], $0x80, s17, s21, $0xb8;
	[tilespmem:$0x1F260] =	vst v63  }
0x3d: {  	p2 =	sle.u32 s8, $0x3;
	_ =	swait.ge [sflag:s20], $0x2C00  }
0x3e: {  	s7 =	simm.s32 @!p2 $0x35A0;
	[sflag:s20] =	ssyncset.done $0x0  }
0x3f: {  	s13 =	simm.s32 @!p2 $0x58;
	s5 =	simm.s32 @!p2 $0x108;
	[sflag:s20] =	ssyncadd.s32 $0xFFFFD400  }
0x40: {  	[tilespmem:s7], [sflag:$0x1] =	stream.indirect.gather @!p2 [hbm4b:s4+s13], $0x80, s5, s13, $0xb8;
	[tilespmem:$0x1F260] =	vst v63  }
0x41: {  	_ =	swait.ge [sflag:s28], $0x2C00  }
0x42: {  	[sflag:s28] =	ssyncset.done $0x0  }
0x43: {  	s18 =	simm.s32 $0x1B28;
	[sflag:s28] =	ssyncadd.s32 $0xFFFFD400  }
0x44: {  	[spmem:s2] =	stream.indirect.scatter.add.f32 [tilespmem:s23], [sflag:$0x4], $0x80, s18, s21, $0xb8;
	[tilespmem:$0x1F260] =	vst v63  }
0x45: {  	p3 =	sle.u32 s8, $0x4;
	_ =	swait.ge [sflag:s20], $0x2C00  }
0x46: {  	s14 =	simm.s32 @!p3 $0x61A0;
	[sflag:s20] =	ssyncset.done $0x0  }
0x47: {  	s15 =	simm.s32 @!p3 $0x58;
	s5 =	simm.s32 @!p3 $0x160;
	[sflag:s20] =	ssyncadd.s32 $0xFFFFD400  }
0x48: {  	[tilespmem:s14], [sflag:$0x2] =	stream.indirect.gather @!p3 [hbm4b:s4+s15], $0x80, s5, s15, $0xb8;
	[tilespmem:$0x1F260] =	vst v63  }
0x49: {  	s24 =	simm.s32 $0x1B80;
	p1 =	sle.u32 s8, $0x5;
	_ =	swait.ge [sflag:s29], $0x2C00  }
0x4a: {  	p4 =	sne.s32 s19, $0x420;
	p5 =	por p1, p1;
	[sflag:s29] =	ssyncset.done $0x0  }
.Ltmp0:
0x4b: {  	s12 =	simm.s32 @!p1 $0x58;
	[sflag:s29] =	ssyncadd.s32 $0xFFFFD400;
	(pc) =	sbr.rel @!p4 .LBB2_3-.Ltmp0, $4  }
0x4c: {  	[spmem:s2] =	stream.indirect.scatter.add.f32 [tilespmem:s25], [sflag:$0x4], $0x80, s24, s21, $0xb8;
	[tilespmem:$0x1F260] =	vst v63  }
0x4d: {  	s16 =	simm.s32 $0x420;
	s17 =	simm.s32 $0x8;
	_ =	swait.ge [sflag:s20], $0x2C00  }
0x4e: {  	s7 =	simm.s32 @!p1 $0x58;
	s18 =	simm.s32 @!p1 $0x8DA0;
	[sflag:s20] =	ssyncset.done $0x0  }
0x4f: {  	s5 =	simm.s32 @!p1 $0x8DA0;
	s24 =	simm.s32 @!p1 $0x1B8;
	[sflag:s20] =	ssyncadd.s32 $0xFFFFD400  }
.LBB2_2:
0x50: {  	[tilespmem:s18], [sflag:$0x3] =	stream.indirect.gather @!p5 [hbm4b:s4+s7], $0x80, s24, s7, $0xb8;
	[tilespmem:$0x1F260] =	vst v63  }
0x51: {  	s18 =	smov.u32 s16;
	s16 =	sadd.s32 $0x420, s16;
	_ =	swait.ge [sflag:s26], $0x2C00  }
0x52: {  	s7 =	sshra.s32 s18, $0x2;
	p4 =	sne.s32 s19, s16;
	[sflag:s26] =	ssyncset.done $0x0  }
0x53: {  	s9 =	sadd.s32 $0xFFFFFFFE, s17;
	s24 =	sadd.s32 $0x1AD0, s7;
	[sflag:s26] =	ssyncadd.s32 $0xFFFFD400  }
0x54: {  	[spmem:s2] =	stream.indirect.scatter.add.f32 [tilespmem:s22], [sflag:$0x4], $0x80, s24, s21, $0xb8;
	[tilespmem:$0x1F260] =	vst v63  }
0x55: {  	p5 =	sge.u32 s9, s8;
	_ =	swait.ge [sflag:s20], $0x2C00  }
0x56: {  	s9 =	sshra.s32 @!p5 s18, $0x2;
	s24 =	simm.s32 @!p5 $0x35A0;
	[sflag:s20] =	ssyncset.done $0x0  }
0x57: {  	s10 =	simm.s32 @!p5 $0x58;
	s9 =	sadd.s32 @!p5 $0x108, s9;
	[sflag:s20] =	ssyncadd.s32 $0xFFFFD400  }
0x58: {  	[tilespmem:s24], [sflag:$0x1] =	stream.indirect.gather @!p5 [hbm4b:s4+s10], $0x80, s9, s10, $0xb8;
	[tilespmem:$0x1F260] =	vst v63  }
0x59: {  	_ =	swait.ge [sflag:s28], $0x2C00  }
0x5a: {  	[sflag:s28] =	ssyncset.done $0x0  }
0x5b: {  	s9 =	sadd.s32 $0x1B28, s7;
	s10 =	sadd.s32 $0xFFFFFFFF, s17;
	[sflag:s28] =	ssyncadd.s32 $0xFFFFD400  }
0x5c: {  	[spmem:s2] =	stream.indirect.scatter.add.f32 [tilespmem:s23], [sflag:$0x4], $0x80, s9, s21, $0xb8;
	[tilespmem:$0x1F260] =	vst v63  }
0x5d: {  	p5 =	sge.u32 s10, s8;
	_ =	swait.ge [sflag:s20], $0x2C00  }
0x5e: {  	s10 =	simm.s32 @!p5 $0x61A0;
	s9 =	sshra.s32 @!p5 s18, $0x2;
	[sflag:s20] =	ssyncset.done $0x0  }
0x5f: {  	s24 =	simm.s32 @!p5 $0x58;
	s9 =	sadd.s32 @!p5 $0x160, s9;
	[sflag:s20] =	ssyncadd.s32 $0xFFFFD400  }
0x60: {  	[tilespmem:s10], [sflag:$0x2] =	stream.indirect.gather @!p5 [hbm4b:s4+s24], $0x80, s9, s24, $0xb8;
	[tilespmem:$0x1F260] =	vst v63  }
0x61: {  	_ =	swait.ge [sflag:s29], $0x2C00  }
0x62: {  	[sflag:s29] =	ssyncset.done $0x0  }
.Ltmp1:
0x63: {  	s7 =	sadd.s32 $0x1B80, s7;
	[sflag:s29] =	ssyncadd.s32 $0xFFFFD400;
	(pc) =	sbr.rel @p4 .LBB2_2-.Ltmp1, $4  }
0x64: {  	[spmem:s2] =	stream.indirect.scatter.add.f32 [tilespmem:s25], [sflag:$0x4], $0x80, s7, s21, $0xb8;
	[tilespmem:$0x1F260] =	vst v63  }
0x65: {  	p5 =	sge.u32 s17, s8;
	s17 =	sadd.s32 $0x3, s17;
	_ =	swait.ge [sflag:s20], $0x2C00  }
0x66: {  	s7 =	sshra.s32 @!p5 s18, $0x2;
	s18 =	simm.s32 @!p5 $0x8DA0;
	[sflag:s20] =	ssyncset.done $0x0  }
0x67: {  	s24 =	sadd.s32 @!p5 $0x1B8, s7;
	s7 =	simm.s32 @!p5 $0x58;
	[sflag:s20] =	ssyncadd.s32 $0xFFFFD400  }
.LBB2_3:
0x68: {  	[tilespmem:s18], [sflag:$0x3] =	stream.indirect.gather @!p5 [hbm4b:s4+s7], $0x80, s24, s7, $0xb8;
	[tilespmem:$0x1F260] =	vst v63  }
0x69: {  	s7 =	rddreg [dreg:$0xa]  }
0x6a: {  	[tilespmem:s1], [sflag:$0x4] =	stream.linear.gather @p0 [hbm4b:s7+s1], $0xC60, $0x38;
	[tilespmem:$0x1F260] =	vst v63  }
0x6b: {  	_ =	swait.ge @p0 [sflag:s0], $0xC60  }
0x6c: {  	[sflag:s0] =	ssyncset.done @p0 $0x0  }
0x6d: {  	s9 =	simm.s32 @p0 $0x1AD0;
	s7 =	rddreg [dreg:$0xb];
	[sflag:s0] =	ssyncadd.s32 @p0 $0xFFFFF3A0  }
0x6e: {  	[tilespmem:s9], [sflag:$0x4] =	stream.linear.gather @p0 [hbm4b:s7+s1], $0xC60, $0x38;
	[tilespmem:$0x1F260] =	vst v63  }
0x6f: {  	_ =	swait.ge @p0 [sflag:s0], $0xC60  }
0x70: {  	[sflag:s0] =	ssyncset.done @p0 $0x0  }
0x71: {  	[sflag:s0] =	ssyncadd.s32 @p0 $0xFFFFF3A0;
	s0 =	rddreg [dreg:$0xc]  }
0x72: {  	[tilespmem:s6], [sflag:$0x4] =	stream.linear.gather @!p0 [hbm4b:s0+s6], $0x1AD0, $0x38;
	[tilespmem:$0x1F260] =	vst v63  }
0x73: {  	_ =	swait.ge @!p0 [sflag:s3], $0x1AD0  }
0x74: {  	[sflag:s3] =	ssyncset.done @!p0 $0x0  }
0x75: {  	s0 =	rddreg [dreg:$0xd];
	[sflag:s3] =	ssyncadd.s32 @!p0 $0xFFFFE530  }
0x76: {  	[tilespmem:s11], [sflag:$0x4] =	stream.linear.gather @!p0 [hbm4b:s0+s6], $0x1AD0, $0x38;
	[tilespmem:$0x1F260] =	vst v63  }
0x77: {  	_ =	swait.ge @!p0 [sflag:s3], $0x1AD0  }
0x78: {  	[sflag:s3] =	ssyncset.done @!p0 $0x0  }
0x79: {  	s16 =	simm.s32 $0x0;
	[sflag:s3] =	ssyncadd.s32 @!p0 $0xFFFFE530  }
0x7a: {  	[tilespmem:s22], [sflag:$0x1] =	stream.indirect.gather [hbm4b:s4+s21], $0x80, s16, s21, $0xb8;
	[tilespmem:$0x1F260] =	vst v63  }
0x7b: {  	_ = 	snop  }
0x7c: {  	[tilespmem:s23], [sflag:$0x2] =	stream.indirect.gather [hbm4b:s4+s21], $0x80, s21, s21, $0xb8;
	[tilespmem:$0x1F260] =	vst v63  }
0x7d: {  	s10 =	simm.s32 $0xB0  }
0x7e: {  	[tilespmem:s25], [sflag:$0x3] =	stream.indirect.gather [hbm4b:s4+s21], $0x80, s10, s21, $0xb8;
	[tilespmem:$0x1F260] =	vst v63  }
0x7f: {  	_ =	swait.ge [sflag:s26], $0x2C00  }
0x80: {  	[sflag:s26] =	ssyncset.done $0x0  }
0x81: {  	s17 =	simm.s32 $0x1AD0;
	[sflag:s26] =	ssyncadd.s32 $0xFFFFD400  }
0x82: {  	[spmem:s2] =	stream.indirect.scatter.add.f32 [tilespmem:s22], [sflag:$0x4], $0x80, s17, s21, $0xb8;
	[tilespmem:$0x1F260] =	vst v63  }
0x83: {  	_ =	swait.ge [sflag:s20], $0x2C00  }
0x84: {  	[sflag:s20] =	ssyncset.done $0x0  }
0x85: {  	s1 =	simm.s32 @!p2 $0x35A0;
	s0 =	simm.s32 @!p2 $0x108;
	[sflag:s20] =	ssyncadd.s32 $0xFFFFD400  }
0x86: {  	[tilespmem:s1], [sflag:$0x1] =	stream.indirect.gather @!p2 [hbm4b:s4+s13], $0x80, s0, s13, $0xb8;
	[tilespmem:$0x1F260] =	vst v63  }
0x87: {  	_ =	swait.ge [sflag:s28], $0x2C00  }
0x88: {  	[sflag:s28] =	ssyncset.done $0x0  }
0x89: {  	s18 =	simm.s32 $0x1B28;
	[sflag:s28] =	ssyncadd.s32 $0xFFFFD400  }
0x8a: {  	[spmem:s2] =	stream.indirect.scatter.add.f32 [tilespmem:s23], [sflag:$0x4], $0x80, s18, s21, $0xb8;
	[tilespmem:$0x1F260] =	vst v63  }
0x8b: {  	_ =	swait.ge [sflag:s20], $0x2C00  }
0x8c: {  	[sflag:s20] =	ssyncset.done $0x0  }
0x8d: {  	s0 =	simm.s32 @!p3 $0x160;
	[sflag:s20] =	ssyncadd.s32 $0xFFFFD400  }
0x8e: {  	[tilespmem:s14], [sflag:$0x2] =	stream.indirect.gather @!p3 [hbm4b:s4+s15], $0x80, s0, s15, $0xb8;
	[tilespmem:$0x1F260] =	vst v63  }
0x8f: {  	_ =	swait.ge [sflag:s29], $0x2C00  }
0x90: {  	p2 =	sne.s32 s19, $0x420;
	[sflag:s29] =	ssyncset.done $0x0  }
.Ltmp2:
0x91: {  	s24 =	simm.s32 $0x1B80;
	[sflag:s29] =	ssyncadd.s32 $0xFFFFD400;
	(pc) =	sbr.rel @!p2 .LBB2_5-.Ltmp2, $4  }
0x92: {  	[spmem:s2] =	stream.indirect.scatter.add.f32 [tilespmem:s25], [sflag:$0x4], $0x80, s24, s21, $0xb8;
	[tilespmem:$0x1F260] =	vst v63  }
0x93: {  	_ =	swait.ge [sflag:s20], $0x2C00  }
0x94: {  	s3 =	simm.s32 @!p1 $0x1B8;
	[sflag:s20] =	ssyncset.done $0x0  }
0x95: {  	s1 =	simm.s32 $0x8;
	s0 =	simm.s32 $0x420;
	[sflag:s20] =	ssyncadd.s32 $0xFFFFD400  }
.LBB2_4:
0x96: {  	[tilespmem:s5], [sflag:$0x3] =	stream.indirect.gather @!p1 [hbm4b:s4+s12], $0x80, s3, s12, $0xb8;
	[tilespmem:$0x1F260] =	vst v63  }
0x97: {  	s3 =	smov.u32 s0;
	s0 =	sadd.s32 $0x420, s0;
	_ =	swait.ge [sflag:s26], $0x2C00  }
0x98: {  	s5 =	sshra.s32 s3, $0x2;
	p2 =	sne.s32 s19, s0;
	[sflag:s26] =	ssyncset.done $0x0  }
0x99: {  	s7 =	sadd.s32 $0xFFFFFFFE, s1;
	s6 =	sadd.s32 $0x1AD0, s5;
	[sflag:s26] =	ssyncadd.s32 $0xFFFFD400  }
0x9a: {  	[spmem:s2] =	stream.indirect.scatter.add.f32 [tilespmem:s22], [sflag:$0x4], $0x80, s6, s21, $0xb8;
	[tilespmem:$0x1F260] =	vst v63  }
0x9b: {  	p1 =	sge.u32 s7, s8;
	_ =	swait.ge [sflag:s20], $0x2C00  }
0x9c: {  	s7 =	simm.s32 @!p1 $0x35A0;
	s6 =	sshra.s32 @!p1 s3, $0x2;
	[sflag:s20] =	ssyncset.done $0x0  }
0x9d: {  	s9 =	simm.s32 @!p1 $0x58;
	s6 =	sadd.s32 @!p1 $0x108, s6;
	[sflag:s20] =	ssyncadd.s32 $0xFFFFD400  }
0x9e: {  	[tilespmem:s7], [sflag:$0x1] =	stream.indirect.gather @!p1 [hbm4b:s4+s9], $0x80, s6, s9, $0xb8;
	[tilespmem:$0x1F260] =	vst v63  }
0x9f: {  	_ =	swait.ge [sflag:s28], $0x2C00  }
0xa0: {  	[sflag:s28] =	ssyncset.done $0x0  }
0xa1: {  	s6 =	sadd.s32 $0x1B28, s5;
	s7 =	sadd.s32 $0xFFFFFFFF, s1;
	[sflag:s28] =	ssyncadd.s32 $0xFFFFD400  }
0xa2: {  	[spmem:s2] =	stream.indirect.scatter.add.f32 [tilespmem:s23], [sflag:$0x4], $0x80, s6, s21, $0xb8;
	[tilespmem:$0x1F260] =	vst v63  }
0xa3: {  	p1 =	sge.u32 s7, s8;
	_ =	swait.ge [sflag:s20], $0x2C00  }
0xa4: {  	s7 =	simm.s32 @!p1 $0x61A0;
	s6 =	sshra.s32 @!p1 s3, $0x2;
	[sflag:s20] =	ssyncset.done $0x0  }
0xa5: {  	s9 =	simm.s32 @!p1 $0x58;
	s6 =	sadd.s32 @!p1 $0x160, s6;
	[sflag:s20] =	ssyncadd.s32 $0xFFFFD400  }
0xa6: {  	[tilespmem:s7], [sflag:$0x2] =	stream.indirect.gather @!p1 [hbm4b:s4+s9], $0x80, s6, s9, $0xb8;
	[tilespmem:$0x1F260] =	vst v63  }
0xa7: {  	_ =	swait.ge [sflag:s29], $0x2C00  }
0xa8: {  	[sflag:s29] =	ssyncset.done $0x0  }
.Ltmp3:
0xa9: {  	s5 =	sadd.s32 $0x1B80, s5;
	[sflag:s29] =	ssyncadd.s32 $0xFFFFD400;
	(pc) =	sbr.rel @p2 .LBB2_4-.Ltmp3, $4  }
0xaa: {  	[spmem:s2] =	stream.indirect.scatter.add.f32 [tilespmem:s25], [sflag:$0x4], $0x80, s5, s21, $0xb8;
	[tilespmem:$0x1F260] =	vst v63  }
0xab: {  	p1 =	sge.u32 s1, s8;
	s1 =	sadd.s32 $0x3, s1;
	_ =	swait.ge [sflag:s20], $0x2C00  }
0xac: {  	s3 =	sshra.s32 @!p1 s3, $0x2;
	s5 =	simm.s32 @!p1 $0x8DA0;
	[sflag:s20] =	ssyncset.done $0x0  }
0xad: {  	s12 =	simm.s32 @!p1 $0x58;
	s3 =	sadd.s32 @!p1 $0x1B8, s3;
	[sflag:s20] =	ssyncadd.s32 $0xFFFFD400  }
.LBB2_5:
0xae: {  	[tilespmem:s5], [sflag:$0x3] =	stream.indirect.gather @!p1 [hbm4b:s4+s12], $0x80, s3, s12, $0xb8;
	[tilespmem:$0x1F260] =	vst v63  }
0xaf: {  	[bflag:$0x0] =	sbarrier.arrive $0xFFFF  }
0xb0: {  	s12 =	rddreg [dreg:$0x5]  }
0xb1: {  	s0 =	rddreg [dreg:$0xe]  }
0xb2: {  	[hbm:s0], [sflag:s12] =	dma.local [spmem:s31], $0x2710  }
0xb3: {  	_ =	swait.ge [sflag:s20], $0x2710  }
0xb4: {  	s30 =	sadd.s32 $0x1, s30;
	s31 =	rddreg [dreg:$0xf]  }
0xb5: {  	p1 =	sne.s32 s30, s31  }
.Ltmp4:
0xb6: {  	_ = 	snop;
	(pc) =	sbr.rel @p1 .LBB2_1-.Ltmp4, $3  }
0xb7: {  	_ =	sdelay $0x1  }
0xb8: {  	[sflag:s20] =	ssyncset.done $0x0  }
0xb9: {  	[sflag:s20] =	ssyncadd.s32 $0xFFFFD8F0  }
0xba: {  	_ =	sfence.sel $0x180000  }
0xbb: {  	[bflag:$0x0] =	sbarrier.arrive $0xFFFF  }
0xbc: {  	_ =	strace $0x9000004D  }
0xbd: {  	s0 =	stileid.u32;
	[bflag:$0x2] =	sbarrier.arrive $0xFFFF  }
0xbe: {  	p0 =	sne.s32 s0, $0x0;
	s0 =	rddreg [dreg:$0x2]  }
0xbf: {  	s0 =	sadd.s32 @!p0 $0x100000, s0  }
0xc0: {  	[sflag:s0] =	ssyncadd.tile.s32 @!p0 $0x1;
	_ =	shalt  }
.Lfunc_end2:
_tile_overlayer_lowered:
.L_overlay_start_2:
0xc1: {  	(tag) =	ssettag $0x2  }
0xc2: {  	s0 =	rddreg [dreg:$0x0];
	s2 =	stileid.u32  }
0xc3: {  	s1 =	rddreg [dreg:$0x1];
	p0 =	sne.s32 s2, $0x0  }
0xc4: {  	s3 =	rddreg [dreg:$0x2];
	[bflag:$0x3] =	sbarrier.arrive $0xFFFF;
	s2 =	simm.s32 @!p0 $0x1C04  }
0xc5: {  	[timem:s3], [sflag:s2] =	dma.local @!p0 [hbm:s0], s1  }
0xc6: {  	s0 =	simm.s32 @!p0 $0x4  }
0xc7: {  	_ =	swait.ge @!p0 [sflag:s0], s1  }
0xc8: {  	s1 =	ssub.s32 @!p0 $0x0, s1;
	[sflag:s0] =	ssyncset.done @!p0 $0x0  }
0xc9: {  	[sflag:s0] =	ssyncadd.s32 @!p0 s1  }
0xca: {  	[bflag:$0x3] =	sbarrier.arrive $0xFFFF  }
0xcb: {  	_ =	shalt  }

</sc_bundles>
